<compile_context>
chip_gen: v7x
topology: tpu7x:2x2x1
jax: 0.10.2.dev20260603
libtpu: 0.0.44.dev20260713+nightly
codegen_flags: <defaults>
</compile_context>

<pallas_src>
import jax
import jax.numpy as jnp
from jax import lax
from jax.experimental import pallas as pl
from jax.experimental.pallas import tpu as pltpu
from jax.experimental.pallas import tpu_sc as plsc

_B = 16
_W = 512
_M = _W * _W
_K = int(0.8 * _M)
_RPT = 256
_RPC = 32
_NCH = _RPT // _RPC
_SHIFT = 17
_NB = 1 << 14
_MID = 1 << (_SHIFT - 1)
_MW = 2048


def _centers(o):
    bits = ((o + jnp.arange(16, dtype=jnp.int32)) << _SHIFT) | _MID
    return lax.bitcast_convert_type(bits, jnp.float32)


def _sc_body(pred, targ, out, pb0, pb1, tb0, tb1, ctmp, hcnt,
             sbc, sbs, obuf, shc, psem0, psem1, tsem0, tsem1):
    c = lax.axis_index("c")
    s = lax.axis_index("s")
    img = c * 8 + s // 2
    half = s % 2
    slot = s // 2
    row0 = half * _RPT

    zc = jnp.zeros((16,), jnp.int32)
    zf = jnp.zeros((16,), jnp.float32)
    ones = jnp.ones((16,), jnp.int32)

    def start(g, pb, tb, ps, ts):
        pltpu.async_copy(pred.at[img, pl.ds(row0 + g * _RPC, _RPC), :], pb, ps)
        pltpu.async_copy(targ.at[img, pl.ds(row0 + g * _RPC, _RPC), :], tb, ts)

    def wait(pb, tb, ps, ts):
        pltpu.make_async_copy(pred.at[img, pl.ds(row0, _RPC), :], pb, ps).wait()
        pltpu.make_async_copy(targ.at[img, pl.ds(row0, _RPC), :], tb, ts).wait()

    def process(pb, tb):
        @plsc.parallel_loop(0, _W // 16, unroll=1)
        def _proc(k):
            for r in range(_RPC):
                p = pb[r, pl.ds(k * 16, 16)]
                t = tb[r, pl.ds(k * 16, 16)]
                x = jnp.abs(p - t)
                b = lax.shift_right_logical(
                    lax.bitcast_convert_type(x, jnp.int32), _SHIFT)
                plsc.addupdate_scatter(hcnt, [b], ones)

    start(0, pb0, tb0, psem0, tsem0)
    start(1, pb1, tb1, psem1, tsem1)

    @plsc.parallel_loop(0, _NB // 16, unroll=4)
    def _zero(i):
        hcnt[pl.ds(i * 16, 16)] = zc

    def gbody(h, _):
        g = h * 2
        wait(pb0, tb0, psem0, tsem0)

        @pl.when(g + 2 < _NCH)
        def _():
            start(g + 2, pb0, tb0, psem0, tsem0)

        process(pb0, tb0)
        wait(pb1, tb1, psem1, tsem1)

        @pl.when(g + 3 < _NCH)
        def _():
            start(g + 3, pb1, tb1, psem1, tsem1)

        process(pb1, tb1)
        return 0

    lax.fori_loop(0, _NCH // 2, gbody, 0)

    @pl.when(half == 1)
    def _publish():
        pltpu.sync_copy(hcnt, shc.at[slot])

    plsc.subcore_barrier()

    @pl.when(half == 0)
    def _scan():
        for kb in range(_NB // _MW):
            pltpu.sync_copy(shc.at[slot, pl.ds(kb * _MW, _MW)], ctmp)

            @plsc.parallel_loop(0, _MW // 16, unroll=4)
            def _merge(i):
                o = kb * _MW + i * 16
                hcnt[pl.ds(o, 16)] = hcnt[pl.ds(o, 16)] + ctmp[pl.ds(i * 16, 16)]

        @plsc.parallel_loop(0, _NB // 256)
        def _sblk(sb):
            def inner(t, acc):
                o = sb * 256 + t * 16
                cv = hcnt[pl.ds(o, 16)]
                return (acc[0] + cv,
                        acc[1] + cv.astype(jnp.float32) * _centers(o))
            accc, accs = lax.fori_loop(0, 16, inner, (zc, zf), unroll=4)
            sbc[sb] = jnp.sum(accc)
            sbs[sb] = jnp.sum(accs)

        def bbody(j, carry):
            cnt_so, sum_so, sb_star, found = carry
            new = cnt_so + sbc[j]
            cross = jnp.logical_and(found == 0, new >= _K)
            sb_star = jnp.where(cross, j, sb_star)
            found = jnp.where(cross, jnp.int32(1), found)
            take = found == 0
            cnt_so = jnp.where(take, new, cnt_so)
            sum_so = jnp.where(take, sum_so + sbs[j], sum_so)
            return cnt_so, sum_so, sb_star, found

        cnt_so, sum_so, sb_star, _f = lax.fori_loop(
            0, _NB // 256, bbody,
            (jnp.int32(0), jnp.float32(0.0), jnp.int32(0), jnp.int32(0)))

        def cbody(t, carry):
            cnt_so, sum_so, b_star, found = carry
            o = sb_star * 256 + t * 16
            cv = hcnt[pl.ds(o, 16)]
            new = cnt_so + jnp.sum(cv)
            cross = jnp.logical_and(found == 0, new >= _K)
            b_star = jnp.where(cross, t, b_star)
            found = jnp.where(cross, jnp.int32(1), found)
            take = found == 0
            cnt_so = jnp.where(take, new, cnt_so)
            sum_so = jnp.where(
                take,
                sum_so + jnp.sum(cv.astype(jnp.float32) * _centers(o)),
                sum_so)
            return cnt_so, sum_so, b_star, found

        cnt_so2, sum_so2, b_star, _f2 = lax.fori_loop(
            0, 16, cbody, (cnt_so, sum_so, jnp.int32(0), jnp.int32(0)))

        o = sb_star * 256 + b_star * 16
        cv = hcnt[pl.ds(o, 16)]
        ctr = _centers(o)
        cum = plsc.cumsum(cv) + cnt_so2
        below = cum < _K
        prefix = cum - cv
        onehot = jnp.logical_and(jnp.logical_not(below), prefix < _K)
        cnt_below = cnt_so2 + jnp.sum(jnp.where(below, cv, 0))
        sum_below = sum_so2 + jnp.sum(
            jnp.where(below, cv.astype(jnp.float32) * ctr, zf))
        ctr_bkt = jnp.sum(jnp.where(onehot, ctr, zf))
        r = (_K - cnt_below).astype(jnp.float32)
        obuf[...] = (jnp.full((16,), sum_below, jnp.float32)
                     + jnp.full((16,), r, jnp.float32)
                     * jnp.full((16,), ctr_bkt, jnp.float32))
        pltpu.sync_copy(obuf, out.at[pl.ds(img * 16, 16)])


def kernel(prediction, target, mask):
    p = prediction.reshape(_B, _W, _W)
    t = target.reshape(_B, _W, _W)
    mesh = plsc.VectorSubcoreMesh(core_axis_name="c", subcore_axis_name="s",
                                  num_cores=2, num_subcores=16)
    sums = pl.kernel(
        _sc_body,
        out_type=jax.ShapeDtypeStruct((_B * 16,), jnp.float32),
        mesh=mesh,
        compiler_params=pltpu.CompilerParams(needs_layout_passes=False),
        scratch_types=[
            pltpu.VMEM((_RPC, _W), jnp.float32),
            pltpu.VMEM((_RPC, _W), jnp.float32),
            pltpu.VMEM((_RPC, _W), jnp.float32),
            pltpu.VMEM((_RPC, _W), jnp.float32),
            pltpu.VMEM((_MW,), jnp.int32),
            pltpu.VMEM((_NB,), jnp.int32),
            pltpu.SMEM((_NB // 256,), jnp.int32),
            pltpu.SMEM((_NB // 256,), jnp.float32),
            pltpu.VMEM((16,), jnp.float32),
            pltpu.VMEM_SHARED((8, _NB), jnp.int32),
            pltpu.SemaphoreType.DMA,
            pltpu.SemaphoreType.DMA,
            pltpu.SemaphoreType.DMA,
            pltpu.SemaphoreType.DMA,
        ],
    )(p, t)
    return jnp.mean(sums.reshape(_B, 16)[:, 0]) / (2.0 * _M)

# --- scband reference (transcript-rebuilt; emitter-appended) ---
"""Pipeline reference for scband-maetrim-loss-66640712564888 (READ-ONLY COPY).

The authoritative reference and input builder live on the scoring server;
editing this copy changes nothing except your own understanding.
"""

import jax, jax.numpy as jnp
import numpy as np


def setup_inputs(seed: int = 0) -> dict:
    key = jax.random.key(seed)
    k1, k2 = jax.random.split(key, 2)
    prediction = jax.random.normal(k1, (16, 1, 512, 512), dtype=jnp.float32)
    target = jax.random.normal(k2, (16, 1, 512, 512), dtype=jnp.float32)
    mask = jnp.ones((16, 512, 512), dtype=jnp.float32)
    return {"prediction": prediction, "target": target, "mask": mask}


def reference(prediction, target, mask):
    # ssi_trim_loss with batch-based reduction path (trimmed MAE over top-80% smallest abs residuals)
    M = jnp.sum(mask, axis=(1, 2))  # computed as in the original (used for U_M, which is unused downstream)
    residual = prediction - target
    b, _, h, w = residual.shape
    m = h * w
    u_m = int(0.8 * m)
    abs_residual = jnp.abs(residual)
    flat_abs_residual = abs_residual.reshape(b, -1)
    # torch.sort on detached values -> argsort on stop_gradient; ascending order
    sorted_idx = jnp.argsort(jax.lax.stop_gradient(flat_abs_residual), axis=1)
    top_80_idx = sorted_idx[:, :u_m]
    top_80_abs_residual = jnp.take_along_axis(flat_abs_residual, top_80_idx, axis=1)
    sum_top_80 = jnp.sum(top_80_abs_residual, axis=1)
    loss_per_batch = sum_top_80 / (2 * m)
    loss = jnp.mean(loss_per_batch)
    return loss

if __name__ == "__main__":
    import jax
    _d = setup_inputs()
    print(jax.jit(kernel)(*tuple(_d.values())))

</pallas_src>

<mosaic_0001>
#map = affine_map<(d0, d1) -> (0, 0, 0)>
#map1 = affine_map<(d0, d1) -> (0)>
module attributes {stable_mosaic.version = 14 : i64} {
  func.func @_sc_body(%arg0: i32, %arg1: i32, %arg2: memref<16x512x512xf32, #tpu.memory_space<hbm>>, %arg3: memref<16x512x512xf32, #tpu.memory_space<hbm>>, %arg4: memref<256xf32, #tpu.memory_space<hbm>>, %arg5: memref<32x512xf32, #tpu.memory_space<vmem>>, %arg6: memref<32x512xf32, #tpu.memory_space<vmem>>, %arg7: memref<32x512xf32, #tpu.memory_space<vmem>>, %arg8: memref<32x512xf32, #tpu.memory_space<vmem>>, %arg9: memref<2048xi32, #tpu.memory_space<vmem>>, %arg10: memref<16384xi32, #tpu.memory_space<vmem>>, %arg11: memref<64xi32, #tpu.memory_space<smem>>, %arg12: memref<64xf32, #tpu.memory_space<smem>>, %arg13: memref<16xf32, #tpu.memory_space<vmem>>, %arg14: memref<8x16384xi32, #tpu.memory_space<vmem_shared>>, %arg15: memref<!tpu.dma_semaphore, #tpu.memory_space<semaphore_mem>>, %arg16: memref<!tpu.dma_semaphore, #tpu.memory_space<semaphore_mem>>, %arg17: memref<!tpu.dma_semaphore, #tpu.memory_space<semaphore_mem>>, %arg18: memref<!tpu.dma_semaphore, #tpu.memory_space<semaphore_mem>>) attributes {dimension_semantics = [#tpu.dimension_semantics<core_parallel>, #tpu.dimension_semantics<subcore_parallel>], iteration_bounds = array<i64: 2, 16>, scalar_prefetch = 0 : i64, scratch_operands = 14 : i64, tpu.core_type = #tpu.core_type<sc_vector_subcore>, window_params = [{transform_indices = #map}, {transform_indices = #map}, {transform_indices = #map1}]} {
    %mul3A = arith.constant 8 : i32
    %mul3A_0 = arith.muli %arg0, %mul3A : i32
    %jit3A = arith.constant 2 : i32
    %div3A = arith.divsi %arg1, %jit3A : i32
    %sign3A = arith.constant 0 : i32
    %sign3A_1 = arith.cmpi sgt, %arg1, %sign3A : i32
    %sign3A_2 = arith.extui %sign3A_1 : i1 to i32
    %sign3A_3 = arith.constant 0 : i32
    %sign3A_4 = arith.cmpi slt, %arg1, %sign3A_3 : i32
    %sign3A_5 = arith.extui %sign3A_4 : i1 to i32
    %sign3A_6 = arith.subi %sign3A_2, %sign3A_5 : i32
    %sign3A_7 = arith.constant 0 : i32
    %sign3A_8 = arith.cmpi sgt, %jit3A, %sign3A_7 : i32
    %sign3A_9 = arith.extui %sign3A_8 : i1 to i32
    %sign3A_10 = arith.constant 0 : i32
    %sign3A_11 = arith.cmpi slt, %jit3A, %sign3A_10 : i32
    %sign3A_12 = arith.extui %sign3A_11 : i1 to i32
    %sign3A_13 = arith.subi %sign3A_9, %sign3A_12 : i32
    %ne3A = arith.cmpi ne, %sign3A_6, %sign3A_13 : i32
    %rem3A = arith.remsi %arg1, %jit3A : i32
    %ne3A_14 = arith.constant 0 : i32
    %ne3A_15 = arith.cmpi ne, %rem3A, %ne3A_14 : i32
    %and3A = arith.andi %ne3A, %ne3A_15 : i1
    %sub3A = arith.constant 1 : i32
    %sub3A_16 = arith.subi %div3A, %sub3A : i32
    %select_n3A = arith.select %and3A, %sub3A_16, %div3A : i32
    %add3A = arith.addi %mul3A_0, %select_n3A : i32
    %jit3A_17 = arith.constant 2 : i32
    %eq3A = arith.constant 0 : i32
    %eq3A_18 = arith.cmpi eq, %jit3A_17, %eq3A : i32
    %jit3A_19 = arith.constant 1 : i32
    %select_n3A_20 = arith.select %eq3A_18, %jit3A_19, %jit3A_17 : i32
    %rem3A_21 = arith.remsi %arg1, %select_n3A_20 : i32
    %ne3A_22 = arith.constant 0 : i32
    %ne3A_23 = arith.cmpi ne, %rem3A_21, %ne3A_22 : i32
    %lt3A = arith.constant 0 : i32
    %lt3A_24 = arith.cmpi slt, %rem3A_21, %lt3A : i32
    %lt3A_25 = arith.constant 0 : i32
    %lt3A_26 = arith.cmpi slt, %select_n3A_20, %lt3A_25 : i32
    %ne3A_27 = arith.xori %lt3A_24, %lt3A_26 : i1
    %and3A_28 = arith.andi %ne3A_27, %ne3A_23 : i1
    %add3A_29 = arith.addi %rem3A_21, %select_n3A_20 : i32
    %select_n3A_30 = arith.select %and3A_28, %add3A_29, %rem3A_21 : i32
    %jit3A_31 = arith.constant 2 : i32
    %div3A_32 = arith.divsi %arg1, %jit3A_31 : i32
    %sign3A_33 = arith.constant 0 : i32
    %sign3A_34 = arith.cmpi sgt, %arg1, %sign3A_33 : i32
    %sign3A_35 = arith.extui %sign3A_34 : i1 to i32
    %sign3A_36 = arith.constant 0 : i32
    %sign3A_37 = arith.cmpi slt, %arg1, %sign3A_36 : i32
    %sign3A_38 = arith.extui %sign3A_37 : i1 to i32
    %sign3A_39 = arith.subi %sign3A_35, %sign3A_38 : i32
    %sign3A_40 = arith.constant 0 : i32
    %sign3A_41 = arith.cmpi sgt, %jit3A_31, %sign3A_40 : i32
    %sign3A_42 = arith.extui %sign3A_41 : i1 to i32
    %sign3A_43 = arith.constant 0 : i32
    %sign3A_44 = arith.cmpi slt, %jit3A_31, %sign3A_43 : i32
    %sign3A_45 = arith.extui %sign3A_44 : i1 to i32
    %sign3A_46 = arith.subi %sign3A_42, %sign3A_45 : i32
    %ne3A_47 = arith.cmpi ne, %sign3A_39, %sign3A_46 : i32
    %rem3A_48 = arith.remsi %arg1, %jit3A_31 : i32
    %ne3A_49 = arith.constant 0 : i32
    %ne3A_50 = arith.cmpi ne, %rem3A_48, %ne3A_49 : i32
    %and3A_51 = arith.andi %ne3A_47, %ne3A_50 : i1
    %sub3A_52 = arith.constant 1 : i32
    %sub3A_53 = arith.subi %div3A_32, %sub3A_52 : i32
    %select_n3A_54 = arith.select %and3A_51, %sub3A_53, %div3A_32 : i32
    %mul3A_55 = arith.constant 256 : i32
    %mul3A_56 = arith.muli %select_n3A_30, %mul3A_55 : i32
    %broadcast_in_dim3A = arith.constant 0 : i32
    %broadcast_in_dim3A_57 = vector.broadcast %broadcast_in_dim3A : i32 to vector<16xi32>
    %broadcast_in_dim3A_58 = arith.constant 0.000000e+00 : f32
    %broadcast_in_dim3A_59 = vector.broadcast %broadcast_in_dim3A_58 : f32 to vector<16xf32>
    %broadcast_in_dim3A_60 = arith.constant 1 : i32
    %broadcast_in_dim3A_61 = vector.broadcast %broadcast_in_dim3A_60 : i32 to vector<16xi32>
    %add3A_62 = arith.constant 0 : i32
    %add3A_63 = arith.addi %mul3A_56, %add3A_62 : i32
    %dma_start3A = arith.constant 0 : i32
    %dma_start3A_64 = tpu.memref_slice %arg2[%add3A, %add3A_63, %dma_start3A] : memref<16x512x512xf32, #tpu.memory_space<hbm>> -> memref<1x32x512xf32, #tpu.memory_space<hbm>>
    %dma_start3A_65 = tpu.memref_squeeze %dma_start3A_64 : memref<1x32x512xf32, #tpu.memory_space<hbm>> -> memref<32x512xf32, #tpu.memory_space<hbm>>
    %dma_start3A_66 = arith.constant 0 : i32
    %dma_start3A_67 = tpu.memref_slice %arg2[%add3A, %add3A_63, %dma_start3A_66] : memref<16x512x512xf32, #tpu.memory_space<hbm>> -> memref<1x32x512xf32, #tpu.memory_space<hbm>>
    %dma_start3A_68 = tpu.memref_squeeze %dma_start3A_67 : memref<1x32x512xf32, #tpu.memory_space<hbm>> -> memref<32x512xf32, #tpu.memory_space<hbm>>
    tpu.enqueue_dma source(%dma_start3A_68 : memref<32x512xf32, #tpu.memory_space<hbm>>) target(%arg5 : memref<32x512xf32, #tpu.memory_space<vmem>>) target_semaphore(%arg15 : memref<!tpu.dma_semaphore, #tpu.memory_space<semaphore_mem>>)
    %add3A_69 = arith.constant 0 : i32
    %add3A_70 = arith.addi %mul3A_56, %add3A_69 : i32
    %dma_start3A_71 = arith.constant 0 : i32
    %dma_start3A_72 = tpu.memref_slice %arg3[%add3A, %add3A_70, %dma_start3A_71] : memref<16x512x512xf32, #tpu.memory_space<hbm>> -> memref<1x32x512xf32, #tpu.memory_space<hbm>>
    %dma_start3A_73 = tpu.memref_squeeze %dma_start3A_72 : memref<1x32x512xf32, #tpu.memory_space<hbm>> -> memref<32x512xf32, #tpu.memory_space<hbm>>
    %dma_start3A_74 = arith.constant 0 : i32
    %dma_start3A_75 = tpu.memref_slice %arg3[%add3A, %add3A_70, %dma_start3A_74] : memref<16x512x512xf32, #tpu.memory_space<hbm>> -> memref<1x32x512xf32, #tpu.memory_space<hbm>>
    %dma_start3A_76 = tpu.memref_squeeze %dma_start3A_75 : memref<1x32x512xf32, #tpu.memory_space<hbm>> -> memref<32x512xf32, #tpu.memory_space<hbm>>
    tpu.enqueue_dma source(%dma_start3A_76 : memref<32x512xf32, #tpu.memory_space<hbm>>) target(%arg7 : memref<32x512xf32, #tpu.memory_space<vmem>>) target_semaphore(%arg17 : memref<!tpu.dma_semaphore, #tpu.memory_space<semaphore_mem>>)
    %add3A_77 = arith.constant 32 : i32
    %add3A_78 = arith.addi %mul3A_56, %add3A_77 : i32
    %dma_start3A_79 = arith.constant 0 : i32
    %dma_start3A_80 = tpu.memref_slice %arg2[%add3A, %add3A_78, %dma_start3A_79] : memref<16x512x512xf32, #tpu.memory_space<hbm>> -> memref<1x32x512xf32, #tpu.memory_space<hbm>>
    %dma_start3A_81 = tpu.memref_squeeze %dma_start3A_80 : memref<1x32x512xf32, #tpu.memory_space<hbm>> -> memref<32x512xf32, #tpu.memory_space<hbm>>
    %dma_start3A_82 = arith.constant 0 : i32
    %dma_start3A_83 = tpu.memref_slice %arg2[%add3A, %add3A_78, %dma_start3A_82] : memref<16x512x512xf32, #tpu.memory_space<hbm>> -> memref<1x32x512xf32, #tpu.memory_space<hbm>>
    %dma_start3A_84 = tpu.memref_squeeze %dma_start3A_83 : memref<1x32x512xf32, #tpu.memory_space<hbm>> -> memref<32x512xf32, #tpu.memory_space<hbm>>
    tpu.enqueue_dma source(%dma_start3A_84 : memref<32x512xf32, #tpu.memory_space<hbm>>) target(%arg6 : memref<32x512xf32, #tpu.memory_space<vmem>>) target_semaphore(%arg16 : memref<!tpu.dma_semaphore, #tpu.memory_space<semaphore_mem>>)
    %add3A_85 = arith.constant 32 : i32
    %add3A_86 = arith.addi %mul3A_56, %add3A_85 : i32
    %dma_start3A_87 = arith.constant 0 : i32
    %dma_start3A_88 = tpu.memref_slice %arg3[%add3A, %add3A_86, %dma_start3A_87] : memref<16x512x512xf32, #tpu.memory_space<hbm>> -> memref<1x32x512xf32, #tpu.memory_space<hbm>>
    %dma_start3A_89 = tpu.memref_squeeze %dma_start3A_88 : memref<1x32x512xf32, #tpu.memory_space<hbm>> -> memref<32x512xf32, #tpu.memory_space<hbm>>
    %dma_start3A_90 = arith.constant 0 : i32
    %dma_start3A_91 = tpu.memref_slice %arg3[%add3A, %add3A_86, %dma_start3A_90] : memref<16x512x512xf32, #tpu.memory_space<hbm>> -> memref<1x32x512xf32, #tpu.memory_space<hbm>>
    %dma_start3A_92 = tpu.memref_squeeze %dma_start3A_91 : memref<1x32x512xf32, #tpu.memory_space<hbm>> -> memref<32x512xf32, #tpu.memory_space<hbm>>
    tpu.enqueue_dma source(%dma_start3A_92 : memref<32x512xf32, #tpu.memory_space<hbm>>) target(%arg8 : memref<32x512xf32, #tpu.memory_space<vmem>>) target_semaphore(%arg18 : memref<!tpu.dma_semaphore, #tpu.memory_space<semaphore_mem>>)
    %parallel_loop3A = arith.constant 0 : i32
    %parallel_loop3A_93 = arith.constant 1024 : i32
    %parallel_loop3A_94 = arith.constant 1 : i32
    scf.for %parallel_loop3A_109 = %parallel_loop3A to %parallel_loop3A_93 step %parallel_loop3A_94  : i32 {
      %parallel_loop3A_110 = arith.constant 16 : i32
      %parallel_loop3A_111 = arith.muli %parallel_loop3A_109, %parallel_loop3A_110 : i32
      %parallel_loop3A_112 = arith.index_cast %parallel_loop3A_111 : i32 to index
      %parallel_loop3A_113 = tpu.vector_load %arg10[%parallel_loop3A_112] {strides = array<i32>} : memref<16384xi32, #tpu.memory_space<vmem>>, vector<16xi32>,
      tpu.vector_store %arg10[%parallel_loop3A_112], %broadcast_in_dim3A_57 {strides = array<i32>} : memref<16384xi32, #tpu.memory_space<vmem>>, vector<16xi32>,
    } {sc.loop_unroll_factor = 4 : i64, sc.parallel_access}
    %scan3A = arith.constant 0 : i32
    %scan3A_95 = arith.constant 0 : i32
    %scan3A_96 = arith.constant 4 : i32
    %scan3A_97 = arith.addi %scan3A_95, %scan3A_96 : i32
    %scan3A_98 = arith.constant 1 : i32
    %scan3A_99 = scf.for %scan3A_109 = %scan3A_95 to %scan3A_97 step %scan3A_98 iter_args(%scan3A_110 = %scan3A) -> (i32)  : i32 {
      %mul3A_111 = arith.constant 2 : i32
      %mul3A_112 = arith.muli %scan3A_109, %mul3A_111 : i32
      %dma_wait3A = arith.constant 0 : i32
      %dma_wait3A_113 = tpu.memref_slice %arg2[%add3A, %mul3A_56, %dma_wait3A] : memref<16x512x512xf32, #tpu.memory_space<hbm>> -> memref<1x32x512xf32, #tpu.memory_space<hbm>>
      %dma_wait3A_114 = tpu.memref_squeeze %dma_wait3A_113 : memref<1x32x512xf32, #tpu.memory_space<hbm>> -> memref<32x512xf32, #tpu.memory_space<hbm>>
      %dma_wait3A_115 = arith.constant 0 : i32
      %dma_wait3A_116 = tpu.memref_slice %arg2[%add3A, %mul3A_56, %dma_wait3A_115] : memref<16x512x512xf32, #tpu.memory_space<hbm>> -> memref<1x32x512xf32, #tpu.memory_space<hbm>>
      %dma_wait3A_117 = tpu.memref_squeeze %dma_wait3A_116 : memref<1x32x512xf32, #tpu.memory_space<hbm>> -> memref<32x512xf32, #tpu.memory_space<hbm>>
      tpu.wait_dma2 semaphore(%arg15 : memref<!tpu.dma_semaphore, #tpu.memory_space<semaphore_mem>>) src(%dma_wait3A_117 : memref<32x512xf32, #tpu.memory_space<hbm>>) dst(%arg5 : memref<32x512xf32, #tpu.memory_space<vmem>>)
      %dma_wait3A_118 = arith.constant 0 : i32
      %dma_wait3A_119 = tpu.memref_slice %arg3[%add3A, %mul3A_56, %dma_wait3A_118] : memref<16x512x512xf32, #tpu.memory_space<hbm>> -> memref<1x32x512xf32, #tpu.memory_space<hbm>>
      %dma_wait3A_120 = tpu.memref_squeeze %dma_wait3A_119 : memref<1x32x512xf32, #tpu.memory_space<hbm>> -> memref<32x512xf32, #tpu.memory_space<hbm>>
      %dma_wait3A_121 = arith.constant 0 : i32
      %dma_wait3A_122 = tpu.memref_slice %arg3[%add3A, %mul3A_56, %dma_wait3A_121] : memref<16x512x512xf32, #tpu.memory_space<hbm>> -> memref<1x32x512xf32, #tpu.memory_space<hbm>>
      %dma_wait3A_123 = tpu.memref_squeeze %dma_wait3A_122 : memref<1x32x512xf32, #tpu.memory_space<hbm>> -> memref<32x512xf32, #tpu.memory_space<hbm>>
      tpu.wait_dma2 semaphore(%arg17 : memref<!tpu.dma_semaphore, #tpu.memory_space<semaphore_mem>>) src(%dma_wait3A_123 : memref<32x512xf32, #tpu.memory_space<hbm>>) dst(%arg7 : memref<32x512xf32, #tpu.memory_space<vmem>>)
      %add3A_124 = arith.constant 2 : i32
      %add3A_125 = arith.addi %mul3A_112, %add3A_124 : i32
      %lt3A_126 = arith.constant 8 : i32
      %lt3A_127 = arith.cmpi slt, %add3A_125, %lt3A_126 : i32
      %convert_element_type3A_128 = arith.extui %lt3A_127 : i1 to i32
      %cond3A_129 = arith.constant 0 : i32
      %cond3A_130 = arith.cmpi ne, %convert_element_type3A_128, %cond3A_129 : i32
      scf.if %cond3A_130 {
        %add3A_157 = arith.constant 2 : i32
        %add3A_158 = arith.addi %mul3A_112, %add3A_157 : i32
        %mul3A_159 = arith.constant 32 : i32
        %mul3A_160 = arith.muli %add3A_158, %mul3A_159 : i32
        %add3A_161 = arith.addi %mul3A_56, %mul3A_160 : i32
        %dma_start3A_162 = arith.constant 0 : i32
        %dma_start3A_163 = tpu.memref_slice %arg2[%add3A, %add3A_161, %dma_start3A_162] : memref<16x512x512xf32, #tpu.memory_space<hbm>> -> memref<1x32x512xf32, #tpu.memory_space<hbm>>
        %dma_start3A_164 = tpu.memref_squeeze %dma_start3A_163 : memref<1x32x512xf32, #tpu.memory_space<hbm>> -> memref<32x512xf32, #tpu.memory_space<hbm>>
        %dma_start3A_165 = arith.constant 0 : i32
        %dma_start3A_166 = tpu.memref_slice %arg2[%add3A, %add3A_161, %dma_start3A_165] : memref<16x512x512xf32, #tpu.memory_space<hbm>> -> memref<1x32x512xf32, #tpu.memory_space<hbm>>
        %dma_start3A_167 = tpu.memref_squeeze %dma_start3A_166 : memref<1x32x512xf32, #tpu.memory_space<hbm>> -> memref<32x512xf32, #tpu.memory_space<hbm>>
        tpu.enqueue_dma source(%dma_start3A_167 : memref<32x512xf32, #tpu.memory_space<hbm>>) target(%arg5 : memref<32x512xf32, #tpu.memory_space<vmem>>) target_semaphore(%arg15 : memref<!tpu.dma_semaphore, #tpu.memory_space<semaphore_mem>>)
        %mul3A_168 = arith.constant 32 : i32
        %mul3A_169 = arith.muli %add3A_158, %mul3A_168 : i32
        %add3A_170 = arith.addi %mul3A_56, %mul3A_169 : i32
        %dma_start3A_171 = arith.constant 0 : i32
        %dma_start3A_172 = tpu.memref_slice %arg3[%add3A, %add3A_170, %dma_start3A_171] : memref<16x512x512xf32, #tpu.memory_space<hbm>> -> memref<1x32x512xf32, #tpu.memory_space<hbm>>
        %dma_start3A_173 = tpu.memref_squeeze %dma_start3A_172 : memref<1x32x512xf32, #tpu.memory_space<hbm>> -> memref<32x512xf32, #tpu.memory_space<hbm>>
        %dma_start3A_174 = arith.constant 0 : i32
        %dma_start3A_175 = tpu.memref_slice %arg3[%add3A, %add3A_170, %dma_start3A_174] : memref<16x512x512xf32, #tpu.memory_space<hbm>> -> memref<1x32x512xf32, #tpu.memory_space<hbm>>
        %dma_start3A_176 = tpu.memref_squeeze %dma_start3A_175 : memref<1x32x512xf32, #tpu.memory_space<hbm>> -> memref<32x512xf32, #tpu.memory_space<hbm>>
        tpu.enqueue_dma source(%dma_start3A_176 : memref<32x512xf32, #tpu.memory_space<hbm>>) target(%arg7 : memref<32x512xf32, #tpu.memory_space<vmem>>) target_semaphore(%arg17 : memref<!tpu.dma_semaphore, #tpu.memory_space<semaphore_mem>>)
      } else {
      }
      %parallel_loop3A_131 = arith.constant 0 : i32
      %parallel_loop3A_132 = arith.constant 32 : i32
      %parallel_loop3A_133 = arith.constant 1 : i32
      scf.for %parallel_loop3A_157 = %parallel_loop3A_131 to %parallel_loop3A_132 step %parallel_loop3A_133  : i32 {
        %parallel_loop3A_158 = arith.constant 16 : i32
        %parallel_loop3A_159 = arith.muli %parallel_loop3A_157, %parallel_loop3A_158 : i32
        %parallel_loop3A_160 = arith.constant 0 : i32
        %parallel_loop3A_161 = arith.index_cast %parallel_loop3A_160 : i32 to index
        %parallel_loop3A_162 = arith.index_cast %parallel_loop3A_159 : i32 to index
        %parallel_loop3A_163 = tpu.vector_load %arg5[%parallel_loop3A_161, %parallel_loop3A_162] {strides = array<i32>} : memref<32x512xf32, #tpu.memory_space<vmem>>, vector<16xf32>,
        %parallel_loop3A_164 = arith.constant 16 : i32
        %parallel_loop3A_165 = arith.muli %parallel_loop3A_157, %parallel_loop3A_164 : i32
        %parallel_loop3A_166 = arith.constant 0 : i32
        %parallel_loop3A_167 = arith.index_cast %parallel_loop3A_166 : i32 to index
        %parallel_loop3A_168 = arith.index_cast %parallel_loop3A_165 : i32 to index
        %parallel_loop3A_169 = tpu.vector_load %arg7[%parallel_loop3A_167, %parallel_loop3A_168] {strides = array<i32>} : memref<32x512xf32, #tpu.memory_space<vmem>>, vector<16xf32>,
        %parallel_loop3A_170 = arith.subf %parallel_loop3A_163, %parallel_loop3A_169 : vector<16xf32>
        %parallel_loop3A_171 = math.absf %parallel_loop3A_170 : vector<16xf32>
        %parallel_loop3A_172 = tpu.bitcast %parallel_loop3A_171 : vector<16xf32> -> vector<16xi32>
        %parallel_loop3A_173 = arith.constant 17 : i32
        %parallel_loop3A_174 = vector.broadcast %parallel_loop3A_173 : i32 to vector<16xi32>
        %parallel_loop3A_175 = arith.shrui %parallel_loop3A_172, %parallel_loop3A_174 : vector<16xi32>
        tpu.vector_store_idx %arg10[%parallel_loop3A_175], %broadcast_in_dim3A_61 {add = true} : memref<16384xi32, #tpu.memory_space<vmem>>[vector<16xi32>], vector<16xi32>,
        %parallel_loop3A_176 = arith.constant 16 : i32
        %parallel_loop3A_177 = arith.muli %parallel_loop3A_157, %parallel_loop3A_176 : i32
        %parallel_loop3A_178 = arith.constant 1 : i32
        %parallel_loop3A_179 = arith.index_cast %parallel_loop3A_178 : i32 to index
        %parallel_loop3A_180 = arith.index_cast %parallel_loop3A_177 : i32 to index
        %parallel_loop3A_181 = tpu.vector_load %arg5[%parallel_loop3A_179, %parallel_loop3A_180] {strides = array<i32>} : memref<32x512xf32, #tpu.memory_space<vmem>>, vector<16xf32>,
        %parallel_loop3A_182 = arith.constant 16 : i32
        %parallel_loop3A_183 = arith.muli %parallel_loop3A_157, %parallel_loop3A_182 : i32
        %parallel_loop3A_184 = arith.constant 1 : i32
        %parallel_loop3A_185 = arith.index_cast %parallel_loop3A_184 : i32 to index
        %parallel_loop3A_186 = arith.index_cast %parallel_loop3A_183 : i32 to index
        %parallel_loop3A_187 = tpu.vector_load %arg7[%parallel_loop3A_185, %parallel_loop3A_186] {strides = array<i32>} : memref<32x512xf32, #tpu.memory_space<vmem>>, vector<16xf32>,
        %parallel_loop3A_188 = arith.subf %parallel_loop3A_181, %parallel_loop3A_187 : vector<16xf32>
        %parallel_loop3A_189 = math.absf %parallel_loop3A_188 : vector<16xf32>
        %parallel_loop3A_190 = tpu.bitcast %parallel_loop3A_189 : vector<16xf32> -> vector<16xi32>
        %parallel_loop3A_191 = arith.constant 17 : i32
        %parallel_loop3A_192 = vector.broadcast %parallel_loop3A_191 : i32 to vector<16xi32>
        %parallel_loop3A_193 = arith.shrui %parallel_loop3A_190, %parallel_loop3A_192 : vector<16xi32>
        tpu.vector_store_idx %arg10[%parallel_loop3A_193], %broadcast_in_dim3A_61 {add = true} : memref<16384xi32, #tpu.memory_space<vmem>>[vector<16xi32>], vector<16xi32>,
        %parallel_loop3A_194 = arith.constant 16 : i32
        %parallel_loop3A_195 = arith.muli %parallel_loop3A_157, %parallel_loop3A_194 : i32
        %parallel_loop3A_196 = arith.constant 2 : i32
        %parallel_loop3A_197 = arith.index_cast %parallel_loop3A_196 : i32 to index
        %parallel_loop3A_198 = arith.index_cast %parallel_loop3A_195 : i32 to index
        %parallel_loop3A_199 = tpu.vector_load %arg5[%parallel_loop3A_197, %parallel_loop3A_198] {strides = array<i32>} : memref<32x512xf32, #tpu.memory_space<vmem>>, vector<16xf32>,
        %parallel_loop3A_200 = arith.constant 16 : i32
        %parallel_loop3A_201 = arith.muli %parallel_loop3A_157, %parallel_loop3A_200 : i32
        %parallel_loop3A_202 = arith.constant 2 : i32
        %parallel_loop3A_203 = arith.index_cast %parallel_loop3A_202 : i32 to index
        %parallel_loop3A_204 = arith.index_cast %parallel_loop3A_201 : i32 to index
        %parallel_loop3A_205 = tpu.vector_load %arg7[%parallel_loop3A_203, %parallel_loop3A_204] {strides = array<i32>} : memref<32x512xf32, #tpu.memory_space<vmem>>, vector<16xf32>,
        %parallel_loop3A_206 = arith.subf %parallel_loop3A_199, %parallel_loop3A_205 : vector<16xf32>
        %parallel_loop3A_207 = math.absf %parallel_loop3A_206 : vector<16xf32>
        %parallel_loop3A_208 = tpu.bitcast %parallel_loop3A_207 : vector<16xf32> -> vector<16xi32>
        %parallel_loop3A_209 = arith.constant 17 : i32
        %parallel_loop3A_210 = vector.broadcast %parallel_loop3A_209 : i32 to vector<16xi32>
        %parallel_loop3A_211 = arith.shrui %parallel_loop3A_208, %parallel_loop3A_210 : vector<16xi32>
        tpu.vector_store_idx %arg10[%parallel_loop3A_211], %broadcast_in_dim3A_61 {add = true} : memref<16384xi32, #tpu.memory_space<vmem>>[vector<16xi32>], vector<16xi32>,
        %parallel_loop3A_212 = arith.constant 16 : i32
        %parallel_loop3A_213 = arith.muli %parallel_loop3A_157, %parallel_loop3A_212 : i32
        %parallel_loop3A_214 = arith.constant 3 : i32
        %parallel_loop3A_215 = arith.index_cast %parallel_loop3A_214 : i32 to index
        %parallel_loop3A_216 = arith.index_cast %parallel_loop3A_213 : i32 to index
        %parallel_loop3A_217 = tpu.vector_load %arg5[%parallel_loop3A_215, %parallel_loop3A_216] {strides = array<i32>} : memref<32x512xf32, #tpu.memory_space<vmem>>, vector<16xf32>,
        %parallel_loop3A_218 = arith.constant 16 : i32
        %parallel_loop3A_219 = arith.muli %parallel_loop3A_157, %parallel_loop3A_218 : i32
        %parallel_loop3A_220 = arith.constant 3 : i32
        %parallel_loop3A_221 = arith.index_cast %parallel_loop3A_220 : i32 to index
        %parallel_loop3A_222 = arith.index_cast %parallel_loop3A_219 : i32 to index
        %parallel_loop3A_223 = tpu.vector_load %arg7[%parallel_loop3A_221, %parallel_loop3A_222] {strides = array<i32>} : memref<32x512xf32, #tpu.memory_space<vmem>>, vector<16xf32>,
        %parallel_loop3A_224 = arith.subf %parallel_loop3A_217, %parallel_loop3A_223 : vector<16xf32>
        %parallel_loop3A_225 = math.absf %parallel_loop3A_224 : vector<16xf32>
        %parallel_loop3A_226 = tpu.bitcast %parallel_loop3A_225 : vector<16xf32> -> vector<16xi32>
        %parallel_loop3A_227 = arith.constant 17 : i32
        %parallel_loop3A_228 = vector.broadcast %parallel_loop3A_227 : i32 to vector<16xi32>
        %parallel_loop3A_229 = arith.shrui %parallel_loop3A_226, %parallel_loop3A_228 : vector<16xi32>
        tpu.vector_store_idx %arg10[%parallel_loop3A_229], %broadcast_in_dim3A_61 {add = true} : memref<16384xi32, #tpu.memory_space<vmem>>[vector<16xi32>], vector<16xi32>,
        %parallel_loop3A_230 = arith.constant 16 : i32
        %parallel_loop3A_231 = arith.muli %parallel_loop3A_157, %parallel_loop3A_230 : i32
        %parallel_loop3A_232 = arith.constant 4 : i32
        %parallel_loop3A_233 = arith.index_cast %parallel_loop3A_232 : i32 to index
        %parallel_loop3A_234 = arith.index_cast %parallel_loop3A_231 : i32 to index
        %parallel_loop3A_235 = tpu.vector_load %arg5[%parallel_loop3A_233, %parallel_loop3A_234] {strides = array<i32>} : memref<32x512xf32, #tpu.memory_space<vmem>>, vector<16xf32>,
        %parallel_loop3A_236 = arith.constant 16 : i32
        %parallel_loop3A_237 = arith.muli %parallel_loop3A_157, %parallel_loop3A_236 : i32
        %parallel_loop3A_238 = arith.constant 4 : i32
        %parallel_loop3A_239 = arith.index_cast %parallel_loop3A_238 : i32 to index
        %parallel_loop3A_240 = arith.index_cast %parallel_loop3A_237 : i32 to index
        %parallel_loop3A_241 = tpu.vector_load %arg7[%parallel_loop3A_239, %parallel_loop3A_240] {strides = array<i32>} : memref<32x512xf32, #tpu.memory_space<vmem>>, vector<16xf32>,
        %parallel_loop3A_242 = arith.subf %parallel_loop3A_235, %parallel_loop3A_241 : vector<16xf32>
        %parallel_loop3A_243 = math.absf %parallel_loop3A_242 : vector<16xf32>
        %parallel_loop3A_244 = tpu.bitcast %parallel_loop3A_243 : vector<16xf32> -> vector<16xi32>
        %parallel_loop3A_245 = arith.constant 17 : i32
        %parallel_loop3A_246 = vector.broadcast %parallel_loop3A_245 : i32 to vector<16xi32>
        %parallel_loop3A_247 = arith.shrui %parallel_loop3A_244, %parallel_loop3A_246 : vector<16xi32>
        tpu.vector_store_idx %arg10[%parallel_loop3A_247], %broadcast_in_dim3A_61 {add = true} : memref<16384xi32, #tpu.memory_space<vmem>>[vector<16xi32>], vector<16xi32>,
        %parallel_loop3A_248 = arith.constant 16 : i32
        %parallel_loop3A_249 = arith.muli %parallel_loop3A_157, %parallel_loop3A_248 : i32
        %parallel_loop3A_250 = arith.constant 5 : i32
        %parallel_loop3A_251 = arith.index_cast %parallel_loop3A_250 : i32 to index
        %parallel_loop3A_252 = arith.index_cast %parallel_loop3A_249 : i32 to index
        %parallel_loop3A_253 = tpu.vector_load %arg5[%parallel_loop3A_251, %parallel_loop3A_252] {strides = array<i32>} : memref<32x512xf32, #tpu.memory_space<vmem>>, vector<16xf32>,
        %parallel_loop3A_254 = arith.constant 16 : i32
        %parallel_loop3A_255 = arith.muli %parallel_loop3A_157, %parallel_loop3A_254 : i32
        %parallel_loop3A_256 = arith.constant 5 : i32
        %parallel_loop3A_257 = arith.index_cast %parallel_loop3A_256 : i32 to index
        %parallel_loop3A_258 = arith.index_cast %parallel_loop3A_255 : i32 to index
        %parallel_loop3A_259 = tpu.vector_load %arg7[%parallel_loop3A_257, %parallel_loop3A_258] {strides = array<i32>} : memref<32x512xf32, #tpu.memory_space<vmem>>, vector<16xf32>,
        %parallel_loop3A_260 = arith.subf %parallel_loop3A_253, %parallel_loop3A_259 : vector<16xf32>
        %parallel_loop3A_261 = math.absf %parallel_loop3A_260 : vector<16xf32>
        %parallel_loop3A_262 = tpu.bitcast %parallel_loop3A_261 : vector<16xf32> -> vector<16xi32>
        %parallel_loop3A_263 = arith.constant 17 : i32
        %parallel_loop3A_264 = vector.broadcast %parallel_loop3A_263 : i32 to vector<16xi32>
        %parallel_loop3A_265 = arith.shrui %parallel_loop3A_262, %parallel_loop3A_264 : vector<16xi32>
        tpu.vector_store_idx %arg10[%parallel_loop3A_265], %broadcast_in_dim3A_61 {add = true} : memref<16384xi32, #tpu.memory_space<vmem>>[vector<16xi32>], vector<16xi32>,
        %parallel_loop3A_266 = arith.constant 16 : i32
        %parallel_loop3A_267 = arith.muli %parallel_loop3A_157, %parallel_loop3A_266 : i32
        %parallel_loop3A_268 = arith.constant 6 : i32
        %parallel_loop3A_269 = arith.index_cast %parallel_loop3A_268 : i32 to index
        %parallel_loop3A_270 = arith.index_cast %parallel_loop3A_267 : i32 to index
        %parallel_loop3A_271 = tpu.vector_load %arg5[%parallel_loop3A_269, %parallel_loop3A_270] {strides = array<i32>} : memref<32x512xf32, #tpu.memory_space<vmem>>, vector<16xf32>,
        %parallel_loop3A_272 = arith.constant 16 : i32
        %parallel_loop3A_273 = arith.muli %parallel_loop3A_157, %parallel_loop3A_272 : i32
        %parallel_loop3A_274 = arith.constant 6 : i32
        %parallel_loop3A_275 = arith.index_cast %parallel_loop3A_274 : i32 to index
        %parallel_loop3A_276 = arith.index_cast %parallel_loop3A_273 : i32 to index
        %parallel_loop3A_277 = tpu.vector_load %arg7[%parallel_loop3A_275, %parallel_loop3A_276] {strides = array<i32>} : memref<32x512xf32, #tpu.memory_space<vmem>>, vector<16xf32>,
        %parallel_loop3A_278 = arith.subf %parallel_loop3A_271, %parallel_loop3A_277 : vector<16xf32>
        %parallel_loop3A_279 = math.absf %parallel_loop3A_278 : vector<16xf32>
        %parallel_loop3A_280 = tpu.bitcast %parallel_loop3A_279 : vector<16xf32> -> vector<16xi32>
        %parallel_loop3A_281 = arith.constant 17 : i32
        %parallel_loop3A_282 = vector.broadcast %parallel_loop3A_281 : i32 to vector<16xi32>
        %parallel_loop3A_283 = arith.shrui %parallel_loop3A_280, %parallel_loop3A_282 : vector<16xi32>
        tpu.vector_store_idx %arg10[%parallel_loop3A_283], %broadcast_in_dim3A_61 {add = true} : memref<16384xi32, #tpu.memory_space<vmem>>[vector<16xi32>], vector<16xi32>,
        %parallel_loop3A_284 = arith.constant 16 : i32
        %parallel_loop3A_285 = arith.muli %parallel_loop3A_157, %parallel_loop3A_284 : i32
        %parallel_loop3A_286 = arith.constant 7 : i32
        %parallel_loop3A_287 = arith.index_cast %parallel_loop3A_286 : i32 to index
        %parallel_loop3A_288 = arith.index_cast %parallel_loop3A_285 : i32 to index
        %parallel_loop3A_289 = tpu.vector_load %arg5[%parallel_loop3A_287, %parallel_loop3A_288] {strides = array<i32>} : memref<32x512xf32, #tpu.memory_space<vmem>>, vector<16xf32>,
        %parallel_loop3A_290 = arith.constant 16 : i32
        %parallel_loop3A_291 = arith.muli %parallel_loop3A_157, %parallel_loop3A_290 : i32
        %parallel_loop3A_292 = arith.constant 7 : i32
        %parallel_loop3A_293 = arith.index_cast %parallel_loop3A_292 : i32 to index
        %parallel_loop3A_294 = arith.index_cast %parallel_loop3A_291 : i32 to index
        %parallel_loop3A_295 = tpu.vector_load %arg7[%parallel_loop3A_293, %parallel_loop3A_294] {strides = array<i32>} : memref<32x512xf32, #tpu.memory_space<vmem>>, vector<16xf32>,
        %parallel_loop3A_296 = arith.subf %parallel_loop3A_289, %parallel_loop3A_295 : vector<16xf32>
        %parallel_loop3A_297 = math.absf %parallel_loop3A_296 : vector<16xf32>
        %parallel_loop3A_298 = tpu.bitcast %parallel_loop3A_297 : vector<16xf32> -> vector<16xi32>
        %parallel_loop3A_299 = arith.constant 17 : i32
        %parallel_loop3A_300 = vector.broadcast %parallel_loop3A_299 : i32 to vector<16xi32>
        %parallel_loop3A_301 = arith.shrui %parallel_loop3A_298, %parallel_loop3A_300 : vector<16xi32>
        tpu.vector_store_idx %arg10[%parallel_loop3A_301], %broadcast_in_dim3A_61 {add = true} : memref<16384xi32, #tpu.memory_space<vmem>>[vector<16xi32>], vector<16xi32>,
        %parallel_loop3A_302 = arith.constant 16 : i32
        %parallel_loop3A_303 = arith.muli %parallel_loop3A_157, %parallel_loop3A_302 : i32
        %parallel_loop3A_304 = arith.constant 8 : i32
        %parallel_loop3A_305 = arith.index_cast %parallel_loop3A_304 : i32 to index
        %parallel_loop3A_306 = arith.index_cast %parallel_loop3A_303 : i32 to index
        %parallel_loop3A_307 = tpu.vector_load %arg5[%parallel_loop3A_305, %parallel_loop3A_306] {strides = array<i32>} : memref<32x512xf32, #tpu.memory_space<vmem>>, vector<16xf32>,
        %parallel_loop3A_308 = arith.constant 16 : i32
        %parallel_loop3A_309 = arith.muli %parallel_loop3A_157, %parallel_loop3A_308 : i32
        %parallel_loop3A_310 = arith.constant 8 : i32
        %parallel_loop3A_311 = arith.index_cast %parallel_loop3A_310 : i32 to index
        %parallel_loop3A_312 = arith.index_cast %parallel_loop3A_309 : i32 to index
        %parallel_loop3A_313 = tpu.vector_load %arg7[%parallel_loop3A_311, %parallel_loop3A_312] {strides = array<i32>} : memref<32x512xf32, #tpu.memory_space<vmem>>, vector<16xf32>,
        %parallel_loop3A_314 = arith.subf %parallel_loop3A_307, %parallel_loop3A_313 : vector<16xf32>
        %parallel_loop3A_315 = math.absf %parallel_loop3A_314 : vector<16xf32>
        %parallel_loop3A_316 = tpu.bitcast %parallel_loop3A_315 : vector<16xf32> -> vector<16xi32>
        %parallel_loop3A_317 = arith.constant 17 : i32
        %parallel_loop3A_318 = vector.broadcast %parallel_loop3A_317 : i32 to vector<16xi32>
        %parallel_loop3A_319 = arith.shrui %parallel_loop3A_316, %parallel_loop3A_318 : vector<16xi32>
        tpu.vector_store_idx %arg10[%parallel_loop3A_319], %broadcast_in_dim3A_61 {add = true} : memref<16384xi32, #tpu.memory_space<vmem>>[vector<16xi32>], vector<16xi32>,
        %parallel_loop3A_320 = arith.constant 16 : i32
        %parallel_loop3A_321 = arith.muli %parallel_loop3A_157, %parallel_loop3A_320 : i32
        %parallel_loop3A_322 = arith.constant 9 : i32
        %parallel_loop3A_323 = arith.index_cast %parallel_loop3A_322 : i32 to index
        %parallel_loop3A_324 = arith.index_cast %parallel_loop3A_321 : i32 to index
        %parallel_loop3A_325 = tpu.vector_load %arg5[%parallel_loop3A_323, %parallel_loop3A_324] {strides = array<i32>} : memref<32x512xf32, #tpu.memory_space<vmem>>, vector<16xf32>,
        %parallel_loop3A_326 = arith.constant 16 : i32
        %parallel_loop3A_327 = arith.muli %parallel_loop3A_157, %parallel_loop3A_326 : i32
        %parallel_loop3A_328 = arith.constant 9 : i32
        %parallel_loop3A_329 = arith.index_cast %parallel_loop3A_328 : i32 to index
        %parallel_loop3A_330 = arith.index_cast %parallel_loop3A_327 : i32 to index
        %parallel_loop3A_331 = tpu.vector_load %arg7[%parallel_loop3A_329, %parallel_loop3A_330] {strides = array<i32>} : memref<32x512xf32, #tpu.memory_space<vmem>>, vector<16xf32>,
        %parallel_loop3A_332 = arith.subf %parallel_loop3A_325, %parallel_loop3A_331 : vector<16xf32>
        %parallel_loop3A_333 = math.absf %parallel_loop3A_332 : vector<16xf32>
        %parallel_loop3A_334 = tpu.bitcast %parallel_loop3A_333 : vector<16xf32> -> vector<16xi32>
        %parallel_loop3A_335 = arith.constant 17 : i32
        %parallel_loop3A_336 = vector.broadcast %parallel_loop3A_335 : i32 to vector<16xi32>
        %parallel_loop3A_337 = arith.shrui %parallel_loop3A_334, %parallel_loop3A_336 : vector<16xi32>
        tpu.vector_store_idx %arg10[%parallel_loop3A_337], %broadcast_in_dim3A_61 {add = true} : memref<16384xi32, #tpu.memory_space<vmem>>[vector<16xi32>], vector<16xi32>,
        %parallel_loop3A_338 = arith.constant 16 : i32
        %parallel_loop3A_339 = arith.muli %parallel_loop3A_157, %parallel_loop3A_338 : i32
        %parallel_loop3A_340 = arith.constant 10 : i32
        %parallel_loop3A_341 = arith.index_cast %parallel_loop3A_340 : i32 to index
        %parallel_loop3A_342 = arith.index_cast %parallel_loop3A_339 : i32 to index
        %parallel_loop3A_343 = tpu.vector_load %arg5[%parallel_loop3A_341, %parallel_loop3A_342] {strides = array<i32>} : memref<32x512xf32, #tpu.memory_space<vmem>>, vector<16xf32>,
        %parallel_loop3A_344 = arith.constant 16 : i32
        %parallel_loop3A_345 = arith.muli %parallel_loop3A_157, %parallel_loop3A_344 : i32
        %parallel_loop3A_346 = arith.constant 10 : i32
        %parallel_loop3A_347 = arith.index_cast %parallel_loop3A_346 : i32 to index
        %parallel_loop3A_348 = arith.index_cast %parallel_loop3A_345 : i32 to index
        %parallel_loop3A_349 = tpu.vector_load %arg7[%parallel_loop3A_347, %parallel_loop3A_348] {strides = array<i32>} : memref<32x512xf32, #tpu.memory_space<vmem>>, vector<16xf32>,
        %parallel_loop3A_350 = arith.subf %parallel_loop3A_343, %parallel_loop3A_349 : vector<16xf32>
        %parallel_loop3A_351 = math.absf %parallel_loop3A_350 : vector<16xf32>
        %parallel_loop3A_352 = tpu.bitcast %parallel_loop3A_351 : vector<16xf32> -> vector<16xi32>
        %parallel_loop3A_353 = arith.constant 17 : i32
        %parallel_loop3A_354 = vector.broadcast %parallel_loop3A_353 : i32 to vector<16xi32>
        %parallel_loop3A_355 = arith.shrui %parallel_loop3A_352, %parallel_loop3A_354 : vector<16xi32>
        tpu.vector_store_idx %arg10[%parallel_loop3A_355], %broadcast_in_dim3A_61 {add = true} : memref<16384xi32, #tpu.memory_space<vmem>>[vector<16xi32>], vector<16xi32>,
        %parallel_loop3A_356 = arith.constant 16 : i32
        %parallel_loop3A_357 = arith.muli %parallel_loop3A_157, %parallel_loop3A_356 : i32
        %parallel_loop3A_358 = arith.constant 11 : i32
        %parallel_loop3A_359 = arith.index_cast %parallel_loop3A_358 : i32 to index
        %parallel_loop3A_360 = arith.index_cast %parallel_loop3A_357 : i32 to index
        %parallel_loop3A_361 = tpu.vector_load %arg5[%parallel_loop3A_359, %parallel_loop3A_360] {strides = array<i32>} : memref<32x512xf32, #tpu.memory_space<vmem>>, vector<16xf32>,
        %parallel_loop3A_362 = arith.constant 16 : i32
        %parallel_loop3A_363 = arith.muli %parallel_loop3A_157, %parallel_loop3A_362 : i32
        %parallel_loop3A_364 = arith.constant 11 : i32
        %parallel_loop3A_365 = arith.index_cast %parallel_loop3A_364 : i32 to index
        %parallel_loop3A_366 = arith.index_cast %parallel_loop3A_363 : i32 to index
        %parallel_loop3A_367 = tpu.vector_load %arg7[%parallel_loop3A_365, %parallel_loop3A_366] {strides = array<i32>} : memref<32x512xf32, #tpu.memory_space<vmem>>, vector<16xf32>,
        %parallel_loop3A_368 = arith.subf %parallel_loop3A_361, %parallel_loop3A_367 : vector<16xf32>
        %parallel_loop3A_369 = math.absf %parallel_loop3A_368 : vector<16xf32>
        %parallel_loop3A_370 = tpu.bitcast %parallel_loop3A_369 : vector<16xf32> -> vector<16xi32>
        %parallel_loop3A_371 = arith.constant 17 : i32
        %parallel_loop3A_372 = vector.broadcast %parallel_loop3A_371 : i32 to vector<16xi32>
        %parallel_loop3A_373 = arith.shrui %parallel_loop3A_370, %parallel_loop3A_372 : vector<16xi32>
        tpu.vector_store_idx %arg10[%parallel_loop3A_373], %broadcast_in_dim3A_61 {add = true} : memref<16384xi32, #tpu.memory_space<vmem>>[vector<16xi32>], vector<16xi32>,
        %parallel_loop3A_374 = arith.constant 16 : i32
        %parallel_loop3A_375 = arith.muli %parallel_loop3A_157, %parallel_loop3A_374 : i32
        %parallel_loop3A_376 = arith.constant 12 : i32
        %parallel_loop3A_377 = arith.index_cast %parallel_loop3A_376 : i32 to index
        %parallel_loop3A_378 = arith.index_cast %parallel_loop3A_375 : i32 to index
        %parallel_loop3A_379 = tpu.vector_load %arg5[%parallel_loop3A_377, %parallel_loop3A_378] {strides = array<i32>} : memref<32x512xf32, #tpu.memory_space<vmem>>, vector<16xf32>,
        %parallel_loop3A_380 = arith.constant 16 : i32
        %parallel_loop3A_381 = arith.muli %parallel_loop3A_157, %parallel_loop3A_380 : i32
        %parallel_loop3A_382 = arith.constant 12 : i32
        %parallel_loop3A_383 = arith.index_cast %parallel_loop3A_382 : i32 to index
        %parallel_loop3A_384 = arith.index_cast %parallel_loop3A_381 : i32 to index
        %parallel_loop3A_385 = tpu.vector_load %arg7[%parallel_loop3A_383, %parallel_loop3A_384] {strides = array<i32>} : memref<32x512xf32, #tpu.memory_space<vmem>>, vector<16xf32>,
        %parallel_loop3A_386 = arith.subf %parallel_loop3A_379, %parallel_loop3A_385 : vector<16xf32>
        %parallel_loop3A_387 = math.absf %parallel_loop3A_386 : vector<16xf32>
        %parallel_loop3A_388 = tpu.bitcast %parallel_loop3A_387 : vector<16xf32> -> vector<16xi32>
        %parallel_loop3A_389 = arith.constant 17 : i32
        %parallel_loop3A_390 = vector.broadcast %parallel_loop3A_389 : i32 to vector<16xi32>
        %parallel_loop3A_391 = arith.shrui %parallel_loop3A_388, %parallel_loop3A_390 : vector<16xi32>
        tpu.vector_store_idx %arg10[%parallel_loop3A_391], %broadcast_in_dim3A_61 {add = true} : memref<16384xi32, #tpu.memory_space<vmem>>[vector<16xi32>], vector<16xi32>,
        %parallel_loop3A_392 = arith.constant 16 : i32
        %parallel_loop3A_393 = arith.muli %parallel_loop3A_157, %parallel_loop3A_392 : i32
        %parallel_loop3A_394 = arith.constant 13 : i32
        %parallel_loop3A_395 = arith.index_cast %parallel_loop3A_394 : i32 to index
        %parallel_loop3A_396 = arith.index_cast %parallel_loop3A_393 : i32 to index
        %parallel_loop3A_397 = tpu.vector_load %arg5[%parallel_loop3A_395, %parallel_loop3A_396] {strides = array<i32>} : memref<32x512xf32, #tpu.memory_space<vmem>>, vector<16xf32>,
        %parallel_loop3A_398 = arith.constant 16 : i32
        %parallel_loop3A_399 = arith.muli %parallel_loop3A_157, %parallel_loop3A_398 : i32
        %parallel_loop3A_400 = arith.constant 13 : i32
        %parallel_loop3A_401 = arith.index_cast %parallel_loop3A_400 : i32 to index
        %parallel_loop3A_402 = arith.index_cast %parallel_loop3A_399 : i32 to index
        %parallel_loop3A_403 = tpu.vector_load %arg7[%parallel_loop3A_401, %parallel_loop3A_402] {strides = array<i32>} : memref<32x512xf32, #tpu.memory_space<vmem>>, vector<16xf32>,
        %parallel_loop3A_404 = arith.subf %parallel_loop3A_397, %parallel_loop3A_403 : vector<16xf32>
        %parallel_loop3A_405 = math.absf %parallel_loop3A_404 : vector<16xf32>
        %parallel_loop3A_406 = tpu.bitcast %parallel_loop3A_405 : vector<16xf32> -> vector<16xi32>
        %parallel_loop3A_407 = arith.constant 17 : i32
        %parallel_loop3A_408 = vector.broadcast %parallel_loop3A_407 : i32 to vector<16xi32>
        %parallel_loop3A_409 = arith.shrui %parallel_loop3A_406, %parallel_loop3A_408 : vector<16xi32>
        tpu.vector_store_idx %arg10[%parallel_loop3A_409], %broadcast_in_dim3A_61 {add = true} : memref<16384xi32, #tpu.memory_space<vmem>>[vector<16xi32>], vector<16xi32>,
        %parallel_loop3A_410 = arith.constant 16 : i32
        %parallel_loop3A_411 = arith.muli %parallel_loop3A_157, %parallel_loop3A_410 : i32
        %parallel_loop3A_412 = arith.constant 14 : i32
        %parallel_loop3A_413 = arith.index_cast %parallel_loop3A_412 : i32 to index
        %parallel_loop3A_414 = arith.index_cast %parallel_loop3A_411 : i32 to index
        %parallel_loop3A_415 = tpu.vector_load %arg5[%parallel_loop3A_413, %parallel_loop3A_414] {strides = array<i32>} : memref<32x512xf32, #tpu.memory_space<vmem>>, vector<16xf32>,
        %parallel_loop3A_416 = arith.constant 16 : i32
        %parallel_loop3A_417 = arith.muli %parallel_loop3A_157, %parallel_loop3A_416 : i32
        %parallel_loop3A_418 = arith.constant 14 : i32
        %parallel_loop3A_419 = arith.index_cast %parallel_loop3A_418 : i32 to index
        %parallel_loop3A_420 = arith.index_cast %parallel_loop3A_417 : i32 to index
        %parallel_loop3A_421 = tpu.vector_load %arg7[%parallel_loop3A_419, %parallel_loop3A_420] {strides = array<i32>} : memref<32x512xf32, #tpu.memory_space<vmem>>, vector<16xf32>,
        %parallel_loop3A_422 = arith.subf %parallel_loop3A_415, %parallel_loop3A_421 : vector<16xf32>
        %parallel_loop3A_423 = math.absf %parallel_loop3A_422 : vector<16xf32>
        %parallel_loop3A_424 = tpu.bitcast %parallel_loop3A_423 : vector<16xf32> -> vector<16xi32>
        %parallel_loop3A_425 = arith.constant 17 : i32
        %parallel_loop3A_426 = vector.broadcast %parallel_loop3A_425 : i32 to vector<16xi32>
        %parallel_loop3A_427 = arith.shrui %parallel_loop3A_424, %parallel_loop3A_426 : vector<16xi32>
        tpu.vector_store_idx %arg10[%parallel_loop3A_427], %broadcast_in_dim3A_61 {add = true} : memref<16384xi32, #tpu.memory_space<vmem>>[vector<16xi32>], vector<16xi32>,
        %parallel_loop3A_428 = arith.constant 16 : i32
        %parallel_loop3A_429 = arith.muli %parallel_loop3A_157, %parallel_loop3A_428 : i32
        %parallel_loop3A_430 = arith.constant 15 : i32
        %parallel_loop3A_431 = arith.index_cast %parallel_loop3A_430 : i32 to index
        %parallel_loop3A_432 = arith.index_cast %parallel_loop3A_429 : i32 to index
        %parallel_loop3A_433 = tpu.vector_load %arg5[%parallel_loop3A_431, %parallel_loop3A_432] {strides = array<i32>} : memref<32x512xf32, #tpu.memory_space<vmem>>, vector<16xf32>,
        %parallel_loop3A_434 = arith.constant 16 : i32
        %parallel_loop3A_435 = arith.muli %parallel_loop3A_157, %parallel_loop3A_434 : i32
        %parallel_loop3A_436 = arith.constant 15 : i32
        %parallel_loop3A_437 = arith.index_cast %parallel_loop3A_436 : i32 to index
        %parallel_loop3A_438 = arith.index_cast %parallel_loop3A_435 : i32 to index
        %parallel_loop3A_439 = tpu.vector_load %arg7[%parallel_loop3A_437, %parallel_loop3A_438] {strides = array<i32>} : memref<32x512xf32, #tpu.memory_space<vmem>>, vector<16xf32>,
        %parallel_loop3A_440 = arith.subf %parallel_loop3A_433, %parallel_loop3A_439 : vector<16xf32>
        %parallel_loop3A_441 = math.absf %parallel_loop3A_440 : vector<16xf32>
        %parallel_loop3A_442 = tpu.bitcast %parallel_loop3A_441 : vector<16xf32> -> vector<16xi32>
        %parallel_loop3A_443 = arith.constant 17 : i32
        %parallel_loop3A_444 = vector.broadcast %parallel_loop3A_443 : i32 to vector<16xi32>
        %parallel_loop3A_445 = arith.shrui %parallel_loop3A_442, %parallel_loop3A_444 : vector<16xi32>
        tpu.vector_store_idx %arg10[%parallel_loop3A_445], %broadcast_in_dim3A_61 {add = true} : memref<16384xi32, #tpu.memory_space<vmem>>[vector<16xi32>], vector<16xi32>,
        %parallel_loop3A_446 = arith.constant 16 : i32
        %parallel_loop3A_447 = arith.muli %parallel_loop3A_157, %parallel_loop3A_446 : i32
        %parallel_loop3A_448 = arith.constant 16 : i32
        %parallel_loop3A_449 = arith.index_cast %parallel_loop3A_448 : i32 to index
        %parallel_loop3A_450 = arith.index_cast %parallel_loop3A_447 : i32 to index
        %parallel_loop3A_451 = tpu.vector_load %arg5[%parallel_loop3A_449, %parallel_loop3A_450] {strides = array<i32>} : memref<32x512xf32, #tpu.memory_space<vmem>>, vector<16xf32>,
        %parallel_loop3A_452 = arith.constant 16 : i32
        %parallel_loop3A_453 = arith.muli %parallel_loop3A_157, %parallel_loop3A_452 : i32
        %parallel_loop3A_454 = arith.constant 16 : i32
        %parallel_loop3A_455 = arith.index_cast %parallel_loop3A_454 : i32 to index
        %parallel_loop3A_456 = arith.index_cast %parallel_loop3A_453 : i32 to index
        %parallel_loop3A_457 = tpu.vector_load %arg7[%parallel_loop3A_455, %parallel_loop3A_456] {strides = array<i32>} : memref<32x512xf32, #tpu.memory_space<vmem>>, vector<16xf32>,
        %parallel_loop3A_458 = arith.subf %parallel_loop3A_451, %parallel_loop3A_457 : vector<16xf32>
        %parallel_loop3A_459 = math.absf %parallel_loop3A_458 : vector<16xf32>
        %parallel_loop3A_460 = tpu.bitcast %parallel_loop3A_459 : vector<16xf32> -> vector<16xi32>
        %parallel_loop3A_461 = arith.constant 17 : i32
        %parallel_loop3A_462 = vector.broadcast %parallel_loop3A_461 : i32 to vector<16xi32>
        %parallel_loop3A_463 = arith.shrui %parallel_loop3A_460, %parallel_loop3A_462 : vector<16xi32>
        tpu.vector_store_idx %arg10[%parallel_loop3A_463], %broadcast_in_dim3A_61 {add = true} : memref<16384xi32, #tpu.memory_space<vmem>>[vector<16xi32>], vector<16xi32>,
        %parallel_loop3A_464 = arith.constant 16 : i32
        %parallel_loop3A_465 = arith.muli %parallel_loop3A_157, %parallel_loop3A_464 : i32
        %parallel_loop3A_466 = arith.constant 17 : i32
        %parallel_loop3A_467 = arith.index_cast %parallel_loop3A_466 : i32 to index
        %parallel_loop3A_468 = arith.index_cast %parallel_loop3A_465 : i32 to index
        %parallel_loop3A_469 = tpu.vector_load %arg5[%parallel_loop3A_467, %parallel_loop3A_468] {strides = array<i32>} : memref<32x512xf32, #tpu.memory_space<vmem>>, vector<16xf32>,
        %parallel_loop3A_470 = arith.constant 16 : i32
        %parallel_loop3A_471 = arith.muli %parallel_loop3A_157, %parallel_loop3A_470 : i32
        %parallel_loop3A_472 = arith.constant 17 : i32
        %parallel_loop3A_473 = arith.index_cast %parallel_loop3A_472 : i32 to index
        %parallel_loop3A_474 = arith.index_cast %parallel_loop3A_471 : i32 to index
        %parallel_loop3A_475 = tpu.vector_load %arg7[%parallel_loop3A_473, %parallel_loop3A_474] {strides = array<i32>} : memref<32x512xf32, #tpu.memory_space<vmem>>, vector<16xf32>,
        %parallel_loop3A_476 = arith.subf %parallel_loop3A_469, %parallel_loop3A_475 : vector<16xf32>
        %parallel_loop3A_477 = math.absf %parallel_loop3A_476 : vector<16xf32>
        %parallel_loop3A_478 = tpu.bitcast %parallel_loop3A_477 : vector<16xf32> -> vector<16xi32>
        %parallel_loop3A_479 = arith.constant 17 : i32
        %parallel_loop3A_480 = vector.broadcast %parallel_loop3A_479 : i32 to vector<16xi32>
        %parallel_loop3A_481 = arith.shrui %parallel_loop3A_478, %parallel_loop3A_480 : vector<16xi32>
        tpu.vector_store_idx %arg10[%parallel_loop3A_481], %broadcast_in_dim3A_61 {add = true} : memref<16384xi32, #tpu.memory_space<vmem>>[vector<16xi32>], vector<16xi32>,
        %parallel_loop3A_482 = arith.constant 16 : i32
        %parallel_loop3A_483 = arith.muli %parallel_loop3A_157, %parallel_loop3A_482 : i32
        %parallel_loop3A_484 = arith.constant 18 : i32
        %parallel_loop3A_485 = arith.index_cast %parallel_loop3A_484 : i32 to index
        %parallel_loop3A_486 = arith.index_cast %parallel_loop3A_483 : i32 to index
        %parallel_loop3A_487 = tpu.vector_load %arg5[%parallel_loop3A_485, %parallel_loop3A_486] {strides = array<i32>} : memref<32x512xf32, #tpu.memory_space<vmem>>, vector<16xf32>,
        %parallel_loop3A_488 = arith.constant 16 : i32
        %parallel_loop3A_489 = arith.muli %parallel_loop3A_157, %parallel_loop3A_488 : i32
        %parallel_loop3A_490 = arith.constant 18 : i32
        %parallel_loop3A_491 = arith.index_cast %parallel_loop3A_490 : i32 to index
        %parallel_loop3A_492 = arith.index_cast %parallel_loop3A_489 : i32 to index
        %parallel_loop3A_493 = tpu.vector_load %arg7[%parallel_loop3A_491, %parallel_loop3A_492] {strides = array<i32>} : memref<32x512xf32, #tpu.memory_space<vmem>>, vector<16xf32>,
        %parallel_loop3A_494 = arith.subf %parallel_loop3A_487, %parallel_loop3A_493 : vector<16xf32>
        %parallel_loop3A_495 = math.absf %parallel_loop3A_494 : vector<16xf32>
        %parallel_loop3A_496 = tpu.bitcast %parallel_loop3A_495 : vector<16xf32> -> vector<16xi32>
        %parallel_loop3A_497 = arith.constant 17 : i32
        %parallel_loop3A_498 = vector.broadcast %parallel_loop3A_497 : i32 to vector<16xi32>
        %parallel_loop3A_499 = arith.shrui %parallel_loop3A_496, %parallel_loop3A_498 : vector<16xi32>
        tpu.vector_store_idx %arg10[%parallel_loop3A_499], %broadcast_in_dim3A_61 {add = true} : memref<16384xi32, #tpu.memory_space<vmem>>[vector<16xi32>], vector<16xi32>,
        %parallel_loop3A_500 = arith.constant 16 : i32
        %parallel_loop3A_501 = arith.muli %parallel_loop3A_157, %parallel_loop3A_500 : i32
        %parallel_loop3A_502 = arith.constant 19 : i32
        %parallel_loop3A_503 = arith.index_cast %parallel_loop3A_502 : i32 to index
        %parallel_loop3A_504 = arith.index_cast %parallel_loop3A_501 : i32 to index
        %parallel_loop3A_505 = tpu.vector_load %arg5[%parallel_loop3A_503, %parallel_loop3A_504] {strides = array<i32>} : memref<32x512xf32, #tpu.memory_space<vmem>>, vector<16xf32>,
        %parallel_loop3A_506 = arith.constant 16 : i32
        %parallel_loop3A_507 = arith.muli %parallel_loop3A_157, %parallel_loop3A_506 : i32
        %parallel_loop3A_508 = arith.constant 19 : i32
        %parallel_loop3A_509 = arith.index_cast %parallel_loop3A_508 : i32 to index
        %parallel_loop3A_510 = arith.index_cast %parallel_loop3A_507 : i32 to index
        %parallel_loop3A_511 = tpu.vector_load %arg7[%parallel_loop3A_509, %parallel_loop3A_510] {strides = array<i32>} : memref<32x512xf32, #tpu.memory_space<vmem>>, vector<16xf32>,
        %parallel_loop3A_512 = arith.subf %parallel_loop3A_505, %parallel_loop3A_511 : vector<16xf32>
        %parallel_loop3A_513 = math.absf %parallel_loop3A_512 : vector<16xf32>
        %parallel_loop3A_514 = tpu.bitcast %parallel_loop3A_513 : vector<16xf32> -> vector<16xi32>
        %parallel_loop3A_515 = arith.constant 17 : i32
        %parallel_loop3A_516 = vector.broadcast %parallel_loop3A_515 : i32 to vector<16xi32>
        %parallel_loop3A_517 = arith.shrui %parallel_loop3A_514, %parallel_loop3A_516 : vector<16xi32>
        tpu.vector_store_idx %arg10[%parallel_loop3A_517], %broadcast_in_dim3A_61 {add = true} : memref<16384xi32, #tpu.memory_space<vmem>>[vector<16xi32>], vector<16xi32>,
        %parallel_loop3A_518 = arith.constant 16 : i32
        %parallel_loop3A_519 = arith.muli %parallel_loop3A_157, %parallel_loop3A_518 : i32
        %parallel_loop3A_520 = arith.constant 20 : i32
        %parallel_loop3A_521 = arith.index_cast %parallel_loop3A_520 : i32 to index
        %parallel_loop3A_522 = arith.index_cast %parallel_loop3A_519 : i32 to index
        %parallel_loop3A_523 = tpu.vector_load %arg5[%parallel_loop3A_521, %parallel_loop3A_522] {strides = array<i32>} : memref<32x512xf32, #tpu.memory_space<vmem>>, vector<16xf32>,
        %parallel_loop3A_524 = arith.constant 16 : i32
        %parallel_loop3A_525 = arith.muli %parallel_loop3A_157, %parallel_loop3A_524 : i32
        %parallel_loop3A_526 = arith.constant 20 : i32
        %parallel_loop3A_527 = arith.index_cast %parallel_loop3A_526 : i32 to index
        %parallel_loop3A_528 = arith.index_cast %parallel_loop3A_525 : i32 to index
        %parallel_loop3A_529 = tpu.vector_load %arg7[%parallel_loop3A_527, %parallel_loop3A_528] {strides = array<i32>} : memref<32x512xf32, #tpu.memory_space<vmem>>, vector<16xf32>,
        %parallel_loop3A_530 = arith.subf %parallel_loop3A_523, %parallel_loop3A_529 : vector<16xf32>
        %parallel_loop3A_531 = math.absf %parallel_loop3A_530 : vector<16xf32>
        %parallel_loop3A_532 = tpu.bitcast %parallel_loop3A_531 : vector<16xf32> -> vector<16xi32>
        %parallel_loop3A_533 = arith.constant 17 : i32
        %parallel_loop3A_534 = vector.broadcast %parallel_loop3A_533 : i32 to vector<16xi32>
        %parallel_loop3A_535 = arith.shrui %parallel_loop3A_532, %parallel_loop3A_534 : vector<16xi32>
        tpu.vector_store_idx %arg10[%parallel_loop3A_535], %broadcast_in_dim3A_61 {add = true} : memref<16384xi32, #tpu.memory_space<vmem>>[vector<16xi32>], vector<16xi32>,
        %parallel_loop3A_536 = arith.constant 16 : i32
        %parallel_loop3A_537 = arith.muli %parallel_loop3A_157, %parallel_loop3A_536 : i32
        %parallel_loop3A_538 = arith.constant 21 : i32
        %parallel_loop3A_539 = arith.index_cast %parallel_loop3A_538 : i32 to index
        %parallel_loop3A_540 = arith.index_cast %parallel_loop3A_537 : i32 to index
        %parallel_loop3A_541 = tpu.vector_load %arg5[%parallel_loop3A_539, %parallel_loop3A_540] {strides = array<i32>} : memref<32x512xf32, #tpu.memory_space<vmem>>, vector<16xf32>,
        %parallel_loop3A_542 = arith.constant 16 : i32
        %parallel_loop3A_543 = arith.muli %parallel_loop3A_157, %parallel_loop3A_542 : i32
        %parallel_loop3A_544 = arith.constant 21 : i32
        %parallel_loop3A_545 = arith.index_cast %parallel_loop3A_544 : i32 to index
        %parallel_loop3A_546 = arith.index_cast %parallel_loop3A_543 : i32 to index
        %parallel_loop3A_547 = tpu.vector_load %arg7[%parallel_loop3A_545, %parallel_loop3A_546] {strides = array<i32>} : memref<32x512xf32, #tpu.memory_space<vmem>>, vector<16xf32>,
        %parallel_loop3A_548 = arith.subf %parallel_loop3A_541, %parallel_loop3A_547 : vector<16xf32>
        %parallel_loop3A_549 = math.absf %parallel_loop3A_548 : vector<16xf32>
        %parallel_loop3A_550 = tpu.bitcast %parallel_loop3A_549 : vector<16xf32> -> vector<16xi32>
        %parallel_loop3A_551 = arith.constant 17 : i32
        %parallel_loop3A_552 = vector.broadcast %parallel_loop3A_551 : i32 to vector<16xi32>
        %parallel_loop3A_553 = arith.shrui %parallel_loop3A_550, %parallel_loop3A_552 : vector<16xi32>
        tpu.vector_store_idx %arg10[%parallel_loop3A_553], %broadcast_in_dim3A_61 {add = true} : memref<16384xi32, #tpu.memory_space<vmem>>[vector<16xi32>], vector<16xi32>,
        %parallel_loop3A_554 = arith.constant 16 : i32
        %parallel_loop3A_555 = arith.muli %parallel_loop3A_157, %parallel_loop3A_554 : i32
        %parallel_loop3A_556 = arith.constant 22 : i32
        %parallel_loop3A_557 = arith.index_cast %parallel_loop3A_556 : i32 to index
        %parallel_loop3A_558 = arith.index_cast %parallel_loop3A_555 : i32 to index
        %parallel_loop3A_559 = tpu.vector_load %arg5[%parallel_loop3A_557, %parallel_loop3A_558] {strides = array<i32>} : memref<32x512xf32, #tpu.memory_space<vmem>>, vector<16xf32>,
        %parallel_loop3A_560 = arith.constant 16 : i32
        %parallel_loop3A_561 = arith.muli %parallel_loop3A_157, %parallel_loop3A_560 : i32
        %parallel_loop3A_562 = arith.constant 22 : i32
        %parallel_loop3A_563 = arith.index_cast %parallel_loop3A_562 : i32 to index
        %parallel_loop3A_564 = arith.index_cast %parallel_loop3A_561 : i32 to index
        %parallel_loop3A_565 = tpu.vector_load %arg7[%parallel_loop3A_563, %parallel_loop3A_564] {strides = array<i32>} : memref<32x512xf32, #tpu.memory_space<vmem>>, vector<16xf32>,
        %parallel_loop3A_566 = arith.subf %parallel_loop3A_559, %parallel_loop3A_565 : vector<16xf32>
        %parallel_loop3A_567 = math.absf %parallel_loop3A_566 : vector<16xf32>
        %parallel_loop3A_568 = tpu.bitcast %parallel_loop3A_567 : vector<16xf32> -> vector<16xi32>
        %parallel_loop3A_569 = arith.constant 17 : i32
        %parallel_loop3A_570 = vector.broadcast %parallel_loop3A_569 : i32 to vector<16xi32>
        %parallel_loop3A_571 = arith.shrui %parallel_loop3A_568, %parallel_loop3A_570 : vector<16xi32>
        tpu.vector_store_idx %arg10[%parallel_loop3A_571], %broadcast_in_dim3A_61 {add = true} : memref<16384xi32, #tpu.memory_space<vmem>>[vector<16xi32>], vector<16xi32>,
        %parallel_loop3A_572 = arith.constant 16 : i32
        %parallel_loop3A_573 = arith.muli %parallel_loop3A_157, %parallel_loop3A_572 : i32
        %parallel_loop3A_574 = arith.constant 23 : i32
        %parallel_loop3A_575 = arith.index_cast %parallel_loop3A_574 : i32 to index
        %parallel_loop3A_576 = arith.index_cast %parallel_loop3A_573 : i32 to index
        %parallel_loop3A_577 = tpu.vector_load %arg5[%parallel_loop3A_575, %parallel_loop3A_576] {strides = array<i32>} : memref<32x512xf32, #tpu.memory_space<vmem>>, vector<16xf32>,
        %parallel_loop3A_578 = arith.constant 16 : i32
        %parallel_loop3A_579 = arith.muli %parallel_loop3A_157, %parallel_loop3A_578 : i32
        %parallel_loop3A_580 = arith.constant 23 : i32
        %parallel_loop3A_581 = arith.index_cast %parallel_loop3A_580 : i32 to index
        %parallel_loop3A_582 = arith.index_cast %parallel_loop3A_579 : i32 to index
        %parallel_loop3A_583 = tpu.vector_load %arg7[%parallel_loop3A_581, %parallel_loop3A_582] {strides = array<i32>} : memref<32x512xf32, #tpu.memory_space<vmem>>, vector<16xf32>,
        %parallel_loop3A_584 = arith.subf %parallel_loop3A_577, %parallel_loop3A_583 : vector<16xf32>
        %parallel_loop3A_585 = math.absf %parallel_loop3A_584 : vector<16xf32>
        %parallel_loop3A_586 = tpu.bitcast %parallel_loop3A_585 : vector<16xf32> -> vector<16xi32>
        %parallel_loop3A_587 = arith.constant 17 : i32
        %parallel_loop3A_588 = vector.broadcast %parallel_loop3A_587 : i32 to vector<16xi32>
        %parallel_loop3A_589 = arith.shrui %parallel_loop3A_586, %parallel_loop3A_588 : vector<16xi32>
        tpu.vector_store_idx %arg10[%parallel_loop3A_589], %broadcast_in_dim3A_61 {add = true} : memref<16384xi32, #tpu.memory_space<vmem>>[vector<16xi32>], vector<16xi32>,
        %parallel_loop3A_590 = arith.constant 16 : i32
        %parallel_loop3A_591 = arith.muli %parallel_loop3A_157, %parallel_loop3A_590 : i32
        %parallel_loop3A_592 = arith.constant 24 : i32
        %parallel_loop3A_593 = arith.index_cast %parallel_loop3A_592 : i32 to index
        %parallel_loop3A_594 = arith.index_cast %parallel_loop3A_591 : i32 to index
        %parallel_loop3A_595 = tpu.vector_load %arg5[%parallel_loop3A_593, %parallel_loop3A_594] {strides = array<i32>} : memref<32x512xf32, #tpu.memory_space<vmem>>, vector<16xf32>,
        %parallel_loop3A_596 = arith.constant 16 : i32
        %parallel_loop3A_597 = arith.muli %parallel_loop3A_157, %parallel_loop3A_596 : i32
        %parallel_loop3A_598 = arith.constant 24 : i32
        %parallel_loop3A_599 = arith.index_cast %parallel_loop3A_598 : i32 to index
        %parallel_loop3A_600 = arith.index_cast %parallel_loop3A_597 : i32 to index
        %parallel_loop3A_601 = tpu.vector_load %arg7[%parallel_loop3A_599, %parallel_loop3A_600] {strides = array<i32>} : memref<32x512xf32, #tpu.memory_space<vmem>>, vector<16xf32>,
        %parallel_loop3A_602 = arith.subf %parallel_loop3A_595, %parallel_loop3A_601 : vector<16xf32>
        %parallel_loop3A_603 = math.absf %parallel_loop3A_602 : vector<16xf32>
        %parallel_loop3A_604 = tpu.bitcast %parallel_loop3A_603 : vector<16xf32> -> vector<16xi32>
        %parallel_loop3A_605 = arith.constant 17 : i32
        %parallel_loop3A_606 = vector.broadcast %parallel_loop3A_605 : i32 to vector<16xi32>
        %parallel_loop3A_607 = arith.shrui %parallel_loop3A_604, %parallel_loop3A_606 : vector<16xi32>
        tpu.vector_store_idx %arg10[%parallel_loop3A_607], %broadcast_in_dim3A_61 {add = true} : memref<16384xi32, #tpu.memory_space<vmem>>[vector<16xi32>], vector<16xi32>,
        %parallel_loop3A_608 = arith.constant 16 : i32
        %parallel_loop3A_609 = arith.muli %parallel_loop3A_157, %parallel_loop3A_608 : i32
        %parallel_loop3A_610 = arith.constant 25 : i32
        %parallel_loop3A_611 = arith.index_cast %parallel_loop3A_610 : i32 to index
        %parallel_loop3A_612 = arith.index_cast %parallel_loop3A_609 : i32 to index
        %parallel_loop3A_613 = tpu.vector_load %arg5[%parallel_loop3A_611, %parallel_loop3A_612] {strides = array<i32>} : memref<32x512xf32, #tpu.memory_space<vmem>>, vector<16xf32>,
        %parallel_loop3A_614 = arith.constant 16 : i32
        %parallel_loop3A_615 = arith.muli %parallel_loop3A_157, %parallel_loop3A_614 : i32
        %parallel_loop3A_616 = arith.constant 25 : i32
        %parallel_loop3A_617 = arith.index_cast %parallel_loop3A_616 : i32 to index
        %parallel_loop3A_618 = arith.index_cast %parallel_loop3A_615 : i32 to index
        %parallel_loop3A_619 = tpu.vector_load %arg7[%parallel_loop3A_617, %parallel_loop3A_618] {strides = array<i32>} : memref<32x512xf32, #tpu.memory_space<vmem>>, vector<16xf32>,
        %parallel_loop3A_620 = arith.subf %parallel_loop3A_613, %parallel_loop3A_619 : vector<16xf32>
        %parallel_loop3A_621 = math.absf %parallel_loop3A_620 : vector<16xf32>
        %parallel_loop3A_622 = tpu.bitcast %parallel_loop3A_621 : vector<16xf32> -> vector<16xi32>
        %parallel_loop3A_623 = arith.constant 17 : i32
        %parallel_loop3A_624 = vector.broadcast %parallel_loop3A_623 : i32 to vector<16xi32>
        %parallel_loop3A_625 = arith.shrui %parallel_loop3A_622, %parallel_loop3A_624 : vector<16xi32>
        tpu.vector_store_idx %arg10[%parallel_loop3A_625], %broadcast_in_dim3A_61 {add = true} : memref<16384xi32, #tpu.memory_space<vmem>>[vector<16xi32>], vector<16xi32>,
        %parallel_loop3A_626 = arith.constant 16 : i32
        %parallel_loop3A_627 = arith.muli %parallel_loop3A_157, %parallel_loop3A_626 : i32
        %parallel_loop3A_628 = arith.constant 26 : i32
        %parallel_loop3A_629 = arith.index_cast %parallel_loop3A_628 : i32 to index
        %parallel_loop3A_630 = arith.index_cast %parallel_loop3A_627 : i32 to index
        %parallel_loop3A_631 = tpu.vector_load %arg5[%parallel_loop3A_629, %parallel_loop3A_630] {strides = array<i32>} : memref<32x512xf32, #tpu.memory_space<vmem>>, vector<16xf32>,
        %parallel_loop3A_632 = arith.constant 16 : i32
        %parallel_loop3A_633 = arith.muli %parallel_loop3A_157, %parallel_loop3A_632 : i32
        %parallel_loop3A_634 = arith.constant 26 : i32
        %parallel_loop3A_635 = arith.index_cast %parallel_loop3A_634 : i32 to index
        %parallel_loop3A_636 = arith.index_cast %parallel_loop3A_633 : i32 to index
        %parallel_loop3A_637 = tpu.vector_load %arg7[%parallel_loop3A_635, %parallel_loop3A_636] {strides = array<i32>} : memref<32x512xf32, #tpu.memory_space<vmem>>, vector<16xf32>,
        %parallel_loop3A_638 = arith.subf %parallel_loop3A_631, %parallel_loop3A_637 : vector<16xf32>
        %parallel_loop3A_639 = math.absf %parallel_loop3A_638 : vector<16xf32>
        %parallel_loop3A_640 = tpu.bitcast %parallel_loop3A_639 : vector<16xf32> -> vector<16xi32>
        %parallel_loop3A_641 = arith.constant 17 : i32
        %parallel_loop3A_642 = vector.broadcast %parallel_loop3A_641 : i32 to vector<16xi32>
        %parallel_loop3A_643 = arith.shrui %parallel_loop3A_640, %parallel_loop3A_642 : vector<16xi32>
        tpu.vector_store_idx %arg10[%parallel_loop3A_643], %broadcast_in_dim3A_61 {add = true} : memref<16384xi32, #tpu.memory_space<vmem>>[vector<16xi32>], vector<16xi32>,
        %parallel_loop3A_644 = arith.constant 16 : i32
        %parallel_loop3A_645 = arith.muli %parallel_loop3A_157, %parallel_loop3A_644 : i32
        %parallel_loop3A_646 = arith.constant 27 : i32
        %parallel_loop3A_647 = arith.index_cast %parallel_loop3A_646 : i32 to index
        %parallel_loop3A_648 = arith.index_cast %parallel_loop3A_645 : i32 to index
        %parallel_loop3A_649 = tpu.vector_load %arg5[%parallel_loop3A_647, %parallel_loop3A_648] {strides = array<i32>} : memref<32x512xf32, #tpu.memory_space<vmem>>, vector<16xf32>,
        %parallel_loop3A_650 = arith.constant 16 : i32
        %parallel_loop3A_651 = arith.muli %parallel_loop3A_157, %parallel_loop3A_650 : i32
        %parallel_loop3A_652 = arith.constant 27 : i32
        %parallel_loop3A_653 = arith.index_cast %parallel_loop3A_652 : i32 to index
        %parallel_loop3A_654 = arith.index_cast %parallel_loop3A_651 : i32 to index
        %parallel_loop3A_655 = tpu.vector_load %arg7[%parallel_loop3A_653, %parallel_loop3A_654] {strides = array<i32>} : memref<32x512xf32, #tpu.memory_space<vmem>>, vector<16xf32>,
        %parallel_loop3A_656 = arith.subf %parallel_loop3A_649, %parallel_loop3A_655 : vector<16xf32>
        %parallel_loop3A_657 = math.absf %parallel_loop3A_656 : vector<16xf32>
        %parallel_loop3A_658 = tpu.bitcast %parallel_loop3A_657 : vector<16xf32> -> vector<16xi32>
        %parallel_loop3A_659 = arith.constant 17 : i32
        %parallel_loop3A_660 = vector.broadcast %parallel_loop3A_659 : i32 to vector<16xi32>
        %parallel_loop3A_661 = arith.shrui %parallel_loop3A_658, %parallel_loop3A_660 : vector<16xi32>
        tpu.vector_store_idx %arg10[%parallel_loop3A_661], %broadcast_in_dim3A_61 {add = true} : memref<16384xi32, #tpu.memory_space<vmem>>[vector<16xi32>], vector<16xi32>,
        %parallel_loop3A_662 = arith.constant 16 : i32
        %parallel_loop3A_663 = arith.muli %parallel_loop3A_157, %parallel_loop3A_662 : i32
        %parallel_loop3A_664 = arith.constant 28 : i32
        %parallel_loop3A_665 = arith.index_cast %parallel_loop3A_664 : i32 to index
        %parallel_loop3A_666 = arith.index_cast %parallel_loop3A_663 : i32 to index
        %parallel_loop3A_667 = tpu.vector_load %arg5[%parallel_loop3A_665, %parallel_loop3A_666] {strides = array<i32>} : memref<32x512xf32, #tpu.memory_space<vmem>>, vector<16xf32>,
        %parallel_loop3A_668 = arith.constant 16 : i32
        %parallel_loop3A_669 = arith.muli %parallel_loop3A_157, %parallel_loop3A_668 : i32
        %parallel_loop3A_670 = arith.constant 28 : i32
        %parallel_loop3A_671 = arith.index_cast %parallel_loop3A_670 : i32 to index
        %parallel_loop3A_672 = arith.index_cast %parallel_loop3A_669 : i32 to index
        %parallel_loop3A_673 = tpu.vector_load %arg7[%parallel_loop3A_671, %parallel_loop3A_672] {strides = array<i32>} : memref<32x512xf32, #tpu.memory_space<vmem>>, vector<16xf32>,
        %parallel_loop3A_674 = arith.subf %parallel_loop3A_667, %parallel_loop3A_673 : vector<16xf32>
        %parallel_loop3A_675 = math.absf %parallel_loop3A_674 : vector<16xf32>
        %parallel_loop3A_676 = tpu.bitcast %parallel_loop3A_675 : vector<16xf32> -> vector<16xi32>
        %parallel_loop3A_677 = arith.constant 17 : i32
        %parallel_loop3A_678 = vector.broadcast %parallel_loop3A_677 : i32 to vector<16xi32>
        %parallel_loop3A_679 = arith.shrui %parallel_loop3A_676, %parallel_loop3A_678 : vector<16xi32>
        tpu.vector_store_idx %arg10[%parallel_loop3A_679], %broadcast_in_dim3A_61 {add = true} : memref<16384xi32, #tpu.memory_space<vmem>>[vector<16xi32>], vector<16xi32>,
        %parallel_loop3A_680 = arith.constant 16 : i32
        %parallel_loop3A_681 = arith.muli %parallel_loop3A_157, %parallel_loop3A_680 : i32
        %parallel_loop3A_682 = arith.constant 29 : i32
        %parallel_loop3A_683 = arith.index_cast %parallel_loop3A_682 : i32 to index
        %parallel_loop3A_684 = arith.index_cast %parallel_loop3A_681 : i32 to index
        %parallel_loop3A_685 = tpu.vector_load %arg5[%parallel_loop3A_683, %parallel_loop3A_684] {strides = array<i32>} : memref<32x512xf32, #tpu.memory_space<vmem>>, vector<16xf32>,
        %parallel_loop3A_686 = arith.constant 16 : i32
        %parallel_loop3A_687 = arith.muli %parallel_loop3A_157, %parallel_loop3A_686 : i32
        %parallel_loop3A_688 = arith.constant 29 : i32
        %parallel_loop3A_689 = arith.index_cast %parallel_loop3A_688 : i32 to index
        %parallel_loop3A_690 = arith.index_cast %parallel_loop3A_687 : i32 to index
        %parallel_loop3A_691 = tpu.vector_load %arg7[%parallel_loop3A_689, %parallel_loop3A_690] {strides = array<i32>} : memref<32x512xf32, #tpu.memory_space<vmem>>, vector<16xf32>,
        %parallel_loop3A_692 = arith.subf %parallel_loop3A_685, %parallel_loop3A_691 : vector<16xf32>
        %parallel_loop3A_693 = math.absf %parallel_loop3A_692 : vector<16xf32>
        %parallel_loop3A_694 = tpu.bitcast %parallel_loop3A_693 : vector<16xf32> -> vector<16xi32>
        %parallel_loop3A_695 = arith.constant 17 : i32
        %parallel_loop3A_696 = vector.broadcast %parallel_loop3A_695 : i32 to vector<16xi32>
        %parallel_loop3A_697 = arith.shrui %parallel_loop3A_694, %parallel_loop3A_696 : vector<16xi32>
        tpu.vector_store_idx %arg10[%parallel_loop3A_697], %broadcast_in_dim3A_61 {add = true} : memref<16384xi32, #tpu.memory_space<vmem>>[vector<16xi32>], vector<16xi32>,
        %parallel_loop3A_698 = arith.constant 16 : i32
        %parallel_loop3A_699 = arith.muli %parallel_loop3A_157, %parallel_loop3A_698 : i32
        %parallel_loop3A_700 = arith.constant 30 : i32
        %parallel_loop3A_701 = arith.index_cast %parallel_loop3A_700 : i32 to index
        %parallel_loop3A_702 = arith.index_cast %parallel_loop3A_699 : i32 to index
        %parallel_loop3A_703 = tpu.vector_load %arg5[%parallel_loop3A_701, %parallel_loop3A_702] {strides = array<i32>} : memref<32x512xf32, #tpu.memory_space<vmem>>, vector<16xf32>,
        %parallel_loop3A_704 = arith.constant 16 : i32
        %parallel_loop3A_705 = arith.muli %parallel_loop3A_157, %parallel_loop3A_704 : i32
        %parallel_loop3A_706 = arith.constant 30 : i32
        %parallel_loop3A_707 = arith.index_cast %parallel_loop3A_706 : i32 to index
        %parallel_loop3A_708 = arith.index_cast %parallel_loop3A_705 : i32 to index
        %parallel_loop3A_709 = tpu.vector_load %arg7[%parallel_loop3A_707, %parallel_loop3A_708] {strides = array<i32>} : memref<32x512xf32, #tpu.memory_space<vmem>>, vector<16xf32>,
        %parallel_loop3A_710 = arith.subf %parallel_loop3A_703, %parallel_loop3A_709 : vector<16xf32>
        %parallel_loop3A_711 = math.absf %parallel_loop3A_710 : vector<16xf32>
        %parallel_loop3A_712 = tpu.bitcast %parallel_loop3A_711 : vector<16xf32> -> vector<16xi32>
        %parallel_loop3A_713 = arith.constant 17 : i32
        %parallel_loop3A_714 = vector.broadcast %parallel_loop3A_713 : i32 to vector<16xi32>
        %parallel_loop3A_715 = arith.shrui %parallel_loop3A_712, %parallel_loop3A_714 : vector<16xi32>
        tpu.vector_store_idx %arg10[%parallel_loop3A_715], %broadcast_in_dim3A_61 {add = true} : memref<16384xi32, #tpu.memory_space<vmem>>[vector<16xi32>], vector<16xi32>,
        %parallel_loop3A_716 = arith.constant 16 : i32
        %parallel_loop3A_717 = arith.muli %parallel_loop3A_157, %parallel_loop3A_716 : i32
        %parallel_loop3A_718 = arith.constant 31 : i32
        %parallel_loop3A_719 = arith.index_cast %parallel_loop3A_718 : i32 to index
        %parallel_loop3A_720 = arith.index_cast %parallel_loop3A_717 : i32 to index
        %parallel_loop3A_721 = tpu.vector_load %arg5[%parallel_loop3A_719, %parallel_loop3A_720] {strides = array<i32>} : memref<32x512xf32, #tpu.memory_space<vmem>>, vector<16xf32>,
        %parallel_loop3A_722 = arith.constant 16 : i32
        %parallel_loop3A_723 = arith.muli %parallel_loop3A_157, %parallel_loop3A_722 : i32
        %parallel_loop3A_724 = arith.constant 31 : i32
        %parallel_loop3A_725 = arith.index_cast %parallel_loop3A_724 : i32 to index
        %parallel_loop3A_726 = arith.index_cast %parallel_loop3A_723 : i32 to index
        %parallel_loop3A_727 = tpu.vector_load %arg7[%parallel_loop3A_725, %parallel_loop3A_726] {strides = array<i32>} : memref<32x512xf32, #tpu.memory_space<vmem>>, vector<16xf32>,
        %parallel_loop3A_728 = arith.subf %parallel_loop3A_721, %parallel_loop3A_727 : vector<16xf32>
        %parallel_loop3A_729 = math.absf %parallel_loop3A_728 : vector<16xf32>
        %parallel_loop3A_730 = tpu.bitcast %parallel_loop3A_729 : vector<16xf32> -> vector<16xi32>
        %parallel_loop3A_731 = arith.constant 17 : i32
        %parallel_loop3A_732 = vector.broadcast %parallel_loop3A_731 : i32 to vector<16xi32>
        %parallel_loop3A_733 = arith.shrui %parallel_loop3A_730, %parallel_loop3A_732 : vector<16xi32>
        tpu.vector_store_idx %arg10[%parallel_loop3A_733], %broadcast_in_dim3A_61 {add = true} : memref<16384xi32, #tpu.memory_space<vmem>>[vector<16xi32>], vector<16xi32>,
      } {sc.loop_unroll_factor = 1 : i64, sc.parallel_access}
      %dma_wait3A_134 = arith.constant 0 : i32
      %dma_wait3A_135 = tpu.memref_slice %arg2[%add3A, %mul3A_56, %dma_wait3A_134] : memref<16x512x512xf32, #tpu.memory_space<hbm>> -> memref<1x32x512xf32, #tpu.memory_space<hbm>>
      %dma_wait3A_136 = tpu.memref_squeeze %dma_wait3A_135 : memref<1x32x512xf32, #tpu.memory_space<hbm>> -> memref<32x512xf32, #tpu.memory_space<hbm>>
      %dma_wait3A_137 = arith.constant 0 : i32
      %dma_wait3A_138 = tpu.memref_slice %arg2[%add3A, %mul3A_56, %dma_wait3A_137] : memref<16x512x512xf32, #tpu.memory_space<hbm>> -> memref<1x32x512xf32, #tpu.memory_space<hbm>>
      %dma_wait3A_139 = tpu.memref_squeeze %dma_wait3A_138 : memref<1x32x512xf32, #tpu.memory_space<hbm>> -> memref<32x512xf32, #tpu.memory_space<hbm>>
      tpu.wait_dma2 semaphore(%arg16 : memref<!tpu.dma_semaphore, #tpu.memory_space<semaphore_mem>>) src(%dma_wait3A_139 : memref<32x512xf32, #tpu.memory_space<hbm>>) dst(%arg6 : memref<32x512xf32, #tpu.memory_space<vmem>>)
      %dma_wait3A_140 = arith.constant 0 : i32
      %dma_wait3A_141 = tpu.memref_slice %arg3[%add3A, %mul3A_56, %dma_wait3A_140] : memref<16x512x512xf32, #tpu.memory_space<hbm>> -> memref<1x32x512xf32, #tpu.memory_space<hbm>>
      %dma_wait3A_142 = tpu.memref_squeeze %dma_wait3A_141 : memref<1x32x512xf32, #tpu.memory_space<hbm>> -> memref<32x512xf32, #tpu.memory_space<hbm>>
      %dma_wait3A_143 = arith.constant 0 : i32
      %dma_wait3A_144 = tpu.memref_slice %arg3[%add3A, %mul3A_56, %dma_wait3A_143] : memref<16x512x512xf32, #tpu.memory_space<hbm>> -> memref<1x32x512xf32, #tpu.memory_space<hbm>>
      %dma_wait3A_145 = tpu.memref_squeeze %dma_wait3A_144 : memref<1x32x512xf32, #tpu.memory_space<hbm>> -> memref<32x512xf32, #tpu.memory_space<hbm>>
      tpu.wait_dma2 semaphore(%arg18 : memref<!tpu.dma_semaphore, #tpu.memory_space<semaphore_mem>>) src(%dma_wait3A_145 : memref<32x512xf32, #tpu.memory_space<hbm>>) dst(%arg8 : memref<32x512xf32, #tpu.memory_space<vmem>>)
      %add3A_146 = arith.constant 3 : i32
      %add3A_147 = arith.addi %mul3A_112, %add3A_146 : i32
      %lt3A_148 = arith.constant 8 : i32
      %lt3A_149 = arith.cmpi slt, %add3A_147, %lt3A_148 : i32
      %convert_element_type3A_150 = arith.extui %lt3A_149 : i1 to i32
      %cond3A_151 = arith.constant 0 : i32
      %cond3A_152 = arith.cmpi ne, %convert_element_type3A_150, %cond3A_151 : i32
      scf.if %cond3A_152 {
        %add3A_157 = arith.constant 3 : i32
        %add3A_158 = arith.addi %mul3A_112, %add3A_157 : i32
        %mul3A_159 = arith.constant 32 : i32
        %mul3A_160 = arith.muli %add3A_158, %mul3A_159 : i32
        %add3A_161 = arith.addi %mul3A_56, %mul3A_160 : i32
        %dma_start3A_162 = arith.constant 0 : i32
        %dma_start3A_163 = tpu.memref_slice %arg2[%add3A, %add3A_161, %dma_start3A_162] : memref<16x512x512xf32, #tpu.memory_space<hbm>> -> memref<1x32x512xf32, #tpu.memory_space<hbm>>
        %dma_start3A_164 = tpu.memref_squeeze %dma_start3A_163 : memref<1x32x512xf32, #tpu.memory_space<hbm>> -> memref<32x512xf32, #tpu.memory_space<hbm>>
        %dma_start3A_165 = arith.constant 0 : i32
        %dma_start3A_166 = tpu.memref_slice %arg2[%add3A, %add3A_161, %dma_start3A_165] : memref<16x512x512xf32, #tpu.memory_space<hbm>> -> memref<1x32x512xf32, #tpu.memory_space<hbm>>
        %dma_start3A_167 = tpu.memref_squeeze %dma_start3A_166 : memref<1x32x512xf32, #tpu.memory_space<hbm>> -> memref<32x512xf32, #tpu.memory_space<hbm>>
        tpu.enqueue_dma source(%dma_start3A_167 : memref<32x512xf32, #tpu.memory_space<hbm>>) target(%arg6 : memref<32x512xf32, #tpu.memory_space<vmem>>) target_semaphore(%arg16 : memref<!tpu.dma_semaphore, #tpu.memory_space<semaphore_mem>>)
        %mul3A_168 = arith.constant 32 : i32
        %mul3A_169 = arith.muli %add3A_158, %mul3A_168 : i32
        %add3A_170 = arith.addi %mul3A_56, %mul3A_169 : i32
        %dma_start3A_171 = arith.constant 0 : i32
        %dma_start3A_172 = tpu.memref_slice %arg3[%add3A, %add3A_170, %dma_start3A_171] : memref<16x512x512xf32, #tpu.memory_space<hbm>> -> memref<1x32x512xf32, #tpu.memory_space<hbm>>
        %dma_start3A_173 = tpu.memref_squeeze %dma_start3A_172 : memref<1x32x512xf32, #tpu.memory_space<hbm>> -> memref<32x512xf32, #tpu.memory_space<hbm>>
        %dma_start3A_174 = arith.constant 0 : i32
        %dma_start3A_175 = tpu.memref_slice %arg3[%add3A, %add3A_170, %dma_start3A_174] : memref<16x512x512xf32, #tpu.memory_space<hbm>> -> memref<1x32x512xf32, #tpu.memory_space<hbm>>
        %dma_start3A_176 = tpu.memref_squeeze %dma_start3A_175 : memref<1x32x512xf32, #tpu.memory_space<hbm>> -> memref<32x512xf32, #tpu.memory_space<hbm>>
        tpu.enqueue_dma source(%dma_start3A_176 : memref<32x512xf32, #tpu.memory_space<hbm>>) target(%arg8 : memref<32x512xf32, #tpu.memory_space<vmem>>) target_semaphore(%arg18 : memref<!tpu.dma_semaphore, #tpu.memory_space<semaphore_mem>>)
      } else {
      }
      %parallel_loop3A_153 = arith.constant 0 : i32
      %parallel_loop3A_154 = arith.constant 32 : i32
      %parallel_loop3A_155 = arith.constant 1 : i32
      scf.for %parallel_loop3A_157 = %parallel_loop3A_153 to %parallel_loop3A_154 step %parallel_loop3A_155  : i32 {
        %parallel_loop3A_158 = arith.constant 16 : i32
        %parallel_loop3A_159 = arith.muli %parallel_loop3A_157, %parallel_loop3A_158 : i32
        %parallel_loop3A_160 = arith.constant 0 : i32
        %parallel_loop3A_161 = arith.index_cast %parallel_loop3A_160 : i32 to index
        %parallel_loop3A_162 = arith.index_cast %parallel_loop3A_159 : i32 to index
        %parallel_loop3A_163 = tpu.vector_load %arg6[%parallel_loop3A_161, %parallel_loop3A_162] {strides = array<i32>} : memref<32x512xf32, #tpu.memory_space<vmem>>, vector<16xf32>,
        %parallel_loop3A_164 = arith.constant 16 : i32
        %parallel_loop3A_165 = arith.muli %parallel_loop3A_157, %parallel_loop3A_164 : i32
        %parallel_loop3A_166 = arith.constant 0 : i32
        %parallel_loop3A_167 = arith.index_cast %parallel_loop3A_166 : i32 to index
        %parallel_loop3A_168 = arith.index_cast %parallel_loop3A_165 : i32 to index
        %parallel_loop3A_169 = tpu.vector_load %arg8[%parallel_loop3A_167, %parallel_loop3A_168] {strides = array<i32>} : memref<32x512xf32, #tpu.memory_space<vmem>>, vector<16xf32>,
        %parallel_loop3A_170 = arith.subf %parallel_loop3A_163, %parallel_loop3A_169 : vector<16xf32>
        %parallel_loop3A_171 = math.absf %parallel_loop3A_170 : vector<16xf32>
        %parallel_loop3A_172 = tpu.bitcast %parallel_loop3A_171 : vector<16xf32> -> vector<16xi32>
        %parallel_loop3A_173 = arith.constant 17 : i32
        %parallel_loop3A_174 = vector.broadcast %parallel_loop3A_173 : i32 to vector<16xi32>
        %parallel_loop3A_175 = arith.shrui %parallel_loop3A_172, %parallel_loop3A_174 : vector<16xi32>
        tpu.vector_store_idx %arg10[%parallel_loop3A_175], %broadcast_in_dim3A_61 {add = true} : memref<16384xi32, #tpu.memory_space<vmem>>[vector<16xi32>], vector<16xi32>,
        %parallel_loop3A_176 = arith.constant 16 : i32
        %parallel_loop3A_177 = arith.muli %parallel_loop3A_157, %parallel_loop3A_176 : i32
        %parallel_loop3A_178 = arith.constant 1 : i32
        %parallel_loop3A_179 = arith.index_cast %parallel_loop3A_178 : i32 to index
        %parallel_loop3A_180 = arith.index_cast %parallel_loop3A_177 : i32 to index
        %parallel_loop3A_181 = tpu.vector_load %arg6[%parallel_loop3A_179, %parallel_loop3A_180] {strides = array<i32>} : memref<32x512xf32, #tpu.memory_space<vmem>>, vector<16xf32>,
        %parallel_loop3A_182 = arith.constant 16 : i32
        %parallel_loop3A_183 = arith.muli %parallel_loop3A_157, %parallel_loop3A_182 : i32
        %parallel_loop3A_184 = arith.constant 1 : i32
        %parallel_loop3A_185 = arith.index_cast %parallel_loop3A_184 : i32 to index
        %parallel_loop3A_186 = arith.index_cast %parallel_loop3A_183 : i32 to index
        %parallel_loop3A_187 = tpu.vector_load %arg8[%parallel_loop3A_185, %parallel_loop3A_186] {strides = array<i32>} : memref<32x512xf32, #tpu.memory_space<vmem>>, vector<16xf32>,
        %parallel_loop3A_188 = arith.subf %parallel_loop3A_181, %parallel_loop3A_187 : vector<16xf32>
        %parallel_loop3A_189 = math.absf %parallel_loop3A_188 : vector<16xf32>
        %parallel_loop3A_190 = tpu.bitcast %parallel_loop3A_189 : vector<16xf32> -> vector<16xi32>
        %parallel_loop3A_191 = arith.constant 17 : i32
        %parallel_loop3A_192 = vector.broadcast %parallel_loop3A_191 : i32 to vector<16xi32>
        %parallel_loop3A_193 = arith.shrui %parallel_loop3A_190, %parallel_loop3A_192 : vector<16xi32>
        tpu.vector_store_idx %arg10[%parallel_loop3A_193], %broadcast_in_dim3A_61 {add = true} : memref<16384xi32, #tpu.memory_space<vmem>>[vector<16xi32>], vector<16xi32>,
        %parallel_loop3A_194 = arith.constant 16 : i32
        %parallel_loop3A_195 = arith.muli %parallel_loop3A_157, %parallel_loop3A_194 : i32
        %parallel_loop3A_196 = arith.constant 2 : i32
        %parallel_loop3A_197 = arith.index_cast %parallel_loop3A_196 : i32 to index
        %parallel_loop3A_198 = arith.index_cast %parallel_loop3A_195 : i32 to index
        %parallel_loop3A_199 = tpu.vector_load %arg6[%parallel_loop3A_197, %parallel_loop3A_198] {strides = array<i32>} : memref<32x512xf32, #tpu.memory_space<vmem>>, vector<16xf32>,
        %parallel_loop3A_200 = arith.constant 16 : i32
        %parallel_loop3A_201 = arith.muli %parallel_loop3A_157, %parallel_loop3A_200 : i32
        %parallel_loop3A_202 = arith.constant 2 : i32
        %parallel_loop3A_203 = arith.index_cast %parallel_loop3A_202 : i32 to index
        %parallel_loop3A_204 = arith.index_cast %parallel_loop3A_201 : i32 to index
        %parallel_loop3A_205 = tpu.vector_load %arg8[%parallel_loop3A_203, %parallel_loop3A_204] {strides = array<i32>} : memref<32x512xf32, #tpu.memory_space<vmem>>, vector<16xf32>,
        %parallel_loop3A_206 = arith.subf %parallel_loop3A_199, %parallel_loop3A_205 : vector<16xf32>
        %parallel_loop3A_207 = math.absf %parallel_loop3A_206 : vector<16xf32>
        %parallel_loop3A_208 = tpu.bitcast %parallel_loop3A_207 : vector<16xf32> -> vector<16xi32>
        %parallel_loop3A_209 = arith.constant 17 : i32
        %parallel_loop3A_210 = vector.broadcast %parallel_loop3A_209 : i32 to vector<16xi32>
        %parallel_loop3A_211 = arith.shrui %parallel_loop3A_208, %parallel_loop3A_210 : vector<16xi32>
        tpu.vector_store_idx %arg10[%parallel_loop3A_211], %broadcast_in_dim3A_61 {add = true} : memref<16384xi32, #tpu.memory_space<vmem>>[vector<16xi32>], vector<16xi32>,
        %parallel_loop3A_212 = arith.constant 16 : i32
        %parallel_loop3A_213 = arith.muli %parallel_loop3A_157, %parallel_loop3A_212 : i32
        %parallel_loop3A_214 = arith.constant 3 : i32
        %parallel_loop3A_215 = arith.index_cast %parallel_loop3A_214 : i32 to index
        %parallel_loop3A_216 = arith.index_cast %parallel_loop3A_213 : i32 to index
        %parallel_loop3A_217 = tpu.vector_load %arg6[%parallel_loop3A_215, %parallel_loop3A_216] {strides = array<i32>} : memref<32x512xf32, #tpu.memory_space<vmem>>, vector<16xf32>,
        %parallel_loop3A_218 = arith.constant 16 : i32
        %parallel_loop3A_219 = arith.muli %parallel_loop3A_157, %parallel_loop3A_218 : i32
        %parallel_loop3A_220 = arith.constant 3 : i32
        %parallel_loop3A_221 = arith.index_cast %parallel_loop3A_220 : i32 to index
        %parallel_loop3A_222 = arith.index_cast %parallel_loop3A_219 : i32 to index
        %parallel_loop3A_223 = tpu.vector_load %arg8[%parallel_loop3A_221, %parallel_loop3A_222] {strides = array<i32>} : memref<32x512xf32, #tpu.memory_space<vmem>>, vector<16xf32>,
        %parallel_loop3A_224 = arith.subf %parallel_loop3A_217, %parallel_loop3A_223 : vector<16xf32>
        %parallel_loop3A_225 = math.absf %parallel_loop3A_224 : vector<16xf32>
        %parallel_loop3A_226 = tpu.bitcast %parallel_loop3A_225 : vector<16xf32> -> vector<16xi32>
        %parallel_loop3A_227 = arith.constant 17 : i32
        %parallel_loop3A_228 = vector.broadcast %parallel_loop3A_227 : i32 to vector<16xi32>
        %parallel_loop3A_229 = arith.shrui %parallel_loop3A_226, %parallel_loop3A_228 : vector<16xi32>
        tpu.vector_store_idx %arg10[%parallel_loop3A_229], %broadcast_in_dim3A_61 {add = true} : memref<16384xi32, #tpu.memory_space<vmem>>[vector<16xi32>], vector<16xi32>,
        %parallel_loop3A_230 = arith.constant 16 : i32
        %parallel_loop3A_231 = arith.muli %parallel_loop3A_157, %parallel_loop3A_230 : i32
        %parallel_loop3A_232 = arith.constant 4 : i32
        %parallel_loop3A_233 = arith.index_cast %parallel_loop3A_232 : i32 to index
        %parallel_loop3A_234 = arith.index_cast %parallel_loop3A_231 : i32 to index
        %parallel_loop3A_235 = tpu.vector_load %arg6[%parallel_loop3A_233, %parallel_loop3A_234] {strides = array<i32>} : memref<32x512xf32, #tpu.memory_space<vmem>>, vector<16xf32>,
        %parallel_loop3A_236 = arith.constant 16 : i32
        %parallel_loop3A_237 = arith.muli %parallel_loop3A_157, %parallel_loop3A_236 : i32
        %parallel_loop3A_238 = arith.constant 4 : i32
        %parallel_loop3A_239 = arith.index_cast %parallel_loop3A_238 : i32 to index
        %parallel_loop3A_240 = arith.index_cast %parallel_loop3A_237 : i32 to index
        %parallel_loop3A_241 = tpu.vector_load %arg8[%parallel_loop3A_239, %parallel_loop3A_240] {strides = array<i32>} : memref<32x512xf32, #tpu.memory_space<vmem>>, vector<16xf32>,
        %parallel_loop3A_242 = arith.subf %parallel_loop3A_235, %parallel_loop3A_241 : vector<16xf32>
        %parallel_loop3A_243 = math.absf %parallel_loop3A_242 : vector<16xf32>
        %parallel_loop3A_244 = tpu.bitcast %parallel_loop3A_243 : vector<16xf32> -> vector<16xi32>
        %parallel_loop3A_245 = arith.constant 17 : i32
        %parallel_loop3A_246 = vector.broadcast %parallel_loop3A_245 : i32 to vector<16xi32>
        %parallel_loop3A_247 = arith.shrui %parallel_loop3A_244, %parallel_loop3A_246 : vector<16xi32>
        tpu.vector_store_idx %arg10[%parallel_loop3A_247], %broadcast_in_dim3A_61 {add = true} : memref<16384xi32, #tpu.memory_space<vmem>>[vector<16xi32>], vector<16xi32>,
        %parallel_loop3A_248 = arith.constant 16 : i32
        %parallel_loop3A_249 = arith.muli %parallel_loop3A_157, %parallel_loop3A_248 : i32
        %parallel_loop3A_250 = arith.constant 5 : i32
        %parallel_loop3A_251 = arith.index_cast %parallel_loop3A_250 : i32 to index
        %parallel_loop3A_252 = arith.index_cast %parallel_loop3A_249 : i32 to index
        %parallel_loop3A_253 = tpu.vector_load %arg6[%parallel_loop3A_251, %parallel_loop3A_252] {strides = array<i32>} : memref<32x512xf32, #tpu.memory_space<vmem>>, vector<16xf32>,
        %parallel_loop3A_254 = arith.constant 16 : i32
        %parallel_loop3A_255 = arith.muli %parallel_loop3A_157, %parallel_loop3A_254 : i32
        %parallel_loop3A_256 = arith.constant 5 : i32
        %parallel_loop3A_257 = arith.index_cast %parallel_loop3A_256 : i32 to index
        %parallel_loop3A_258 = arith.index_cast %parallel_loop3A_255 : i32 to index
        %parallel_loop3A_259 = tpu.vector_load %arg8[%parallel_loop3A_257, %parallel_loop3A_258] {strides = array<i32>} : memref<32x512xf32, #tpu.memory_space<vmem>>, vector<16xf32>,
        %parallel_loop3A_260 = arith.subf %parallel_loop3A_253, %parallel_loop3A_259 : vector<16xf32>
        %parallel_loop3A_261 = math.absf %parallel_loop3A_260 : vector<16xf32>
        %parallel_loop3A_262 = tpu.bitcast %parallel_loop3A_261 : vector<16xf32> -> vector<16xi32>
        %parallel_loop3A_263 = arith.constant 17 : i32
        %parallel_loop3A_264 = vector.broadcast %parallel_loop3A_263 : i32 to vector<16xi32>
        %parallel_loop3A_265 = arith.shrui %parallel_loop3A_262, %parallel_loop3A_264 : vector<16xi32>
        tpu.vector_store_idx %arg10[%parallel_loop3A_265], %broadcast_in_dim3A_61 {add = true} : memref<16384xi32, #tpu.memory_space<vmem>>[vector<16xi32>], vector<16xi32>,
        %parallel_loop3A_266 = arith.constant 16 : i32
        %parallel_loop3A_267 = arith.muli %parallel_loop3A_157, %parallel_loop3A_266 : i32
        %parallel_loop3A_268 = arith.constant 6 : i32
        %parallel_loop3A_269 = arith.index_cast %parallel_loop3A_268 : i32 to index
        %parallel_loop3A_270 = arith.index_cast %parallel_loop3A_267 : i32 to index
        %parallel_loop3A_271 = tpu.vector_load %arg6[%parallel_loop3A_269, %parallel_loop3A_270] {strides = array<i32>} : memref<32x512xf32, #tpu.memory_space<vmem>>, vector<16xf32>,
        %parallel_loop3A_272 = arith.constant 16 : i32
        %parallel_loop3A_273 = arith.muli %parallel_loop3A_157, %parallel_loop3A_272 : i32
        %parallel_loop3A_274 = arith.constant 6 : i32
        %parallel_loop3A_275 = arith.index_cast %parallel_loop3A_274 : i32 to index
        %parallel_loop3A_276 = arith.index_cast %parallel_loop3A_273 : i32 to index
        %parallel_loop3A_277 = tpu.vector_load %arg8[%parallel_loop3A_275, %parallel_loop3A_276] {strides = array<i32>} : memref<32x512xf32, #tpu.memory_space<vmem>>, vector<16xf32>,
        %parallel_loop3A_278 = arith.subf %parallel_loop3A_271, %parallel_loop3A_277 : vector<16xf32>
        %parallel_loop3A_279 = math.absf %parallel_loop3A_278 : vector<16xf32>
        %parallel_loop3A_280 = tpu.bitcast %parallel_loop3A_279 : vector<16xf32> -> vector<16xi32>
        %parallel_loop3A_281 = arith.constant 17 : i32
        %parallel_loop3A_282 = vector.broadcast %parallel_loop3A_281 : i32 to vector<16xi32>
        %parallel_loop3A_283 = arith.shrui %parallel_loop3A_280, %parallel_loop3A_282 : vector<16xi32>
        tpu.vector_store_idx %arg10[%parallel_loop3A_283], %broadcast_in_dim3A_61 {add = true} : memref<16384xi32, #tpu.memory_space<vmem>>[vector<16xi32>], vector<16xi32>,
        %parallel_loop3A_284 = arith.constant 16 : i32
        %parallel_loop3A_285 = arith.muli %parallel_loop3A_157, %parallel_loop3A_284 : i32
        %parallel_loop3A_286 = arith.constant 7 : i32
        %parallel_loop3A_287 = arith.index_cast %parallel_loop3A_286 : i32 to index
        %parallel_loop3A_288 = arith.index_cast %parallel_loop3A_285 : i32 to index
        %parallel_loop3A_289 = tpu.vector_load %arg6[%parallel_loop3A_287, %parallel_loop3A_288] {strides = array<i32>} : memref<32x512xf32, #tpu.memory_space<vmem>>, vector<16xf32>,
        %parallel_loop3A_290 = arith.constant 16 : i32
        %parallel_loop3A_291 = arith.muli %parallel_loop3A_157, %parallel_loop3A_290 : i32
        %parallel_loop3A_292 = arith.constant 7 : i32
        %parallel_loop3A_293 = arith.index_cast %parallel_loop3A_292 : i32 to index
        %parallel_loop3A_294 = arith.index_cast %parallel_loop3A_291 : i32 to index
        %parallel_loop3A_295 = tpu.vector_load %arg8[%parallel_loop3A_293, %parallel_loop3A_294] {strides = array<i32>} : memref<32x512xf32, #tpu.memory_space<vmem>>, vector<16xf32>,
        %parallel_loop3A_296 = arith.subf %parallel_loop3A_289, %parallel_loop3A_295 : vector<16xf32>
        %parallel_loop3A_297 = math.absf %parallel_loop3A_296 : vector<16xf32>
        %parallel_loop3A_298 = tpu.bitcast %parallel_loop3A_297 : vector<16xf32> -> vector<16xi32>
        %parallel_loop3A_299 = arith.constant 17 : i32
        %parallel_loop3A_300 = vector.broadcast %parallel_loop3A_299 : i32 to vector<16xi32>
        %parallel_loop3A_301 = arith.shrui %parallel_loop3A_298, %parallel_loop3A_300 : vector<16xi32>
        tpu.vector_store_idx %arg10[%parallel_loop3A_301], %broadcast_in_dim3A_61 {add = true} : memref<16384xi32, #tpu.memory_space<vmem>>[vector<16xi32>], vector<16xi32>,
        %parallel_loop3A_302 = arith.constant 16 : i32
        %parallel_loop3A_303 = arith.muli %parallel_loop3A_157, %parallel_loop3A_302 : i32
        %parallel_loop3A_304 = arith.constant 8 : i32
        %parallel_loop3A_305 = arith.index_cast %parallel_loop3A_304 : i32 to index
        %parallel_loop3A_306 = arith.index_cast %parallel_loop3A_303 : i32 to index
        %parallel_loop3A_307 = tpu.vector_load %arg6[%parallel_loop3A_305, %parallel_loop3A_306] {strides = array<i32>} : memref<32x512xf32, #tpu.memory_space<vmem>>, vector<16xf32>,
        %parallel_loop3A_308 = arith.constant 16 : i32
        %parallel_loop3A_309 = arith.muli %parallel_loop3A_157, %parallel_loop3A_308 : i32
        %parallel_loop3A_310 = arith.constant 8 : i32
        %parallel_loop3A_311 = arith.index_cast %parallel_loop3A_310 : i32 to index
        %parallel_loop3A_312 = arith.index_cast %parallel_loop3A_309 : i32 to index
        %parallel_loop3A_313 = tpu.vector_load %arg8[%parallel_loop3A_311, %parallel_loop3A_312] {strides = array<i32>} : memref<32x512xf32, #tpu.memory_space<vmem>>, vector<16xf32>,
        %parallel_loop3A_314 = arith.subf %parallel_loop3A_307, %parallel_loop3A_313 : vector<16xf32>
        %parallel_loop3A_315 = math.absf %parallel_loop3A_314 : vector<16xf32>
        %parallel_loop3A_316 = tpu.bitcast %parallel_loop3A_315 : vector<16xf32> -> vector<16xi32>
        %parallel_loop3A_317 = arith.constant 17 : i32
        %parallel_loop3A_318 = vector.broadcast %parallel_loop3A_317 : i32 to vector<16xi32>
        %parallel_loop3A_319 = arith.shrui %parallel_loop3A_316, %parallel_loop3A_318 : vector<16xi32>
        tpu.vector_store_idx %arg10[%parallel_loop3A_319], %broadcast_in_dim3A_61 {add = true} : memref<16384xi32, #tpu.memory_space<vmem>>[vector<16xi32>], vector<16xi32>,
        %parallel_loop3A_320 = arith.constant 16 : i32
        %parallel_loop3A_321 = arith.muli %parallel_loop3A_157, %parallel_loop3A_320 : i32
        %parallel_loop3A_322 = arith.constant 9 : i32
        %parallel_loop3A_323 = arith.index_cast %parallel_loop3A_322 : i32 to index
        %parallel_loop3A_324 = arith.index_cast %parallel_loop3A_321 : i32 to index
        %parallel_loop3A_325 = tpu.vector_load %arg6[%parallel_loop3A_323, %parallel_loop3A_324] {strides = array<i32>} : memref<32x512xf32, #tpu.memory_space<vmem>>, vector<16xf32>,
        %parallel_loop3A_326 = arith.constant 16 : i32
        %parallel_loop3A_327 = arith.muli %parallel_loop3A_157, %parallel_loop3A_326 : i32
        %parallel_loop3A_328 = arith.constant 9 : i32
        %parallel_loop3A_329 = arith.index_cast %parallel_loop3A_328 : i32 to index
        %parallel_loop3A_330 = arith.index_cast %parallel_loop3A_327 : i32 to index
        %parallel_loop3A_331 = tpu.vector_load %arg8[%parallel_loop3A_329, %parallel_loop3A_330] {strides = array<i32>} : memref<32x512xf32, #tpu.memory_space<vmem>>, vector<16xf32>,
        %parallel_loop3A_332 = arith.subf %parallel_loop3A_325, %parallel_loop3A_331 : vector<16xf32>
        %parallel_loop3A_333 = math.absf %parallel_loop3A_332 : vector<16xf32>
        %parallel_loop3A_334 = tpu.bitcast %parallel_loop3A_333 : vector<16xf32> -> vector<16xi32>
        %parallel_loop3A_335 = arith.constant 17 : i32
        %parallel_loop3A_336 = vector.broadcast %parallel_loop3A_335 : i32 to vector<16xi32>
        %parallel_loop3A_337 = arith.shrui %parallel_loop3A_334, %parallel_loop3A_336 : vector<16xi32>
        tpu.vector_store_idx %arg10[%parallel_loop3A_337], %broadcast_in_dim3A_61 {add = true} : memref<16384xi32, #tpu.memory_space<vmem>>[vector<16xi32>], vector<16xi32>,
        %parallel_loop3A_338 = arith.constant 16 : i32
        %parallel_loop3A_339 = arith.muli %parallel_loop3A_157, %parallel_loop3A_338 : i32
        %parallel_loop3A_340 = arith.constant 10 : i32
        %parallel_loop3A_341 = arith.index_cast %parallel_loop3A_340 : i32 to index
        %parallel_loop3A_342 = arith.index_cast %parallel_loop3A_339 : i32 to index
        %parallel_loop3A_343 = tpu.vector_load %arg6[%parallel_loop3A_341, %parallel_loop3A_342] {strides = array<i32>} : memref<32x512xf32, #tpu.memory_space<vmem>>, vector<16xf32>,
        %parallel_loop3A_344 = arith.constant 16 : i32
        %parallel_loop3A_345 = arith.muli %parallel_loop3A_157, %parallel_loop3A_344 : i32
        %parallel_loop3A_346 = arith.constant 10 : i32
        %parallel_loop3A_347 = arith.index_cast %parallel_loop3A_346 : i32 to index
        %parallel_loop3A_348 = arith.index_cast %parallel_loop3A_345 : i32 to index
        %parallel_loop3A_349 = tpu.vector_load %arg8[%parallel_loop3A_347, %parallel_loop3A_348] {strides = array<i32>} : memref<32x512xf32, #tpu.memory_space<vmem>>, vector<16xf32>,
        %parallel_loop3A_350 = arith.subf %parallel_loop3A_343, %parallel_loop3A_349 : vector<16xf32>
        %parallel_loop3A_351 = math.absf %parallel_loop3A_350 : vector<16xf32>
        %parallel_loop3A_352 = tpu.bitcast %parallel_loop3A_351 : vector<16xf32> -> vector<16xi32>
        %parallel_loop3A_353 = arith.constant 17 : i32
        %parallel_loop3A_354 = vector.broadcast %parallel_loop3A_353 : i32 to vector<16xi32>
        %parallel_loop3A_355 = arith.shrui %parallel_loop3A_352, %parallel_loop3A_354 : vector<16xi32>
        tpu.vector_store_idx %arg10[%parallel_loop3A_355], %broadcast_in_dim3A_61 {add = true} : memref<16384xi32, #tpu.memory_space<vmem>>[vector<16xi32>], vector<16xi32>,
        %parallel_loop3A_356 = arith.constant 16 : i32
        %parallel_loop3A_357 = arith.muli %parallel_loop3A_157, %parallel_loop3A_356 : i32
        %parallel_loop3A_358 = arith.constant 11 : i32
        %parallel_loop3A_359 = arith.index_cast %parallel_loop3A_358 : i32 to index
        %parallel_loop3A_360 = arith.index_cast %parallel_loop3A_357 : i32 to index
        %parallel_loop3A_361 = tpu.vector_load %arg6[%parallel_loop3A_359, %parallel_loop3A_360] {strides = array<i32>} : memref<32x512xf32, #tpu.memory_space<vmem>>, vector<16xf32>,
        %parallel_loop3A_362 = arith.constant 16 : i32
        %parallel_loop3A_363 = arith.muli %parallel_loop3A_157, %parallel_loop3A_362 : i32
        %parallel_loop3A_364 = arith.constant 11 : i32
        %parallel_loop3A_365 = arith.index_cast %parallel_loop3A_364 : i32 to index
        %parallel_loop3A_366 = arith.index_cast %parallel_loop3A_363 : i32 to index
        %parallel_loop3A_367 = tpu.vector_load %arg8[%parallel_loop3A_365, %parallel_loop3A_366] {strides = array<i32>} : memref<32x512xf32, #tpu.memory_space<vmem>>, vector<16xf32>,
        %parallel_loop3A_368 = arith.subf %parallel_loop3A_361, %parallel_loop3A_367 : vector<16xf32>
        %parallel_loop3A_369 = math.absf %parallel_loop3A_368 : vector<16xf32>
        %parallel_loop3A_370 = tpu.bitcast %parallel_loop3A_369 : vector<16xf32> -> vector<16xi32>
        %parallel_loop3A_371 = arith.constant 17 : i32
        %parallel_loop3A_372 = vector.broadcast %parallel_loop3A_371 : i32 to vector<16xi32>
        %parallel_loop3A_373 = arith.shrui %parallel_loop3A_370, %parallel_loop3A_372 : vector<16xi32>
        tpu.vector_store_idx %arg10[%parallel_loop3A_373], %broadcast_in_dim3A_61 {add = true} : memref<16384xi32, #tpu.memory_space<vmem>>[vector<16xi32>], vector<16xi32>,
        %parallel_loop3A_374 = arith.constant 16 : i32
        %parallel_loop3A_375 = arith.muli %parallel_loop3A_157, %parallel_loop3A_374 : i32
        %parallel_loop3A_376 = arith.constant 12 : i32
        %parallel_loop3A_377 = arith.index_cast %parallel_loop3A_376 : i32 to index
        %parallel_loop3A_378 = arith.index_cast %parallel_loop3A_375 : i32 to index
        %parallel_loop3A_379 = tpu.vector_load %arg6[%parallel_loop3A_377, %parallel_loop3A_378] {strides = array<i32>} : memref<32x512xf32, #tpu.memory_space<vmem>>, vector<16xf32>,
        %parallel_loop3A_380 = arith.constant 16 : i32
        %parallel_loop3A_381 = arith.muli %parallel_loop3A_157, %parallel_loop3A_380 : i32
        %parallel_loop3A_382 = arith.constant 12 : i32
        %parallel_loop3A_383 = arith.index_cast %parallel_loop3A_382 : i32 to index
        %parallel_loop3A_384 = arith.index_cast %parallel_loop3A_381 : i32 to index
        %parallel_loop3A_385 = tpu.vector_load %arg8[%parallel_loop3A_383, %parallel_loop3A_384] {strides = array<i32>} : memref<32x512xf32, #tpu.memory_space<vmem>>, vector<16xf32>,
        %parallel_loop3A_386 = arith.subf %parallel_loop3A_379, %parallel_loop3A_385 : vector<16xf32>
        %parallel_loop3A_387 = math.absf %parallel_loop3A_386 : vector<16xf32>
        %parallel_loop3A_388 = tpu.bitcast %parallel_loop3A_387 : vector<16xf32> -> vector<16xi32>
        %parallel_loop3A_389 = arith.constant 17 : i32
        %parallel_loop3A_390 = vector.broadcast %parallel_loop3A_389 : i32 to vector<16xi32>
        %parallel_loop3A_391 = arith.shrui %parallel_loop3A_388, %parallel_loop3A_390 : vector<16xi32>
        tpu.vector_store_idx %arg10[%parallel_loop3A_391], %broadcast_in_dim3A_61 {add = true} : memref<16384xi32, #tpu.memory_space<vmem>>[vector<16xi32>], vector<16xi32>,
        %parallel_loop3A_392 = arith.constant 16 : i32
        %parallel_loop3A_393 = arith.muli %parallel_loop3A_157, %parallel_loop3A_392 : i32
        %parallel_loop3A_394 = arith.constant 13 : i32
        %parallel_loop3A_395 = arith.index_cast %parallel_loop3A_394 : i32 to index
        %parallel_loop3A_396 = arith.index_cast %parallel_loop3A_393 : i32 to index
        %parallel_loop3A_397 = tpu.vector_load %arg6[%parallel_loop3A_395, %parallel_loop3A_396] {strides = array<i32>} : memref<32x512xf32, #tpu.memory_space<vmem>>, vector<16xf32>,
        %parallel_loop3A_398 = arith.constant 16 : i32
        %parallel_loop3A_399 = arith.muli %parallel_loop3A_157, %parallel_loop3A_398 : i32
        %parallel_loop3A_400 = arith.constant 13 : i32
        %parallel_loop3A_401 = arith.index_cast %parallel_loop3A_400 : i32 to index
        %parallel_loop3A_402 = arith.index_cast %parallel_loop3A_399 : i32 to index
        %parallel_loop3A_403 = tpu.vector_load %arg8[%parallel_loop3A_401, %parallel_loop3A_402] {strides = array<i32>} : memref<32x512xf32, #tpu.memory_space<vmem>>, vector<16xf32>,
        %parallel_loop3A_404 = arith.subf %parallel_loop3A_397, %parallel_loop3A_403 : vector<16xf32>
        %parallel_loop3A_405 = math.absf %parallel_loop3A_404 : vector<16xf32>
        %parallel_loop3A_406 = tpu.bitcast %parallel_loop3A_405 : vector<16xf32> -> vector<16xi32>
        %parallel_loop3A_407 = arith.constant 17 : i32
        %parallel_loop3A_408 = vector.broadcast %parallel_loop3A_407 : i32 to vector<16xi32>
        %parallel_loop3A_409 = arith.shrui %parallel_loop3A_406, %parallel_loop3A_408 : vector<16xi32>
        tpu.vector_store_idx %arg10[%parallel_loop3A_409], %broadcast_in_dim3A_61 {add = true} : memref<16384xi32, #tpu.memory_space<vmem>>[vector<16xi32>], vector<16xi32>,
        %parallel_loop3A_410 = arith.constant 16 : i32
        %parallel_loop3A_411 = arith.muli %parallel_loop3A_157, %parallel_loop3A_410 : i32
        %parallel_loop3A_412 = arith.constant 14 : i32
        %parallel_loop3A_413 = arith.index_cast %parallel_loop3A_412 : i32 to index
        %parallel_loop3A_414 = arith.index_cast %parallel_loop3A_411 : i32 to index
        %parallel_loop3A_415 = tpu.vector_load %arg6[%parallel_loop3A_413, %parallel_loop3A_414] {strides = array<i32>} : memref<32x512xf32, #tpu.memory_space<vmem>>, vector<16xf32>,
        %parallel_loop3A_416 = arith.constant 16 : i32
        %parallel_loop3A_417 = arith.muli %parallel_loop3A_157, %parallel_loop3A_416 : i32
        %parallel_loop3A_418 = arith.constant 14 : i32
        %parallel_loop3A_419 = arith.index_cast %parallel_loop3A_418 : i32 to index
        %parallel_loop3A_420 = arith.index_cast %parallel_loop3A_417 : i32 to index
        %parallel_loop3A_421 = tpu.vector_load %arg8[%parallel_loop3A_419, %parallel_loop3A_420] {strides = array<i32>} : memref<32x512xf32, #tpu.memory_space<vmem>>, vector<16xf32>,
        %parallel_loop3A_422 = arith.subf %parallel_loop3A_415, %parallel_loop3A_421 : vector<16xf32>
        %parallel_loop3A_423 = math.absf %parallel_loop3A_422 : vector<16xf32>
        %parallel_loop3A_424 = tpu.bitcast %parallel_loop3A_423 : vector<16xf32> -> vector<16xi32>
        %parallel_loop3A_425 = arith.constant 17 : i32
        %parallel_loop3A_426 = vector.broadcast %parallel_loop3A_425 : i32 to vector<16xi32>
        %parallel_loop3A_427 = arith.shrui %parallel_loop3A_424, %parallel_loop3A_426 : vector<16xi32>
        tpu.vector_store_idx %arg10[%parallel_loop3A_427], %broadcast_in_dim3A_61 {add = true} : memref<16384xi32, #tpu.memory_space<vmem>>[vector<16xi32>], vector<16xi32>,
        %parallel_loop3A_428 = arith.constant 16 : i32
        %parallel_loop3A_429 = arith.muli %parallel_loop3A_157, %parallel_loop3A_428 : i32
        %parallel_loop3A_430 = arith.constant 15 : i32
        %parallel_loop3A_431 = arith.index_cast %parallel_loop3A_430 : i32 to index
        %parallel_loop3A_432 = arith.index_cast %parallel_loop3A_429 : i32 to index
        %parallel_loop3A_433 = tpu.vector_load %arg6[%parallel_loop3A_431, %parallel_loop3A_432] {strides = array<i32>} : memref<32x512xf32, #tpu.memory_space<vmem>>, vector<16xf32>,
        %parallel_loop3A_434 = arith.constant 16 : i32
        %parallel_loop3A_435 = arith.muli %parallel_loop3A_157, %parallel_loop3A_434 : i32
        %parallel_loop3A_436 = arith.constant 15 : i32
        %parallel_loop3A_437 = arith.index_cast %parallel_loop3A_436 : i32 to index
        %parallel_loop3A_438 = arith.index_cast %parallel_loop3A_435 : i32 to index
        %parallel_loop3A_439 = tpu.vector_load %arg8[%parallel_loop3A_437, %parallel_loop3A_438] {strides = array<i32>} : memref<32x512xf32, #tpu.memory_space<vmem>>, vector<16xf32>,
        %parallel_loop3A_440 = arith.subf %parallel_loop3A_433, %parallel_loop3A_439 : vector<16xf32>
        %parallel_loop3A_441 = math.absf %parallel_loop3A_440 : vector<16xf32>
        %parallel_loop3A_442 = tpu.bitcast %parallel_loop3A_441 : vector<16xf32> -> vector<16xi32>
        %parallel_loop3A_443 = arith.constant 17 : i32
        %parallel_loop3A_444 = vector.broadcast %parallel_loop3A_443 : i32 to vector<16xi32>
        %parallel_loop3A_445 = arith.shrui %parallel_loop3A_442, %parallel_loop3A_444 : vector<16xi32>
        tpu.vector_store_idx %arg10[%parallel_loop3A_445], %broadcast_in_dim3A_61 {add = true} : memref<16384xi32, #tpu.memory_space<vmem>>[vector<16xi32>], vector<16xi32>,
        %parallel_loop3A_446 = arith.constant 16 : i32
        %parallel_loop3A_447 = arith.muli %parallel_loop3A_157, %parallel_loop3A_446 : i32
        %parallel_loop3A_448 = arith.constant 16 : i32
        %parallel_loop3A_449 = arith.index_cast %parallel_loop3A_448 : i32 to index
        %parallel_loop3A_450 = arith.index_cast %parallel_loop3A_447 : i32 to index
        %parallel_loop3A_451 = tpu.vector_load %arg6[%parallel_loop3A_449, %parallel_loop3A_450] {strides = array<i32>} : memref<32x512xf32, #tpu.memory_space<vmem>>, vector<16xf32>,
        %parallel_loop3A_452 = arith.constant 16 : i32
        %parallel_loop3A_453 = arith.muli %parallel_loop3A_157, %parallel_loop3A_452 : i32
        %parallel_loop3A_454 = arith.constant 16 : i32
        %parallel_loop3A_455 = arith.index_cast %parallel_loop3A_454 : i32 to index
        %parallel_loop3A_456 = arith.index_cast %parallel_loop3A_453 : i32 to index
        %parallel_loop3A_457 = tpu.vector_load %arg8[%parallel_loop3A_455, %parallel_loop3A_456] {strides = array<i32>} : memref<32x512xf32, #tpu.memory_space<vmem>>, vector<16xf32>,
        %parallel_loop3A_458 = arith.subf %parallel_loop3A_451, %parallel_loop3A_457 : vector<16xf32>
        %parallel_loop3A_459 = math.absf %parallel_loop3A_458 : vector<16xf32>
        %parallel_loop3A_460 = tpu.bitcast %parallel_loop3A_459 : vector<16xf32> -> vector<16xi32>
        %parallel_loop3A_461 = arith.constant 17 : i32
        %parallel_loop3A_462 = vector.broadcast %parallel_loop3A_461 : i32 to vector<16xi32>
        %parallel_loop3A_463 = arith.shrui %parallel_loop3A_460, %parallel_loop3A_462 : vector<16xi32>
        tpu.vector_store_idx %arg10[%parallel_loop3A_463], %broadcast_in_dim3A_61 {add = true} : memref<16384xi32, #tpu.memory_space<vmem>>[vector<16xi32>], vector<16xi32>,
        %parallel_loop3A_464 = arith.constant 16 : i32
        %parallel_loop3A_465 = arith.muli %parallel_loop3A_157, %parallel_loop3A_464 : i32
        %parallel_loop3A_466 = arith.constant 17 : i32
        %parallel_loop3A_467 = arith.index_cast %parallel_loop3A_466 : i32 to index
        %parallel_loop3A_468 = arith.index_cast %parallel_loop3A_465 : i32 to index
        %parallel_loop3A_469 = tpu.vector_load %arg6[%parallel_loop3A_467, %parallel_loop3A_468] {strides = array<i32>} : memref<32x512xf32, #tpu.memory_space<vmem>>, vector<16xf32>,
        %parallel_loop3A_470 = arith.constant 16 : i32
        %parallel_loop3A_471 = arith.muli %parallel_loop3A_157, %parallel_loop3A_470 : i32
        %parallel_loop3A_472 = arith.constant 17 : i32
        %parallel_loop3A_473 = arith.index_cast %parallel_loop3A_472 : i32 to index
        %parallel_loop3A_474 = arith.index_cast %parallel_loop3A_471 : i32 to index
        %parallel_loop3A_475 = tpu.vector_load %arg8[%parallel_loop3A_473, %parallel_loop3A_474] {strides = array<i32>} : memref<32x512xf32, #tpu.memory_space<vmem>>, vector<16xf32>,
        %parallel_loop3A_476 = arith.subf %parallel_loop3A_469, %parallel_loop3A_475 : vector<16xf32>
        %parallel_loop3A_477 = math.absf %parallel_loop3A_476 : vector<16xf32>
        %parallel_loop3A_478 = tpu.bitcast %parallel_loop3A_477 : vector<16xf32> -> vector<16xi32>
        %parallel_loop3A_479 = arith.constant 17 : i32
        %parallel_loop3A_480 = vector.broadcast %parallel_loop3A_479 : i32 to vector<16xi32>
        %parallel_loop3A_481 = arith.shrui %parallel_loop3A_478, %parallel_loop3A_480 : vector<16xi32>
        tpu.vector_store_idx %arg10[%parallel_loop3A_481], %broadcast_in_dim3A_61 {add = true} : memref<16384xi32, #tpu.memory_space<vmem>>[vector<16xi32>], vector<16xi32>,
        %parallel_loop3A_482 = arith.constant 16 : i32
        %parallel_loop3A_483 = arith.muli %parallel_loop3A_157, %parallel_loop3A_482 : i32
        %parallel_loop3A_484 = arith.constant 18 : i32
        %parallel_loop3A_485 = arith.index_cast %parallel_loop3A_484 : i32 to index
        %parallel_loop3A_486 = arith.index_cast %parallel_loop3A_483 : i32 to index
        %parallel_loop3A_487 = tpu.vector_load %arg6[%parallel_loop3A_485, %parallel_loop3A_486] {strides = array<i32>} : memref<32x512xf32, #tpu.memory_space<vmem>>, vector<16xf32>,
        %parallel_loop3A_488 = arith.constant 16 : i32
        %parallel_loop3A_489 = arith.muli %parallel_loop3A_157, %parallel_loop3A_488 : i32
        %parallel_loop3A_490 = arith.constant 18 : i32
        %parallel_loop3A_491 = arith.index_cast %parallel_loop3A_490 : i32 to index
        %parallel_loop3A_492 = arith.index_cast %parallel_loop3A_489 : i32 to index
        %parallel_loop3A_493 = tpu.vector_load %arg8[%parallel_loop3A_491, %parallel_loop3A_492] {strides = array<i32>} : memref<32x512xf32, #tpu.memory_space<vmem>>, vector<16xf32>,
        %parallel_loop3A_494 = arith.subf %parallel_loop3A_487, %parallel_loop3A_493 : vector<16xf32>
        %parallel_loop3A_495 = math.absf %parallel_loop3A_494 : vector<16xf32>
        %parallel_loop3A_496 = tpu.bitcast %parallel_loop3A_495 : vector<16xf32> -> vector<16xi32>
        %parallel_loop3A_497 = arith.constant 17 : i32
        %parallel_loop3A_498 = vector.broadcast %parallel_loop3A_497 : i32 to vector<16xi32>
        %parallel_loop3A_499 = arith.shrui %parallel_loop3A_496, %parallel_loop3A_498 : vector<16xi32>
        tpu.vector_store_idx %arg10[%parallel_loop3A_499], %broadcast_in_dim3A_61 {add = true} : memref<16384xi32, #tpu.memory_space<vmem>>[vector<16xi32>], vector<16xi32>,
        %parallel_loop3A_500 = arith.constant 16 : i32
        %parallel_loop3A_501 = arith.muli %parallel_loop3A_157, %parallel_loop3A_500 : i32
        %parallel_loop3A_502 = arith.constant 19 : i32
        %parallel_loop3A_503 = arith.index_cast %parallel_loop3A_502 : i32 to index
        %parallel_loop3A_504 = arith.index_cast %parallel_loop3A_501 : i32 to index
        %parallel_loop3A_505 = tpu.vector_load %arg6[%parallel_loop3A_503, %parallel_loop3A_504] {strides = array<i32>} : memref<32x512xf32, #tpu.memory_space<vmem>>, vector<16xf32>,
        %parallel_loop3A_506 = arith.constant 16 : i32
        %parallel_loop3A_507 = arith.muli %parallel_loop3A_157, %parallel_loop3A_506 : i32
        %parallel_loop3A_508 = arith.constant 19 : i32
        %parallel_loop3A_509 = arith.index_cast %parallel_loop3A_508 : i32 to index
        %parallel_loop3A_510 = arith.index_cast %parallel_loop3A_507 : i32 to index
        %parallel_loop3A_511 = tpu.vector_load %arg8[%parallel_loop3A_509, %parallel_loop3A_510] {strides = array<i32>} : memref<32x512xf32, #tpu.memory_space<vmem>>, vector<16xf32>,
        %parallel_loop3A_512 = arith.subf %parallel_loop3A_505, %parallel_loop3A_511 : vector<16xf32>
        %parallel_loop3A_513 = math.absf %parallel_loop3A_512 : vector<16xf32>
        %parallel_loop3A_514 = tpu.bitcast %parallel_loop3A_513 : vector<16xf32> -> vector<16xi32>
        %parallel_loop3A_515 = arith.constant 17 : i32
        %parallel_loop3A_516 = vector.broadcast %parallel_loop3A_515 : i32 to vector<16xi32>
        %parallel_loop3A_517 = arith.shrui %parallel_loop3A_514, %parallel_loop3A_516 : vector<16xi32>
        tpu.vector_store_idx %arg10[%parallel_loop3A_517], %broadcast_in_dim3A_61 {add = true} : memref<16384xi32, #tpu.memory_space<vmem>>[vector<16xi32>], vector<16xi32>,
        %parallel_loop3A_518 = arith.constant 16 : i32
        %parallel_loop3A_519 = arith.muli %parallel_loop3A_157, %parallel_loop3A_518 : i32
        %parallel_loop3A_520 = arith.constant 20 : i32
        %parallel_loop3A_521 = arith.index_cast %parallel_loop3A_520 : i32 to index
        %parallel_loop3A_522 = arith.index_cast %parallel_loop3A_519 : i32 to index
        %parallel_loop3A_523 = tpu.vector_load %arg6[%parallel_loop3A_521, %parallel_loop3A_522] {strides = array<i32>} : memref<32x512xf32, #tpu.memory_space<vmem>>, vector<16xf32>,
        %parallel_loop3A_524 = arith.constant 16 : i32
        %parallel_loop3A_525 = arith.muli %parallel_loop3A_157, %parallel_loop3A_524 : i32
        %parallel_loop3A_526 = arith.constant 20 : i32
        %parallel_loop3A_527 = arith.index_cast %parallel_loop3A_526 : i32 to index
        %parallel_loop3A_528 = arith.index_cast %parallel_loop3A_525 : i32 to index
        %parallel_loop3A_529 = tpu.vector_load %arg8[%parallel_loop3A_527, %parallel_loop3A_528] {strides = array<i32>} : memref<32x512xf32, #tpu.memory_space<vmem>>, vector<16xf32>,
        %parallel_loop3A_530 = arith.subf %parallel_loop3A_523, %parallel_loop3A_529 : vector<16xf32>
        %parallel_loop3A_531 = math.absf %parallel_loop3A_530 : vector<16xf32>
        %parallel_loop3A_532 = tpu.bitcast %parallel_loop3A_531 : vector<16xf32> -> vector<16xi32>
        %parallel_loop3A_533 = arith.constant 17 : i32
        %parallel_loop3A_534 = vector.broadcast %parallel_loop3A_533 : i32 to vector<16xi32>
        %parallel_loop3A_535 = arith.shrui %parallel_loop3A_532, %parallel_loop3A_534 : vector<16xi32>
        tpu.vector_store_idx %arg10[%parallel_loop3A_535], %broadcast_in_dim3A_61 {add = true} : memref<16384xi32, #tpu.memory_space<vmem>>[vector<16xi32>], vector<16xi32>,
        %parallel_loop3A_536 = arith.constant 16 : i32
        %parallel_loop3A_537 = arith.muli %parallel_loop3A_157, %parallel_loop3A_536 : i32
        %parallel_loop3A_538 = arith.constant 21 : i32
        %parallel_loop3A_539 = arith.index_cast %parallel_loop3A_538 : i32 to index
        %parallel_loop3A_540 = arith.index_cast %parallel_loop3A_537 : i32 to index
        %parallel_loop3A_541 = tpu.vector_load %arg6[%parallel_loop3A_539, %parallel_loop3A_540] {strides = array<i32>} : memref<32x512xf32, #tpu.memory_space<vmem>>, vector<16xf32>,
        %parallel_loop3A_542 = arith.constant 16 : i32
        %parallel_loop3A_543 = arith.muli %parallel_loop3A_157, %parallel_loop3A_542 : i32
        %parallel_loop3A_544 = arith.constant 21 : i32
        %parallel_loop3A_545 = arith.index_cast %parallel_loop3A_544 : i32 to index
        %parallel_loop3A_546 = arith.index_cast %parallel_loop3A_543 : i32 to index
        %parallel_loop3A_547 = tpu.vector_load %arg8[%parallel_loop3A_545, %parallel_loop3A_546] {strides = array<i32>} : memref<32x512xf32, #tpu.memory_space<vmem>>, vector<16xf32>,
        %parallel_loop3A_548 = arith.subf %parallel_loop3A_541, %parallel_loop3A_547 : vector<16xf32>
        %parallel_loop3A_549 = math.absf %parallel_loop3A_548 : vector<16xf32>
        %parallel_loop3A_550 = tpu.bitcast %parallel_loop3A_549 : vector<16xf32> -> vector<16xi32>
        %parallel_loop3A_551 = arith.constant 17 : i32
        %parallel_loop3A_552 = vector.broadcast %parallel_loop3A_551 : i32 to vector<16xi32>
        %parallel_loop3A_553 = arith.shrui %parallel_loop3A_550, %parallel_loop3A_552 : vector<16xi32>
        tpu.vector_store_idx %arg10[%parallel_loop3A_553], %broadcast_in_dim3A_61 {add = true} : memref<16384xi32, #tpu.memory_space<vmem>>[vector<16xi32>], vector<16xi32>,
        %parallel_loop3A_554 = arith.constant 16 : i32
        %parallel_loop3A_555 = arith.muli %parallel_loop3A_157, %parallel_loop3A_554 : i32
        %parallel_loop3A_556 = arith.constant 22 : i32
        %parallel_loop3A_557 = arith.index_cast %parallel_loop3A_556 : i32 to index
        %parallel_loop3A_558 = arith.index_cast %parallel_loop3A_555 : i32 to index
        %parallel_loop3A_559 = tpu.vector_load %arg6[%parallel_loop3A_557, %parallel_loop3A_558] {strides = array<i32>} : memref<32x512xf32, #tpu.memory_space<vmem>>, vector<16xf32>,
        %parallel_loop3A_560 = arith.constant 16 : i32
        %parallel_loop3A_561 = arith.muli %parallel_loop3A_157, %parallel_loop3A_560 : i32
        %parallel_loop3A_562 = arith.constant 22 : i32
        %parallel_loop3A_563 = arith.index_cast %parallel_loop3A_562 : i32 to index
        %parallel_loop3A_564 = arith.index_cast %parallel_loop3A_561 : i32 to index
        %parallel_loop3A_565 = tpu.vector_load %arg8[%parallel_loop3A_563, %parallel_loop3A_564] {strides = array<i32>} : memref<32x512xf32, #tpu.memory_space<vmem>>, vector<16xf32>,
        %parallel_loop3A_566 = arith.subf %parallel_loop3A_559, %parallel_loop3A_565 : vector<16xf32>
        %parallel_loop3A_567 = math.absf %parallel_loop3A_566 : vector<16xf32>
        %parallel_loop3A_568 = tpu.bitcast %parallel_loop3A_567 : vector<16xf32> -> vector<16xi32>
        %parallel_loop3A_569 = arith.constant 17 : i32
        %parallel_loop3A_570 = vector.broadcast %parallel_loop3A_569 : i32 to vector<16xi32>
        %parallel_loop3A_571 = arith.shrui %parallel_loop3A_568, %parallel_loop3A_570 : vector<16xi32>
        tpu.vector_store_idx %arg10[%parallel_loop3A_571], %broadcast_in_dim3A_61 {add = true} : memref<16384xi32, #tpu.memory_space<vmem>>[vector<16xi32>], vector<16xi32>,
        %parallel_loop3A_572 = arith.constant 16 : i32
        %parallel_loop3A_573 = arith.muli %parallel_loop3A_157, %parallel_loop3A_572 : i32
        %parallel_loop3A_574 = arith.constant 23 : i32
        %parallel_loop3A_575 = arith.index_cast %parallel_loop3A_574 : i32 to index
        %parallel_loop3A_576 = arith.index_cast %parallel_loop3A_573 : i32 to index
        %parallel_loop3A_577 = tpu.vector_load %arg6[%parallel_loop3A_575, %parallel_loop3A_576] {strides = array<i32>} : memref<32x512xf32, #tpu.memory_space<vmem>>, vector<16xf32>,
        %parallel_loop3A_578 = arith.constant 16 : i32
        %parallel_loop3A_579 = arith.muli %parallel_loop3A_157, %parallel_loop3A_578 : i32
        %parallel_loop3A_580 = arith.constant 23 : i32
        %parallel_loop3A_581 = arith.index_cast %parallel_loop3A_580 : i32 to index
        %parallel_loop3A_582 = arith.index_cast %parallel_loop3A_579 : i32 to index
        %parallel_loop3A_583 = tpu.vector_load %arg8[%parallel_loop3A_581, %parallel_loop3A_582] {strides = array<i32>} : memref<32x512xf32, #tpu.memory_space<vmem>>, vector<16xf32>,
        %parallel_loop3A_584 = arith.subf %parallel_loop3A_577, %parallel_loop3A_583 : vector<16xf32>
        %parallel_loop3A_585 = math.absf %parallel_loop3A_584 : vector<16xf32>
        %parallel_loop3A_586 = tpu.bitcast %parallel_loop3A_585 : vector<16xf32> -> vector<16xi32>
        %parallel_loop3A_587 = arith.constant 17 : i32
        %parallel_loop3A_588 = vector.broadcast %parallel_loop3A_587 : i32 to vector<16xi32>
        %parallel_loop3A_589 = arith.shrui %parallel_loop3A_586, %parallel_loop3A_588 : vector<16xi32>
        tpu.vector_store_idx %arg10[%parallel_loop3A_589], %broadcast_in_dim3A_61 {add = true} : memref<16384xi32, #tpu.memory_space<vmem>>[vector<16xi32>], vector<16xi32>,
        %parallel_loop3A_590 = arith.constant 16 : i32
        %parallel_loop3A_591 = arith.muli %parallel_loop3A_157, %parallel_loop3A_590 : i32
        %parallel_loop3A_592 = arith.constant 24 : i32
        %parallel_loop3A_593 = arith.index_cast %parallel_loop3A_592 : i32 to index
        %parallel_loop3A_594 = arith.index_cast %parallel_loop3A_591 : i32 to index
        %parallel_loop3A_595 = tpu.vector_load %arg6[%parallel_loop3A_593, %parallel_loop3A_594] {strides = array<i32>} : memref<32x512xf32, #tpu.memory_space<vmem>>, vector<16xf32>,
        %parallel_loop3A_596 = arith.constant 16 : i32
        %parallel_loop3A_597 = arith.muli %parallel_loop3A_157, %parallel_loop3A_596 : i32
        %parallel_loop3A_598 = arith.constant 24 : i32
        %parallel_loop3A_599 = arith.index_cast %parallel_loop3A_598 : i32 to index
        %parallel_loop3A_600 = arith.index_cast %parallel_loop3A_597 : i32 to index
        %parallel_loop3A_601 = tpu.vector_load %arg8[%parallel_loop3A_599, %parallel_loop3A_600] {strides = array<i32>} : memref<32x512xf32, #tpu.memory_space<vmem>>, vector<16xf32>,
        %parallel_loop3A_602 = arith.subf %parallel_loop3A_595, %parallel_loop3A_601 : vector<16xf32>
        %parallel_loop3A_603 = math.absf %parallel_loop3A_602 : vector<16xf32>
        %parallel_loop3A_604 = tpu.bitcast %parallel_loop3A_603 : vector<16xf32> -> vector<16xi32>
        %parallel_loop3A_605 = arith.constant 17 : i32
        %parallel_loop3A_606 = vector.broadcast %parallel_loop3A_605 : i32 to vector<16xi32>
        %parallel_loop3A_607 = arith.shrui %parallel_loop3A_604, %parallel_loop3A_606 : vector<16xi32>
        tpu.vector_store_idx %arg10[%parallel_loop3A_607], %broadcast_in_dim3A_61 {add = true} : memref<16384xi32, #tpu.memory_space<vmem>>[vector<16xi32>], vector<16xi32>,
        %parallel_loop3A_608 = arith.constant 16 : i32
        %parallel_loop3A_609 = arith.muli %parallel_loop3A_157, %parallel_loop3A_608 : i32
        %parallel_loop3A_610 = arith.constant 25 : i32
        %parallel_loop3A_611 = arith.index_cast %parallel_loop3A_610 : i32 to index
        %parallel_loop3A_612 = arith.index_cast %parallel_loop3A_609 : i32 to index
        %parallel_loop3A_613 = tpu.vector_load %arg6[%parallel_loop3A_611, %parallel_loop3A_612] {strides = array<i32>} : memref<32x512xf32, #tpu.memory_space<vmem>>, vector<16xf32>,
        %parallel_loop3A_614 = arith.constant 16 : i32
        %parallel_loop3A_615 = arith.muli %parallel_loop3A_157, %parallel_loop3A_614 : i32
        %parallel_loop3A_616 = arith.constant 25 : i32
        %parallel_loop3A_617 = arith.index_cast %parallel_loop3A_616 : i32 to index
        %parallel_loop3A_618 = arith.index_cast %parallel_loop3A_615 : i32 to index
        %parallel_loop3A_619 = tpu.vector_load %arg8[%parallel_loop3A_617, %parallel_loop3A_618] {strides = array<i32>} : memref<32x512xf32, #tpu.memory_space<vmem>>, vector<16xf32>,
        %parallel_loop3A_620 = arith.subf %parallel_loop3A_613, %parallel_loop3A_619 : vector<16xf32>
        %parallel_loop3A_621 = math.absf %parallel_loop3A_620 : vector<16xf32>
        %parallel_loop3A_622 = tpu.bitcast %parallel_loop3A_621 : vector<16xf32> -> vector<16xi32>
        %parallel_loop3A_623 = arith.constant 17 : i32
        %parallel_loop3A_624 = vector.broadcast %parallel_loop3A_623 : i32 to vector<16xi32>
        %parallel_loop3A_625 = arith.shrui %parallel_loop3A_622, %parallel_loop3A_624 : vector<16xi32>
        tpu.vector_store_idx %arg10[%parallel_loop3A_625], %broadcast_in_dim3A_61 {add = true} : memref<16384xi32, #tpu.memory_space<vmem>>[vector<16xi32>], vector<16xi32>,
        %parallel_loop3A_626 = arith.constant 16 : i32
        %parallel_loop3A_627 = arith.muli %parallel_loop3A_157, %parallel_loop3A_626 : i32
        %parallel_loop3A_628 = arith.constant 26 : i32
        %parallel_loop3A_629 = arith.index_cast %parallel_loop3A_628 : i32 to index
        %parallel_loop3A_630 = arith.index_cast %parallel_loop3A_627 : i32 to index
        %parallel_loop3A_631 = tpu.vector_load %arg6[%parallel_loop3A_629, %parallel_loop3A_630] {strides = array<i32>} : memref<32x512xf32, #tpu.memory_space<vmem>>, vector<16xf32>,
        %parallel_loop3A_632 = arith.constant 16 : i32
        %parallel_loop3A_633 = arith.muli %parallel_loop3A_157, %parallel_loop3A_632 : i32
        %parallel_loop3A_634 = arith.constant 26 : i32
        %parallel_loop3A_635 = arith.index_cast %parallel_loop3A_634 : i32 to index
        %parallel_loop3A_636 = arith.index_cast %parallel_loop3A_633 : i32 to index
        %parallel_loop3A_637 = tpu.vector_load %arg8[%parallel_loop3A_635, %parallel_loop3A_636] {strides = array<i32>} : memref<32x512xf32, #tpu.memory_space<vmem>>, vector<16xf32>,
        %parallel_loop3A_638 = arith.subf %parallel_loop3A_631, %parallel_loop3A_637 : vector<16xf32>
        %parallel_loop3A_639 = math.absf %parallel_loop3A_638 : vector<16xf32>
        %parallel_loop3A_640 = tpu.bitcast %parallel_loop3A_639 : vector<16xf32> -> vector<16xi32>
        %parallel_loop3A_641 = arith.constant 17 : i32
        %parallel_loop3A_642 = vector.broadcast %parallel_loop3A_641 : i32 to vector<16xi32>
        %parallel_loop3A_643 = arith.shrui %parallel_loop3A_640, %parallel_loop3A_642 : vector<16xi32>
        tpu.vector_store_idx %arg10[%parallel_loop3A_643], %broadcast_in_dim3A_61 {add = true} : memref<16384xi32, #tpu.memory_space<vmem>>[vector<16xi32>], vector<16xi32>,
        %parallel_loop3A_644 = arith.constant 16 : i32
        %parallel_loop3A_645 = arith.muli %parallel_loop3A_157, %parallel_loop3A_644 : i32
        %parallel_loop3A_646 = arith.constant 27 : i32
        %parallel_loop3A_647 = arith.index_cast %parallel_loop3A_646 : i32 to index
        %parallel_loop3A_648 = arith.index_cast %parallel_loop3A_645 : i32 to index
        %parallel_loop3A_649 = tpu.vector_load %arg6[%parallel_loop3A_647, %parallel_loop3A_648] {strides = array<i32>} : memref<32x512xf32, #tpu.memory_space<vmem>>, vector<16xf32>,
        %parallel_loop3A_650 = arith.constant 16 : i32
        %parallel_loop3A_651 = arith.muli %parallel_loop3A_157, %parallel_loop3A_650 : i32
        %parallel_loop3A_652 = arith.constant 27 : i32
        %parallel_loop3A_653 = arith.index_cast %parallel_loop3A_652 : i32 to index
        %parallel_loop3A_654 = arith.index_cast %parallel_loop3A_651 : i32 to index
        %parallel_loop3A_655 = tpu.vector_load %arg8[%parallel_loop3A_653, %parallel_loop3A_654] {strides = array<i32>} : memref<32x512xf32, #tpu.memory_space<vmem>>, vector<16xf32>,
        %parallel_loop3A_656 = arith.subf %parallel_loop3A_649, %parallel_loop3A_655 : vector<16xf32>
        %parallel_loop3A_657 = math.absf %parallel_loop3A_656 : vector<16xf32>
        %parallel_loop3A_658 = tpu.bitcast %parallel_loop3A_657 : vector<16xf32> -> vector<16xi32>
        %parallel_loop3A_659 = arith.constant 17 : i32
        %parallel_loop3A_660 = vector.broadcast %parallel_loop3A_659 : i32 to vector<16xi32>
        %parallel_loop3A_661 = arith.shrui %parallel_loop3A_658, %parallel_loop3A_660 : vector<16xi32>
        tpu.vector_store_idx %arg10[%parallel_loop3A_661], %broadcast_in_dim3A_61 {add = true} : memref<16384xi32, #tpu.memory_space<vmem>>[vector<16xi32>], vector<16xi32>,
        %parallel_loop3A_662 = arith.constant 16 : i32
        %parallel_loop3A_663 = arith.muli %parallel_loop3A_157, %parallel_loop3A_662 : i32
        %parallel_loop3A_664 = arith.constant 28 : i32
        %parallel_loop3A_665 = arith.index_cast %parallel_loop3A_664 : i32 to index
        %parallel_loop3A_666 = arith.index_cast %parallel_loop3A_663 : i32 to index
        %parallel_loop3A_667 = tpu.vector_load %arg6[%parallel_loop3A_665, %parallel_loop3A_666] {strides = array<i32>} : memref<32x512xf32, #tpu.memory_space<vmem>>, vector<16xf32>,
        %parallel_loop3A_668 = arith.constant 16 : i32
        %parallel_loop3A_669 = arith.muli %parallel_loop3A_157, %parallel_loop3A_668 : i32
        %parallel_loop3A_670 = arith.constant 28 : i32
        %parallel_loop3A_671 = arith.index_cast %parallel_loop3A_670 : i32 to index
        %parallel_loop3A_672 = arith.index_cast %parallel_loop3A_669 : i32 to index
        %parallel_loop3A_673 = tpu.vector_load %arg8[%parallel_loop3A_671, %parallel_loop3A_672] {strides = array<i32>} : memref<32x512xf32, #tpu.memory_space<vmem>>, vector<16xf32>,
        %parallel_loop3A_674 = arith.subf %parallel_loop3A_667, %parallel_loop3A_673 : vector<16xf32>
        %parallel_loop3A_675 = math.absf %parallel_loop3A_674 : vector<16xf32>
        %parallel_loop3A_676 = tpu.bitcast %parallel_loop3A_675 : vector<16xf32> -> vector<16xi32>
        %parallel_loop3A_677 = arith.constant 17 : i32
        %parallel_loop3A_678 = vector.broadcast %parallel_loop3A_677 : i32 to vector<16xi32>
        %parallel_loop3A_679 = arith.shrui %parallel_loop3A_676, %parallel_loop3A_678 : vector<16xi32>
        tpu.vector_store_idx %arg10[%parallel_loop3A_679], %broadcast_in_dim3A_61 {add = true} : memref<16384xi32, #tpu.memory_space<vmem>>[vector<16xi32>], vector<16xi32>,
        %parallel_loop3A_680 = arith.constant 16 : i32
        %parallel_loop3A_681 = arith.muli %parallel_loop3A_157, %parallel_loop3A_680 : i32
        %parallel_loop3A_682 = arith.constant 29 : i32
        %parallel_loop3A_683 = arith.index_cast %parallel_loop3A_682 : i32 to index
        %parallel_loop3A_684 = arith.index_cast %parallel_loop3A_681 : i32 to index
        %parallel_loop3A_685 = tpu.vector_load %arg6[%parallel_loop3A_683, %parallel_loop3A_684] {strides = array<i32>} : memref<32x512xf32, #tpu.memory_space<vmem>>, vector<16xf32>,
        %parallel_loop3A_686 = arith.constant 16 : i32
        %parallel_loop3A_687 = arith.muli %parallel_loop3A_157, %parallel_loop3A_686 : i32
        %parallel_loop3A_688 = arith.constant 29 : i32
        %parallel_loop3A_689 = arith.index_cast %parallel_loop3A_688 : i32 to index
        %parallel_loop3A_690 = arith.index_cast %parallel_loop3A_687 : i32 to index
        %parallel_loop3A_691 = tpu.vector_load %arg8[%parallel_loop3A_689, %parallel_loop3A_690] {strides = array<i32>} : memref<32x512xf32, #tpu.memory_space<vmem>>, vector<16xf32>,
        %parallel_loop3A_692 = arith.subf %parallel_loop3A_685, %parallel_loop3A_691 : vector<16xf32>
        %parallel_loop3A_693 = math.absf %parallel_loop3A_692 : vector<16xf32>
        %parallel_loop3A_694 = tpu.bitcast %parallel_loop3A_693 : vector<16xf32> -> vector<16xi32>
        %parallel_loop3A_695 = arith.constant 17 : i32
        %parallel_loop3A_696 = vector.broadcast %parallel_loop3A_695 : i32 to vector<16xi32>
        %parallel_loop3A_697 = arith.shrui %parallel_loop3A_694, %parallel_loop3A_696 : vector<16xi32>
        tpu.vector_store_idx %arg10[%parallel_loop3A_697], %broadcast_in_dim3A_61 {add = true} : memref<16384xi32, #tpu.memory_space<vmem>>[vector<16xi32>], vector<16xi32>,
        %parallel_loop3A_698 = arith.constant 16 : i32
        %parallel_loop3A_699 = arith.muli %parallel_loop3A_157, %parallel_loop3A_698 : i32
        %parallel_loop3A_700 = arith.constant 30 : i32
        %parallel_loop3A_701 = arith.index_cast %parallel_loop3A_700 : i32 to index
        %parallel_loop3A_702 = arith.index_cast %parallel_loop3A_699 : i32 to index
        %parallel_loop3A_703 = tpu.vector_load %arg6[%parallel_loop3A_701, %parallel_loop3A_702] {strides = array<i32>} : memref<32x512xf32, #tpu.memory_space<vmem>>, vector<16xf32>,
        %parallel_loop3A_704 = arith.constant 16 : i32
        %parallel_loop3A_705 = arith.muli %parallel_loop3A_157, %parallel_loop3A_704 : i32
        %parallel_loop3A_706 = arith.constant 30 : i32
        %parallel_loop3A_707 = arith.index_cast %parallel_loop3A_706 : i32 to index
        %parallel_loop3A_708 = arith.index_cast %parallel_loop3A_705 : i32 to index
        %parallel_loop3A_709 = tpu.vector_load %arg8[%parallel_loop3A_707, %parallel_loop3A_708] {strides = array<i32>} : memref<32x512xf32, #tpu.memory_space<vmem>>, vector<16xf32>,
        %parallel_loop3A_710 = arith.subf %parallel_loop3A_703, %parallel_loop3A_709 : vector<16xf32>
        %parallel_loop3A_711 = math.absf %parallel_loop3A_710 : vector<16xf32>
        %parallel_loop3A_712 = tpu.bitcast %parallel_loop3A_711 : vector<16xf32> -> vector<16xi32>
        %parallel_loop3A_713 = arith.constant 17 : i32
        %parallel_loop3A_714 = vector.broadcast %parallel_loop3A_713 : i32 to vector<16xi32>
        %parallel_loop3A_715 = arith.shrui %parallel_loop3A_712, %parallel_loop3A_714 : vector<16xi32>
        tpu.vector_store_idx %arg10[%parallel_loop3A_715], %broadcast_in_dim3A_61 {add = true} : memref<16384xi32, #tpu.memory_space<vmem>>[vector<16xi32>], vector<16xi32>,
        %parallel_loop3A_716 = arith.constant 16 : i32
        %parallel_loop3A_717 = arith.muli %parallel_loop3A_157, %parallel_loop3A_716 : i32
        %parallel_loop3A_718 = arith.constant 31 : i32
        %parallel_loop3A_719 = arith.index_cast %parallel_loop3A_718 : i32 to index
        %parallel_loop3A_720 = arith.index_cast %parallel_loop3A_717 : i32 to index
        %parallel_loop3A_721 = tpu.vector_load %arg6[%parallel_loop3A_719, %parallel_loop3A_720] {strides = array<i32>} : memref<32x512xf32, #tpu.memory_space<vmem>>, vector<16xf32>,
        %parallel_loop3A_722 = arith.constant 16 : i32
        %parallel_loop3A_723 = arith.muli %parallel_loop3A_157, %parallel_loop3A_722 : i32
        %parallel_loop3A_724 = arith.constant 31 : i32
        %parallel_loop3A_725 = arith.index_cast %parallel_loop3A_724 : i32 to index
        %parallel_loop3A_726 = arith.index_cast %parallel_loop3A_723 : i32 to index
        %parallel_loop3A_727 = tpu.vector_load %arg8[%parallel_loop3A_725, %parallel_loop3A_726] {strides = array<i32>} : memref<32x512xf32, #tpu.memory_space<vmem>>, vector<16xf32>,
        %parallel_loop3A_728 = arith.subf %parallel_loop3A_721, %parallel_loop3A_727 : vector<16xf32>
        %parallel_loop3A_729 = math.absf %parallel_loop3A_728 : vector<16xf32>
        %parallel_loop3A_730 = tpu.bitcast %parallel_loop3A_729 : vector<16xf32> -> vector<16xi32>
        %parallel_loop3A_731 = arith.constant 17 : i32
        %parallel_loop3A_732 = vector.broadcast %parallel_loop3A_731 : i32 to vector<16xi32>
        %parallel_loop3A_733 = arith.shrui %parallel_loop3A_730, %parallel_loop3A_732 : vector<16xi32>
        tpu.vector_store_idx %arg10[%parallel_loop3A_733], %broadcast_in_dim3A_61 {add = true} : memref<16384xi32, #tpu.memory_space<vmem>>[vector<16xi32>], vector<16xi32>,
      } {sc.loop_unroll_factor = 1 : i64, sc.parallel_access}
      %scan3A_156 = arith.constant 0 : i32
      scf.yield %scan3A_156 : i32
    }
    %scan3A_100 = arith.constant 4 : i32
    %eq3A_101 = arith.constant 1 : i32
    %eq3A_102 = arith.cmpi eq, %select_n3A_30, %eq3A_101 : i32
    %convert_element_type3A = arith.extui %eq3A_102 : i1 to i32
    %cond3A = arith.constant 0 : i32
    %cond3A_103 = arith.cmpi ne, %convert_element_type3A, %cond3A : i32
    scf.if %cond3A_103 {
      "tpu.region"() ({
        %run_scoped3A = tpu.sem_alloc : memref<!tpu.dma_semaphore, #tpu.memory_space<semaphore_mem>>
        %dma_start3A_109 = arith.constant 0 : i32
        %dma_start3A_110 = tpu.memref_slice %arg14[%select_n3A_54, %dma_start3A_109] : memref<8x16384xi32, #tpu.memory_space<vmem_shared>> -> memref<1x16384xi32, #tpu.memory_space<vmem_shared>>
        %dma_start3A_111 = tpu.memref_squeeze %dma_start3A_110 : memref<1x16384xi32, #tpu.memory_space<vmem_shared>> -> memref<16384xi32, #tpu.memory_space<vmem_shared>>
        %dma_start3A_112 = arith.constant 0 : i32
        %dma_start3A_113 = tpu.memref_slice %arg14[%select_n3A_54, %dma_start3A_112] : memref<8x16384xi32, #tpu.memory_space<vmem_shared>> -> memref<1x16384xi32, #tpu.memory_space<vmem_shared>>
        %dma_start3A_114 = tpu.memref_squeeze %dma_start3A_113 : memref<1x16384xi32, #tpu.memory_space<vmem_shared>> -> memref<16384xi32, #tpu.memory_space<vmem_shared>>
        tpu.enqueue_dma source(%arg10 : memref<16384xi32, #tpu.memory_space<vmem>>) target(%dma_start3A_114 : memref<16384xi32, #tpu.memory_space<vmem_shared>>) target_semaphore(%run_scoped3A : memref<!tpu.dma_semaphore, #tpu.memory_space<semaphore_mem>>)
        %dma_wait3A = arith.constant 0 : i32
        %dma_wait3A_115 = tpu.memref_slice %arg14[%select_n3A_54, %dma_wait3A] : memref<8x16384xi32, #tpu.memory_space<vmem_shared>> -> memref<1x16384xi32, #tpu.memory_space<vmem_shared>>
        %dma_wait3A_116 = tpu.memref_squeeze %dma_wait3A_115 : memref<1x16384xi32, #tpu.memory_space<vmem_shared>> -> memref<16384xi32, #tpu.memory_space<vmem_shared>>
        %dma_wait3A_117 = arith.constant 0 : i32
        %dma_wait3A_118 = tpu.memref_slice %arg14[%select_n3A_54, %dma_wait3A_117] : memref<8x16384xi32, #tpu.memory_space<vmem_shared>> -> memref<1x16384xi32, #tpu.memory_space<vmem_shared>>
        %dma_wait3A_119 = tpu.memref_squeeze %dma_wait3A_118 : memref<1x16384xi32, #tpu.memory_space<vmem_shared>> -> memref<16384xi32, #tpu.memory_space<vmem_shared>>
        tpu.wait_dma2 semaphore(%run_scoped3A : memref<!tpu.dma_semaphore, #tpu.memory_space<semaphore_mem>>) src(%arg10 : memref<16384xi32, #tpu.memory_space<vmem>>) dst(%dma_wait3A_119 : memref<16384xi32, #tpu.memory_space<vmem_shared>>)
        tpu.yield
      }) : () -> ()
    } else {
    }
    %barrier3A = arith.constant 0 : index
    tpu.barrier barrier_id(%barrier3A)
    %eq3A_104 = arith.constant 0 : i32
    %eq3A_105 = arith.cmpi eq, %select_n3A_30, %eq3A_104 : i32
    %convert_element_type3A_106 = arith.extui %eq3A_105 : i1 to i32
    %cond3A_107 = arith.constant 0 : i32
    %cond3A_108 = arith.cmpi ne, %convert_element_type3A_106, %cond3A_107 : i32
    scf.if %cond3A_108 {
      "tpu.region"() ({
        %run_scoped3A = tpu.sem_alloc : memref<!tpu.dma_semaphore, #tpu.memory_space<semaphore_mem>>
        %dma_start3A_210 = arith.constant 0 : i32
        %dma_start3A_211 = tpu.memref_slice %arg14[%select_n3A_54, %dma_start3A_210] : memref<8x16384xi32, #tpu.memory_space<vmem_shared>> -> memref<1x2048xi32, #tpu.memory_space<vmem_shared>>
        %dma_start3A_212 = tpu.memref_squeeze %dma_start3A_211 : memref<1x2048xi32, #tpu.memory_space<vmem_shared>> -> memref<2048xi32, #tpu.memory_space<vmem_shared>>
        %dma_start3A_213 = arith.constant 0 : i32
        %dma_start3A_214 = tpu.memref_slice %arg14[%select_n3A_54, %dma_start3A_213] : memref<8x16384xi32, #tpu.memory_space<vmem_shared>> -> memref<1x2048xi32, #tpu.memory_space<vmem_shared>>
        %dma_start3A_215 = tpu.memref_squeeze %dma_start3A_214 : memref<1x2048xi32, #tpu.memory_space<vmem_shared>> -> memref<2048xi32, #tpu.memory_space<vmem_shared>>
        tpu.enqueue_dma source(%dma_start3A_215 : memref<2048xi32, #tpu.memory_space<vmem_shared>>) target(%arg9 : memref<2048xi32, #tpu.memory_space<vmem>>) target_semaphore(%run_scoped3A : memref<!tpu.dma_semaphore, #tpu.memory_space<semaphore_mem>>)
        %dma_wait3A = arith.constant 0 : i32
        %dma_wait3A_216 = tpu.memref_slice %arg14[%select_n3A_54, %dma_wait3A] : memref<8x16384xi32, #tpu.memory_space<vmem_shared>> -> memref<1x2048xi32, #tpu.memory_space<vmem_shared>>
        %dma_wait3A_217 = tpu.memref_squeeze %dma_wait3A_216 : memref<1x2048xi32, #tpu.memory_space<vmem_shared>> -> memref<2048xi32, #tpu.memory_space<vmem_shared>>
        %dma_wait3A_218 = arith.constant 0 : i32
        %dma_wait3A_219 = tpu.memref_slice %arg14[%select_n3A_54, %dma_wait3A_218] : memref<8x16384xi32, #tpu.memory_space<vmem_shared>> -> memref<1x2048xi32, #tpu.memory_space<vmem_shared>>
        %dma_wait3A_220 = tpu.memref_squeeze %dma_wait3A_219 : memref<1x2048xi32, #tpu.memory_space<vmem_shared>> -> memref<2048xi32, #tpu.memory_space<vmem_shared>>
        tpu.wait_dma2 semaphore(%run_scoped3A : memref<!tpu.dma_semaphore, #tpu.memory_space<semaphore_mem>>) src(%dma_wait3A_220 : memref<2048xi32, #tpu.memory_space<vmem_shared>>) dst(%arg9 : memref<2048xi32, #tpu.memory_space<vmem>>)
        tpu.yield
      }) : () -> ()
      %parallel_loop3A_109 = arith.constant 0 : i32
      %parallel_loop3A_110 = arith.constant 128 : i32
      %parallel_loop3A_111 = arith.constant 1 : i32
      scf.for %parallel_loop3A_210 = %parallel_loop3A_109 to %parallel_loop3A_110 step %parallel_loop3A_111  : i32 {
        %parallel_loop3A_211 = arith.constant 16 : i32
        %parallel_loop3A_212 = arith.muli %parallel_loop3A_210, %parallel_loop3A_211 : i32
        %parallel_loop3A_213 = arith.constant 0 : i32
        %parallel_loop3A_214 = arith.addi %parallel_loop3A_213, %parallel_loop3A_212 : i32
        %parallel_loop3A_215 = arith.index_cast %parallel_loop3A_214 : i32 to index
        %parallel_loop3A_216 = tpu.vector_load %arg10[%parallel_loop3A_215] {strides = array<i32>} : memref<16384xi32, #tpu.memory_space<vmem>>, vector<16xi32>,
        %parallel_loop3A_217 = arith.constant 16 : i32
        %parallel_loop3A_218 = arith.muli %parallel_loop3A_210, %parallel_loop3A_217 : i32
        %parallel_loop3A_219 = arith.index_cast %parallel_loop3A_218 : i32 to index
        %parallel_loop3A_220 = tpu.vector_load %arg9[%parallel_loop3A_219] {strides = array<i32>} : memref<2048xi32, #tpu.memory_space<vmem>>, vector<16xi32>,
        %parallel_loop3A_221 = arith.addi %parallel_loop3A_216, %parallel_loop3A_220 : vector<16xi32>
        %parallel_loop3A_222 = arith.index_cast %parallel_loop3A_214 : i32 to index
        %parallel_loop3A_223 = tpu.vector_load %arg10[%parallel_loop3A_222] {strides = array<i32>} : memref<16384xi32, #tpu.memory_space<vmem>>, vector<16xi32>,
        tpu.vector_store %arg10[%parallel_loop3A_222], %parallel_loop3A_221 {strides = array<i32>} : memref<16384xi32, #tpu.memory_space<vmem>>, vector<16xi32>,
      } {sc.loop_unroll_factor = 4 : i64, sc.parallel_access}
      "tpu.region"() ({
        %run_scoped3A = tpu.sem_alloc : memref<!tpu.dma_semaphore, #tpu.memory_space<semaphore_mem>>
        %dma_start3A_210 = arith.constant 2048 : i32
        %dma_start3A_211 = tpu.memref_slice %arg14[%select_n3A_54, %dma_start3A_210] : memref<8x16384xi32, #tpu.memory_space<vmem_shared>> -> memref<1x2048xi32, #tpu.memory_space<vmem_shared>>
        %dma_start3A_212 = tpu.memref_squeeze %dma_start3A_211 : memref<1x2048xi32, #tpu.memory_space<vmem_shared>> -> memref<2048xi32, #tpu.memory_space<vmem_shared>>
        %dma_start3A_213 = arith.constant 2048 : i32
        %dma_start3A_214 = tpu.memref_slice %arg14[%select_n3A_54, %dma_start3A_213] : memref<8x16384xi32, #tpu.memory_space<vmem_shared>> -> memref<1x2048xi32, #tpu.memory_space<vmem_shared>>
        %dma_start3A_215 = tpu.memref_squeeze %dma_start3A_214 : memref<1x2048xi32, #tpu.memory_space<vmem_shared>> -> memref<2048xi32, #tpu.memory_space<vmem_shared>>
        tpu.enqueue_dma source(%dma_start3A_215 : memref<2048xi32, #tpu.memory_space<vmem_shared>>) target(%arg9 : memref<2048xi32, #tpu.memory_space<vmem>>) target_semaphore(%run_scoped3A : memref<!tpu.dma_semaphore, #tpu.memory_space<semaphore_mem>>)
        %dma_wait3A = arith.constant 2048 : i32
        %dma_wait3A_216 = tpu.memref_slice %arg14[%select_n3A_54, %dma_wait3A] : memref<8x16384xi32, #tpu.memory_space<vmem_shared>> -> memref<1x2048xi32, #tpu.memory_space<vmem_shared>>
        %dma_wait3A_217 = tpu.memref_squeeze %dma_wait3A_216 : memref<1x2048xi32, #tpu.memory_space<vmem_shared>> -> memref<2048xi32, #tpu.memory_space<vmem_shared>>
        %dma_wait3A_218 = arith.constant 2048 : i32
        %dma_wait3A_219 = tpu.memref_slice %arg14[%select_n3A_54, %dma_wait3A_218] : memref<8x16384xi32, #tpu.memory_space<vmem_shared>> -> memref<1x2048xi32, #tpu.memory_space<vmem_shared>>
        %dma_wait3A_220 = tpu.memref_squeeze %dma_wait3A_219 : memref<1x2048xi32, #tpu.memory_space<vmem_shared>> -> memref<2048xi32, #tpu.memory_space<vmem_shared>>
        tpu.wait_dma2 semaphore(%run_scoped3A : memref<!tpu.dma_semaphore, #tpu.memory_space<semaphore_mem>>) src(%dma_wait3A_220 : memref<2048xi32, #tpu.memory_space<vmem_shared>>) dst(%arg9 : memref<2048xi32, #tpu.memory_space<vmem>>)
        tpu.yield
      }) : () -> ()
      %parallel_loop3A_112 = arith.constant 0 : i32
      %parallel_loop3A_113 = arith.constant 128 : i32
      %parallel_loop3A_114 = arith.constant 1 : i32
      scf.for %parallel_loop3A_210 = %parallel_loop3A_112 to %parallel_loop3A_113 step %parallel_loop3A_114  : i32 {
        %parallel_loop3A_211 = arith.constant 16 : i32
        %parallel_loop3A_212 = arith.muli %parallel_loop3A_210, %parallel_loop3A_211 : i32
        %parallel_loop3A_213 = arith.constant 2048 : i32
        %parallel_loop3A_214 = arith.addi %parallel_loop3A_213, %parallel_loop3A_212 : i32
        %parallel_loop3A_215 = arith.index_cast %parallel_loop3A_214 : i32 to index
        %parallel_loop3A_216 = tpu.vector_load %arg10[%parallel_loop3A_215] {strides = array<i32>} : memref<16384xi32, #tpu.memory_space<vmem>>, vector<16xi32>,
        %parallel_loop3A_217 = arith.constant 16 : i32
        %parallel_loop3A_218 = arith.muli %parallel_loop3A_210, %parallel_loop3A_217 : i32
        %parallel_loop3A_219 = arith.index_cast %parallel_loop3A_218 : i32 to index
        %parallel_loop3A_220 = tpu.vector_load %arg9[%parallel_loop3A_219] {strides = array<i32>} : memref<2048xi32, #tpu.memory_space<vmem>>, vector<16xi32>,
        %parallel_loop3A_221 = arith.addi %parallel_loop3A_216, %parallel_loop3A_220 : vector<16xi32>
        %parallel_loop3A_222 = arith.index_cast %parallel_loop3A_214 : i32 to index
        %parallel_loop3A_223 = tpu.vector_load %arg10[%parallel_loop3A_222] {strides = array<i32>} : memref<16384xi32, #tpu.memory_space<vmem>>, vector<16xi32>,
        tpu.vector_store %arg10[%parallel_loop3A_222], %parallel_loop3A_221 {strides = array<i32>} : memref<16384xi32, #tpu.memory_space<vmem>>, vector<16xi32>,
      } {sc.loop_unroll_factor = 4 : i64, sc.parallel_access}
      "tpu.region"() ({
        %run_scoped3A = tpu.sem_alloc : memref<!tpu.dma_semaphore, #tpu.memory_space<semaphore_mem>>
        %dma_start3A_210 = arith.constant 4096 : i32
        %dma_start3A_211 = tpu.memref_slice %arg14[%select_n3A_54, %dma_start3A_210] : memref<8x16384xi32, #tpu.memory_space<vmem_shared>> -> memref<1x2048xi32, #tpu.memory_space<vmem_shared>>
        %dma_start3A_212 = tpu.memref_squeeze %dma_start3A_211 : memref<1x2048xi32, #tpu.memory_space<vmem_shared>> -> memref<2048xi32, #tpu.memory_space<vmem_shared>>
        %dma_start3A_213 = arith.constant 4096 : i32
        %dma_start3A_214 = tpu.memref_slice %arg14[%select_n3A_54, %dma_start3A_213] : memref<8x16384xi32, #tpu.memory_space<vmem_shared>> -> memref<1x2048xi32, #tpu.memory_space<vmem_shared>>
        %dma_start3A_215 = tpu.memref_squeeze %dma_start3A_214 : memref<1x2048xi32, #tpu.memory_space<vmem_shared>> -> memref<2048xi32, #tpu.memory_space<vmem_shared>>
        tpu.enqueue_dma source(%dma_start3A_215 : memref<2048xi32, #tpu.memory_space<vmem_shared>>) target(%arg9 : memref<2048xi32, #tpu.memory_space<vmem>>) target_semaphore(%run_scoped3A : memref<!tpu.dma_semaphore, #tpu.memory_space<semaphore_mem>>)
        %dma_wait3A = arith.constant 4096 : i32
        %dma_wait3A_216 = tpu.memref_slice %arg14[%select_n3A_54, %dma_wait3A] : memref<8x16384xi32, #tpu.memory_space<vmem_shared>> -> memref<1x2048xi32, #tpu.memory_space<vmem_shared>>
        %dma_wait3A_217 = tpu.memref_squeeze %dma_wait3A_216 : memref<1x2048xi32, #tpu.memory_space<vmem_shared>> -> memref<2048xi32, #tpu.memory_space<vmem_shared>>
        %dma_wait3A_218 = arith.constant 4096 : i32
        %dma_wait3A_219 = tpu.memref_slice %arg14[%select_n3A_54, %dma_wait3A_218] : memref<8x16384xi32, #tpu.memory_space<vmem_shared>> -> memref<1x2048xi32, #tpu.memory_space<vmem_shared>>
        %dma_wait3A_220 = tpu.memref_squeeze %dma_wait3A_219 : memref<1x2048xi32, #tpu.memory_space<vmem_shared>> -> memref<2048xi32, #tpu.memory_space<vmem_shared>>
        tpu.wait_dma2 semaphore(%run_scoped3A : memref<!tpu.dma_semaphore, #tpu.memory_space<semaphore_mem>>) src(%dma_wait3A_220 : memref<2048xi32, #tpu.memory_space<vmem_shared>>) dst(%arg9 : memref<2048xi32, #tpu.memory_space<vmem>>)
        tpu.yield
      }) : () -> ()
      %parallel_loop3A_115 = arith.constant 0 : i32
      %parallel_loop3A_116 = arith.constant 128 : i32
      %parallel_loop3A_117 = arith.constant 1 : i32
      scf.for %parallel_loop3A_210 = %parallel_loop3A_115 to %parallel_loop3A_116 step %parallel_loop3A_117  : i32 {
        %parallel_loop3A_211 = arith.constant 16 : i32
        %parallel_loop3A_212 = arith.muli %parallel_loop3A_210, %parallel_loop3A_211 : i32
        %parallel_loop3A_213 = arith.constant 4096 : i32
        %parallel_loop3A_214 = arith.addi %parallel_loop3A_213, %parallel_loop3A_212 : i32
        %parallel_loop3A_215 = arith.index_cast %parallel_loop3A_214 : i32 to index
        %parallel_loop3A_216 = tpu.vector_load %arg10[%parallel_loop3A_215] {strides = array<i32>} : memref<16384xi32, #tpu.memory_space<vmem>>, vector<16xi32>,
        %parallel_loop3A_217 = arith.constant 16 : i32
        %parallel_loop3A_218 = arith.muli %parallel_loop3A_210, %parallel_loop3A_217 : i32
        %parallel_loop3A_219 = arith.index_cast %parallel_loop3A_218 : i32 to index
        %parallel_loop3A_220 = tpu.vector_load %arg9[%parallel_loop3A_219] {strides = array<i32>} : memref<2048xi32, #tpu.memory_space<vmem>>, vector<16xi32>,
        %parallel_loop3A_221 = arith.addi %parallel_loop3A_216, %parallel_loop3A_220 : vector<16xi32>
        %parallel_loop3A_222 = arith.index_cast %parallel_loop3A_214 : i32 to index
        %parallel_loop3A_223 = tpu.vector_load %arg10[%parallel_loop3A_222] {strides = array<i32>} : memref<16384xi32, #tpu.memory_space<vmem>>, vector<16xi32>,
        tpu.vector_store %arg10[%parallel_loop3A_222], %parallel_loop3A_221 {strides = array<i32>} : memref<16384xi32, #tpu.memory_space<vmem>>, vector<16xi32>,
      } {sc.loop_unroll_factor = 4 : i64, sc.parallel_access}
      "tpu.region"() ({
        %run_scoped3A = tpu.sem_alloc : memref<!tpu.dma_semaphore, #tpu.memory_space<semaphore_mem>>
        %dma_start3A_210 = arith.constant 6144 : i32
        %dma_start3A_211 = tpu.memref_slice %arg14[%select_n3A_54, %dma_start3A_210] : memref<8x16384xi32, #tpu.memory_space<vmem_shared>> -> memref<1x2048xi32, #tpu.memory_space<vmem_shared>>
        %dma_start3A_212 = tpu.memref_squeeze %dma_start3A_211 : memref<1x2048xi32, #tpu.memory_space<vmem_shared>> -> memref<2048xi32, #tpu.memory_space<vmem_shared>>
        %dma_start3A_213 = arith.constant 6144 : i32
        %dma_start3A_214 = tpu.memref_slice %arg14[%select_n3A_54, %dma_start3A_213] : memref<8x16384xi32, #tpu.memory_space<vmem_shared>> -> memref<1x2048xi32, #tpu.memory_space<vmem_shared>>
        %dma_start3A_215 = tpu.memref_squeeze %dma_start3A_214 : memref<1x2048xi32, #tpu.memory_space<vmem_shared>> -> memref<2048xi32, #tpu.memory_space<vmem_shared>>
        tpu.enqueue_dma source(%dma_start3A_215 : memref<2048xi32, #tpu.memory_space<vmem_shared>>) target(%arg9 : memref<2048xi32, #tpu.memory_space<vmem>>) target_semaphore(%run_scoped3A : memref<!tpu.dma_semaphore, #tpu.memory_space<semaphore_mem>>)
        %dma_wait3A = arith.constant 6144 : i32
        %dma_wait3A_216 = tpu.memref_slice %arg14[%select_n3A_54, %dma_wait3A] : memref<8x16384xi32, #tpu.memory_space<vmem_shared>> -> memref<1x2048xi32, #tpu.memory_space<vmem_shared>>
        %dma_wait3A_217 = tpu.memref_squeeze %dma_wait3A_216 : memref<1x2048xi32, #tpu.memory_space<vmem_shared>> -> memref<2048xi32, #tpu.memory_space<vmem_shared>>
        %dma_wait3A_218 = arith.constant 6144 : i32
        %dma_wait3A_219 = tpu.memref_slice %arg14[%select_n3A_54, %dma_wait3A_218] : memref<8x16384xi32, #tpu.memory_space<vmem_shared>> -> memref<1x2048xi32, #tpu.memory_space<vmem_shared>>
        %dma_wait3A_220 = tpu.memref_squeeze %dma_wait3A_219 : memref<1x2048xi32, #tpu.memory_space<vmem_shared>> -> memref<2048xi32, #tpu.memory_space<vmem_shared>>
        tpu.wait_dma2 semaphore(%run_scoped3A : memref<!tpu.dma_semaphore, #tpu.memory_space<semaphore_mem>>) src(%dma_wait3A_220 : memref<2048xi32, #tpu.memory_space<vmem_shared>>) dst(%arg9 : memref<2048xi32, #tpu.memory_space<vmem>>)
        tpu.yield
      }) : () -> ()
      %parallel_loop3A_118 = arith.constant 0 : i32
      %parallel_loop3A_119 = arith.constant 128 : i32
      %parallel_loop3A_120 = arith.constant 1 : i32
      scf.for %parallel_loop3A_210 = %parallel_loop3A_118 to %parallel_loop3A_119 step %parallel_loop3A_120  : i32 {
        %parallel_loop3A_211 = arith.constant 16 : i32
        %parallel_loop3A_212 = arith.muli %parallel_loop3A_210, %parallel_loop3A_211 : i32
        %parallel_loop3A_213 = arith.constant 6144 : i32
        %parallel_loop3A_214 = arith.addi %parallel_loop3A_213, %parallel_loop3A_212 : i32
        %parallel_loop3A_215 = arith.index_cast %parallel_loop3A_214 : i32 to index
        %parallel_loop3A_216 = tpu.vector_load %arg10[%parallel_loop3A_215] {strides = array<i32>} : memref<16384xi32, #tpu.memory_space<vmem>>, vector<16xi32>,
        %parallel_loop3A_217 = arith.constant 16 : i32
        %parallel_loop3A_218 = arith.muli %parallel_loop3A_210, %parallel_loop3A_217 : i32
        %parallel_loop3A_219 = arith.index_cast %parallel_loop3A_218 : i32 to index
        %parallel_loop3A_220 = tpu.vector_load %arg9[%parallel_loop3A_219] {strides = array<i32>} : memref<2048xi32, #tpu.memory_space<vmem>>, vector<16xi32>,
        %parallel_loop3A_221 = arith.addi %parallel_loop3A_216, %parallel_loop3A_220 : vector<16xi32>
        %parallel_loop3A_222 = arith.index_cast %parallel_loop3A_214 : i32 to index
        %parallel_loop3A_223 = tpu.vector_load %arg10[%parallel_loop3A_222] {strides = array<i32>} : memref<16384xi32, #tpu.memory_space<vmem>>, vector<16xi32>,
        tpu.vector_store %arg10[%parallel_loop3A_222], %parallel_loop3A_221 {strides = array<i32>} : memref<16384xi32, #tpu.memory_space<vmem>>, vector<16xi32>,
      } {sc.loop_unroll_factor = 4 : i64, sc.parallel_access}
      "tpu.region"() ({
        %run_scoped3A = tpu.sem_alloc : memref<!tpu.dma_semaphore, #tpu.memory_space<semaphore_mem>>
        %dma_start3A_210 = arith.constant 8192 : i32
        %dma_start3A_211 = tpu.memref_slice %arg14[%select_n3A_54, %dma_start3A_210] : memref<8x16384xi32, #tpu.memory_space<vmem_shared>> -> memref<1x2048xi32, #tpu.memory_space<vmem_shared>>
        %dma_start3A_212 = tpu.memref_squeeze %dma_start3A_211 : memref<1x2048xi32, #tpu.memory_space<vmem_shared>> -> memref<2048xi32, #tpu.memory_space<vmem_shared>>
        %dma_start3A_213 = arith.constant 8192 : i32
        %dma_start3A_214 = tpu.memref_slice %arg14[%select_n3A_54, %dma_start3A_213] : memref<8x16384xi32, #tpu.memory_space<vmem_shared>> -> memref<1x2048xi32, #tpu.memory_space<vmem_shared>>
        %dma_start3A_215 = tpu.memref_squeeze %dma_start3A_214 : memref<1x2048xi32, #tpu.memory_space<vmem_shared>> -> memref<2048xi32, #tpu.memory_space<vmem_shared>>
        tpu.enqueue_dma source(%dma_start3A_215 : memref<2048xi32, #tpu.memory_space<vmem_shared>>) target(%arg9 : memref<2048xi32, #tpu.memory_space<vmem>>) target_semaphore(%run_scoped3A : memref<!tpu.dma_semaphore, #tpu.memory_space<semaphore_mem>>)
        %dma_wait3A = arith.constant 8192 : i32
        %dma_wait3A_216 = tpu.memref_slice %arg14[%select_n3A_54, %dma_wait3A] : memref<8x16384xi32, #tpu.memory_space<vmem_shared>> -> memref<1x2048xi32, #tpu.memory_space<vmem_shared>>
        %dma_wait3A_217 = tpu.memref_squeeze %dma_wait3A_216 : memref<1x2048xi32, #tpu.memory_space<vmem_shared>> -> memref<2048xi32, #tpu.memory_space<vmem_shared>>
        %dma_wait3A_218 = arith.constant 8192 : i32
        %dma_wait3A_219 = tpu.memref_slice %arg14[%select_n3A_54, %dma_wait3A_218] : memref<8x16384xi32, #tpu.memory_space<vmem_shared>> -> memref<1x2048xi32, #tpu.memory_space<vmem_shared>>
        %dma_wait3A_220 = tpu.memref_squeeze %dma_wait3A_219 : memref<1x2048xi32, #tpu.memory_space<vmem_shared>> -> memref<2048xi32, #tpu.memory_space<vmem_shared>>
        tpu.wait_dma2 semaphore(%run_scoped3A : memref<!tpu.dma_semaphore, #tpu.memory_space<semaphore_mem>>) src(%dma_wait3A_220 : memref<2048xi32, #tpu.memory_space<vmem_shared>>) dst(%arg9 : memref<2048xi32, #tpu.memory_space<vmem>>)
        tpu.yield
      }) : () -> ()
      %parallel_loop3A_121 = arith.constant 0 : i32
      %parallel_loop3A_122 = arith.constant 128 : i32
      %parallel_loop3A_123 = arith.constant 1 : i32
      scf.for %parallel_loop3A_210 = %parallel_loop3A_121 to %parallel_loop3A_122 step %parallel_loop3A_123  : i32 {
        %parallel_loop3A_211 = arith.constant 16 : i32
        %parallel_loop3A_212 = arith.muli %parallel_loop3A_210, %parallel_loop3A_211 : i32
        %parallel_loop3A_213 = arith.constant 8192 : i32
        %parallel_loop3A_214 = arith.addi %parallel_loop3A_213, %parallel_loop3A_212 : i32
        %parallel_loop3A_215 = arith.index_cast %parallel_loop3A_214 : i32 to index
        %parallel_loop3A_216 = tpu.vector_load %arg10[%parallel_loop3A_215] {strides = array<i32>} : memref<16384xi32, #tpu.memory_space<vmem>>, vector<16xi32>,
        %parallel_loop3A_217 = arith.constant 16 : i32
        %parallel_loop3A_218 = arith.muli %parallel_loop3A_210, %parallel_loop3A_217 : i32
        %parallel_loop3A_219 = arith.index_cast %parallel_loop3A_218 : i32 to index
        %parallel_loop3A_220 = tpu.vector_load %arg9[%parallel_loop3A_219] {strides = array<i32>} : memref<2048xi32, #tpu.memory_space<vmem>>, vector<16xi32>,
        %parallel_loop3A_221 = arith.addi %parallel_loop3A_216, %parallel_loop3A_220 : vector<16xi32>
        %parallel_loop3A_222 = arith.index_cast %parallel_loop3A_214 : i32 to index
        %parallel_loop3A_223 = tpu.vector_load %arg10[%parallel_loop3A_222] {strides = array<i32>} : memref<16384xi32, #tpu.memory_space<vmem>>, vector<16xi32>,
        tpu.vector_store %arg10[%parallel_loop3A_222], %parallel_loop3A_221 {strides = array<i32>} : memref<16384xi32, #tpu.memory_space<vmem>>, vector<16xi32>,
      } {sc.loop_unroll_factor = 4 : i64, sc.parallel_access}
      "tpu.region"() ({
        %run_scoped3A = tpu.sem_alloc : memref<!tpu.dma_semaphore, #tpu.memory_space<semaphore_mem>>
        %dma_start3A_210 = arith.constant 10240 : i32
        %dma_start3A_211 = tpu.memref_slice %arg14[%select_n3A_54, %dma_start3A_210] : memref<8x16384xi32, #tpu.memory_space<vmem_shared>> -> memref<1x2048xi32, #tpu.memory_space<vmem_shared>>
        %dma_start3A_212 = tpu.memref_squeeze %dma_start3A_211 : memref<1x2048xi32, #tpu.memory_space<vmem_shared>> -> memref<2048xi32, #tpu.memory_space<vmem_shared>>
        %dma_start3A_213 = arith.constant 10240 : i32
        %dma_start3A_214 = tpu.memref_slice %arg14[%select_n3A_54, %dma_start3A_213] : memref<8x16384xi32, #tpu.memory_space<vmem_shared>> -> memref<1x2048xi32, #tpu.memory_space<vmem_shared>>
        %dma_start3A_215 = tpu.memref_squeeze %dma_start3A_214 : memref<1x2048xi32, #tpu.memory_space<vmem_shared>> -> memref<2048xi32, #tpu.memory_space<vmem_shared>>
        tpu.enqueue_dma source(%dma_start3A_215 : memref<2048xi32, #tpu.memory_space<vmem_shared>>) target(%arg9 : memref<2048xi32, #tpu.memory_space<vmem>>) target_semaphore(%run_scoped3A : memref<!tpu.dma_semaphore, #tpu.memory_space<semaphore_mem>>)
        %dma_wait3A = arith.constant 10240 : i32
        %dma_wait3A_216 = tpu.memref_slice %arg14[%select_n3A_54, %dma_wait3A] : memref<8x16384xi32, #tpu.memory_space<vmem_shared>> -> memref<1x2048xi32, #tpu.memory_space<vmem_shared>>
        %dma_wait3A_217 = tpu.memref_squeeze %dma_wait3A_216 : memref<1x2048xi32, #tpu.memory_space<vmem_shared>> -> memref<2048xi32, #tpu.memory_space<vmem_shared>>
        %dma_wait3A_218 = arith.constant 10240 : i32
        %dma_wait3A_219 = tpu.memref_slice %arg14[%select_n3A_54, %dma_wait3A_218] : memref<8x16384xi32, #tpu.memory_space<vmem_shared>> -> memref<1x2048xi32, #tpu.memory_space<vmem_shared>>
        %dma_wait3A_220 = tpu.memref_squeeze %dma_wait3A_219 : memref<1x2048xi32, #tpu.memory_space<vmem_shared>> -> memref<2048xi32, #tpu.memory_space<vmem_shared>>
        tpu.wait_dma2 semaphore(%run_scoped3A : memref<!tpu.dma_semaphore, #tpu.memory_space<semaphore_mem>>) src(%dma_wait3A_220 : memref<2048xi32, #tpu.memory_space<vmem_shared>>) dst(%arg9 : memref<2048xi32, #tpu.memory_space<vmem>>)
        tpu.yield
      }) : () -> ()
      %parallel_loop3A_124 = arith.constant 0 : i32
      %parallel_loop3A_125 = arith.constant 128 : i32
      %parallel_loop3A_126 = arith.constant 1 : i32
      scf.for %parallel_loop3A_210 = %parallel_loop3A_124 to %parallel_loop3A_125 step %parallel_loop3A_126  : i32 {
        %parallel_loop3A_211 = arith.constant 16 : i32
        %parallel_loop3A_212 = arith.muli %parallel_loop3A_210, %parallel_loop3A_211 : i32
        %parallel_loop3A_213 = arith.constant 10240 : i32
        %parallel_loop3A_214 = arith.addi %parallel_loop3A_213, %parallel_loop3A_212 : i32
        %parallel_loop3A_215 = arith.index_cast %parallel_loop3A_214 : i32 to index
        %parallel_loop3A_216 = tpu.vector_load %arg10[%parallel_loop3A_215] {strides = array<i32>} : memref<16384xi32, #tpu.memory_space<vmem>>, vector<16xi32>,
        %parallel_loop3A_217 = arith.constant 16 : i32
        %parallel_loop3A_218 = arith.muli %parallel_loop3A_210, %parallel_loop3A_217 : i32
        %parallel_loop3A_219 = arith.index_cast %parallel_loop3A_218 : i32 to index
        %parallel_loop3A_220 = tpu.vector_load %arg9[%parallel_loop3A_219] {strides = array<i32>} : memref<2048xi32, #tpu.memory_space<vmem>>, vector<16xi32>,
        %parallel_loop3A_221 = arith.addi %parallel_loop3A_216, %parallel_loop3A_220 : vector<16xi32>
        %parallel_loop3A_222 = arith.index_cast %parallel_loop3A_214 : i32 to index
        %parallel_loop3A_223 = tpu.vector_load %arg10[%parallel_loop3A_222] {strides = array<i32>} : memref<16384xi32, #tpu.memory_space<vmem>>, vector<16xi32>,
        tpu.vector_store %arg10[%parallel_loop3A_222], %parallel_loop3A_221 {strides = array<i32>} : memref<16384xi32, #tpu.memory_space<vmem>>, vector<16xi32>,
      } {sc.loop_unroll_factor = 4 : i64, sc.parallel_access}
      "tpu.region"() ({
        %run_scoped3A = tpu.sem_alloc : memref<!tpu.dma_semaphore, #tpu.memory_space<semaphore_mem>>
        %dma_start3A_210 = arith.constant 12288 : i32
        %dma_start3A_211 = tpu.memref_slice %arg14[%select_n3A_54, %dma_start3A_210] : memref<8x16384xi32, #tpu.memory_space<vmem_shared>> -> memref<1x2048xi32, #tpu.memory_space<vmem_shared>>
        %dma_start3A_212 = tpu.memref_squeeze %dma_start3A_211 : memref<1x2048xi32, #tpu.memory_space<vmem_shared>> -> memref<2048xi32, #tpu.memory_space<vmem_shared>>
        %dma_start3A_213 = arith.constant 12288 : i32
        %dma_start3A_214 = tpu.memref_slice %arg14[%select_n3A_54, %dma_start3A_213] : memref<8x16384xi32, #tpu.memory_space<vmem_shared>> -> memref<1x2048xi32, #tpu.memory_space<vmem_shared>>
        %dma_start3A_215 = tpu.memref_squeeze %dma_start3A_214 : memref<1x2048xi32, #tpu.memory_space<vmem_shared>> -> memref<2048xi32, #tpu.memory_space<vmem_shared>>
        tpu.enqueue_dma source(%dma_start3A_215 : memref<2048xi32, #tpu.memory_space<vmem_shared>>) target(%arg9 : memref<2048xi32, #tpu.memory_space<vmem>>) target_semaphore(%run_scoped3A : memref<!tpu.dma_semaphore, #tpu.memory_space<semaphore_mem>>)
        %dma_wait3A = arith.constant 12288 : i32
        %dma_wait3A_216 = tpu.memref_slice %arg14[%select_n3A_54, %dma_wait3A] : memref<8x16384xi32, #tpu.memory_space<vmem_shared>> -> memref<1x2048xi32, #tpu.memory_space<vmem_shared>>
        %dma_wait3A_217 = tpu.memref_squeeze %dma_wait3A_216 : memref<1x2048xi32, #tpu.memory_space<vmem_shared>> -> memref<2048xi32, #tpu.memory_space<vmem_shared>>
        %dma_wait3A_218 = arith.constant 12288 : i32
        %dma_wait3A_219 = tpu.memref_slice %arg14[%select_n3A_54, %dma_wait3A_218] : memref<8x16384xi32, #tpu.memory_space<vmem_shared>> -> memref<1x2048xi32, #tpu.memory_space<vmem_shared>>
        %dma_wait3A_220 = tpu.memref_squeeze %dma_wait3A_219 : memref<1x2048xi32, #tpu.memory_space<vmem_shared>> -> memref<2048xi32, #tpu.memory_space<vmem_shared>>
        tpu.wait_dma2 semaphore(%run_scoped3A : memref<!tpu.dma_semaphore, #tpu.memory_space<semaphore_mem>>) src(%dma_wait3A_220 : memref<2048xi32, #tpu.memory_space<vmem_shared>>) dst(%arg9 : memref<2048xi32, #tpu.memory_space<vmem>>)
        tpu.yield
      }) : () -> ()
      %parallel_loop3A_127 = arith.constant 0 : i32
      %parallel_loop3A_128 = arith.constant 128 : i32
      %parallel_loop3A_129 = arith.constant 1 : i32
      scf.for %parallel_loop3A_210 = %parallel_loop3A_127 to %parallel_loop3A_128 step %parallel_loop3A_129  : i32 {
        %parallel_loop3A_211 = arith.constant 16 : i32
        %parallel_loop3A_212 = arith.muli %parallel_loop3A_210, %parallel_loop3A_211 : i32
        %parallel_loop3A_213 = arith.constant 12288 : i32
        %parallel_loop3A_214 = arith.addi %parallel_loop3A_213, %parallel_loop3A_212 : i32
        %parallel_loop3A_215 = arith.index_cast %parallel_loop3A_214 : i32 to index
        %parallel_loop3A_216 = tpu.vector_load %arg10[%parallel_loop3A_215] {strides = array<i32>} : memref<16384xi32, #tpu.memory_space<vmem>>, vector<16xi32>,
        %parallel_loop3A_217 = arith.constant 16 : i32
        %parallel_loop3A_218 = arith.muli %parallel_loop3A_210, %parallel_loop3A_217 : i32
        %parallel_loop3A_219 = arith.index_cast %parallel_loop3A_218 : i32 to index
        %parallel_loop3A_220 = tpu.vector_load %arg9[%parallel_loop3A_219] {strides = array<i32>} : memref<2048xi32, #tpu.memory_space<vmem>>, vector<16xi32>,
        %parallel_loop3A_221 = arith.addi %parallel_loop3A_216, %parallel_loop3A_220 : vector<16xi32>
        %parallel_loop3A_222 = arith.index_cast %parallel_loop3A_214 : i32 to index
        %parallel_loop3A_223 = tpu.vector_load %arg10[%parallel_loop3A_222] {strides = array<i32>} : memref<16384xi32, #tpu.memory_space<vmem>>, vector<16xi32>,
        tpu.vector_store %arg10[%parallel_loop3A_222], %parallel_loop3A_221 {strides = array<i32>} : memref<16384xi32, #tpu.memory_space<vmem>>, vector<16xi32>,
      } {sc.loop_unroll_factor = 4 : i64, sc.parallel_access}
      "tpu.region"() ({
        %run_scoped3A = tpu.sem_alloc : memref<!tpu.dma_semaphore, #tpu.memory_space<semaphore_mem>>
        %dma_start3A_210 = arith.constant 14336 : i32
        %dma_start3A_211 = tpu.memref_slice %arg14[%select_n3A_54, %dma_start3A_210] : memref<8x16384xi32, #tpu.memory_space<vmem_shared>> -> memref<1x2048xi32, #tpu.memory_space<vmem_shared>>
        %dma_start3A_212 = tpu.memref_squeeze %dma_start3A_211 : memref<1x2048xi32, #tpu.memory_space<vmem_shared>> -> memref<2048xi32, #tpu.memory_space<vmem_shared>>
        %dma_start3A_213 = arith.constant 14336 : i32
        %dma_start3A_214 = tpu.memref_slice %arg14[%select_n3A_54, %dma_start3A_213] : memref<8x16384xi32, #tpu.memory_space<vmem_shared>> -> memref<1x2048xi32, #tpu.memory_space<vmem_shared>>
        %dma_start3A_215 = tpu.memref_squeeze %dma_start3A_214 : memref<1x2048xi32, #tpu.memory_space<vmem_shared>> -> memref<2048xi32, #tpu.memory_space<vmem_shared>>
        tpu.enqueue_dma source(%dma_start3A_215 : memref<2048xi32, #tpu.memory_space<vmem_shared>>) target(%arg9 : memref<2048xi32, #tpu.memory_space<vmem>>) target_semaphore(%run_scoped3A : memref<!tpu.dma_semaphore, #tpu.memory_space<semaphore_mem>>)
        %dma_wait3A = arith.constant 14336 : i32
        %dma_wait3A_216 = tpu.memref_slice %arg14[%select_n3A_54, %dma_wait3A] : memref<8x16384xi32, #tpu.memory_space<vmem_shared>> -> memref<1x2048xi32, #tpu.memory_space<vmem_shared>>
        %dma_wait3A_217 = tpu.memref_squeeze %dma_wait3A_216 : memref<1x2048xi32, #tpu.memory_space<vmem_shared>> -> memref<2048xi32, #tpu.memory_space<vmem_shared>>
        %dma_wait3A_218 = arith.constant 14336 : i32
        %dma_wait3A_219 = tpu.memref_slice %arg14[%select_n3A_54, %dma_wait3A_218] : memref<8x16384xi32, #tpu.memory_space<vmem_shared>> -> memref<1x2048xi32, #tpu.memory_space<vmem_shared>>
        %dma_wait3A_220 = tpu.memref_squeeze %dma_wait3A_219 : memref<1x2048xi32, #tpu.memory_space<vmem_shared>> -> memref<2048xi32, #tpu.memory_space<vmem_shared>>
        tpu.wait_dma2 semaphore(%run_scoped3A : memref<!tpu.dma_semaphore, #tpu.memory_space<semaphore_mem>>) src(%dma_wait3A_220 : memref<2048xi32, #tpu.memory_space<vmem_shared>>) dst(%arg9 : memref<2048xi32, #tpu.memory_space<vmem>>)
        tpu.yield
      }) : () -> ()
      %parallel_loop3A_130 = arith.constant 0 : i32
      %parallel_loop3A_131 = arith.constant 128 : i32
      %parallel_loop3A_132 = arith.constant 1 : i32
      scf.for %parallel_loop3A_210 = %parallel_loop3A_130 to %parallel_loop3A_131 step %parallel_loop3A_132  : i32 {
        %parallel_loop3A_211 = arith.constant 16 : i32
        %parallel_loop3A_212 = arith.muli %parallel_loop3A_210, %parallel_loop3A_211 : i32
        %parallel_loop3A_213 = arith.constant 14336 : i32
        %parallel_loop3A_214 = arith.addi %parallel_loop3A_213, %parallel_loop3A_212 : i32
        %parallel_loop3A_215 = arith.index_cast %parallel_loop3A_214 : i32 to index
        %parallel_loop3A_216 = tpu.vector_load %arg10[%parallel_loop3A_215] {strides = array<i32>} : memref<16384xi32, #tpu.memory_space<vmem>>, vector<16xi32>,
        %parallel_loop3A_217 = arith.constant 16 : i32
        %parallel_loop3A_218 = arith.muli %parallel_loop3A_210, %parallel_loop3A_217 : i32
        %parallel_loop3A_219 = arith.index_cast %parallel_loop3A_218 : i32 to index
        %parallel_loop3A_220 = tpu.vector_load %arg9[%parallel_loop3A_219] {strides = array<i32>} : memref<2048xi32, #tpu.memory_space<vmem>>, vector<16xi32>,
        %parallel_loop3A_221 = arith.addi %parallel_loop3A_216, %parallel_loop3A_220 : vector<16xi32>
        %parallel_loop3A_222 = arith.index_cast %parallel_loop3A_214 : i32 to index
        %parallel_loop3A_223 = tpu.vector_load %arg10[%parallel_loop3A_222] {strides = array<i32>} : memref<16384xi32, #tpu.memory_space<vmem>>, vector<16xi32>,
        tpu.vector_store %arg10[%parallel_loop3A_222], %parallel_loop3A_221 {strides = array<i32>} : memref<16384xi32, #tpu.memory_space<vmem>>, vector<16xi32>,
      } {sc.loop_unroll_factor = 4 : i64, sc.parallel_access}
      %parallel_loop3A_133 = arith.constant 0 : i32
      %parallel_loop3A_134 = arith.constant 64 : i32
      %parallel_loop3A_135 = arith.constant 1 : i32
      scf.for %parallel_loop3A_210 = %parallel_loop3A_133 to %parallel_loop3A_134 step %parallel_loop3A_135  : i32 {
        %parallel_loop3A_211 = arith.constant 0 : i32
        %parallel_loop3A_212 = arith.constant 16 : i32
        %parallel_loop3A_213 = arith.addi %parallel_loop3A_211, %parallel_loop3A_212 : i32
        %parallel_loop3A_214 = arith.constant 4 : i32
        %parallel_loop3A_215:2 = scf.for %scan3A_229 = %parallel_loop3A_211 to %parallel_loop3A_213 step %parallel_loop3A_214 iter_args(%scan3A_230 = %broadcast_in_dim3A_57, %scan3A_231 = %broadcast_in_dim3A_59) -> (vector<16xi32>, vector<16xf32>)  : i32 {
          %parallel_loop3A_232 = arith.constant 256 : i32
          %parallel_loop3A_233 = arith.muli %parallel_loop3A_210, %parallel_loop3A_232 : i32
          %parallel_loop3A_234 = arith.constant 16 : i32
          %parallel_loop3A_235 = arith.muli %scan3A_229, %parallel_loop3A_234 : i32
          %parallel_loop3A_236 = arith.addi %parallel_loop3A_233, %parallel_loop3A_235 : i32
          %parallel_loop3A_237 = arith.index_cast %parallel_loop3A_236 : i32 to index
          %parallel_loop3A_238 = tpu.vector_load %arg10[%parallel_loop3A_237] {strides = array<i32>} : memref<16384xi32, #tpu.memory_space<vmem>>, vector<16xi32>,
          %parallel_loop3A_239 = arith.addi %scan3A_230, %parallel_loop3A_238 : vector<16xi32>
          %parallel_loop3A_240 = arith.sitofp %parallel_loop3A_238 : vector<16xi32> to vector<16xf32>
          %parallel_loop3A_241 = tpu.iota {dimensions = array<i32: 0>} : vector<16xi32>
          %parallel_loop3A_242 = vector.broadcast %parallel_loop3A_236 : i32 to vector<16xi32>
          %parallel_loop3A_243 = arith.addi %parallel_loop3A_242, %parallel_loop3A_241 : vector<16xi32>
          %parallel_loop3A_244 = arith.constant 17 : i32
          %parallel_loop3A_245 = vector.broadcast %parallel_loop3A_244 : i32 to vector<16xi32>
          %parallel_loop3A_246 = arith.shli %parallel_loop3A_243, %parallel_loop3A_245 : vector<16xi32>
          %parallel_loop3A_247 = arith.constant 65536 : i32
          %parallel_loop3A_248 = vector.broadcast %parallel_loop3A_247 : i32 to vector<16xi32>
          %parallel_loop3A_249 = arith.ori %parallel_loop3A_246, %parallel_loop3A_248 : vector<16xi32>
          %parallel_loop3A_250 = tpu.bitcast %parallel_loop3A_249 : vector<16xi32> -> vector<16xf32>
          %parallel_loop3A_251 = arith.mulf %parallel_loop3A_240, %parallel_loop3A_250 : vector<16xf32>
          %parallel_loop3A_252 = arith.addf %scan3A_231, %parallel_loop3A_251 : vector<16xf32>
          %parallel_loop3A_253 = arith.constant 1 : i32
          %parallel_loop3A_254 = arith.addi %scan3A_229, %parallel_loop3A_253 : i32
          %parallel_loop3A_255 = arith.constant 256 : i32
          %parallel_loop3A_256 = arith.muli %parallel_loop3A_210, %parallel_loop3A_255 : i32
          %parallel_loop3A_257 = arith.constant 16 : i32
          %parallel_loop3A_258 = arith.muli %parallel_loop3A_254, %parallel_loop3A_257 : i32
          %parallel_loop3A_259 = arith.addi %parallel_loop3A_256, %parallel_loop3A_258 : i32
          %parallel_loop3A_260 = arith.index_cast %parallel_loop3A_259 : i32 to index
          %parallel_loop3A_261 = tpu.vector_load %arg10[%parallel_loop3A_260] {strides = array<i32>} : memref<16384xi32, #tpu.memory_space<vmem>>, vector<16xi32>,
          %parallel_loop3A_262 = arith.addi %parallel_loop3A_239, %parallel_loop3A_261 : vector<16xi32>
          %parallel_loop3A_263 = arith.sitofp %parallel_loop3A_261 : vector<16xi32> to vector<16xf32>
          %parallel_loop3A_264 = tpu.iota {dimensions = array<i32: 0>} : vector<16xi32>
          %parallel_loop3A_265 = vector.broadcast %parallel_loop3A_259 : i32 to vector<16xi32>
          %parallel_loop3A_266 = arith.addi %parallel_loop3A_265, %parallel_loop3A_264 : vector<16xi32>
          %parallel_loop3A_267 = arith.constant 17 : i32
          %parallel_loop3A_268 = vector.broadcast %parallel_loop3A_267 : i32 to vector<16xi32>
          %parallel_loop3A_269 = arith.shli %parallel_loop3A_266, %parallel_loop3A_268 : vector<16xi32>
          %parallel_loop3A_270 = arith.constant 65536 : i32
          %parallel_loop3A_271 = vector.broadcast %parallel_loop3A_270 : i32 to vector<16xi32>
          %parallel_loop3A_272 = arith.ori %parallel_loop3A_269, %parallel_loop3A_271 : vector<16xi32>
          %parallel_loop3A_273 = tpu.bitcast %parallel_loop3A_272 : vector<16xi32> -> vector<16xf32>
          %parallel_loop3A_274 = arith.mulf %parallel_loop3A_263, %parallel_loop3A_273 : vector<16xf32>
          %parallel_loop3A_275 = arith.addf %parallel_loop3A_252, %parallel_loop3A_274 : vector<16xf32>
          %parallel_loop3A_276 = arith.constant 2 : i32
          %parallel_loop3A_277 = arith.addi %scan3A_229, %parallel_loop3A_276 : i32
          %parallel_loop3A_278 = arith.constant 256 : i32
          %parallel_loop3A_279 = arith.muli %parallel_loop3A_210, %parallel_loop3A_278 : i32
          %parallel_loop3A_280 = arith.constant 16 : i32
          %parallel_loop3A_281 = arith.muli %parallel_loop3A_277, %parallel_loop3A_280 : i32
          %parallel_loop3A_282 = arith.addi %parallel_loop3A_279, %parallel_loop3A_281 : i32
          %parallel_loop3A_283 = arith.index_cast %parallel_loop3A_282 : i32 to index
          %parallel_loop3A_284 = tpu.vector_load %arg10[%parallel_loop3A_283] {strides = array<i32>} : memref<16384xi32, #tpu.memory_space<vmem>>, vector<16xi32>,
          %parallel_loop3A_285 = arith.addi %parallel_loop3A_262, %parallel_loop3A_284 : vector<16xi32>
          %parallel_loop3A_286 = arith.sitofp %parallel_loop3A_284 : vector<16xi32> to vector<16xf32>
          %parallel_loop3A_287 = tpu.iota {dimensions = array<i32: 0>} : vector<16xi32>
          %parallel_loop3A_288 = vector.broadcast %parallel_loop3A_282 : i32 to vector<16xi32>
          %parallel_loop3A_289 = arith.addi %parallel_loop3A_288, %parallel_loop3A_287 : vector<16xi32>
          %parallel_loop3A_290 = arith.constant 17 : i32
          %parallel_loop3A_291 = vector.broadcast %parallel_loop3A_290 : i32 to vector<16xi32>
          %parallel_loop3A_292 = arith.shli %parallel_loop3A_289, %parallel_loop3A_291 : vector<16xi32>
          %parallel_loop3A_293 = arith.constant 65536 : i32
          %parallel_loop3A_294 = vector.broadcast %parallel_loop3A_293 : i32 to vector<16xi32>
          %parallel_loop3A_295 = arith.ori %parallel_loop3A_292, %parallel_loop3A_294 : vector<16xi32>
          %parallel_loop3A_296 = tpu.bitcast %parallel_loop3A_295 : vector<16xi32> -> vector<16xf32>
          %parallel_loop3A_297 = arith.mulf %parallel_loop3A_286, %parallel_loop3A_296 : vector<16xf32>
          %parallel_loop3A_298 = arith.addf %parallel_loop3A_275, %parallel_loop3A_297 : vector<16xf32>
          %parallel_loop3A_299 = arith.constant 3 : i32
          %parallel_loop3A_300 = arith.addi %scan3A_229, %parallel_loop3A_299 : i32
          %parallel_loop3A_301 = arith.constant 256 : i32
          %parallel_loop3A_302 = arith.muli %parallel_loop3A_210, %parallel_loop3A_301 : i32
          %parallel_loop3A_303 = arith.constant 16 : i32
          %parallel_loop3A_304 = arith.muli %parallel_loop3A_300, %parallel_loop3A_303 : i32
          %parallel_loop3A_305 = arith.addi %parallel_loop3A_302, %parallel_loop3A_304 : i32
          %parallel_loop3A_306 = arith.index_cast %parallel_loop3A_305 : i32 to index
          %parallel_loop3A_307 = tpu.vector_load %arg10[%parallel_loop3A_306] {strides = array<i32>} : memref<16384xi32, #tpu.memory_space<vmem>>, vector<16xi32>,
          %parallel_loop3A_308 = arith.addi %parallel_loop3A_285, %parallel_loop3A_307 : vector<16xi32>
          %parallel_loop3A_309 = arith.sitofp %parallel_loop3A_307 : vector<16xi32> to vector<16xf32>
          %parallel_loop3A_310 = tpu.iota {dimensions = array<i32: 0>} : vector<16xi32>
          %parallel_loop3A_311 = vector.broadcast %parallel_loop3A_305 : i32 to vector<16xi32>
          %parallel_loop3A_312 = arith.addi %parallel_loop3A_311, %parallel_loop3A_310 : vector<16xi32>
          %parallel_loop3A_313 = arith.constant 17 : i32
          %parallel_loop3A_314 = vector.broadcast %parallel_loop3A_313 : i32 to vector<16xi32>
          %parallel_loop3A_315 = arith.shli %parallel_loop3A_312, %parallel_loop3A_314 : vector<16xi32>
          %parallel_loop3A_316 = arith.constant 65536 : i32
          %parallel_loop3A_317 = vector.broadcast %parallel_loop3A_316 : i32 to vector<16xi32>
          %parallel_loop3A_318 = arith.ori %parallel_loop3A_315, %parallel_loop3A_317 : vector<16xi32>
          %parallel_loop3A_319 = tpu.bitcast %parallel_loop3A_318 : vector<16xi32> -> vector<16xf32>
          %parallel_loop3A_320 = arith.mulf %parallel_loop3A_309, %parallel_loop3A_319 : vector<16xf32>
          %parallel_loop3A_321 = arith.addf %parallel_loop3A_298, %parallel_loop3A_320 : vector<16xf32>
          scf.yield %parallel_loop3A_308, %parallel_loop3A_321 : vector<16xi32>, vector<16xf32>
        }
        %parallel_loop3A_216 = arith.constant 16 : i32
        %parallel_loop3A_217 = arith.constant true
        %parallel_loop3A_218 = vector.broadcast %parallel_loop3A_217 : i1 to vector<16xi1>
        %parallel_loop3A_219 = tpu.scan <sum>, %parallel_loop3A_215#0 masked %parallel_loop3A_218 : vector<16xi32>, vector<16xi1> -> vector<16xi32>
        %parallel_loop3A_220 = vector.extract %parallel_loop3A_219[15] : i32 from vector<16xi32>
        %parallel_loop3A_221 = arith.index_cast %parallel_loop3A_210 : i32 to index
        %parallel_loop3A_222 = memref.load %arg11[%parallel_loop3A_221] : memref<64xi32, #tpu.memory_space<smem>>
        memref.store %parallel_loop3A_220, %arg11[%parallel_loop3A_221] : memref<64xi32, #tpu.memory_space<smem>>
        %parallel_loop3A_223 = arith.constant true
        %parallel_loop3A_224 = vector.broadcast %parallel_loop3A_223 : i1 to vector<16xi1>
        %parallel_loop3A_225 = tpu.scan <sum>, %parallel_loop3A_215#1 masked %parallel_loop3A_224 : vector<16xf32>, vector<16xi1> -> vector<16xf32>
        %parallel_loop3A_226 = vector.extract %parallel_loop3A_225[15] : f32 from vector<16xf32>
        %parallel_loop3A_227 = arith.index_cast %parallel_loop3A_210 : i32 to index
        %parallel_loop3A_228 = memref.load %arg12[%parallel_loop3A_227] : memref<64xf32, #tpu.memory_space<smem>>
        memref.store %parallel_loop3A_226, %arg12[%parallel_loop3A_227] : memref<64xf32, #tpu.memory_space<smem>>
      } {sc.loop_unroll_factor = 1 : i64, sc.parallel_access}
      %scan3A_136 = arith.constant 0 : i32
      %scan3A_137 = arith.constant 0.000000e+00 : f32
      %scan3A_138 = arith.constant 0 : i32
      %scan3A_139 = arith.constant 0 : i32
      %scan3A_140 = arith.constant 0 : i32
      %scan3A_141 = arith.constant 64 : i32
      %scan3A_142 = arith.addi %scan3A_140, %scan3A_141 : i32
      %scan3A_143 = arith.constant 1 : i32
      %scan3A_144:4 = scf.for %scan3A_210 = %scan3A_140 to %scan3A_142 step %scan3A_143 iter_args(%scan3A_211 = %scan3A_136, %scan3A_212 = %scan3A_137, %scan3A_213 = %scan3A_138, %scan3A_214 = %scan3A_139) -> (i32, f32, i32, i32)  : i32 {
        %get3A_215 = arith.index_cast %scan3A_210 : i32 to index
        %get3A_216 = memref.load %arg11[%get3A_215] : memref<64xi32, #tpu.memory_space<smem>>
        %add3A_217 = arith.addi %scan3A_211, %get3A_216 : i32
        %eq3A_218 = arith.constant 0 : i32
        %eq3A_219 = arith.cmpi eq, %scan3A_214, %eq3A_218 : i32
        %ge3A = arith.constant 209715 : i32
        %ge3A_220 = arith.cmpi sge, %add3A_217, %ge3A : i32
        %and3A_221 = arith.andi %eq3A_219, %ge3A_220 : i1
        %select_n3A_222 = arith.select %and3A_221, %scan3A_210, %scan3A_213 : i32
        %jit3A_223 = arith.constant 1 : i32
        %select_n3A_224 = arith.select %and3A_221, %jit3A_223, %scan3A_214 : i32
        %eq3A_225 = arith.constant 0 : i32
        %eq3A_226 = arith.cmpi eq, %select_n3A_224, %eq3A_225 : i32
        %select_n3A_227 = arith.select %eq3A_226, %add3A_217, %scan3A_211 : i32
        %get3A_228 = arith.index_cast %scan3A_210 : i32 to index
        %get3A_229 = memref.load %arg12[%get3A_228] : memref<64xf32, #tpu.memory_space<smem>>
        %add3A_230 = arith.addf %scan3A_212, %get3A_229 : f32
        %select_n3A_231 = arith.select %eq3A_226, %add3A_230, %scan3A_212 : f32
        scf.yield %select_n3A_227, %select_n3A_231, %select_n3A_222, %select_n3A_224 : i32, f32, i32, i32
      }
      %scan3A_145 = arith.constant 64 : i32
      %scan3A_146 = arith.constant 0 : i32
      %scan3A_147 = arith.constant 0 : i32
      %scan3A_148 = arith.constant 0 : i32
      %scan3A_149 = arith.constant 16 : i32
      %scan3A_150 = arith.addi %scan3A_148, %scan3A_149 : i32
      %scan3A_151 = arith.constant 1 : i32
      %scan3A_152:4 = scf.for %scan3A_210 = %scan3A_148 to %scan3A_150 step %scan3A_151 iter_args(%scan3A_211 = %scan3A_144#0, %scan3A_212 = %scan3A_144#1, %scan3A_213 = %scan3A_146, %scan3A_214 = %scan3A_147) -> (i32, f32, i32, i32)  : i32 {
        %mul3A_215 = arith.constant 256 : i32
        %mul3A_216 = arith.muli %scan3A_144#2, %mul3A_215 : i32
        %mul3A_217 = arith.constant 16 : i32
        %mul3A_218 = arith.muli %scan3A_210, %mul3A_217 : i32
        %add3A_219 = arith.addi %mul3A_216, %mul3A_218 : i32
        %get3A_220 = arith.index_cast %add3A_219 : i32 to index
        %get3A_221 = tpu.vector_load %arg10[%get3A_220] {strides = array<i32>} : memref<16384xi32, #tpu.memory_space<vmem>>, vector<16xi32>,
        %reduce_sum3A_222 = arith.constant true
        %reduce_sum3A_223 = vector.broadcast %reduce_sum3A_222 : i1 to vector<16xi1>
        %reduce_sum3A_224 = tpu.scan <sum>, %get3A_221 masked %reduce_sum3A_223 : vector<16xi32>, vector<16xi1> -> vector<16xi32>
        %reduce_sum3A_225 = vector.extract %reduce_sum3A_224[15] : i32 from vector<16xi32>
        %add3A_226 = arith.addi %scan3A_211, %reduce_sum3A_225 : i32
        %eq3A_227 = arith.constant 0 : i32
        %eq3A_228 = arith.cmpi eq, %scan3A_214, %eq3A_227 : i32
        %ge3A = arith.constant 209715 : i32
        %ge3A_229 = arith.cmpi sge, %add3A_226, %ge3A : i32
        %and3A_230 = arith.andi %eq3A_228, %ge3A_229 : i1
        %select_n3A_231 = arith.select %and3A_230, %scan3A_210, %scan3A_213 : i32
        %jit3A_232 = arith.constant 1 : i32
        %select_n3A_233 = arith.select %and3A_230, %jit3A_232, %scan3A_214 : i32
        %eq3A_234 = arith.constant 0 : i32
        %eq3A_235 = arith.cmpi eq, %select_n3A_233, %eq3A_234 : i32
        %select_n3A_236 = arith.select %eq3A_235, %add3A_226, %scan3A_211 : i32
        %convert_element_type3A_237 = arith.sitofp %get3A_221 : vector<16xi32> to vector<16xf32>
        %iota3A_238 = tpu.iota {dimensions = array<i32: 0>} : vector<16xi32>
        %add3A_239 = vector.broadcast %add3A_219 : i32 to vector<16xi32>
        %add3A_240 = arith.addi %add3A_239, %iota3A_238 : vector<16xi32>
        %shift_left3A_241 = arith.constant 17 : i32
        %shift_left3A_242 = vector.broadcast %shift_left3A_241 : i32 to vector<16xi32>
        %shift_left3A_243 = arith.shli %add3A_240, %shift_left3A_242 : vector<16xi32>
        %or3A_244 = arith.constant 65536 : i32
        %or3A_245 = vector.broadcast %or3A_244 : i32 to vector<16xi32>
        %or3A_246 = arith.ori %shift_left3A_243, %or3A_245 : vector<16xi32>
        %bitcast_convert_type3A_247 = tpu.bitcast %or3A_246 : vector<16xi32> -> vector<16xf32>
        %mul3A_248 = arith.mulf %convert_element_type3A_237, %bitcast_convert_type3A_247 : vector<16xf32>
        %reduce_sum3A_249 = arith.constant true
        %reduce_sum3A_250 = vector.broadcast %reduce_sum3A_249 : i1 to vector<16xi1>
        %reduce_sum3A_251 = tpu.scan <sum>, %mul3A_248 masked %reduce_sum3A_250 : vector<16xf32>, vector<16xi1> -> vector<16xf32>
        %reduce_sum3A_252 = vector.extract %reduce_sum3A_251[15] : f32 from vector<16xf32>
        %add3A_253 = arith.addf %scan3A_212, %reduce_sum3A_252 : f32
        %select_n3A_254 = arith.select %eq3A_235, %add3A_253, %scan3A_212 : f32
        scf.yield %select_n3A_236, %select_n3A_254, %select_n3A_231, %select_n3A_233 : i32, f32, i32, i32
      }
      %scan3A_153 = arith.constant 16 : i32
      %mul3A_154 = arith.constant 256 : i32
      %mul3A_155 = arith.muli %scan3A_144#2, %mul3A_154 : i32
      %mul3A_156 = arith.constant 16 : i32
      %mul3A_157 = arith.muli %scan3A_152#2, %mul3A_156 : i32
      %add3A_158 = arith.addi %mul3A_155, %mul3A_157 : i32
      %get3A = arith.index_cast %add3A_158 : i32 to index
      %get3A_159 = tpu.vector_load %arg10[%get3A] {strides = array<i32>} : memref<16384xi32, #tpu.memory_space<vmem>>, vector<16xi32>,
      %iota3A = tpu.iota {dimensions = array<i32: 0>} : vector<16xi32>
      %add3A_160 = vector.broadcast %add3A_158 : i32 to vector<16xi32>
      %add3A_161 = arith.addi %add3A_160, %iota3A : vector<16xi32>
      %shift_left3A = arith.constant 17 : i32
      %shift_left3A_162 = vector.broadcast %shift_left3A : i32 to vector<16xi32>
      %shift_left3A_163 = arith.shli %add3A_161, %shift_left3A_162 : vector<16xi32>
      %or3A = arith.constant 65536 : i32
      %or3A_164 = vector.broadcast %or3A : i32 to vector<16xi32>
      %or3A_165 = arith.ori %shift_left3A_163, %or3A_164 : vector<16xi32>
      %bitcast_convert_type3A = tpu.bitcast %or3A_165 : vector<16xi32> -> vector<16xf32>
      %broadcast_in_dim3A_166 = arith.constant true
      %broadcast_in_dim3A_167 = vector.broadcast %broadcast_in_dim3A_166 : i1 to vector<16xi1>
      %masked_cumsum3A = tpu.scan <sum>, %get3A_159 masked %broadcast_in_dim3A_167 : vector<16xi32>, vector<16xi1> -> vector<16xi32>
      %add3A_168 = vector.broadcast %scan3A_152#0 : i32 to vector<16xi32>
      %add3A_169 = arith.addi %masked_cumsum3A, %add3A_168 : vector<16xi32>
      %lt3A_170 = arith.constant 209715 : i32
      %lt3A_171 = vector.broadcast %lt3A_170 : i32 to vector<16xi32>
      %lt3A_172 = arith.cmpi slt, %add3A_169, %lt3A_171 : vector<16xi32>
      %sub3A_173 = arith.subi %add3A_169, %get3A_159 : vector<16xi32>
      %not3A = arith.constant dense<true> : vector<16xi1>
      %not3A_174 = arith.xori %lt3A_172, %not3A : vector<16xi1>
      %lt3A_175 = arith.constant 209715 : i32
      %lt3A_176 = vector.broadcast %lt3A_175 : i32 to vector<16xi32>
      %lt3A_177 = arith.cmpi slt, %sub3A_173, %lt3A_176 : vector<16xi32>
      %and3A_178 = arith.andi %not3A_174, %lt3A_177 : vector<16xi1>
      %jit3A_179 = arith.constant 0 : i32
      %broadcast_in_dim3A_180 = vector.broadcast %jit3A_179 : i32 to vector<16xi32>
      %select_n3A_181 = arith.select %lt3A_172, %get3A_159, %broadcast_in_dim3A_180 : vector<16xi1>, vector<16xi32>
      %reduce_sum3A = arith.constant true
      %reduce_sum3A_182 = vector.broadcast %reduce_sum3A : i1 to vector<16xi1>
      %reduce_sum3A_183 = tpu.scan <sum>, %select_n3A_181 masked %reduce_sum3A_182 : vector<16xi32>, vector<16xi1> -> vector<16xi32>
      %reduce_sum3A_184 = vector.extract %reduce_sum3A_183[15] : i32 from vector<16xi32>
      %add3A_185 = arith.addi %scan3A_152#0, %reduce_sum3A_184 : i32
      %convert_element_type3A_186 = arith.sitofp %get3A_159 : vector<16xi32> to vector<16xf32>
      %mul3A_187 = arith.mulf %convert_element_type3A_186, %bitcast_convert_type3A : vector<16xf32>
      %select_n3A_188 = arith.select %lt3A_172, %mul3A_187, %broadcast_in_dim3A_59 : vector<16xi1>, vector<16xf32>
      %reduce_sum3A_189 = arith.constant true
      %reduce_sum3A_190 = vector.broadcast %reduce_sum3A_189 : i1 to vector<16xi1>
      %reduce_sum3A_191 = tpu.scan <sum>, %select_n3A_188 masked %reduce_sum3A_190 : vector<16xf32>, vector<16xi1> -> vector<16xf32>
      %reduce_sum3A_192 = vector.extract %reduce_sum3A_191[15] : f32 from vector<16xf32>
      %add3A_193 = arith.addf %scan3A_152#1, %reduce_sum3A_192 : f32
      %select_n3A_194 = arith.select %and3A_178, %bitcast_convert_type3A, %broadcast_in_dim3A_59 : vector<16xi1>, vector<16xf32>
      %reduce_sum3A_195 = arith.constant true
      %reduce_sum3A_196 = vector.broadcast %reduce_sum3A_195 : i1 to vector<16xi1>
      %reduce_sum3A_197 = tpu.scan <sum>, %select_n3A_194 masked %reduce_sum3A_196 : vector<16xf32>, vector<16xi1> -> vector<16xf32>
      %reduce_sum3A_198 = vector.extract %reduce_sum3A_197[15] : f32 from vector<16xf32>
      %sub3A_199 = arith.constant 209715 : i32
      %sub3A_200 = arith.subi %sub3A_199, %add3A_185 : i32
      %convert_element_type3A_201 = arith.sitofp %sub3A_200 : i32 to f32
      %broadcast_in_dim3A_202 = vector.broadcast %add3A_193 : f32 to vector<16xf32>
      %broadcast_in_dim3A_203 = vector.broadcast %convert_element_type3A_201 : f32 to vector<16xf32>
      %broadcast_in_dim3A_204 = vector.broadcast %reduce_sum3A_198 : f32 to vector<16xf32>
      %mul3A_205 = arith.mulf %broadcast_in_dim3A_203, %broadcast_in_dim3A_204 : vector<16xf32>
      %add3A_206 = arith.addf %broadcast_in_dim3A_202, %mul3A_205 : vector<16xf32>
      %swap3A = arith.constant 0 : index
      %swap3A_207 = tpu.vector_load %arg13[%swap3A] {strides = array<i32>} : memref<16xf32, #tpu.memory_space<vmem>>, vector<16xf32>,
      tpu.vector_store %arg13[%swap3A], %add3A_206 {strides = array<i32>} : memref<16xf32, #tpu.memory_space<vmem>>, vector<16xf32>,
      %mul3A_208 = arith.constant 16 : i32
      %mul3A_209 = arith.muli %add3A, %mul3A_208 : i32
      "tpu.region"() ({
        %run_scoped3A = tpu.sem_alloc : memref<!tpu.dma_semaphore, #tpu.memory_space<semaphore_mem>>
        %dma_start3A_210 = tpu.memref_slice %arg4[%mul3A_209] : memref<256xf32, #tpu.memory_space<hbm>> -> memref<16xf32, #tpu.memory_space<hbm>>
        %dma_start3A_211 = tpu.memref_slice %arg4[%mul3A_209] : memref<256xf32, #tpu.memory_space<hbm>> -> memref<16xf32, #tpu.memory_space<hbm>>
        tpu.enqueue_dma source(%arg13 : memref<16xf32, #tpu.memory_space<vmem>>) target(%dma_start3A_211 : memref<16xf32, #tpu.memory_space<hbm>>) target_semaphore(%run_scoped3A : memref<!tpu.dma_semaphore, #tpu.memory_space<semaphore_mem>>)
        %dma_wait3A = tpu.memref_slice %arg4[%mul3A_209] : memref<256xf32, #tpu.memory_space<hbm>> -> memref<16xf32, #tpu.memory_space<hbm>>
        %dma_wait3A_212 = tpu.memref_slice %arg4[%mul3A_209] : memref<256xf32, #tpu.memory_space<hbm>> -> memref<16xf32, #tpu.memory_space<hbm>>
        tpu.wait_dma2 semaphore(%run_scoped3A : memref<!tpu.dma_semaphore, #tpu.memory_space<semaphore_mem>>) src(%arg13 : memref<16xf32, #tpu.memory_space<vmem>>) dst(%dma_wait3A_212 : memref<16xf32, #tpu.memory_space<hbm>>)
        tpu.yield
      }) : () -> ()
    } else {
    }
    return
  }
}

</mosaic_0001>

<sc_bundles>
// kernel: kernel.3.cloned.1.call-start
scs
__scs_entry_jumppad:
0x0: {  	(pc) =	sbr.rel $0x88, $3  }
0x1: {  	(tag) =	ssettag $0x0;
	lr =	simm.s32 $0x1  }
0x2: {  	[smem:$0x3F9F] =	sst lr;
	_ =	strace $0xD0000000  }
0x3: {  	_ = 	snop  }
0x4: {  	_ = 	snop  }
0x5: {  	_ = 	snop  }
0x6: {  	_ = 	snop  }
0x7: {  	_ = 	snop  }
__scs_overlays_trampoline_lowered:
0x8: {  	[smem:$0x3FAE] =	sst s0  }
0x9: {  	[smem:$0x3FAF] =	sst s1  }
0xa: {  	[smem:$0x3FB0] =	sst s2  }
0xb: {  	[smem:$0x3FB1] =	sst s3  }
0xc: {  	[smem:$0x3FB2] =	sst s4  }
0xd: {  	[smem:$0x3FB3] =	sst s5  }
0xe: {  	[smem:$0x3FB4] =	sst s6  }
0xf: {  	[smem:$0x3FB5] =	sst s7  }
0x10: {  	[smem:$0x3FB6] =	sst s8  }
0x11: {  	[smem:$0x3FB7] =	sst s9;
	s0 =	simm.s32 @!p0 $0x0  }
0x12: {  	s1 =	sld [smem:$0x3F9D];
	s0 =	simm.s32 @p0 $0x1  }
0x13: {  	[smem:$0x3FB8] =	sst s0;
	s0 =	simm.s32 @!p1 $0x0  }
0x14: {  	s2 =	sld [smem:$0x3F9C];
	s0 =	simm.s32 @p1 $0x1  }
0x15: {  	[smem:$0x3FB9] =	sst s0;
	s0 =	simm.s32 @!p2 $0x0  }
0x16: {  	s3 =	sld [smem:$0x3FDB];
	s0 =	simm.s32 @p2 $0x1  }
0x17: {  	s4 =	simm.s32 $0x1BF5;
	[smem:$0x3FBB] =	sst s0  }
0x18: {  	s0 =	sld [smem:$0x3F9E];
	_ =	swait.ge [sflag:s4], $0x0  }
0x19: {  	s7 =	sld [smem:$0x3F9F]  }
0x1a: {  	s8 =	sadd.s32 $0xFFFFE003, lr  }
0x1b: {  	s9 =	sadd.s32 $0xFFFFFEF7, lr;
	s5 =	simm.s32 $0xFFFFFFFF;
	p2 =	slt.u32 s8, $0xFFFFF086  }
0x1c: {  	p1 =	slt.u32 s9, $0xF7A;
	s5 =	simm.s32 @!p2 $0x0  }
0x1d: {  	s5 =	simm.s32 @p1 $0x1;
	p0 =	seq.s32 s7, s2  }
0x1e: {  	s7 =	smul.u32 @!p0 $0xF7A, s2;
	p2 =	seq.s32 @!p0 s5, $0x0  }
0x1f: {  	s9 =	smul.u32 $0xF7A, s1;
	s8 =	simm.s32 @!p0 $0x1BF5;
	p2 =	por !p2, p0  }
0x20: {  	[sflag:s8] =	ssyncset.s32 @!p0 $0xFFFFF086;
	s6 =	sadd.s32 @!p0 s3, s7;
	s7 =	simm.s32 @!p0 $0x108  }
0x21: {  	s3 =	sadd.s32 s3, s9;
	s6 =	sadd.s32 @!p0 $0x88, s6;
	s7 =	simm.s32 @p2 $0x1082  }
0x22: {  	[simem:s7], [sflag:s8] =	dma.local @!p0 [hbm:s6], $0xF7A  }
0x23: {  	s9 =	sor.u32 $0xD0000000, s2;
	s6 =	simm.s32 $0x108;
	_ =	swait.ge @!p0 [sflag:s8], $0x0  }
0x24: {  	s3 =	sadd.s32 $0x88, s3;
	s6 =	simm.s32 @!p1 $0x1082;
	[sflag:s4] =	ssyncset.s32 $0xFFFFF086  }
0x25: {  	[simem:s6], [sflag:s4] =	dma.local [hbm:s3], $0xF7A  }
0x26: {  	[smem:$0x3F9F] =	sst s1;
	(tag) =	ssettag s2;
	_ =	strace s9  }
0x27: {  	s1 =	sld [smem:$0x3FAF]  }
0x28: {  	s2 =	sld [smem:$0x3FB0]  }
0x29: {  	s4 =	sld [smem:$0x3FB2]  }
0x2a: {  	p0 =	seq.s32 s5, $0x0;
	s5 =	sld [smem:$0x3FB3]  }
0x2b: {  	s6 =	sld [smem:$0x3FB4]  }
0x2c: {  	s7 =	sld [smem:$0x3FB5]  }
0x2d: {  	s3 =	simm.s32 $0x108;
	s8 =	sld [smem:$0x3FB6]  }
0x2e: {  	s3 =	simm.s32 @!p0 $0x1082;
	s9 =	sld [smem:$0x3FB7]  }
0x2f: {  	lr =	sadd.s32 s0, s3;
	s0 =	sld [smem:$0x3FAE]  }
0x30: {  	s3 =	sld [smem:$0x3FB1]  }
0x31: {  	[smem:$0x3FBA] =	sst s10  }
0x32: {  	s10 =	sld [smem:$0x3FB8];
	_ =	sdelay $0x3  }
0x33: {  	p0 =	seq.s32 s10, $0x1;
	s10 =	sld [smem:$0x3FBA];
	_ =	sdelay $0x3  }
0x34: {  	[smem:$0x3FBA] =	sst s10  }
0x35: {  	s10 =	sld [smem:$0x3FB9];
	_ =	sdelay $0x3  }
0x36: {  	p1 =	seq.s32 s10, $0x1;
	s10 =	sld [smem:$0x3FBA];
	_ =	sdelay $0x3  }
0x37: {  	[smem:$0x3FBA] =	sst s10  }
0x38: {  	s10 =	sld [smem:$0x3FBB]  }
0x39: {  	_ = 	snop;
	(pc) =	sbr.ind lr, $3  }
0x3a: {  	_ = 	snop  }
0x3b: {  	_ = 	snop  }
0x3c: {  	p2 =	seq.s32 s10, $0x1;
	s10 =	sld [smem:$0x3FBA]  }
0x3d: {  	_ =	shalt  }
0x3e: {  	_ =	shalt  }
0x3f: {  	_ =	shalt  }
0x40: {  	_ =	shalt  }
0x41: {  	_ =	shalt  }
0x42: {  	_ =	shalt  }
0x43: {  	_ =	shalt  }
0x44: {  	_ =	shalt  }
0x45: {  	_ =	shalt  }
0x46: {  	_ =	shalt  }
0x47: {  	_ =	shalt  }
0x48: {  	_ =	shalt  }
0x49: {  	_ =	shalt  }
0x4a: {  	_ =	shalt  }
0x4b: {  	_ =	shalt  }
0x4c: {  	_ =	shalt  }
0x4d: {  	_ =	shalt  }
0x4e: {  	_ =	shalt  }
0x4f: {  	_ =	shalt  }
0x50: {  	_ =	shalt  }
0x51: {  	_ =	shalt  }
0x52: {  	_ =	shalt  }
0x53: {  	_ =	shalt  }
0x54: {  	_ =	shalt  }
0x55: {  	_ =	shalt  }
0x56: {  	_ =	shalt  }
0x57: {  	_ =	shalt  }
0x58: {  	_ =	shalt  }
0x59: {  	_ =	shalt  }
0x5a: {  	_ =	shalt  }
0x5b: {  	_ =	shalt  }
0x5c: {  	_ =	shalt  }
0x5d: {  	_ =	shalt  }
0x5e: {  	_ =	shalt  }
0x5f: {  	_ =	shalt  }
0x60: {  	_ =	shalt  }
0x61: {  	_ =	shalt  }
0x62: {  	_ =	shalt  }
0x63: {  	_ =	shalt  }
0x64: {  	_ =	shalt  }
0x65: {  	_ =	shalt  }
0x66: {  	_ =	shalt  }
0x67: {  	_ =	shalt  }
0x68: {  	_ =	shalt  }
0x69: {  	_ =	shalt  }
0x6a: {  	_ =	shalt  }
0x6b: {  	_ =	shalt  }
0x6c: {  	_ =	shalt  }
0x6d: {  	_ =	shalt  }
0x6e: {  	_ =	shalt  }
0x6f: {  	_ =	shalt  }
0x70: {  	_ =	shalt  }
0x71: {  	_ =	shalt  }
0x72: {  	_ =	shalt  }
0x73: {  	_ =	shalt  }
0x74: {  	_ =	shalt  }
0x75: {  	_ =	shalt  }
0x76: {  	_ =	shalt  }
0x77: {  	_ =	shalt  }
0x78: {  	_ =	shalt  }
0x79: {  	_ =	shalt  }
0x7a: {  	_ =	shalt  }
0x7b: {  	_ =	shalt  }
0x7c: {  	_ =	shalt  }
0x7d: {  	_ =	shalt  }
0x7e: {  	_ =	shalt  }
0x7f: {  	_ =	shalt  }
0x80: {  	_ =	shalt  }
0x81: {  	_ =	shalt  }
0x82: {  	_ =	shalt  }
0x83: {  	_ =	shalt  }
0x84: {  	_ =	shalt  }
0x85: {  	_ =	shalt  }
0x86: {  	_ =	shalt  }
0x87: {  	_ =	shalt  }
.Lfunc_end0:
.L_simem_size_0:
called_computation_lowered:
.L_overlay_start_0:
0x88: {  	s2 =	sld [smem:$0x3FD9]  }
0x89: {  	s3 =	sld [smem:$0x3FFE];
	_ =	sdelay $0x1  }
0x8a: {  	s1 =	srdreg.scid  }
0x8b: {  	s0 =	sand.u32 $0x1, s1  }
0x8c: {  	s17 =	sshll.u32 s0, $0xA;
	s2 =	sadd.s32 s3, s2  }
0x8d: {  	s2 =	sadd.s32 s2, s17  }
0x8e: {  	[smem:$0x3FC6] =	sst s2  }
0x8f: {  	_ = 	snop  }
0x90: {  	s2 =	sld [smem:$0x3FC9]  }
0x91: {  	s18 =	sld [smem:$0x3FC8];
	(tm) =	ssettm $0x1  }
0x92: {  	s4 =	sld [smem:$0x3FFB];
	_ =	sdelay $0x3  }
0x93: {  	_ =	strace s4  }
0x94: {  	s4 =	sld [smem:$0x3FFC];
	_ =	sdelay $0x3  }
0x95: {  	_ =	strace s4  }
0x96: {  	s4 =	sld [smem:$0x3FFD];
	_ =	sdelay $0x3  }
0x97: {  	_ =	strace s4  }
0x98: {  	_ =	strace $0x8FFFFFFF  }
0x99: {  	s19 =	sld [smem:$0x3FDB];
	_ =	sdelay $0x1  }
0x9a: {  	s5 =	simm.s32 $_scs_section_size  }
0x9b: {  	s6 =	simm.s32 $_size__tile_overlayer_lowered;
	s7 =	simm.s32 $_tile_overlayer_lowered  }
0x9c: {  	s22 =	simm.s32 $0x1BFF;
	s21 =	sshll.u32 s7, $0x1;
	s4 =	sadd.s32 s5, s19  }
0x9d: {  	s8 =	simm.s32 $0x0;
	s20 =	sshll.u32 s6, $0x1;
	s6 =	sadd.s32 s21, s4  }
0x9e: {  	[timem:s8], [sflag:s22] =	dma.local [hbm:s6], s20  }
0x9f: {  	_ =	swait.ge [sflag:s22], s20  }
0xa0: {  	s5 =	ssub.s32 $0x0, s20;
	[sflag:s22] =	ssyncset.done $0x0  }
0xa1: {  	[sflag:s22] =	ssyncadd.s32 s5;
	_ =	sdelay $0x1  }
0xa2: {  	s23 =	simm.s32 $0x1B8B  }
0xa3: {  	_ =	swait.ge [sflag:s23], $0x1  }
0xa4: {  	[sflag:s23] =	ssyncset.done $0x0  }
0xa5: {  	s25 =	simm.s32 $0x1B8E;
	s24 =	sld [smem:$0x3FFE];
	[sflag:s23] =	ssyncadd.s32 $0xFFFFFFFF  }
0xa6: {  	s26 =	simm.s32 $execute0_lowered;
	[smem:$0x3FD2] =	sst s25  }
0xa7: {  	s6 =	sshll.u32 s26, $0x1;
	_ =	strace $0x80000046;
	[dreg:$0x1] =	wrdreg $0xFFFFFFFF  }
0xa8: {  	s28 =	simm.s32 $_size_execute0_lowered;
	s4 =	sadd.s32 s4, s6;
	[dreg:$0x0] =	wrdreg $0x0  }
0xa9: {  	s6 =	sshll.u32 s28, $0x1;
	[dreg:$0x2] =	wrdreg s4  }
0xaa: {  	[dreg:$0x3] =	wrdreg s6  }
0xab: {  	[dreg:$0x4] =	wrdreg $0xC0  }
0xac: {  	_ =	task [dreg:s8], $0x5FFFF  }
0xad: {  	[dreg:$0x1] =	wrdreg $0xFFFFFFFF  }
0xae: {  	[dreg:$0x0] =	wrdreg $0x60  }
0xaf: {  	[dreg:$0x2] =	wrdreg s2  }
0xb0: {  	[dreg:$0x3] =	wrdreg s18  }
0xb1: {  	[dreg:$0x4] =	wrdreg s24  }
0xb2: {  	[dreg:$0x5] =	wrdreg $0x148800  }
0xb3: {  	[dreg:$0x6] =	wrdreg $0x9  }
0xb4: {  	_ =	task.clear_ibuf [dreg:s8], $0x7FFFF;
	_ =	strace $0x90000046  }
0xb5: {  	s29 =	simm.s32 $0x9;
	_ =	strace $0x80000048  }
0xb6: {  	_ =	swait.ge [sflag:s29], $0x1  }
0xb7: {  	[sflag:s29] =	ssyncadd.s32 $0xFFFFFFFF  }
0xb8: {  	_ =	strace $0x90000048  }
0xb9: {  	_ =	sfence  }
0xba: {  	s30 =	sld [smem:$0x0];
	_ =	sdelay $0x2  }
0xbb: {  	s31 =	sshll.u32 s1, $0xD;
	s1 =	sshrl.u32 s1, $0x2  }
0xbc: {  	s3 =	sand.u32 $0x4000, s31;
	s1 =	sadd.s32 s1, s30  }
0xbd: {  	s0 =	sor.u32 s3, s0;
	s1 =	sshll.u32 s1, $0x11  }
0xbe: {  	s0 =	sor.u32 s1, s0  }
0xbf: {  	s0 =	sadd.s32 $0x8F2B, s0  }
0xc0: {  	[sflag:s0] =	ssyncadd.remote.s32 $0x1  }
0xc1: {  	_ =	sfence.sel $0xFFFF  }
0xc2: {  	[dreg:$0x0] =	wrdreg $0xFFFFFFFF;
	(pc) =	sbr.abs _section_cstart, $3  }
0xc3: {  	[dreg:$0x1] =	wrdreg $0xFFFFFFFF  }
0xc4: {  	_ =	task.clear_ibuf [dreg:s8], $0x2FFFF;
	_ =	strace $0x9FFFFFFF  }
0xc5: {  	(tm) =	ssettm $0x7FFFFFFF  }
tec
execute0_lowered:
.L_overlay_start_1:
0x0: {  	(tag) =	ssettag $0x1  }
0x1: {  	s1 =	rddreg [dreg:$0x0]  }
0x2: {  	s2 =	rddreg [dreg:$0x1]  }
0x3: {  	s0 =	srdreg.scid;
	s3 =	rddreg [dreg:$0x2]  }
0x4: {  	s7 =	stileid.u32;
	s6 =	rddreg [dreg:$0x3]  }
0x5: {  	s10 =	simm.s32 $0x0;
	s28 =	simm.s32 $0x2;
	s0 =	sand.u32 $0x1, s0  }
0x6: {  	s29 =	simm.s32 $0x4;
	s5 =	sshrl.u32 s7, $0x1;
	s4 =	sshll.u32 s0, $0x3  }
0x7: {  	s7 =	sand.u32 $0x1, s7;
	s4 =	sor.u32 s5, s4;
	s5 =	sshll.u32 s5, $0x7  }
0x8: {  	[smem:$0x7FF] =	sst s10;
	s8 =	sshll.u32 s7, $0x11;
	s5 =	sadd.s32 s5, s6  }
0x9: {  	_ =	strace $0x80000047;
	s6 =	sadd.s32 $0x4000, s5;
	[dreg:$0x9] =	wrdreg s5  }
0xa: {  	s0 =	ssub.s32 $0x2, s0;
	s24 =	sadd.s32 $0x8000, s5;
	[dreg:$0xa] =	wrdreg s6  }
0xb: {  	p3 =	seq.s32 s7, $0x0;
	s25 =	sadd.s32 $0xC000, s5;
	[dreg:$0xb] =	wrdreg s24  }
0xc: {  	s19 =	sshrl.u32 s0, $0x1;
	s26 =	sadd.s32 $0x10000, s5;
	[dreg:$0xc] =	wrdreg s25  }
0xd: {  	s9 =	sshll.u32 s4, $0x12;
	s30 =	sadd.s32 $0x14000, s5;
	[dreg:$0xd] =	wrdreg s26  }
0xe: {  	s0 =	ssub.s32 s0, s19;
	s31 =	sadd.s32 $0x18000, s5;
	[dreg:$0xe] =	wrdreg s30  }
0xf: {  	s4 =	sshll.u32 s4, $0x1;
	s5 =	sadd.s32 $0x1C000, s5;
	[dreg:$0xf] =	wrdreg s31  }
0x10: {  	s8 =	sor.u32 s8, s9;
	s3 =	sadd.s32 s3, s4;
	[dreg:$0x10] =	wrdreg s5  }
0x11: {  	s0 =	smax.u32 s0, $0x1;
	s4 =	simm.s32 @!p3 $0x0;
	[dreg:$0x11] =	wrdreg s3  }
0x12: {  	s20 =	sshrl.u32 s8, $0x3;
	s11 =	sor.u32 $0xC000, s8;
	[dreg:$0x12] =	wrdreg s0  }
0x13: {  	s24 =	simm.s32 $0x1;
	s25 =	simm.s32 $0x3;
	s4 =	simm.s32 @p3 $0x1  }
.Ltmp0:
0x14: {  	s21 =	sadd.s32 s1, s20;
	[smem:$0x7FD] =	sst s4;
	(pc) =	sbr.rel .LBB2_1-.Ltmp0, $4  }
0x15: {  	s22 =	sadd.s32 s2, s20;
	s23 =	sor.u32 $0x800, s20;
	[dreg:$0x5] =	wrdreg s21  }
0x16: {  	v2 =	vlaneseq.u32;
	s26 =	simm.s32 $0x10800;
	[dreg:$0x6] =	wrdreg s22;
	s10 =	sadd.s32 s1, s23  }
0x17: {  	v2 =	vmul.u32 $0x20000, v2;
	s0 =	simm.s32 $0x5;
	s9 =	sadd.s32 s2, s23;
	[dreg:$0x7] =	wrdreg s10  }
0x18: {  	v0 =	vimm.s32 $0x0;
	v1 =	vimm.s32 $0x1;
	s3 =	simm.s32 $0x0;
	[dreg:$0x8] =	wrdreg s9;
	s10 =	sor.u32 $0x8000, s8  }
.LBB2_10:
0x19: {  	s3 =	rddreg [dreg:$0x9];
	s4 =	simm.s32 $0x80;
	s5 =	simm.s32 $0x400  }
0x1a: {  	[spmem:s3] =	stream.strided.scatter [tilespmem:s26], [sflag:$0x5], $0x4000, s5, s4, $0x38;
	[tilespmem:$0x16880] =	vst v63  }
0x1b: {  	_ =	swait.ge [sflag:s0], $0x4000  }
0x1c: {  	[sflag:s0] =	ssyncset.done $0x0  }
0x1d: {  	[sflag:s0] =	ssyncadd.s32 $0xFFFFC000  }
0x1e: {  	[bflag:$0x0] =	sbarrier.arrive $0xFFFF  }
0x1f: {  	s4 =	rddreg [dreg:$0x13]  }
.LBB2_36:
0x20: {  	s4 =	sadd.s32 $0x1, s4;
	s3 =	rddreg [dreg:$0x12]  }
0x21: {  	p0 =	sne.s32 s4, s3  }
.Ltmp1:
0x22: {  	_ = 	snop;
	(pc) =	sbr.rel @!p0 .LBB2_37-.Ltmp1, $2  }
0x23: {  	_ =	sdelay $0x2  }
0x24: {  	s3 =	smov.u32 s4  }
.LBB2_1:
0x25: {  	[dreg:$0x13] =	wrdreg s3  }
0x26: {  	s20 =	simm.s32 $0x0;
	s4 =	rddreg [dreg:$0x5]  }
0x27: {  	[tilespmem:s20], [sflag:$0x1] =	stream.linear.gather [hbm4b:s4+s20], $0x4000, $0x38;
	[tilespmem:$0x16880] =	vst v63  }
0x28: {  	s21 =	rddreg [dreg:$0x6];
	s5 =	simm.s32 $0x8000  }
0x29: {  	[tilespmem:s5], [sflag:$0x3] =	stream.linear.gather [hbm4b:s21+s20], $0x4000, $0x38;
	[tilespmem:$0x16880] =	vst v63  }
0x2a: {  	s22 =	rddreg [dreg:$0x7];
	s23 =	simm.s32 $0x4000  }
0x2b: {  	[tilespmem:s23], [sflag:$0x2] =	stream.linear.gather [hbm4b:s22+s20], $0x4000, $0x38;
	[tilespmem:$0x16880] =	vst v63  }
0x2c: {  	s30 =	rddreg [dreg:$0x8];
	s31 =	simm.s32 $0xC000;
	s3 =	simm.s32 $0x10820  }
0x2d: {  	[tilespmem:s31], [sflag:$0x4] =	stream.linear.gather [hbm4b:s30+s20], $0x4000, $0x38;
	[tilespmem:$0x16880] =	vst v63  }
0x2e: {  	[tilespmem:s3+$0xFFFFFFE0] =	vst v0  }
0x2f: {  	[tilespmem:s3+$0x10] =	vst v0  }
0x30: {  	s4 =	simm.s32 $0x0;
	[tilespmem:s3+$0x0] =	vst v0  }
.LBB2_2:
0x31: {  	s4 =	sadd.s32 $0x4, s4  }
0x32: {  	[tilespmem:s3+$0xFFFFFFF0] =	vst v0;
	s3 =	sadd.s32 $0x40, s3;
	p0 =	slt.u32 s4, $0x3FC  }
.Ltmp2:
0x33: {  	[tilespmem:s3+$0xFFFFFFE0] =	vst v0;
	(pc) =	sbr.rel @p0 .LBB2_2-.Ltmp2, $3  }
0x34: {  	_ =	sdelay $0x1  }
0x35: {  	[tilespmem:s3+$0x10] =	vst v0  }
0x36: {  	[tilespmem:s3+$0x0] =	vst v0  }
0x37: {  	[tilespmem:s3+$0xFFFFFFF0] =	vst v0;
	s22 =	simm.s32 $0x0;
	s23 =	simm.s32 $0x0  }
.LBB2_4:
0x38: {  	_ =	swait.ge [sflag:s24], $0x4000  }
0x39: {  	[sflag:s24] =	ssyncset.done $0x0  }
0x3a: {  	s12 =	sshll.u32 s23, $0xF;
	p1 =	seq.s32 s23, $0x3;
	[sflag:s24] =	ssyncadd.s32 $0xFFFFC000  }
0x3b: {  	s19 =	sand.u32 $0x70, s22;
	s3 =	sadd.s32 @!p1 s12, s10;
	_ =	swait.ge [sflag:s25], $0x4000  }
0x3c: {  	s20 =	sand.u32 $0xC00, s22;
	s3 =	sshrl.u32 @!p1 s3, $0x3;
	[sflag:s25] =	ssyncset.done $0x0  }
0x3d: {  	s5 =	simm.s32 @!p1 $0x0;
	s4 =	sadd.s32 @!p1 s1, s3;
	[sflag:s25] =	ssyncadd.s32 $0xFFFFC000  }
0x3e: {  	[tilespmem:s5], [sflag:$0x1] =	stream.linear.gather @!p1 [hbm4b:s4+s5], $0x4000, $0x38;
	[tilespmem:$0x16880] =	vst v63  }
0x3f: {  	s13 =	sor.u32 s19, s20;
	s3 =	sadd.s32 @!p1 s2, s3;
	s4 =	simm.s32 @!p1 $0x8000  }
0x40: {  	[tilespmem:s4], [sflag:$0x3] =	stream.linear.gather @!p1 [hbm4b:s3+s5], $0x4000, $0x38;
	[tilespmem:$0x16880] =	vst v63  }
0x41: {  	v3 =	vld [tilespmem:s13+$0x0]  }
0x42: {  	v4 =	vld [tilespmem:s13+$0x8000];
	_ =	sdelay $0x4  }
0x43: {  	v3 =	vsub.f32 v3, v4;
	_ =	sdelay $0x1  }
0x44: {  	v3 =	vand.u32 $0x7FFFFFFF, v3  }
0x45: {  	v3 =	vshrl.u32 v3, $0x11;
	_ =	sdelay $0x4  }
0x46: {  	[tilespmem:v3+s26+$0x0] =	vst.idx.add.s32.msk $0xffff, v1  }
0x47: {  	v3 =	vld [tilespmem:s13+$0x80]  }
0x48: {  	v4 =	vld [tilespmem:s13+$0x8080];
	_ =	sdelay $0x4  }
0x49: {  	v3 =	vsub.f32 v3, v4;
	_ =	sdelay $0x1  }
0x4a: {  	v3 =	vand.u32 $0x7FFFFFFF, v3  }
0x4b: {  	v3 =	vshrl.u32 v3, $0x11;
	_ =	sdelay $0x4  }
0x4c: {  	[tilespmem:v3+s26+$0x0] =	vst.idx.add.s32.msk $0xffff, v1  }
0x4d: {  	v3 =	vld [tilespmem:s13+$0x100]  }
0x4e: {  	v4 =	vld [tilespmem:s13+$0x8100];
	_ =	sdelay $0x4  }
0x4f: {  	v3 =	vsub.f32 v3, v4;
	_ =	sdelay $0x1  }
0x50: {  	v3 =	vand.u32 $0x7FFFFFFF, v3  }
0x51: {  	v3 =	vshrl.u32 v3, $0x11;
	_ =	sdelay $0x2  }
0x52: {  	s21 =	sand.u32 $0xFFFFFC00, s22  }
0x53: {  	s9 =	sadd.s32 $0x0, s21  }
0x54: {  	s3 =	sor.u32 $0x180, s9;
	[tilespmem:v3+s26+$0x0] =	vst.idx.add.s32.msk $0xffff, v1  }
0x55: {  	v3 =	vld [tilespmem:s3+$0x0]  }
0x56: {  	v4 =	vld [tilespmem:s3+$0x8000];
	_ =	sdelay $0x4  }
0x57: {  	v3 =	vsub.f32 v3, v4;
	_ =	sdelay $0x1  }
0x58: {  	v3 =	vand.u32 $0x7FFFFFFF, v3  }
0x59: {  	v3 =	vshrl.u32 v3, $0x11;
	_ =	sdelay $0x4  }
0x5a: {  	[tilespmem:v3+s26+$0x0] =	vst.idx.add.s32.msk $0xffff, v1  }
0x5b: {  	v3 =	vld [tilespmem:s13+$0x200]  }
0x5c: {  	v4 =	vld [tilespmem:s13+$0x8200];
	_ =	sdelay $0x4  }
0x5d: {  	v3 =	vsub.f32 v3, v4;
	_ =	sdelay $0x1  }
0x5e: {  	v3 =	vand.u32 $0x7FFFFFFF, v3  }
0x5f: {  	v3 =	vshrl.u32 v3, $0x11;
	_ =	sdelay $0x4  }
0x60: {  	[tilespmem:v3+s26+$0x0] =	vst.idx.add.s32.msk $0xffff, v1  }
0x61: {  	v3 =	vld [tilespmem:s13+$0x280]  }
0x62: {  	v4 =	vld [tilespmem:s13+$0x8280];
	_ =	sdelay $0x4  }
0x63: {  	v3 =	vsub.f32 v3, v4;
	_ =	sdelay $0x1  }
0x64: {  	v3 =	vand.u32 $0x7FFFFFFF, v3  }
0x65: {  	v3 =	vshrl.u32 v3, $0x11;
	_ =	sdelay $0x4  }
0x66: {  	[tilespmem:v3+s26+$0x0] =	vst.idx.add.s32.msk $0xffff, v1  }
0x67: {  	v3 =	vld [tilespmem:s13+$0x300]  }
0x68: {  	v4 =	vld [tilespmem:s13+$0x8300];
	_ =	sdelay $0x1  }
0x69: {  	s31 =	simm.s32 $0x10;
	s6 =	simm.s32 $0x80  }
0x6a: {  	s15 =	sand.u32 $0x70, s31;
	s16 =	sand.u32 $0xC00, s6  }
0x6b: {  	s15 =	sor.u32 s15, s16  }
0x6c: {  	v5 =	vld [tilespmem:s15+$0x0];
	v3 =	vsub.f32 v3, v4  }
0x6d: {  	v4 =	vld [tilespmem:s15+$0x8000]  }
0x6e: {  	v3 =	vand.u32 $0x7FFFFFFF, v3  }
0x6f: {  	v3 =	vshrl.u32 v3, $0x11;
	_ =	sdelay $0x2  }
0x70: {  	v4 =	vsub.f32 v5, v4  }
0x71: {  	s14 =	sor.u32 s22, s22  }
0x72: {  	s17 =	sor.u32 $0x380, s14;
	v4 =	vand.u32 $0x7FFFFFFF, v4;
	[tilespmem:v3+s26+$0x0] =	vst.idx.add.s32.msk $0xffff, v1  }
0x73: {  	v3 =	vshrl.u32 v4, $0x11;
	v4 =	vld [tilespmem:s17+$0x0]  }
0x74: {  	v5 =	vld [tilespmem:s17+$0x8000];
	_ =	sdelay $0x3  }
0x75: {  	[tilespmem:v3+s26+$0x0] =	vst.idx.add.s32.msk $0xffff, v1  }
0x76: {  	v3 =	vld [tilespmem:s15+$0x80];
	v4 =	vsub.f32 v4, v5  }
0x77: {  	v5 =	vld [tilespmem:s15+$0x8080]  }
0x78: {  	v4 =	vand.u32 $0x7FFFFFFF, v4  }
0x79: {  	v4 =	vshrl.u32 v4, $0x11;
	_ =	sdelay $0x2  }
0x7a: {  	v3 =	vsub.f32 v3, v5;
	_ =	sdelay $0x1  }
0x7b: {  	v3 =	vand.u32 $0x7FFFFFFF, v3;
	[tilespmem:v4+s26+$0x0] =	vst.idx.add.s32.msk $0xffff, v1  }
0x7c: {  	v3 =	vshrl.u32 v3, $0x11;
	v4 =	vld [tilespmem:s13+$0x1000]  }
0x7d: {  	v5 =	vld [tilespmem:s13+$0x9000];
	_ =	sdelay $0x3  }
0x7e: {  	[tilespmem:v3+s26+$0x0] =	vst.idx.add.s32.msk $0xffff, v1  }
0x7f: {  	v3 =	vld [tilespmem:s15+$0x100];
	v4 =	vsub.f32 v4, v5  }
0x80: {  	v5 =	vld [tilespmem:s15+$0x8100]  }
0x81: {  	v4 =	vand.u32 $0x7FFFFFFF, v4  }
0x82: {  	v4 =	vshrl.u32 v4, $0x11;
	_ =	sdelay $0x2  }
0x83: {  	v3 =	vsub.f32 v3, v5;
	_ =	sdelay $0x1  }
0x84: {  	v3 =	vand.u32 $0x7FFFFFFF, v3;
	[tilespmem:v4+s26+$0x0] =	vst.idx.add.s32.msk $0xffff, v1  }
0x85: {  	v3 =	vshrl.u32 v3, $0x11;
	v4 =	vld [tilespmem:s13+$0x1080]  }
0x86: {  	v5 =	vld [tilespmem:s13+$0x9080];
	_ =	sdelay $0x1  }
0x87: {  	s18 =	sand.u32 $0xFFFFFC00, s6  }
0x88: {  	s18 =	sadd.s32 $0x10, s18  }
0x89: {  	s3 =	sor.u32 $0x180, s18;
	[tilespmem:v3+s26+$0x0] =	vst.idx.add.s32.msk $0xffff, v1  }
0x8a: {  	v3 =	vld [tilespmem:s3+$0x0];
	v4 =	vsub.f32 v4, v5  }
0x8b: {  	v5 =	vld [tilespmem:s3+$0x8000]  }
0x8c: {  	v4 =	vand.u32 $0x7FFFFFFF, v4  }
0x8d: {  	v4 =	vshrl.u32 v4, $0x11;
	_ =	sdelay $0x2  }
0x8e: {  	v3 =	vsub.f32 v3, v5;
	_ =	sdelay $0x1  }
0x8f: {  	v3 =	vand.u32 $0x7FFFFFFF, v3;
	[tilespmem:v4+s26+$0x0] =	vst.idx.add.s32.msk $0xffff, v1  }
0x90: {  	v3 =	vshrl.u32 v3, $0x11;
	v4 =	vld [tilespmem:s13+$0x1100]  }
0x91: {  	v5 =	vld [tilespmem:s13+$0x9100];
	_ =	sdelay $0x3  }
0x92: {  	[tilespmem:v3+s26+$0x0] =	vst.idx.add.s32.msk $0xffff, v1  }
0x93: {  	v3 =	vld [tilespmem:s15+$0x200];
	v4 =	vsub.f32 v4, v5  }
0x94: {  	v5 =	vld [tilespmem:s15+$0x8200]  }
0x95: {  	v4 =	vand.u32 $0x7FFFFFFF, v4  }
0x96: {  	v4 =	vshrl.u32 v4, $0x11;
	_ =	sdelay $0x2  }
0x97: {  	v3 =	vsub.f32 v3, v5;
	_ =	sdelay $0x1  }
0x98: {  	s19 =	sor.u32 $0x1180, s9;
	v3 =	vand.u32 $0x7FFFFFFF, v3;
	[tilespmem:v4+s26+$0x0] =	vst.idx.add.s32.msk $0xffff, v1  }
0x99: {  	v3 =	vshrl.u32 v3, $0x11;
	v4 =	vld [tilespmem:s19+$0x0]  }
0x9a: {  	v5 =	vld [tilespmem:s19+$0x8000];
	_ =	sdelay $0x3  }
0x9b: {  	[tilespmem:v3+s26+$0x0] =	vst.idx.add.s32.msk $0xffff, v1  }
0x9c: {  	v3 =	vld [tilespmem:s15+$0x280];
	v4 =	vsub.f32 v4, v5  }
0x9d: {  	v5 =	vld [tilespmem:s15+$0x8280]  }
0x9e: {  	v4 =	vand.u32 $0x7FFFFFFF, v4  }
0x9f: {  	v4 =	vshrl.u32 v4, $0x11;
	_ =	sdelay $0x2  }
0xa0: {  	v3 =	vsub.f32 v3, v5;
	_ =	sdelay $0x1  }
0xa1: {  	v3 =	vand.u32 $0x7FFFFFFF, v3;
	[tilespmem:v4+s26+$0x0] =	vst.idx.add.s32.msk $0xffff, v1  }
0xa2: {  	v3 =	vshrl.u32 v3, $0x11;
	v4 =	vld [tilespmem:s13+$0x1200]  }
0xa3: {  	v5 =	vld [tilespmem:s13+$0x9200];
	_ =	sdelay $0x3  }
0xa4: {  	[tilespmem:v3+s26+$0x0] =	vst.idx.add.s32.msk $0xffff, v1  }
0xa5: {  	v3 =	vld [tilespmem:s15+$0x300];
	v4 =	vsub.f32 v4, v5  }
0xa6: {  	v5 =	vld [tilespmem:s15+$0x8300]  }
0xa7: {  	v4 =	vand.u32 $0x7FFFFFFF, v4  }
0xa8: {  	s4 =	simm.s32 $0x100;
	s3 =	simm.s32 $0x20;
	v4 =	vshrl.u32 v4, $0x11  }
0xa9: {  	s8 =	sand.u32 $0xC00, s4;
	s7 =	sand.u32 $0x70, s3  }
0xaa: {  	s17 =	sor.u32 s7, s8  }
0xab: {  	v6 =	vld [tilespmem:s17+$0x0];
	v3 =	vsub.f32 v3, v5  }
0xac: {  	v5 =	vld [tilespmem:s17+$0x8000]  }
0xad: {  	v3 =	vand.u32 $0x7FFFFFFF, v3;
	[tilespmem:v4+s26+$0x0] =	vst.idx.add.s32.msk $0xffff, v1  }
0xae: {  	v3 =	vshrl.u32 v3, $0x11;
	v4 =	vld [tilespmem:s13+$0x1280]  }
0xaf: {  	v7 =	vld [tilespmem:s13+$0x9280];
	_ =	sdelay $0x1  }
0xb0: {  	v5 =	vsub.f32 v6, v5  }
0xb1: {  	s16 =	sor.u32 s31, s6  }
0xb2: {  	s5 =	sor.u32 $0x380, s16;
	v5 =	vand.u32 $0x7FFFFFFF, v5;
	[tilespmem:v3+s26+$0x0] =	vst.idx.add.s32.msk $0xffff, v1  }
0xb3: {  	v3 =	vshrl.u32 v5, $0x11;
	v5 =	vld [tilespmem:s5+$0x0];
	v4 =	vsub.f32 v4, v7  }
0xb4: {  	v6 =	vld [tilespmem:s5+$0x8000]  }
0xb5: {  	v4 =	vand.u32 $0x7FFFFFFF, v4  }
0xb6: {  	v4 =	vshrl.u32 v4, $0x11;
	_ =	sdelay $0x1  }
0xb7: {  	[tilespmem:v3+s26+$0x0] =	vst.idx.add.s32.msk $0xffff, v1  }
0xb8: {  	v3 =	vld [tilespmem:s17+$0x80];
	v5 =	vsub.f32 v5, v6  }
0xb9: {  	v6 =	vld [tilespmem:s17+$0x8080]  }
0xba: {  	v5 =	vand.u32 $0x7FFFFFFF, v5;
	[tilespmem:v4+s26+$0x0] =	vst.idx.add.s32.msk $0xffff, v1  }
0xbb: {  	v4 =	vshrl.u32 v5, $0x11;
	v5 =	vld [tilespmem:s13+$0x1300]  }
0xbc: {  	v7 =	vld [tilespmem:s13+$0x9300];
	_ =	sdelay $0x1  }
0xbd: {  	v3 =	vsub.f32 v3, v6;
	_ =	sdelay $0x1  }
0xbe: {  	v3 =	vand.u32 $0x7FFFFFFF, v3;
	[tilespmem:v4+s26+$0x0] =	vst.idx.add.s32.msk $0xffff, v1  }
0xbf: {  	v3 =	vshrl.u32 v3, $0x11;
	v4 =	vld [tilespmem:s15+$0x1000];
	v5 =	vsub.f32 v5, v7  }
0xc0: {  	v6 =	vld [tilespmem:s15+$0x9000]  }
0xc1: {  	v5 =	vand.u32 $0x7FFFFFFF, v5  }
0xc2: {  	v5 =	vshrl.u32 v5, $0x11;
	_ =	sdelay $0x1  }
0xc3: {  	[tilespmem:v3+s26+$0x0] =	vst.idx.add.s32.msk $0xffff, v1  }
0xc4: {  	v3 =	vld [tilespmem:s17+$0x100];
	v4 =	vsub.f32 v4, v6  }
0xc5: {  	v6 =	vld [tilespmem:s17+$0x8100]  }
0xc6: {  	s20 =	sor.u32 $0x1380, s14;
	v4 =	vand.u32 $0x7FFFFFFF, v4;
	[tilespmem:v5+s26+$0x0] =	vst.idx.add.s32.msk $0xffff, v1  }
0xc7: {  	v4 =	vshrl.u32 v4, $0x11;
	v5 =	vld [tilespmem:s20+$0x0]  }
0xc8: {  	v7 =	vld [tilespmem:s20+$0x8000];
	_ =	sdelay $0x1  }
0xc9: {  	v3 =	vsub.f32 v3, v6;
	_ =	sdelay $0x1  }
0xca: {  	v3 =	vand.u32 $0x7FFFFFFF, v3;
	[tilespmem:v4+s26+$0x0] =	vst.idx.add.s32.msk $0xffff, v1  }
0xcb: {  	v3 =	vshrl.u32 v3, $0x11;
	v4 =	vld [tilespmem:s15+$0x1080];
	v5 =	vsub.f32 v5, v7  }
0xcc: {  	v6 =	vld [tilespmem:s15+$0x9080]  }
0xcd: {  	v5 =	vand.u32 $0x7FFFFFFF, v5  }
0xce: {  	s21 =	sand.u32 $0xFFFFFC00, s4;
	v5 =	vshrl.u32 v5, $0x11  }
0xcf: {  	s6 =	sadd.s32 $0x20, s21  }
0xd0: {  	s5 =	sor.u32 $0x180, s6;
	[tilespmem:v3+s26+$0x0] =	vst.idx.add.s32.msk $0xffff, v1  }
0xd1: {  	v3 =	vld [tilespmem:s5+$0x0];
	v4 =	vsub.f32 v4, v6  }
0xd2: {  	v6 =	vld [tilespmem:s5+$0x8000]  }
0xd3: {  	v4 =	vand.u32 $0x7FFFFFFF, v4;
	[tilespmem:v5+s26+$0x0] =	vst.idx.add.s32.msk $0xffff, v1  }
0xd4: {  	v4 =	vshrl.u32 v4, $0x11;
	v5 =	vld [tilespmem:s13+$0x2000]  }
0xd5: {  	v7 =	vld [tilespmem:s13+$0xA000];
	_ =	sdelay $0x1  }
0xd6: {  	v3 =	vsub.f32 v3, v6;
	_ =	sdelay $0x1  }
0xd7: {  	v3 =	vand.u32 $0x7FFFFFFF, v3;
	[tilespmem:v4+s26+$0x0] =	vst.idx.add.s32.msk $0xffff, v1  }
0xd8: {  	v3 =	vshrl.u32 v3, $0x11;
	v4 =	vld [tilespmem:s15+$0x1100];
	v5 =	vsub.f32 v5, v7  }
0xd9: {  	v6 =	vld [tilespmem:s15+$0x9100]  }
0xda: {  	v5 =	vand.u32 $0x7FFFFFFF, v5  }
0xdb: {  	v5 =	vshrl.u32 v5, $0x11;
	_ =	sdelay $0x1  }
0xdc: {  	[tilespmem:v3+s26+$0x0] =	vst.idx.add.s32.msk $0xffff, v1  }
0xdd: {  	v3 =	vld [tilespmem:s17+$0x200];
	v4 =	vsub.f32 v4, v6  }
0xde: {  	v6 =	vld [tilespmem:s17+$0x8200]  }
0xdf: {  	v4 =	vand.u32 $0x7FFFFFFF, v4;
	[tilespmem:v5+s26+$0x0] =	vst.idx.add.s32.msk $0xffff, v1  }
0xe0: {  	v4 =	vshrl.u32 v4, $0x11;
	v5 =	vld [tilespmem:s13+$0x2080]  }
0xe1: {  	v7 =	vld [tilespmem:s13+$0xA080];
	_ =	sdelay $0x1  }
0xe2: {  	v3 =	vsub.f32 v3, v6;
	_ =	sdelay $0x1  }
0xe3: {  	s31 =	sor.u32 $0x1180, s18;
	v3 =	vand.u32 $0x7FFFFFFF, v3;
	[tilespmem:v4+s26+$0x0] =	vst.idx.add.s32.msk $0xffff, v1  }
0xe4: {  	v3 =	vshrl.u32 v3, $0x11;
	v4 =	vld [tilespmem:s31+$0x0];
	v5 =	vsub.f32 v5, v7  }
0xe5: {  	v6 =	vld [tilespmem:s31+$0x8000]  }
0xe6: {  	v5 =	vand.u32 $0x7FFFFFFF, v5  }
0xe7: {  	v5 =	vshrl.u32 v5, $0x11;
	_ =	sdelay $0x1  }
0xe8: {  	[tilespmem:v3+s26+$0x0] =	vst.idx.add.s32.msk $0xffff, v1  }
0xe9: {  	v3 =	vld [tilespmem:s17+$0x280];
	v4 =	vsub.f32 v4, v6  }
0xea: {  	v6 =	vld [tilespmem:s17+$0x8280]  }
0xeb: {  	v4 =	vand.u32 $0x7FFFFFFF, v4;
	[tilespmem:v5+s26+$0x0] =	vst.idx.add.s32.msk $0xffff, v1  }
0xec: {  	v4 =	vshrl.u32 v4, $0x11;
	v5 =	vld [tilespmem:s13+$0x2100]  }
0xed: {  	v7 =	vld [tilespmem:s13+$0xA100];
	_ =	sdelay $0x1  }
0xee: {  	v3 =	vsub.f32 v3, v6;
	_ =	sdelay $0x1  }
0xef: {  	v3 =	vand.u32 $0x7FFFFFFF, v3;
	[tilespmem:v4+s26+$0x0] =	vst.idx.add.s32.msk $0xffff, v1  }
0xf0: {  	v3 =	vshrl.u32 v3, $0x11;
	v4 =	vld [tilespmem:s15+$0x1200];
	v5 =	vsub.f32 v5, v7  }
0xf1: {  	v6 =	vld [tilespmem:s15+$0x9200]  }
0xf2: {  	v5 =	vand.u32 $0x7FFFFFFF, v5  }
0xf3: {  	v5 =	vshrl.u32 v5, $0x11;
	_ =	sdelay $0x1  }
0xf4: {  	[tilespmem:v3+s26+$0x0] =	vst.idx.add.s32.msk $0xffff, v1  }
0xf5: {  	v3 =	vld [tilespmem:s17+$0x300];
	v4 =	vsub.f32 v4, v6  }
0xf6: {  	v6 =	vld [tilespmem:s17+$0x8300]  }
0xf7: {  	s7 =	sor.u32 $0x2180, s9;
	v4 =	vand.u32 $0x7FFFFFFF, v4;
	[tilespmem:v5+s26+$0x0] =	vst.idx.add.s32.msk $0xffff, v1  }
0xf8: {  	s30 =	simm.s32 $0x180;
	s8 =	simm.s32 $0x30;
	v4 =	vshrl.u32 v4, $0x11;
	v5 =	vld [tilespmem:s7+$0x0]  }
0xf9: {  	s19 =	sand.u32 $0xC00, s30;
	s20 =	sand.u32 $0x70, s8;
	v7 =	vld [tilespmem:s7+$0x8000]  }
0xfa: {  	s5 =	sor.u32 s20, s19  }
0xfb: {  	v8 =	vld [tilespmem:s5+$0x0];
	v3 =	vsub.f32 v3, v6  }
0xfc: {  	v6 =	vld [tilespmem:s5+$0x8000]  }
0xfd: {  	v3 =	vand.u32 $0x7FFFFFFF, v3;
	[tilespmem:v4+s26+$0x0] =	vst.idx.add.s32.msk $0xffff, v1  }
0xfe: {  	v3 =	vshrl.u32 v3, $0x11;
	v4 =	vld [tilespmem:s15+$0x1280];
	v5 =	vsub.f32 v5, v7  }
0xff: {  	v7 =	vld [tilespmem:s15+$0x9280]  }
0x100: {  	v5 =	vand.u32 $0x7FFFFFFF, v5  }
0x101: {  	v6 =	vsub.f32 v8, v6;
	v5 =	vshrl.u32 v5, $0x11  }
0x102: {  	s19 =	sor.u32 s3, s4  }
0x103: {  	s3 =	sor.u32 $0x380, s19;
	v6 =	vand.u32 $0x7FFFFFFF, v6;
	[tilespmem:v3+s26+$0x0] =	vst.idx.add.s32.msk $0xffff, v1  }
0x104: {  	v3 =	vshrl.u32 v6, $0x11;
	v6 =	vld [tilespmem:s3+$0x0];
	v4 =	vsub.f32 v4, v7  }
0x105: {  	v7 =	vld [tilespmem:s3+$0x8000]  }
0x106: {  	v4 =	vand.u32 $0x7FFFFFFF, v4;
	[tilespmem:v5+s26+$0x0] =	vst.idx.add.s32.msk $0xffff, v1  }
0x107: {  	v4 =	vshrl.u32 v4, $0x11;
	v5 =	vld [tilespmem:s13+$0x2200]  }
0x108: {  	v8 =	vld [tilespmem:s13+$0xA200]  }
0x109: {  	[tilespmem:v3+s26+$0x0] =	vst.idx.add.s32.msk $0xffff, v1  }
0x10a: {  	v3 =	vld [tilespmem:s5+$0x80];
	v6 =	vsub.f32 v6, v7  }
0x10b: {  	v7 =	vld [tilespmem:s5+$0x8080]  }
0x10c: {  	v6 =	vand.u32 $0x7FFFFFFF, v6;
	[tilespmem:v4+s26+$0x0] =	vst.idx.add.s32.msk $0xffff, v1  }
0x10d: {  	v4 =	vshrl.u32 v6, $0x11;
	v6 =	vld [tilespmem:s15+$0x1300];
	v5 =	vsub.f32 v5, v8  }
0x10e: {  	v8 =	vld [tilespmem:s15+$0x9300]  }
0x10f: {  	v5 =	vand.u32 $0x7FFFFFFF, v5  }
0x110: {  	v3 =	vsub.f32 v3, v7;
	v5 =	vshrl.u32 v5, $0x11;
	_ =	sdelay $0x1  }
0x111: {  	v3 =	vand.u32 $0x7FFFFFFF, v3;
	[tilespmem:v4+s26+$0x0] =	vst.idx.add.s32.msk $0xffff, v1  }
0x112: {  	v3 =	vshrl.u32 v3, $0x11;
	v4 =	vld [tilespmem:s17+$0x1000];
	v6 =	vsub.f32 v6, v8  }
0x113: {  	v7 =	vld [tilespmem:s17+$0x9000]  }
0x114: {  	v6 =	vand.u32 $0x7FFFFFFF, v6;
	[tilespmem:v5+s26+$0x0] =	vst.idx.add.s32.msk $0xffff, v1  }
0x115: {  	v5 =	vshrl.u32 v6, $0x11;
	v6 =	vld [tilespmem:s13+$0x2280]  }
0x116: {  	v8 =	vld [tilespmem:s13+$0xA280]  }
0x117: {  	[tilespmem:v3+s26+$0x0] =	vst.idx.add.s32.msk $0xffff, v1  }
0x118: {  	v3 =	vld [tilespmem:s5+$0x100];
	v4 =	vsub.f32 v4, v7  }
0x119: {  	v7 =	vld [tilespmem:s5+$0x8100]  }
0x11a: {  	s21 =	sor.u32 $0x1380, s16;
	v4 =	vand.u32 $0x7FFFFFFF, v4;
	[tilespmem:v5+s26+$0x0] =	vst.idx.add.s32.msk $0xffff, v1  }
0x11b: {  	v4 =	vshrl.u32 v4, $0x11;
	v5 =	vld [tilespmem:s21+$0x0];
	v6 =	vsub.f32 v6, v8  }
0x11c: {  	v8 =	vld [tilespmem:s21+$0x8000]  }
0x11d: {  	v6 =	vand.u32 $0x7FFFFFFF, v6  }
0x11e: {  	v3 =	vsub.f32 v3, v7;
	v6 =	vshrl.u32 v6, $0x11;
	_ =	sdelay $0x1  }
0x11f: {  	v3 =	vand.u32 $0x7FFFFFFF, v3;
	[tilespmem:v4+s26+$0x0] =	vst.idx.add.s32.msk $0xffff, v1  }
0x120: {  	v3 =	vshrl.u32 v3, $0x11;
	v4 =	vld [tilespmem:s17+$0x1080];
	v5 =	vsub.f32 v5, v8  }
0x121: {  	v7 =	vld [tilespmem:s17+$0x9080]  }
0x122: {  	v5 =	vand.u32 $0x7FFFFFFF, v5;
	[tilespmem:v6+s26+$0x0] =	vst.idx.add.s32.msk $0xffff, v1  }
0x123: {  	s31 =	sand.u32 $0xFFFFFC00, s30;
	v5 =	vshrl.u32 v5, $0x11;
	v6 =	vld [tilespmem:s13+$0x2300]  }
0x124: {  	s7 =	sadd.s32 $0x30, s31;
	v8 =	vld [tilespmem:s13+$0xA300]  }
0x125: {  	s3 =	sor.u32 $0x180, s7;
	[tilespmem:v3+s26+$0x0] =	vst.idx.add.s32.msk $0xffff, v1  }
0x126: {  	v3 =	vld [tilespmem:s3+$0x0];
	v4 =	vsub.f32 v4, v7  }
0x127: {  	v7 =	vld [tilespmem:s3+$0x8000]  }
0x128: {  	v4 =	vand.u32 $0x7FFFFFFF, v4;
	[tilespmem:v5+s26+$0x0] =	vst.idx.add.s32.msk $0xffff, v1  }
0x129: {  	v4 =	vshrl.u32 v4, $0x11;
	v5 =	vld [tilespmem:s15+$0x2000];
	v6 =	vsub.f32 v6, v8  }
0x12a: {  	v8 =	vld [tilespmem:s15+$0xA000]  }
0x12b: {  	v6 =	vand.u32 $0x7FFFFFFF, v6  }
0x12c: {  	v3 =	vsub.f32 v3, v7;
	v6 =	vshrl.u32 v6, $0x11;
	_ =	sdelay $0x1  }
0x12d: {  	v3 =	vand.u32 $0x7FFFFFFF, v3;
	[tilespmem:v4+s26+$0x0] =	vst.idx.add.s32.msk $0xffff, v1  }
0x12e: {  	v3 =	vshrl.u32 v3, $0x11;
	v4 =	vld [tilespmem:s17+$0x1100];
	v5 =	vsub.f32 v5, v8  }
0x12f: {  	v7 =	vld [tilespmem:s17+$0x9100]  }
0x130: {  	s4 =	sor.u32 $0x2380, s14;
	v5 =	vand.u32 $0x7FFFFFFF, v5;
	[tilespmem:v6+s26+$0x0] =	vst.idx.add.s32.msk $0xffff, v1  }
0x131: {  	v5 =	vshrl.u32 v5, $0x11;
	v6 =	vld [tilespmem:s4+$0x0]  }
0x132: {  	v8 =	vld [tilespmem:s4+$0x8000]  }
0x133: {  	[tilespmem:v3+s26+$0x0] =	vst.idx.add.s32.msk $0xffff, v1  }
0x134: {  	v3 =	vld [tilespmem:s5+$0x200];
	v4 =	vsub.f32 v4, v7  }
0x135: {  	v7 =	vld [tilespmem:s5+$0x8200]  }
0x136: {  	v4 =	vand.u32 $0x7FFFFFFF, v4;
	[tilespmem:v5+s26+$0x0] =	vst.idx.add.s32.msk $0xffff, v1  }
0x137: {  	v4 =	vshrl.u32 v4, $0x11;
	v5 =	vld [tilespmem:s15+$0x2080];
	v6 =	vsub.f32 v6, v8  }
0x138: {  	v8 =	vld [tilespmem:s15+$0xA080]  }
0x139: {  	v6 =	vand.u32 $0x7FFFFFFF, v6  }
0x13a: {  	v3 =	vsub.f32 v3, v7;
	v6 =	vshrl.u32 v6, $0x11;
	_ =	sdelay $0x1  }
0x13b: {  	s20 =	sor.u32 $0x1180, s6;
	v3 =	vand.u32 $0x7FFFFFFF, v3;
	[tilespmem:v4+s26+$0x0] =	vst.idx.add.s32.msk $0xffff, v1  }
0x13c: {  	v3 =	vshrl.u32 v3, $0x11;
	v4 =	vld [tilespmem:s20+$0x0];
	v5 =	vsub.f32 v5, v8  }
0x13d: {  	v7 =	vld [tilespmem:s20+$0x8000]  }
0x13e: {  	v5 =	vand.u32 $0x7FFFFFFF, v5;
	[tilespmem:v6+s26+$0x0] =	vst.idx.add.s32.msk $0xffff, v1  }
0x13f: {  	v5 =	vshrl.u32 v5, $0x11;
	v6 =	vld [tilespmem:s13+$0x3000]  }
0x140: {  	v8 =	vld [tilespmem:s13+$0xB000]  }
0x141: {  	[tilespmem:v3+s26+$0x0] =	vst.idx.add.s32.msk $0xffff, v1  }
0x142: {  	v3 =	vld [tilespmem:s5+$0x280];
	v4 =	vsub.f32 v4, v7  }
0x143: {  	v7 =	vld [tilespmem:s5+$0x8280]  }
0x144: {  	v4 =	vand.u32 $0x7FFFFFFF, v4;
	[tilespmem:v5+s26+$0x0] =	vst.idx.add.s32.msk $0xffff, v1  }
0x145: {  	v4 =	vshrl.u32 v4, $0x11;
	v5 =	vld [tilespmem:s15+$0x2100];
	v6 =	vsub.f32 v6, v8  }
0x146: {  	v8 =	vld [tilespmem:s15+$0xA100]  }
0x147: {  	v6 =	vand.u32 $0x7FFFFFFF, v6  }
0x148: {  	v3 =	vsub.f32 v3, v7;
	v6 =	vshrl.u32 v6, $0x11;
	_ =	sdelay $0x1  }
0x149: {  	v3 =	vand.u32 $0x7FFFFFFF, v3;
	[tilespmem:v4+s26+$0x0] =	vst.idx.add.s32.msk $0xffff, v1  }
0x14a: {  	v3 =	vshrl.u32 v3, $0x11;
	v4 =	vld [tilespmem:s17+$0x1200];
	v5 =	vsub.f32 v5, v8  }
0x14b: {  	v7 =	vld [tilespmem:s17+$0x9200]  }
0x14c: {  	v5 =	vand.u32 $0x7FFFFFFF, v5;
	[tilespmem:v6+s26+$0x0] =	vst.idx.add.s32.msk $0xffff, v1  }
0x14d: {  	v5 =	vshrl.u32 v5, $0x11;
	v6 =	vld [tilespmem:s13+$0x3080]  }
0x14e: {  	v8 =	vld [tilespmem:s13+$0xB080]  }
0x14f: {  	[tilespmem:v3+s26+$0x0] =	vst.idx.add.s32.msk $0xffff, v1  }
0x150: {  	v3 =	vld [tilespmem:s5+$0x300];
	v4 =	vsub.f32 v4, v7  }
0x151: {  	v7 =	vld [tilespmem:s5+$0x8300]  }
0x152: {  	s20 =	sor.u32 $0x2180, s18;
	v4 =	vand.u32 $0x7FFFFFFF, v4;
	[tilespmem:v5+s26+$0x0] =	vst.idx.add.s32.msk $0xffff, v1  }
0x153: {  	s3 =	simm.s32 $0x40;
	s4 =	simm.s32 $0x200;
	v4 =	vshrl.u32 v4, $0x11;
	v5 =	vld [tilespmem:s20+$0x0];
	v6 =	vsub.f32 v6, v8  }
0x154: {  	s31 =	sand.u32 $0x70, s3;
	s21 =	sand.u32 $0xC00, s4;
	v8 =	vld [tilespmem:s20+$0x8000]  }
0x155: {  	s20 =	sor.u32 s31, s21;
	v6 =	vand.u32 $0x7FFFFFFF, v6  }
0x156: {  	v9 =	vld [tilespmem:s20+$0x0];
	v3 =	vsub.f32 v3, v7;
	v6 =	vshrl.u32 v6, $0x11  }
0x157: {  	v7 =	vld [tilespmem:s20+$0x8000]  }
0x158: {  	v3 =	vand.u32 $0x7FFFFFFF, v3;
	[tilespmem:v4+s26+$0x0] =	vst.idx.add.s32.msk $0xffff, v1  }
0x159: {  	v3 =	vshrl.u32 v3, $0x11;
	v4 =	vld [tilespmem:s17+$0x1280];
	v5 =	vsub.f32 v5, v8  }
0x15a: {  	v8 =	vld [tilespmem:s17+$0x9280]  }
0x15b: {  	v5 =	vand.u32 $0x7FFFFFFF, v5;
	[tilespmem:v6+s26+$0x0] =	vst.idx.add.s32.msk $0xffff, v1  }
0x15c: {  	v6 =	vsub.f32 v9, v7;
	v5 =	vshrl.u32 v5, $0x11;
	v7 =	vld [tilespmem:s13+$0x3100]  }
0x15d: {  	s8 =	sor.u32 s8, s30;
	v9 =	vld [tilespmem:s13+$0xB100]  }
0x15e: {  	s30 =	sor.u32 $0x380, s8;
	[tilespmem:v3+s26+$0x0] =	vst.idx.add.s32.msk $0xffff, v1;
	v6 =	vand.u32 $0x7FFFFFFF, v6  }
0x15f: {  	v4 =	vsub.f32 v4, v8;
	v8 =	vld [tilespmem:s30+$0x8000];
	v3 =	vshrl.u32 v6, $0x11  }
0x160: {  	v6 =	vld [tilespmem:s30+$0x0]  }
0x161: {  	v4 =	vand.u32 $0x7FFFFFFF, v4;
	[tilespmem:v5+s26+$0x0] =	vst.idx.add.s32.msk $0xffff, v1  }
0x162: {  	v4 =	vshrl.u32 v4, $0x11;
	v5 =	vld [tilespmem:s15+$0x2200];
	v7 =	vsub.f32 v7, v9  }
0x163: {  	v9 =	vld [tilespmem:s15+$0xA200]  }
0x164: {  	[tilespmem:v3+s26+$0x0] =	vst.idx.add.s32.msk $0xffff, v1;
	v3 =	vand.u32 $0x7FFFFFFF, v7  }
0x165: {  	v6 =	vsub.f32 v6, v8;
	v7 =	vld [tilespmem:s20+$0x80];
	v3 =	vshrl.u32 v3, $0x11  }
0x166: {  	v8 =	vld [tilespmem:s20+$0x8080]  }
0x167: {  	v6 =	vand.u32 $0x7FFFFFFF, v6;
	[tilespmem:v4+s26+$0x0] =	vst.idx.add.s32.msk $0xffff, v1  }
0x168: {  	v4 =	vshrl.u32 v6, $0x11;
	v6 =	vld [tilespmem:s17+$0x1300];
	v5 =	vsub.f32 v5, v9  }
0x169: {  	v9 =	vld [tilespmem:s17+$0x9300]  }
0x16a: {  	s9 =	sor.u32 $0x3180, s9;
	v5 =	vand.u32 $0x7FFFFFFF, v5;
	[tilespmem:v3+s26+$0x0] =	vst.idx.add.s32.msk $0xffff, v1  }
0x16b: {  	v3 =	vsub.f32 v7, v8;
	v5 =	vshrl.u32 v5, $0x11;
	v7 =	vld [tilespmem:s9+$0x0]  }
0x16c: {  	v8 =	vld [tilespmem:s9+$0x8000]  }
0x16d: {  	v3 =	vand.u32 $0x7FFFFFFF, v3;
	[tilespmem:v4+s26+$0x0] =	vst.idx.add.s32.msk $0xffff, v1  }
0x16e: {  	v6 =	vsub.f32 v6, v9;
	v3 =	vshrl.u32 v3, $0x11;
	v10 =	vld [tilespmem:s5+$0x1000]  }
0x16f: {  	v11 =	vld [tilespmem:s5+$0x9000]  }
0x170: {  	v6 =	vand.u32 $0x7FFFFFFF, v6;
	[tilespmem:v5+s26+$0x0] =	vst.idx.add.s32.msk $0xffff, v1  }
0x171: {  	v6 =	vshrl.u32 v6, $0x11;
	v4 =	vld [tilespmem:s15+$0x2280];
	v7 =	vsub.f32 v7, v8  }
0x172: {  	v5 =	vld [tilespmem:s15+$0xA280]  }
0x173: {  	[tilespmem:v3+s26+$0x0] =	vst.idx.add.s32.msk $0xffff, v1;
	v3 =	vand.u32 $0x7FFFFFFF, v7  }
0x174: {  	s30 =	simm.s32 $0x50;
	s9 =	simm.s32 $0x200;
	v7 =	vsub.f32 v10, v11;
	v8 =	vld [tilespmem:s20+$0x100];
	v3 =	vshrl.u32 v3, $0x11  }
.LBB2_5:
0x175: {  	p2 =	sne.s32 s30, $0x1F0;
	v9 =	vld [tilespmem:s20+$0x8100]  }
0x176: {  	s31 =	sor.u32 $0x1380, s19;
	v7 =	vand.u32 $0x7FFFFFFF, v7;
	[tilespmem:v6+s26+$0x0] =	vst.idx.add.s32.msk $0xffff, v1  }
0x177: {  	v6 =	vshrl.u32 v7, $0x11;
	v7 =	vld [tilespmem:s31+$0x0];
	v4 =	vsub.f32 v4, v5  }
0x178: {  	v5 =	vld [tilespmem:s31+$0x8000]  }
0x179: {  	v4 =	vand.u32 $0x7FFFFFFF, v4;
	[tilespmem:v3+s26+$0x0] =	vst.idx.add.s32.msk $0xffff, v1  }
0x17a: {  	v3 =	vsub.f32 v8, v9;
	v4 =	vshrl.u32 v4, $0x11;
	v8 =	vld [tilespmem:s13+$0x3200]  }
0x17b: {  	v9 =	vld [tilespmem:s13+$0xB200]  }
0x17c: {  	v3 =	vand.u32 $0x7FFFFFFF, v3;
	[tilespmem:v6+s26+$0x0] =	vst.idx.add.s32.msk $0xffff, v1  }
0x17d: {  	v3 =	vshrl.u32 v3, $0x11;
	v6 =	vld [tilespmem:s5+$0x1080];
	v5 =	vsub.f32 v7, v5  }
0x17e: {  	v7 =	vld [tilespmem:s5+$0x9080]  }
0x17f: {  	v5 =	vand.u32 $0x7FFFFFFF, v5;
	[tilespmem:v4+s26+$0x0] =	vst.idx.add.s32.msk $0xffff, v1  }
0x180: {  	s31 =	sand.u32 $0xFFFFFC00, s4;
	v4 =	vshrl.u32 v5, $0x11;
	v5 =	vld [tilespmem:s15+$0x2300];
	v8 =	vsub.f32 v8, v9  }
0x181: {  	s31 =	sadd.s32 s31, s3;
	v9 =	vld [tilespmem:s15+$0xA300]  }
0x182: {  	s21 =	sor.u32 $0x180, s31;
	[tilespmem:v3+s26+$0x0] =	vst.idx.add.s32.msk $0xffff, v1;
	v3 =	vand.u32 $0x7FFFFFFF, v8  }
0x183: {  	v8 =	vld [tilespmem:s21+$0x0];
	v6 =	vsub.f32 v6, v7;
	v3 =	vshrl.u32 v3, $0x11  }
0x184: {  	v7 =	vld [tilespmem:s21+$0x8000]  }
0x185: {  	v6 =	vand.u32 $0x7FFFFFFF, v6;
	[tilespmem:v4+s26+$0x0] =	vst.idx.add.s32.msk $0xffff, v1  }
0x186: {  	v4 =	vshrl.u32 v6, $0x11;
	v6 =	vld [tilespmem:s17+$0x2000];
	v5 =	vsub.f32 v5, v9  }
0x187: {  	v9 =	vld [tilespmem:s17+$0xA000]  }
0x188: {  	v5 =	vand.u32 $0x7FFFFFFF, v5;
	[tilespmem:v3+s26+$0x0] =	vst.idx.add.s32.msk $0xffff, v1  }
0x189: {  	v3 =	vsub.f32 v8, v7;
	v5 =	vshrl.u32 v5, $0x11;
	v7 =	vld [tilespmem:s13+$0x3280]  }
0x18a: {  	v8 =	vld [tilespmem:s13+$0xB280]  }
0x18b: {  	v3 =	vand.u32 $0x7FFFFFFF, v3;
	[tilespmem:v4+s26+$0x0] =	vst.idx.add.s32.msk $0xffff, v1  }
0x18c: {  	v3 =	vshrl.u32 v3, $0x11;
	v4 =	vld [tilespmem:s5+$0x1100];
	v6 =	vsub.f32 v6, v9  }
0x18d: {  	v9 =	vld [tilespmem:s5+$0x9100]  }
0x18e: {  	s21 =	sor.u32 $0x2380, s16;
	v6 =	vand.u32 $0x7FFFFFFF, v6;
	[tilespmem:v5+s26+$0x0] =	vst.idx.add.s32.msk $0xffff, v1  }
0x18f: {  	v5 =	vshrl.u32 v6, $0x11;
	v6 =	vld [tilespmem:s21+$0x0];
	v7 =	vsub.f32 v7, v8  }
0x190: {  	v8 =	vld [tilespmem:s21+$0x8000]  }
0x191: {  	[tilespmem:v3+s26+$0x0] =	vst.idx.add.s32.msk $0xffff, v1;
	v3 =	vand.u32 $0x7FFFFFFF, v7  }
0x192: {  	v7 =	vld [tilespmem:s20+$0x200];
	v4 =	vsub.f32 v4, v9;
	v3 =	vshrl.u32 v3, $0x11  }
0x193: {  	v9 =	vld [tilespmem:s20+$0x8200]  }
0x194: {  	v4 =	vand.u32 $0x7FFFFFFF, v4;
	[tilespmem:v5+s26+$0x0] =	vst.idx.add.s32.msk $0xffff, v1  }
0x195: {  	v4 =	vshrl.u32 v4, $0x11;
	v5 =	vld [tilespmem:s17+$0x2080];
	v6 =	vsub.f32 v6, v8  }
0x196: {  	v8 =	vld [tilespmem:s17+$0xA080]  }
0x197: {  	v6 =	vand.u32 $0x7FFFFFFF, v6;
	[tilespmem:v3+s26+$0x0] =	vst.idx.add.s32.msk $0xffff, v1  }
0x198: {  	v3 =	vsub.f32 v7, v9;
	v6 =	vshrl.u32 v6, $0x11;
	v7 =	vld [tilespmem:s13+$0x3300]  }
0x199: {  	v9 =	vld [tilespmem:s13+$0xB300];
	s13 =	smov.u32 s15;
	s15 =	smov.u32 s17;
	s17 =	smov.u32 s5  }
0x19a: {  	s21 =	sor.u32 $0x1180, s7;
	s5 =	smov.u32 s20;
	v3 =	vand.u32 $0x7FFFFFFF, v3;
	[tilespmem:v4+s26+$0x0] =	vst.idx.add.s32.msk $0xffff, v1  }
0x19b: {  	v3 =	vshrl.u32 v3, $0x11;
	v4 =	vld [tilespmem:s21+$0x0];
	v5 =	vsub.f32 v5, v8  }
0x19c: {  	v8 =	vld [tilespmem:s21+$0x8000]  }
0x19d: {  	v5 =	vand.u32 $0x7FFFFFFF, v5;
	[tilespmem:v6+s26+$0x0] =	vst.idx.add.s32.msk $0xffff, v1  }
0x19e: {  	v5 =	vshrl.u32 v5, $0x11;
	v6 =	vld [tilespmem:s13+$0x3000];
	v7 =	vsub.f32 v7, v9  }
0x19f: {  	v9 =	vld [tilespmem:s13+$0xB000]  }
0x1a0: {  	[tilespmem:v3+s26+$0x0] =	vst.idx.add.s32.msk $0xffff, v1;
	v3 =	vand.u32 $0x7FFFFFFF, v7  }
0x1a1: {  	v7 =	vld [tilespmem:s5+$0x280];
	v4 =	vsub.f32 v4, v8;
	v3 =	vshrl.u32 v3, $0x11  }
0x1a2: {  	v8 =	vld [tilespmem:s5+$0x8280]  }
0x1a3: {  	v4 =	vand.u32 $0x7FFFFFFF, v4;
	[tilespmem:v5+s26+$0x0] =	vst.idx.add.s32.msk $0xffff, v1  }
0x1a4: {  	v4 =	vshrl.u32 v4, $0x11;
	v5 =	vld [tilespmem:s15+$0x2100];
	v6 =	vsub.f32 v6, v9  }
0x1a5: {  	v9 =	vld [tilespmem:s15+$0xA100]  }
0x1a6: {  	s20 =	sor.u32 $0x3380, s14;
	s14 =	smov.u32 s16;
	s16 =	smov.u32 s19;
	v6 =	vand.u32 $0x7FFFFFFF, v6;
	[tilespmem:v3+s26+$0x0] =	vst.idx.add.s32.msk $0xffff, v1  }
0x1a7: {  	s19 =	smov.u32 s8;
	v3 =	vsub.f32 v7, v8;
	v6 =	vshrl.u32 v6, $0x11;
	v7 =	vld [tilespmem:s20+$0x0]  }
0x1a8: {  	v8 =	vld [tilespmem:s20+$0x8000]  }
0x1a9: {  	v3 =	vand.u32 $0x7FFFFFFF, v3;
	[tilespmem:v4+s26+$0x0] =	vst.idx.add.s32.msk $0xffff, v1  }
0x1aa: {  	v3 =	vshrl.u32 v3, $0x11;
	v4 =	vld [tilespmem:s17+$0x1200];
	v5 =	vsub.f32 v5, v9  }
0x1ab: {  	v9 =	vld [tilespmem:s17+$0x9200]  }
0x1ac: {  	v5 =	vand.u32 $0x7FFFFFFF, v5;
	[tilespmem:v6+s26+$0x0] =	vst.idx.add.s32.msk $0xffff, v1  }
0x1ad: {  	v5 =	vshrl.u32 v5, $0x11;
	v6 =	vld [tilespmem:s13+$0x3080];
	v7 =	vsub.f32 v7, v8  }
0x1ae: {  	v8 =	vld [tilespmem:s13+$0xB080]  }
0x1af: {  	[tilespmem:v3+s26+$0x0] =	vst.idx.add.s32.msk $0xffff, v1;
	v3 =	vand.u32 $0x7FFFFFFF, v7  }
0x1b0: {  	v7 =	vld [tilespmem:s5+$0x300];
	v4 =	vsub.f32 v4, v9;
	v3 =	vshrl.u32 v3, $0x11  }
0x1b1: {  	v9 =	vld [tilespmem:s5+$0x8300]  }
0x1b2: {  	s8 =	sor.u32 $0x2180, s6;
	v4 =	vand.u32 $0x7FFFFFFF, v4;
	[tilespmem:v5+s26+$0x0] =	vst.idx.add.s32.msk $0xffff, v1  }
0x1b3: {  	s4 =	sadd.s32 $0x80, s4;
	v4 =	vshrl.u32 v4, $0x11;
	v5 =	vld [tilespmem:s8+$0x0];
	v6 =	vsub.f32 v6, v8  }
0x1b4: {  	s21 =	sand.u32 $0xC00, s4;
	s20 =	sand.u32 $0x70, s30;
	v8 =	vld [tilespmem:s8+$0x8000]  }
0x1b5: {  	s20 =	sor.u32 s20, s21;
	v6 =	vand.u32 $0x7FFFFFFF, v6;
	[tilespmem:v3+s26+$0x0] =	vst.idx.add.s32.msk $0xffff, v1  }
0x1b6: {  	v3 =	vld [tilespmem:s20+$0x0];
	v7 =	vsub.f32 v7, v9;
	v6 =	vshrl.u32 v6, $0x11  }
0x1b7: {  	v9 =	vld [tilespmem:s20+$0x8000]  }
0x1b8: {  	v7 =	vand.u32 $0x7FFFFFFF, v7;
	[tilespmem:v4+s26+$0x0] =	vst.idx.add.s32.msk $0xffff, v1  }
0x1b9: {  	v4 =	vshrl.u32 v7, $0x11;
	v7 =	vld [tilespmem:s17+$0x1280];
	v5 =	vsub.f32 v5, v8  }
0x1ba: {  	v8 =	vld [tilespmem:s17+$0x9280]  }
0x1bb: {  	v5 =	vand.u32 $0x7FFFFFFF, v5;
	[tilespmem:v6+s26+$0x0] =	vst.idx.add.s32.msk $0xffff, v1  }
0x1bc: {  	v3 =	vsub.f32 v3, v9;
	v5 =	vshrl.u32 v5, $0x11;
	v6 =	vld [tilespmem:s13+$0x3100]  }
0x1bd: {  	s8 =	sor.u32 s3, s9;
	s9 =	smov.u32 s4;
	s3 =	smov.u32 s30;
	v9 =	vld [tilespmem:s13+$0xB100]  }
0x1be: {  	s21 =	sor.u32 $0x380, s8;
	v3 =	vand.u32 $0x7FFFFFFF, v3;
	[tilespmem:v4+s26+$0x0] =	vst.idx.add.s32.msk $0xffff, v1  }
0x1bf: {  	v3 =	vshrl.u32 v3, $0x11;
	v4 =	vld [tilespmem:s21+$0x0];
	v7 =	vsub.f32 v7, v8  }
0x1c0: {  	v8 =	vld [tilespmem:s21+$0x8000]  }
0x1c1: {  	v7 =	vand.u32 $0x7FFFFFFF, v7;
	[tilespmem:v5+s26+$0x0] =	vst.idx.add.s32.msk $0xffff, v1  }
0x1c2: {  	v5 =	vshrl.u32 v7, $0x11;
	v7 =	vld [tilespmem:s15+$0x2200];
	v6 =	vsub.f32 v6, v9  }
0x1c3: {  	v9 =	vld [tilespmem:s15+$0xA200]  }
0x1c4: {  	[tilespmem:v3+s26+$0x0] =	vst.idx.add.s32.msk $0xffff, v1;
	v3 =	vand.u32 $0x7FFFFFFF, v6  }
0x1c5: {  	v6 =	vld [tilespmem:s20+$0x80];
	v4 =	vsub.f32 v4, v8;
	v3 =	vshrl.u32 v3, $0x11  }
0x1c6: {  	v8 =	vld [tilespmem:s20+$0x8080]  }
0x1c7: {  	v4 =	vand.u32 $0x7FFFFFFF, v4;
	[tilespmem:v5+s26+$0x0] =	vst.idx.add.s32.msk $0xffff, v1  }
0x1c8: {  	v4 =	vshrl.u32 v4, $0x11;
	v5 =	vld [tilespmem:s17+$0x1300];
	v7 =	vsub.f32 v7, v9  }
0x1c9: {  	v9 =	vld [tilespmem:s17+$0x9300]  }
0x1ca: {  	s21 =	sor.u32 $0x3180, s18;
	s18 =	smov.u32 s6;
	s6 =	smov.u32 s7;
	v7 =	vand.u32 $0x7FFFFFFF, v7;
	[tilespmem:v3+s26+$0x0] =	vst.idx.add.s32.msk $0xffff, v1  }
0x1cb: {  	s7 =	smov.u32 s31;
	v3 =	vsub.f32 v6, v8;
	v6 =	vshrl.u32 v7, $0x11;
	v7 =	vld [tilespmem:s21+$0x0]  }
0x1cc: {  	v8 =	vld [tilespmem:s21+$0x8000]  }
0x1cd: {  	v3 =	vand.u32 $0x7FFFFFFF, v3;
	[tilespmem:v4+s26+$0x0] =	vst.idx.add.s32.msk $0xffff, v1  }
0x1ce: {  	v3 =	vshrl.u32 v3, $0x11;
	v10 =	vld [tilespmem:s5+$0x1000];
	v4 =	vsub.f32 v5, v9  }
0x1cf: {  	v9 =	vld [tilespmem:s5+$0x9000]  }
.Ltmp3:
0x1d0: {  	v4 =	vand.u32 $0x7FFFFFFF, v4;
	[tilespmem:v6+s26+$0x0] =	vst.idx.add.s32.msk $0xffff, v1;
	(pc) =	sbr.rel @p2 .LBB2_5-.Ltmp3, $4  }
0x1d1: {  	v6 =	vshrl.u32 v4, $0x11;
	v4 =	vld [tilespmem:s15+$0x2280];
	v7 =	vsub.f32 v7, v8  }
0x1d2: {  	v5 =	vld [tilespmem:s15+$0xA280]  }
0x1d3: {  	[tilespmem:v3+s26+$0x0] =	vst.idx.add.s32.msk $0xffff, v1;
	v3 =	vand.u32 $0x7FFFFFFF, v7  }
0x1d4: {  	s30 =	sadd.s32 $0x10, s30;
	v8 =	vld [tilespmem:s20+$0x100];
	v7 =	vsub.f32 v10, v9;
	v3 =	vshrl.u32 v3, $0x11  }
0x1d5: {  	v9 =	vld [tilespmem:s20+$0x8100];
	_ =	sdelay $0x4  }
0x1d6: {  	v8 =	vsub.f32 v8, v9;
	_ =	sdelay $0x1  }
0x1d7: {  	v8 =	vand.u32 $0x7FFFFFFF, v8  }
0x1d8: {  	v8 =	vshrl.u32 v8, $0x11;
	_ =	sdelay $0x2  }
0x1d9: {  	s4 =	sand.u32 $0xFFFFFC00, s4  }
0x1da: {  	s4 =	sadd.s32 s4, s3  }
0x1db: {  	s21 =	sor.u32 $0x180, s4;
	[tilespmem:v8+s26+$0x0] =	vst.idx.add.s32.msk $0xffff, v1  }
0x1dc: {  	v8 =	vld [tilespmem:s21+$0x0]  }
0x1dd: {  	v9 =	vld [tilespmem:s21+$0x8000];
	_ =	sdelay $0x4  }
0x1de: {  	v8 =	vsub.f32 v8, v9;
	_ =	sdelay $0x1  }
0x1df: {  	v8 =	vand.u32 $0x7FFFFFFF, v8  }
0x1e0: {  	v8 =	vshrl.u32 v8, $0x11;
	_ =	sdelay $0x4  }
0x1e1: {  	[tilespmem:v8+s26+$0x0] =	vst.idx.add.s32.msk $0xffff, v1  }
0x1e2: {  	v8 =	vld [tilespmem:s20+$0x200]  }
0x1e3: {  	v9 =	vld [tilespmem:s20+$0x8200];
	_ =	sdelay $0x4  }
0x1e4: {  	v8 =	vsub.f32 v8, v9;
	_ =	sdelay $0x1  }
0x1e5: {  	v8 =	vand.u32 $0x7FFFFFFF, v8  }
0x1e6: {  	v8 =	vshrl.u32 v8, $0x11;
	_ =	sdelay $0x4  }
0x1e7: {  	[tilespmem:v8+s26+$0x0] =	vst.idx.add.s32.msk $0xffff, v1  }
0x1e8: {  	v8 =	vld [tilespmem:s20+$0x280]  }
0x1e9: {  	v9 =	vld [tilespmem:s20+$0x8280];
	_ =	sdelay $0x4  }
0x1ea: {  	v8 =	vsub.f32 v8, v9;
	_ =	sdelay $0x1  }
0x1eb: {  	v8 =	vand.u32 $0x7FFFFFFF, v8  }
0x1ec: {  	v8 =	vshrl.u32 v8, $0x11;
	_ =	sdelay $0x4  }
0x1ed: {  	[tilespmem:v8+s26+$0x0] =	vst.idx.add.s32.msk $0xffff, v1  }
0x1ee: {  	v8 =	vld [tilespmem:s20+$0x300]  }
0x1ef: {  	v9 =	vld [tilespmem:s20+$0x8300];
	_ =	sdelay $0x4  }
0x1f0: {  	v8 =	vsub.f32 v8, v9;
	_ =	sdelay $0x1  }
0x1f1: {  	v8 =	vand.u32 $0x7FFFFFFF, v8  }
0x1f2: {  	v8 =	vshrl.u32 v8, $0x11;
	_ =	sdelay $0x3  }
0x1f3: {  	s9 =	sor.u32 s3, s9  }
0x1f4: {  	s3 =	sor.u32 $0x380, s9;
	[tilespmem:v8+s26+$0x0] =	vst.idx.add.s32.msk $0xffff, v1  }
0x1f5: {  	v8 =	vld [tilespmem:s3+$0x0]  }
0x1f6: {  	v9 =	vld [tilespmem:s3+$0x8000];
	_ =	sdelay $0x4  }
0x1f7: {  	v8 =	vsub.f32 v8, v9;
	_ =	sdelay $0x1  }
0x1f8: {  	v8 =	vand.u32 $0x7FFFFFFF, v8  }
0x1f9: {  	v8 =	vshrl.u32 v8, $0x11;
	_ =	sdelay $0x4  }
0x1fa: {  	[tilespmem:v8+s26+$0x0] =	vst.idx.add.s32.msk $0xffff, v1  }
0x1fb: {  	v8 =	vld [tilespmem:s20+$0x1000]  }
0x1fc: {  	v9 =	vld [tilespmem:s20+$0x9000];
	_ =	sdelay $0x3  }
0x1fd: {  	v7 =	vand.u32 $0x7FFFFFFF, v7  }
0x1fe: {  	v7 =	vshrl.u32 v7, $0x11;
	v8 =	vsub.f32 v8, v9;
	_ =	sdelay $0x1  }
0x1ff: {  	v8 =	vand.u32 $0x7FFFFFFF, v8  }
0x200: {  	v8 =	vshrl.u32 v8, $0x11;
	_ =	sdelay $0x1  }
0x201: {  	[tilespmem:v7+s26+$0x0] =	vst.idx.add.s32.msk $0xffff, v1  }
0x202: {  	v7 =	vld [tilespmem:s5+$0x1080]  }
0x203: {  	v9 =	vld [tilespmem:s5+$0x9080]  }
0x204: {  	[tilespmem:v8+s26+$0x0] =	vst.idx.add.s32.msk $0xffff, v1  }
0x205: {  	v8 =	vld [tilespmem:s20+$0x1080]  }
0x206: {  	v10 =	vld [tilespmem:s20+$0x9080];
	_ =	sdelay $0x1  }
0x207: {  	v7 =	vsub.f32 v7, v9;
	_ =	sdelay $0x1  }
0x208: {  	v7 =	vand.u32 $0x7FFFFFFF, v7  }
0x209: {  	v7 =	vshrl.u32 v7, $0x11;
	v8 =	vsub.f32 v8, v10;
	_ =	sdelay $0x1  }
0x20a: {  	v8 =	vand.u32 $0x7FFFFFFF, v8  }
0x20b: {  	v8 =	vshrl.u32 v8, $0x11;
	_ =	sdelay $0x1  }
0x20c: {  	[tilespmem:v7+s26+$0x0] =	vst.idx.add.s32.msk $0xffff, v1  }
0x20d: {  	v7 =	vld [tilespmem:s5+$0x1100]  }
0x20e: {  	v9 =	vld [tilespmem:s5+$0x9100]  }
0x20f: {  	[tilespmem:v8+s26+$0x0] =	vst.idx.add.s32.msk $0xffff, v1  }
0x210: {  	v8 =	vld [tilespmem:s20+$0x1100]  }
0x211: {  	v10 =	vld [tilespmem:s20+$0x9100];
	_ =	sdelay $0x1  }
0x212: {  	v7 =	vsub.f32 v7, v9;
	_ =	sdelay $0x1  }
0x213: {  	v7 =	vand.u32 $0x7FFFFFFF, v7  }
0x214: {  	v7 =	vshrl.u32 v7, $0x11;
	v8 =	vsub.f32 v8, v10;
	_ =	sdelay $0x1  }
0x215: {  	v8 =	vand.u32 $0x7FFFFFFF, v8  }
0x216: {  	v8 =	vshrl.u32 v8, $0x11;
	_ =	sdelay $0x1  }
0x217: {  	s30 =	sor.u32 $0x1180, s7;
	[tilespmem:v7+s26+$0x0] =	vst.idx.add.s32.msk $0xffff, v1  }
0x218: {  	v7 =	vld [tilespmem:s30+$0x0]  }
0x219: {  	v9 =	vld [tilespmem:s30+$0x8000]  }
0x21a: {  	s31 =	sor.u32 $0x1180, s4;
	[tilespmem:v8+s26+$0x0] =	vst.idx.add.s32.msk $0xffff, v1  }
0x21b: {  	v8 =	vld [tilespmem:s31+$0x0]  }
0x21c: {  	v10 =	vld [tilespmem:s31+$0x8000];
	_ =	sdelay $0x1  }
0x21d: {  	v7 =	vsub.f32 v7, v9;
	_ =	sdelay $0x1  }
0x21e: {  	v7 =	vand.u32 $0x7FFFFFFF, v7  }
0x21f: {  	v7 =	vshrl.u32 v7, $0x11;
	v8 =	vsub.f32 v8, v10;
	_ =	sdelay $0x1  }
0x220: {  	v8 =	vand.u32 $0x7FFFFFFF, v8  }
0x221: {  	v8 =	vshrl.u32 v8, $0x11;
	_ =	sdelay $0x1  }
0x222: {  	[tilespmem:v7+s26+$0x0] =	vst.idx.add.s32.msk $0xffff, v1  }
0x223: {  	v7 =	vld [tilespmem:s5+$0x1200]  }
0x224: {  	v9 =	vld [tilespmem:s5+$0x9200]  }
0x225: {  	[tilespmem:v8+s26+$0x0] =	vst.idx.add.s32.msk $0xffff, v1  }
0x226: {  	v8 =	vld [tilespmem:s20+$0x1200]  }
0x227: {  	v10 =	vld [tilespmem:s20+$0x9200];
	_ =	sdelay $0x1  }
0x228: {  	v7 =	vsub.f32 v7, v9;
	_ =	sdelay $0x1  }
0x229: {  	v7 =	vand.u32 $0x7FFFFFFF, v7  }
0x22a: {  	v7 =	vshrl.u32 v7, $0x11;
	v8 =	vsub.f32 v8, v10;
	_ =	sdelay $0x1  }
0x22b: {  	v8 =	vand.u32 $0x7FFFFFFF, v8  }
0x22c: {  	v8 =	vshrl.u32 v8, $0x11;
	_ =	sdelay $0x1  }
0x22d: {  	[tilespmem:v7+s26+$0x0] =	vst.idx.add.s32.msk $0xffff, v1  }
0x22e: {  	v7 =	vld [tilespmem:s5+$0x1280]  }
0x22f: {  	v9 =	vld [tilespmem:s5+$0x9280]  }
0x230: {  	[tilespmem:v8+s26+$0x0] =	vst.idx.add.s32.msk $0xffff, v1  }
0x231: {  	v8 =	vld [tilespmem:s20+$0x1280]  }
0x232: {  	v10 =	vld [tilespmem:s20+$0x9280];
	_ =	sdelay $0x1  }
0x233: {  	v7 =	vsub.f32 v7, v9;
	_ =	sdelay $0x1  }
0x234: {  	v7 =	vand.u32 $0x7FFFFFFF, v7  }
0x235: {  	v7 =	vshrl.u32 v7, $0x11;
	v8 =	vsub.f32 v8, v10;
	_ =	sdelay $0x1  }
0x236: {  	v8 =	vand.u32 $0x7FFFFFFF, v8  }
0x237: {  	v8 =	vshrl.u32 v8, $0x11;
	_ =	sdelay $0x1  }
0x238: {  	[tilespmem:v7+s26+$0x0] =	vst.idx.add.s32.msk $0xffff, v1  }
0x239: {  	v7 =	vld [tilespmem:s5+$0x1300]  }
0x23a: {  	v9 =	vld [tilespmem:s5+$0x9300]  }
0x23b: {  	[tilespmem:v8+s26+$0x0] =	vst.idx.add.s32.msk $0xffff, v1  }
0x23c: {  	v8 =	vld [tilespmem:s20+$0x1300]  }
0x23d: {  	v10 =	vld [tilespmem:s20+$0x9300];
	_ =	sdelay $0x1  }
0x23e: {  	v7 =	vsub.f32 v7, v9;
	_ =	sdelay $0x1  }
0x23f: {  	v7 =	vand.u32 $0x7FFFFFFF, v7  }
0x240: {  	v7 =	vshrl.u32 v7, $0x11;
	v8 =	vsub.f32 v8, v10;
	_ =	sdelay $0x1  }
0x241: {  	[tilespmem:v6+s26+$0x0] =	vst.idx.add.s32.msk $0xffff, v1;
	s21 =	sor.u32 $0x1380, s19;
	v6 =	vand.u32 $0x7FFFFFFF, v8  }
0x242: {  	v9 =	vld [tilespmem:s21+$0x8000];
	v6 =	vshrl.u32 v6, $0x11  }
0x243: {  	v8 =	vld [tilespmem:s21+$0x0]  }
0x244: {  	s30 =	sor.u32 $0x1380, s8;
	[tilespmem:v7+s26+$0x0] =	vst.idx.add.s32.msk $0xffff, v1  }
0x245: {  	v7 =	vld [tilespmem:s30+$0x0]  }
0x246: {  	v10 =	vld [tilespmem:s30+$0x8000]  }
0x247: {  	s31 =	sor.u32 $0x1380, s9;
	[tilespmem:v6+s26+$0x0] =	vst.idx.add.s32.msk $0xffff, v1  }
0x248: {  	v6 =	vsub.f32 v8, v9;
	v8 =	vld [tilespmem:s31+$0x0]  }
0x249: {  	v9 =	vld [tilespmem:s31+$0x8000]  }
0x24a: {  	v6 =	vand.u32 $0x7FFFFFFF, v6  }
0x24b: {  	v7 =	vsub.f32 v7, v10;
	v6 =	vshrl.u32 v6, $0x11;
	_ =	sdelay $0x1  }
0x24c: {  	v7 =	vand.u32 $0x7FFFFFFF, v7  }
0x24d: {  	v7 =	vshrl.u32 v7, $0x11;
	v8 =	vsub.f32 v8, v9;
	_ =	sdelay $0x1  }
0x24e: {  	[tilespmem:v6+s26+$0x0] =	vst.idx.add.s32.msk $0xffff, v1;
	v6 =	vand.u32 $0x7FFFFFFF, v8  }
0x24f: {  	v8 =	vld [tilespmem:s17+$0x2000];
	v6 =	vshrl.u32 v6, $0x11  }
0x250: {  	v9 =	vld [tilespmem:s17+$0xA000]  }
0x251: {  	[tilespmem:v7+s26+$0x0] =	vst.idx.add.s32.msk $0xffff, v1  }
0x252: {  	v7 =	vld [tilespmem:s5+$0x2000]  }
0x253: {  	v10 =	vld [tilespmem:s5+$0xA000]  }
0x254: {  	[tilespmem:v6+s26+$0x0] =	vst.idx.add.s32.msk $0xffff, v1  }
0x255: {  	v6 =	vsub.f32 v8, v9;
	v8 =	vld [tilespmem:s20+$0x2000]  }
0x256: {  	v9 =	vld [tilespmem:s20+$0xA000]  }
0x257: {  	v6 =	vand.u32 $0x7FFFFFFF, v6  }
0x258: {  	v7 =	vsub.f32 v7, v10;
	v6 =	vshrl.u32 v6, $0x11;
	_ =	sdelay $0x1  }
0x259: {  	v7 =	vand.u32 $0x7FFFFFFF, v7  }
0x25a: {  	v7 =	vshrl.u32 v7, $0x11;
	v8 =	vsub.f32 v8, v9;
	_ =	sdelay $0x1  }
0x25b: {  	[tilespmem:v6+s26+$0x0] =	vst.idx.add.s32.msk $0xffff, v1;
	v6 =	vand.u32 $0x7FFFFFFF, v8  }
0x25c: {  	v8 =	vld [tilespmem:s17+$0x2080];
	v6 =	vshrl.u32 v6, $0x11  }
0x25d: {  	v9 =	vld [tilespmem:s17+$0xA080]  }
0x25e: {  	[tilespmem:v7+s26+$0x0] =	vst.idx.add.s32.msk $0xffff, v1  }
0x25f: {  	v7 =	vld [tilespmem:s5+$0x2080]  }
0x260: {  	v10 =	vld [tilespmem:s5+$0xA080]  }
0x261: {  	[tilespmem:v6+s26+$0x0] =	vst.idx.add.s32.msk $0xffff, v1  }
0x262: {  	v6 =	vsub.f32 v8, v9;
	v8 =	vld [tilespmem:s20+$0x2080]  }
0x263: {  	v9 =	vld [tilespmem:s20+$0xA080]  }
0x264: {  	v6 =	vand.u32 $0x7FFFFFFF, v6  }
0x265: {  	v7 =	vsub.f32 v7, v10;
	v6 =	vshrl.u32 v6, $0x11;
	_ =	sdelay $0x1  }
0x266: {  	v7 =	vand.u32 $0x7FFFFFFF, v7  }
0x267: {  	v7 =	vshrl.u32 v7, $0x11;
	v8 =	vsub.f32 v8, v9;
	_ =	sdelay $0x1  }
0x268: {  	[tilespmem:v6+s26+$0x0] =	vst.idx.add.s32.msk $0xffff, v1;
	v6 =	vand.u32 $0x7FFFFFFF, v8  }
0x269: {  	v8 =	vld [tilespmem:s17+$0x2100];
	v6 =	vshrl.u32 v6, $0x11  }
0x26a: {  	v9 =	vld [tilespmem:s17+$0xA100]  }
0x26b: {  	[tilespmem:v7+s26+$0x0] =	vst.idx.add.s32.msk $0xffff, v1  }
0x26c: {  	v7 =	vld [tilespmem:s5+$0x2100]  }
0x26d: {  	v10 =	vld [tilespmem:s5+$0xA100]  }
0x26e: {  	[tilespmem:v6+s26+$0x0] =	vst.idx.add.s32.msk $0xffff, v1  }
0x26f: {  	v6 =	vsub.f32 v8, v9;
	v8 =	vld [tilespmem:s20+$0x2100]  }
0x270: {  	v9 =	vld [tilespmem:s20+$0xA100]  }
0x271: {  	v6 =	vand.u32 $0x7FFFFFFF, v6  }
0x272: {  	v7 =	vsub.f32 v7, v10;
	v6 =	vshrl.u32 v6, $0x11;
	_ =	sdelay $0x1  }
0x273: {  	v7 =	vand.u32 $0x7FFFFFFF, v7  }
0x274: {  	v7 =	vshrl.u32 v7, $0x11;
	v8 =	vsub.f32 v8, v9;
	_ =	sdelay $0x1  }
0x275: {  	s21 =	sor.u32 $0x2180, s6;
	[tilespmem:v6+s26+$0x0] =	vst.idx.add.s32.msk $0xffff, v1;
	v6 =	vand.u32 $0x7FFFFFFF, v8  }
0x276: {  	v8 =	vld [tilespmem:s21+$0x0];
	v6 =	vshrl.u32 v6, $0x11  }
0x277: {  	v9 =	vld [tilespmem:s21+$0x8000]  }
0x278: {  	s30 =	sor.u32 $0x2180, s7;
	[tilespmem:v7+s26+$0x0] =	vst.idx.add.s32.msk $0xffff, v1  }
0x279: {  	v7 =	vld [tilespmem:s30+$0x0]  }
0x27a: {  	v10 =	vld [tilespmem:s30+$0x8000]  }
0x27b: {  	s31 =	sor.u32 $0x2180, s4;
	[tilespmem:v6+s26+$0x0] =	vst.idx.add.s32.msk $0xffff, v1  }
0x27c: {  	v6 =	vsub.f32 v8, v9;
	v8 =	vld [tilespmem:s31+$0x0]  }
0x27d: {  	v9 =	vld [tilespmem:s31+$0x8000]  }
0x27e: {  	v6 =	vand.u32 $0x7FFFFFFF, v6  }
0x27f: {  	v7 =	vsub.f32 v7, v10;
	v6 =	vshrl.u32 v6, $0x11;
	_ =	sdelay $0x1  }
0x280: {  	v7 =	vand.u32 $0x7FFFFFFF, v7  }
0x281: {  	v7 =	vshrl.u32 v7, $0x11;
	v8 =	vsub.f32 v8, v9;
	_ =	sdelay $0x1  }
0x282: {  	[tilespmem:v6+s26+$0x0] =	vst.idx.add.s32.msk $0xffff, v1;
	v6 =	vand.u32 $0x7FFFFFFF, v8  }
0x283: {  	v8 =	vld [tilespmem:s17+$0x2200];
	v6 =	vshrl.u32 v6, $0x11  }
0x284: {  	v9 =	vld [tilespmem:s17+$0xA200]  }
0x285: {  	[tilespmem:v7+s26+$0x0] =	vst.idx.add.s32.msk $0xffff, v1  }
0x286: {  	v7 =	vld [tilespmem:s5+$0x2200]  }
0x287: {  	v10 =	vld [tilespmem:s5+$0xA200]  }
0x288: {  	[tilespmem:v6+s26+$0x0] =	vst.idx.add.s32.msk $0xffff, v1  }
0x289: {  	v6 =	vsub.f32 v8, v9;
	v8 =	vld [tilespmem:s20+$0x2200]  }
0x28a: {  	v9 =	vld [tilespmem:s20+$0xA200]  }
0x28b: {  	v6 =	vand.u32 $0x7FFFFFFF, v6  }
0x28c: {  	v7 =	vsub.f32 v7, v10;
	v6 =	vshrl.u32 v6, $0x11;
	_ =	sdelay $0x1  }
0x28d: {  	v7 =	vand.u32 $0x7FFFFFFF, v7  }
0x28e: {  	v7 =	vshrl.u32 v7, $0x11;
	v8 =	vsub.f32 v8, v9;
	_ =	sdelay $0x1  }
0x28f: {  	[tilespmem:v6+s26+$0x0] =	vst.idx.add.s32.msk $0xffff, v1;
	v6 =	vand.u32 $0x7FFFFFFF, v8  }
0x290: {  	v8 =	vld [tilespmem:s17+$0x2280];
	v6 =	vshrl.u32 v6, $0x11  }
0x291: {  	v9 =	vld [tilespmem:s17+$0xA280]  }
0x292: {  	[tilespmem:v7+s26+$0x0] =	vst.idx.add.s32.msk $0xffff, v1  }
0x293: {  	v4 =	vsub.f32 v4, v5;
	v5 =	vld [tilespmem:s5+$0x2280]  }
0x294: {  	v7 =	vld [tilespmem:s5+$0xA280]  }
0x295: {  	v4 =	vand.u32 $0x7FFFFFFF, v4;
	[tilespmem:v6+s26+$0x0] =	vst.idx.add.s32.msk $0xffff, v1  }
0x296: {  	v4 =	vshrl.u32 v4, $0x11;
	v6 =	vsub.f32 v8, v9;
	v8 =	vld [tilespmem:s20+$0x2280]  }
0x297: {  	v9 =	vld [tilespmem:s20+$0xA280]  }
0x298: {  	v6 =	vand.u32 $0x7FFFFFFF, v6  }
0x299: {  	v5 =	vsub.f32 v5, v7;
	v6 =	vshrl.u32 v6, $0x11;
	_ =	sdelay $0x1  }
0x29a: {  	[tilespmem:v4+s26+$0x0] =	vst.idx.add.s32.msk $0xffff, v1;
	v4 =	vand.u32 $0x7FFFFFFF, v5  }
0x29b: {  	v5 =	vld [tilespmem:s15+$0x2300];
	v4 =	vshrl.u32 v4, $0x11;
	v7 =	vsub.f32 v8, v9  }
0x29c: {  	v8 =	vld [tilespmem:s15+$0xA300]  }
0x29d: {  	[tilespmem:v6+s26+$0x0] =	vst.idx.add.s32.msk $0xffff, v1;
	v6 =	vand.u32 $0x7FFFFFFF, v7  }
0x29e: {  	v7 =	vld [tilespmem:s17+$0x2300];
	v6 =	vshrl.u32 v6, $0x11  }
0x29f: {  	v9 =	vld [tilespmem:s17+$0xA300]  }
0x2a0: {  	[tilespmem:v4+s26+$0x0] =	vst.idx.add.s32.msk $0xffff, v1  }
0x2a1: {  	v4 =	vsub.f32 v5, v8;
	v5 =	vld [tilespmem:s5+$0x2300]  }
0x2a2: {  	v8 =	vld [tilespmem:s5+$0xA300]  }
0x2a3: {  	v4 =	vand.u32 $0x7FFFFFFF, v4;
	[tilespmem:v6+s26+$0x0] =	vst.idx.add.s32.msk $0xffff, v1  }
0x2a4: {  	v4 =	vshrl.u32 v4, $0x11;
	v6 =	vsub.f32 v7, v9;
	v7 =	vld [tilespmem:s20+$0x2300]  }
0x2a5: {  	v9 =	vld [tilespmem:s20+$0xA300]  }
0x2a6: {  	v6 =	vand.u32 $0x7FFFFFFF, v6  }
0x2a7: {  	v5 =	vsub.f32 v5, v8;
	v6 =	vshrl.u32 v6, $0x11;
	_ =	sdelay $0x1  }
0x2a8: {  	s21 =	sor.u32 $0x2380, s16;
	[tilespmem:v4+s26+$0x0] =	vst.idx.add.s32.msk $0xffff, v1;
	v4 =	vand.u32 $0x7FFFFFFF, v5  }
0x2a9: {  	v5 =	vld [tilespmem:s21+$0x0];
	v4 =	vshrl.u32 v4, $0x11;
	v7 =	vsub.f32 v7, v9  }
0x2aa: {  	v8 =	vld [tilespmem:s21+$0x8000]  }
0x2ab: {  	s30 =	sor.u32 $0x2380, s19;
	[tilespmem:v6+s26+$0x0] =	vst.idx.add.s32.msk $0xffff, v1;
	v6 =	vand.u32 $0x7FFFFFFF, v7  }
0x2ac: {  	v7 =	vld [tilespmem:s30+$0x0];
	v6 =	vshrl.u32 v6, $0x11  }
0x2ad: {  	v9 =	vld [tilespmem:s30+$0x8000]  }
0x2ae: {  	s31 =	sor.u32 $0x2380, s8;
	[tilespmem:v4+s26+$0x0] =	vst.idx.add.s32.msk $0xffff, v1  }
0x2af: {  	v4 =	vsub.f32 v5, v8;
	v5 =	vld [tilespmem:s31+$0x0]  }
0x2b0: {  	v8 =	vld [tilespmem:s31+$0x8000]  }
0x2b1: {  	s21 =	sor.u32 $0x2380, s9;
	v4 =	vand.u32 $0x7FFFFFFF, v4;
	[tilespmem:v6+s26+$0x0] =	vst.idx.add.s32.msk $0xffff, v1  }
0x2b2: {  	v4 =	vshrl.u32 v4, $0x11;
	v6 =	vsub.f32 v7, v9;
	v7 =	vld [tilespmem:s21+$0x0]  }
0x2b3: {  	v9 =	vld [tilespmem:s21+$0x8000]  }
0x2b4: {  	v6 =	vand.u32 $0x7FFFFFFF, v6  }
0x2b5: {  	v6 =	vshrl.u32 v6, $0x11;
	v5 =	vsub.f32 v5, v8;
	_ =	sdelay $0x1  }
0x2b6: {  	[tilespmem:v4+s26+$0x0] =	vst.idx.add.s32.msk $0xffff, v1;
	v4 =	vand.u32 $0x7FFFFFFF, v5  }
0x2b7: {  	v5 =	vld [tilespmem:s15+$0x3000];
	v4 =	vshrl.u32 v4, $0x11;
	v7 =	vsub.f32 v7, v9  }
0x2b8: {  	v8 =	vld [tilespmem:s15+$0xB000]  }
0x2b9: {  	[tilespmem:v6+s26+$0x0] =	vst.idx.add.s32.msk $0xffff, v1;
	v6 =	vand.u32 $0x7FFFFFFF, v7  }
0x2ba: {  	v7 =	vld [tilespmem:s17+$0x3000];
	v6 =	vshrl.u32 v6, $0x11  }
0x2bb: {  	v9 =	vld [tilespmem:s17+$0xB000]  }
0x2bc: {  	[tilespmem:v4+s26+$0x0] =	vst.idx.add.s32.msk $0xffff, v1  }
0x2bd: {  	v4 =	vsub.f32 v5, v8;
	v5 =	vld [tilespmem:s5+$0x3000]  }
0x2be: {  	v8 =	vld [tilespmem:s5+$0xB000]  }
0x2bf: {  	v4 =	vand.u32 $0x7FFFFFFF, v4;
	[tilespmem:v6+s26+$0x0] =	vst.idx.add.s32.msk $0xffff, v1  }
0x2c0: {  	v4 =	vshrl.u32 v4, $0x11;
	v6 =	vsub.f32 v7, v9;
	v7 =	vld [tilespmem:s20+$0x3000]  }
0x2c1: {  	v9 =	vld [tilespmem:s20+$0xB000]  }
0x2c2: {  	v6 =	vand.u32 $0x7FFFFFFF, v6  }
0x2c3: {  	v6 =	vshrl.u32 v6, $0x11;
	v5 =	vsub.f32 v5, v8;
	_ =	sdelay $0x1  }
0x2c4: {  	[tilespmem:v4+s26+$0x0] =	vst.idx.add.s32.msk $0xffff, v1;
	v4 =	vand.u32 $0x7FFFFFFF, v5  }
0x2c5: {  	v5 =	vld [tilespmem:s15+$0x3080];
	v4 =	vshrl.u32 v4, $0x11;
	v7 =	vsub.f32 v7, v9  }
0x2c6: {  	v8 =	vld [tilespmem:s15+$0xB080]  }
0x2c7: {  	[tilespmem:v6+s26+$0x0] =	vst.idx.add.s32.msk $0xffff, v1;
	v6 =	vand.u32 $0x7FFFFFFF, v7  }
0x2c8: {  	v7 =	vld [tilespmem:s17+$0x3080];
	v6 =	vshrl.u32 v6, $0x11  }
0x2c9: {  	v9 =	vld [tilespmem:s17+$0xB080]  }
0x2ca: {  	[tilespmem:v4+s26+$0x0] =	vst.idx.add.s32.msk $0xffff, v1  }
0x2cb: {  	v4 =	vsub.f32 v5, v8;
	v5 =	vld [tilespmem:s5+$0x3080]  }
0x2cc: {  	v8 =	vld [tilespmem:s5+$0xB080]  }
0x2cd: {  	v4 =	vand.u32 $0x7FFFFFFF, v4;
	[tilespmem:v6+s26+$0x0] =	vst.idx.add.s32.msk $0xffff, v1  }
0x2ce: {  	v4 =	vshrl.u32 v4, $0x11;
	v6 =	vsub.f32 v7, v9;
	v7 =	vld [tilespmem:s20+$0x3080]  }
0x2cf: {  	v9 =	vld [tilespmem:s20+$0xB080]  }
0x2d0: {  	v6 =	vand.u32 $0x7FFFFFFF, v6  }
0x2d1: {  	v6 =	vshrl.u32 v6, $0x11;
	v5 =	vsub.f32 v5, v8;
	_ =	sdelay $0x1  }
0x2d2: {  	[tilespmem:v4+s26+$0x0] =	vst.idx.add.s32.msk $0xffff, v1;
	v4 =	vand.u32 $0x7FFFFFFF, v5  }
0x2d3: {  	v5 =	vld [tilespmem:s15+$0x3100];
	v4 =	vshrl.u32 v4, $0x11;
	v7 =	vsub.f32 v7, v9  }
0x2d4: {  	v8 =	vld [tilespmem:s15+$0xB100]  }
0x2d5: {  	[tilespmem:v6+s26+$0x0] =	vst.idx.add.s32.msk $0xffff, v1;
	v6 =	vand.u32 $0x7FFFFFFF, v7  }
0x2d6: {  	v7 =	vld [tilespmem:s17+$0x3100];
	v6 =	vshrl.u32 v6, $0x11  }
0x2d7: {  	v9 =	vld [tilespmem:s17+$0xB100]  }
0x2d8: {  	[tilespmem:v4+s26+$0x0] =	vst.idx.add.s32.msk $0xffff, v1  }
0x2d9: {  	v4 =	vsub.f32 v5, v8;
	v5 =	vld [tilespmem:s5+$0x3100]  }
0x2da: {  	v8 =	vld [tilespmem:s5+$0xB100]  }
0x2db: {  	v4 =	vand.u32 $0x7FFFFFFF, v4;
	[tilespmem:v6+s26+$0x0] =	vst.idx.add.s32.msk $0xffff, v1  }
0x2dc: {  	v4 =	vshrl.u32 v4, $0x11;
	v6 =	vsub.f32 v7, v9;
	v7 =	vld [tilespmem:s20+$0x3100]  }
0x2dd: {  	v9 =	vld [tilespmem:s20+$0xB100]  }
0x2de: {  	v6 =	vand.u32 $0x7FFFFFFF, v6  }
0x2df: {  	v6 =	vshrl.u32 v6, $0x11;
	v5 =	vsub.f32 v5, v8;
	_ =	sdelay $0x1  }
0x2e0: {  	s30 =	sor.u32 $0x3180, s18;
	[tilespmem:v4+s26+$0x0] =	vst.idx.add.s32.msk $0xffff, v1;
	v4 =	vand.u32 $0x7FFFFFFF, v5  }
0x2e1: {  	v5 =	vld [tilespmem:s30+$0x0];
	v4 =	vshrl.u32 v4, $0x11;
	v7 =	vsub.f32 v7, v9  }
0x2e2: {  	v8 =	vld [tilespmem:s30+$0x8000]  }
0x2e3: {  	s31 =	sor.u32 $0x3180, s6;
	[tilespmem:v6+s26+$0x0] =	vst.idx.add.s32.msk $0xffff, v1;
	v6 =	vand.u32 $0x7FFFFFFF, v7  }
0x2e4: {  	v7 =	vld [tilespmem:s31+$0x0];
	v6 =	vshrl.u32 v6, $0x11  }
0x2e5: {  	v9 =	vld [tilespmem:s31+$0x8000]  }
0x2e6: {  	s6 =	sor.u32 $0x3180, s7;
	[tilespmem:v4+s26+$0x0] =	vst.idx.add.s32.msk $0xffff, v1  }
0x2e7: {  	v4 =	vsub.f32 v5, v8;
	v5 =	vld [tilespmem:s6+$0x0]  }
0x2e8: {  	v8 =	vld [tilespmem:s6+$0x8000]  }
0x2e9: {  	s7 =	sor.u32 $0x3180, s4;
	v4 =	vand.u32 $0x7FFFFFFF, v4;
	[tilespmem:v6+s26+$0x0] =	vst.idx.add.s32.msk $0xffff, v1  }
0x2ea: {  	v4 =	vshrl.u32 v4, $0x11;
	v6 =	vsub.f32 v7, v9;
	v7 =	vld [tilespmem:s7+$0x0]  }
0x2eb: {  	v9 =	vld [tilespmem:s7+$0x8000]  }
0x2ec: {  	[tilespmem:v3+s26+$0x0] =	vst.idx.add.s32.msk $0xffff, v1;
	v3 =	vand.u32 $0x7FFFFFFF, v6  }
0x2ed: {  	v6 =	vld [tilespmem:s13+$0x3200];
	v3 =	vshrl.u32 v3, $0x11;
	v5 =	vsub.f32 v5, v8  }
0x2ee: {  	v8 =	vld [tilespmem:s13+$0xB200]  }
0x2ef: {  	[tilespmem:v4+s26+$0x0] =	vst.idx.add.s32.msk $0xffff, v1;
	v4 =	vand.u32 $0x7FFFFFFF, v5  }
0x2f0: {  	v5 =	vld [tilespmem:s15+$0x3200];
	v4 =	vshrl.u32 v4, $0x11;
	v7 =	vsub.f32 v7, v9  }
0x2f1: {  	v9 =	vld [tilespmem:s15+$0xB200]  }
0x2f2: {  	[tilespmem:v3+s26+$0x0] =	vst.idx.add.s32.msk $0xffff, v1;
	v3 =	vand.u32 $0x7FFFFFFF, v7  }
0x2f3: {  	v6 =	vsub.f32 v6, v8;
	v7 =	vld [tilespmem:s17+$0x3200];
	v3 =	vshrl.u32 v3, $0x11  }
0x2f4: {  	v8 =	vld [tilespmem:s17+$0xB200]  }
0x2f5: {  	v6 =	vand.u32 $0x7FFFFFFF, v6;
	[tilespmem:v4+s26+$0x0] =	vst.idx.add.s32.msk $0xffff, v1  }
0x2f6: {  	v4 =	vshrl.u32 v6, $0x11;
	v5 =	vsub.f32 v5, v9;
	v6 =	vld [tilespmem:s5+$0x3200]  }
0x2f7: {  	v9 =	vld [tilespmem:s5+$0xB200]  }
0x2f8: {  	v5 =	vand.u32 $0x7FFFFFFF, v5;
	[tilespmem:v3+s26+$0x0] =	vst.idx.add.s32.msk $0xffff, v1  }
0x2f9: {  	v3 =	vshrl.u32 v5, $0x11;
	v5 =	vsub.f32 v7, v8;
	v7 =	vld [tilespmem:s20+$0x3200]  }
0x2fa: {  	v8 =	vld [tilespmem:s20+$0xB200]  }
0x2fb: {  	[tilespmem:v4+s26+$0x0] =	vst.idx.add.s32.msk $0xffff, v1;
	v4 =	vand.u32 $0x7FFFFFFF, v5  }
0x2fc: {  	v5 =	vld [tilespmem:s13+$0x3280];
	v4 =	vshrl.u32 v4, $0x11;
	v6 =	vsub.f32 v6, v9  }
0x2fd: {  	v9 =	vld [tilespmem:s13+$0xB280]  }
0x2fe: {  	[tilespmem:v3+s26+$0x0] =	vst.idx.add.s32.msk $0xffff, v1;
	v3 =	vand.u32 $0x7FFFFFFF, v6  }
0x2ff: {  	v6 =	vld [tilespmem:s15+$0x3280];
	v3 =	vshrl.u32 v3, $0x11;
	v7 =	vsub.f32 v7, v8  }
0x300: {  	v8 =	vld [tilespmem:s15+$0xB280]  }
0x301: {  	[tilespmem:v4+s26+$0x0] =	vst.idx.add.s32.msk $0xffff, v1;
	v4 =	vand.u32 $0x7FFFFFFF, v7  }
0x302: {  	v5 =	vsub.f32 v5, v9;
	v7 =	vld [tilespmem:s17+$0x3280];
	v4 =	vshrl.u32 v4, $0x11  }
0x303: {  	v9 =	vld [tilespmem:s17+$0xB280]  }
0x304: {  	v5 =	vand.u32 $0x7FFFFFFF, v5;
	[tilespmem:v3+s26+$0x0] =	vst.idx.add.s32.msk $0xffff, v1  }
0x305: {  	v3 =	vshrl.u32 v5, $0x11;
	v5 =	vsub.f32 v6, v8;
	v6 =	vld [tilespmem:s5+$0x3280]  }
0x306: {  	v8 =	vld [tilespmem:s5+$0xB280]  }
0x307: {  	v5 =	vand.u32 $0x7FFFFFFF, v5;
	[tilespmem:v4+s26+$0x0] =	vst.idx.add.s32.msk $0xffff, v1  }
0x308: {  	v4 =	vshrl.u32 v5, $0x11;
	v5 =	vsub.f32 v7, v9;
	v7 =	vld [tilespmem:s20+$0x3280]  }
0x309: {  	v9 =	vld [tilespmem:s20+$0xB280]  }
0x30a: {  	[tilespmem:v3+s26+$0x0] =	vst.idx.add.s32.msk $0xffff, v1;
	v3 =	vand.u32 $0x7FFFFFFF, v5  }
0x30b: {  	v5 =	vld [tilespmem:s13+$0x3300];
	v3 =	vshrl.u32 v3, $0x11;
	v6 =	vsub.f32 v6, v8  }
0x30c: {  	v8 =	vld [tilespmem:s13+$0xB300]  }
0x30d: {  	[tilespmem:v4+s26+$0x0] =	vst.idx.add.s32.msk $0xffff, v1;
	v4 =	vand.u32 $0x7FFFFFFF, v6  }
0x30e: {  	v6 =	vld [tilespmem:s15+$0x3300];
	v4 =	vshrl.u32 v4, $0x11;
	v7 =	vsub.f32 v7, v9  }
0x30f: {  	v9 =	vld [tilespmem:s15+$0xB300]  }
0x310: {  	[tilespmem:v3+s26+$0x0] =	vst.idx.add.s32.msk $0xffff, v1;
	v3 =	vand.u32 $0x7FFFFFFF, v7  }
0x311: {  	v5 =	vsub.f32 v5, v8;
	v7 =	vld [tilespmem:s17+$0x3300];
	v3 =	vshrl.u32 v3, $0x11  }
0x312: {  	v8 =	vld [tilespmem:s17+$0xB300]  }
0x313: {  	v5 =	vand.u32 $0x7FFFFFFF, v5;
	[tilespmem:v4+s26+$0x0] =	vst.idx.add.s32.msk $0xffff, v1  }
0x314: {  	v4 =	vshrl.u32 v5, $0x11;
	v5 =	vsub.f32 v6, v9;
	v6 =	vld [tilespmem:s5+$0x3300]  }
0x315: {  	v9 =	vld [tilespmem:s5+$0xB300]  }
0x316: {  	v5 =	vand.u32 $0x7FFFFFFF, v5;
	[tilespmem:v3+s26+$0x0] =	vst.idx.add.s32.msk $0xffff, v1  }
0x317: {  	v3 =	vshrl.u32 v5, $0x11;
	v5 =	vsub.f32 v7, v8;
	v7 =	vld [tilespmem:s20+$0x3300]  }
0x318: {  	v8 =	vld [tilespmem:s20+$0xB300]  }
0x319: {  	s15 =	sor.u32 $0x3380, s14;
	[tilespmem:v4+s26+$0x0] =	vst.idx.add.s32.msk $0xffff, v1;
	v4 =	vand.u32 $0x7FFFFFFF, v5  }
0x31a: {  	v5 =	vld [tilespmem:s15+$0x0];
	v4 =	vshrl.u32 v4, $0x11;
	v6 =	vsub.f32 v6, v9  }
0x31b: {  	v9 =	vld [tilespmem:s15+$0x8000]  }
0x31c: {  	s17 =	sor.u32 $0x3380, s16;
	[tilespmem:v3+s26+$0x0] =	vst.idx.add.s32.msk $0xffff, v1;
	v3 =	vand.u32 $0x7FFFFFFF, v6  }
0x31d: {  	v6 =	vld [tilespmem:s17+$0x0];
	v3 =	vshrl.u32 v3, $0x11;
	v7 =	vsub.f32 v7, v8  }
0x31e: {  	v8 =	vld [tilespmem:s17+$0x8000]  }
0x31f: {  	s18 =	sor.u32 $0x3380, s19;
	[tilespmem:v4+s26+$0x0] =	vst.idx.add.s32.msk $0xffff, v1;
	v4 =	vand.u32 $0x7FFFFFFF, v7  }
0x320: {  	v7 =	vld [tilespmem:s18+$0x0];
	v4 =	vshrl.u32 v4, $0x11  }
0x321: {  	v10 =	vld [tilespmem:s18+$0x8000]  }
0x322: {  	s19 =	sor.u32 $0x3380, s8;
	[tilespmem:v3+s26+$0x0] =	vst.idx.add.s32.msk $0xffff, v1  }
0x323: {  	v3 =	vld [tilespmem:s19+$0x0]  }
0x324: {  	v11 =	vld [tilespmem:s19+$0x8000]  }
0x325: {  	s20 =	sor.u32 $0x3380, s9;
	[tilespmem:v4+s26+$0x0] =	vst.idx.add.s32.msk $0xffff, v1  }
0x326: {  	v4 =	vld [tilespmem:s20+$0x0]  }
0x327: {  	v12 =	vld [tilespmem:s20+$0x8000]  }
0x328: {  	v5 =	vsub.f32 v5, v9  }
0x329: {  	v6 =	vsub.f32 v6, v8  }
0x32a: {  	v5 =	vand.u32 $0x7FFFFFFF, v5;
	v7 =	vsub.f32 v7, v10  }
0x32b: {  	v5 =	vshrl.u32 v5, $0x11;
	v6 =	vand.u32 $0x7FFFFFFF, v6;
	v3 =	vsub.f32 v3, v11  }
0x32c: {  	v6 =	vshrl.u32 v6, $0x11;
	v7 =	vand.u32 $0x7FFFFFFF, v7;
	v4 =	vsub.f32 v4, v12  }
0x32d: {  	v7 =	vshrl.u32 v7, $0x11;
	v3 =	vand.u32 $0x7FFFFFFF, v3  }
0x32e: {  	v3 =	vshrl.u32 v3, $0x11;
	v4 =	vand.u32 $0x7FFFFFFF, v4  }
0x32f: {  	v4 =	vshrl.u32 v4, $0x11  }
0x330: {  	[tilespmem:v5+s26+$0x0] =	vst.idx.add.s32.msk $0xffff, v1  }
0x331: {  	[tilespmem:v6+s26+$0x0] =	vst.idx.add.s32.msk $0xffff, v1  }
0x332: {  	[tilespmem:v7+s26+$0x0] =	vst.idx.add.s32.msk $0xffff, v1  }
0x333: {  	[tilespmem:v3+s26+$0x0] =	vst.idx.add.s32.msk $0xffff, v1  }
0x334: {  	[tilespmem:v4+s26+$0x0] =	vst.idx.add.s32.msk $0xffff, v1  }
0x335: {  	_ =	swait.ge [sflag:s28], $0x4000  }
0x336: {  	s3 =	sadd.s32 @!p1 s12, s11;
	[sflag:s28] =	ssyncset.done $0x0  }
0x337: {  	s3 =	sshrl.u32 @!p1 s3, $0x3;
	[sflag:s28] =	ssyncadd.s32 $0xFFFFC000  }
0x338: {  	s4 =	sadd.s32 @!p1 s1, s3;
	s21 =	simm.s32 $0x0;
	_ =	swait.ge [sflag:s29], $0x4000  }
0x339: {  	s30 =	sand.u32 $0x70, s21;
	s31 =	sand.u32 $0xC00, s21;
	[sflag:s29] =	ssyncset.done $0x0  }
0x33a: {  	s6 =	simm.s32 @!p1 $0x4000;
	s5 =	simm.s32 @!p1 $0x0;
	[sflag:s29] =	ssyncadd.s32 $0xFFFFC000  }
0x33b: {  	[tilespmem:s6], [sflag:$0x2] =	stream.linear.gather @!p1 [hbm4b:s4+s5], $0x4000, $0x38;
	[tilespmem:$0x16880] =	vst v63  }
0x33c: {  	s3 =	sadd.s32 @!p1 s2, s3;
	s12 =	sor.u32 s30, s31;
	s4 =	simm.s32 @!p1 $0xC000  }
0x33d: {  	[tilespmem:s4], [sflag:$0x4] =	stream.linear.gather @!p1 [hbm4b:s3+s5], $0x4000, $0x38;
	[tilespmem:$0x16880] =	vst v63  }
0x33e: {  	v3 =	vld [tilespmem:s12+$0x4000]  }
0x33f: {  	v4 =	vld [tilespmem:s12+$0xC000];
	_ =	sdelay $0x4  }
0x340: {  	v3 =	vsub.f32 v3, v4;
	_ =	sdelay $0x1  }
0x341: {  	v3 =	vand.u32 $0x7FFFFFFF, v3  }
0x342: {  	v3 =	vshrl.u32 v3, $0x11;
	_ =	sdelay $0x4  }
0x343: {  	[tilespmem:v3+s26+$0x0] =	vst.idx.add.s32.msk $0xffff, v1  }
0x344: {  	v3 =	vld [tilespmem:s12+$0x4080]  }
0x345: {  	v4 =	vld [tilespmem:s12+$0xC080];
	_ =	sdelay $0x4  }
0x346: {  	v3 =	vsub.f32 v3, v4;
	_ =	sdelay $0x1  }
0x347: {  	v3 =	vand.u32 $0x7FFFFFFF, v3  }
0x348: {  	v3 =	vshrl.u32 v3, $0x11;
	_ =	sdelay $0x4  }
0x349: {  	[tilespmem:v3+s26+$0x0] =	vst.idx.add.s32.msk $0xffff, v1  }
0x34a: {  	v3 =	vld [tilespmem:s12+$0x4100]  }
0x34b: {  	v4 =	vld [tilespmem:s12+$0xC100];
	_ =	sdelay $0x4  }
0x34c: {  	v3 =	vsub.f32 v3, v4;
	_ =	sdelay $0x1  }
0x34d: {  	v3 =	vand.u32 $0x7FFFFFFF, v3  }
0x34e: {  	v3 =	vshrl.u32 v3, $0x11;
	_ =	sdelay $0x2  }
0x34f: {  	s5 =	sand.u32 $0xFFFFFC00, s21  }
0x350: {  	s9 =	sadd.s32 $0x0, s5  }
0x351: {  	s4 =	sor.u32 $0x180, s9;
	[tilespmem:v3+s26+$0x0] =	vst.idx.add.s32.msk $0xffff, v1  }
0x352: {  	v3 =	vld [tilespmem:s4+$0x4000]  }
0x353: {  	v4 =	vld [tilespmem:s4+$0xC000];
	_ =	sdelay $0x4  }
0x354: {  	v3 =	vsub.f32 v3, v4;
	_ =	sdelay $0x1  }
0x355: {  	v3 =	vand.u32 $0x7FFFFFFF, v3  }
0x356: {  	v3 =	vshrl.u32 v3, $0x11;
	_ =	sdelay $0x4  }
0x357: {  	[tilespmem:v3+s26+$0x0] =	vst.idx.add.s32.msk $0xffff, v1  }
0x358: {  	v3 =	vld [tilespmem:s12+$0x4200]  }
0x359: {  	v4 =	vld [tilespmem:s12+$0xC200];
	_ =	sdelay $0x4  }
0x35a: {  	v3 =	vsub.f32 v3, v4;
	_ =	sdelay $0x1  }
0x35b: {  	v3 =	vand.u32 $0x7FFFFFFF, v3  }
0x35c: {  	v3 =	vshrl.u32 v3, $0x11;
	_ =	sdelay $0x4  }
0x35d: {  	[tilespmem:v3+s26+$0x0] =	vst.idx.add.s32.msk $0xffff, v1  }
0x35e: {  	v3 =	vld [tilespmem:s12+$0x4280]  }
0x35f: {  	v4 =	vld [tilespmem:s12+$0xC280];
	_ =	sdelay $0x4  }
0x360: {  	v3 =	vsub.f32 v3, v4;
	_ =	sdelay $0x1  }
0x361: {  	v3 =	vand.u32 $0x7FFFFFFF, v3  }
0x362: {  	v3 =	vshrl.u32 v3, $0x11;
	_ =	sdelay $0x4  }
0x363: {  	[tilespmem:v3+s26+$0x0] =	vst.idx.add.s32.msk $0xffff, v1  }
0x364: {  	v3 =	vld [tilespmem:s12+$0x4300]  }
0x365: {  	v4 =	vld [tilespmem:s12+$0xC300];
	_ =	sdelay $0x1  }
0x366: {  	s15 =	simm.s32 $0x80;
	s6 =	simm.s32 $0x10  }
0x367: {  	s19 =	sand.u32 $0xC00, s15;
	s18 =	sand.u32 $0x70, s6  }
0x368: {  	s14 =	sor.u32 s18, s19  }
0x369: {  	v5 =	vld [tilespmem:s14+$0x4000];
	v3 =	vsub.f32 v3, v4  }
0x36a: {  	v4 =	vld [tilespmem:s14+$0xC000]  }
0x36b: {  	v3 =	vand.u32 $0x7FFFFFFF, v3  }
0x36c: {  	v3 =	vshrl.u32 v3, $0x11;
	_ =	sdelay $0x2  }
0x36d: {  	v4 =	vsub.f32 v5, v4  }
0x36e: {  	s13 =	sor.u32 s21, s21  }
0x36f: {  	s3 =	sor.u32 $0x380, s13;
	v4 =	vand.u32 $0x7FFFFFFF, v4;
	[tilespmem:v3+s26+$0x0] =	vst.idx.add.s32.msk $0xffff, v1  }
0x370: {  	v3 =	vshrl.u32 v4, $0x11;
	v4 =	vld [tilespmem:s3+$0x4000]  }
0x371: {  	v5 =	vld [tilespmem:s3+$0xC000];
	_ =	sdelay $0x3  }
0x372: {  	[tilespmem:v3+s26+$0x0] =	vst.idx.add.s32.msk $0xffff, v1  }
0x373: {  	v3 =	vld [tilespmem:s14+$0x4080];
	v4 =	vsub.f32 v4, v5  }
0x374: {  	v5 =	vld [tilespmem:s14+$0xC080]  }
0x375: {  	v4 =	vand.u32 $0x7FFFFFFF, v4  }
0x376: {  	v4 =	vshrl.u32 v4, $0x11;
	_ =	sdelay $0x2  }
0x377: {  	v3 =	vsub.f32 v3, v5;
	_ =	sdelay $0x1  }
0x378: {  	v3 =	vand.u32 $0x7FFFFFFF, v3;
	[tilespmem:v4+s26+$0x0] =	vst.idx.add.s32.msk $0xffff, v1  }
0x379: {  	v3 =	vshrl.u32 v3, $0x11;
	v4 =	vld [tilespmem:s12+$0x5000]  }
0x37a: {  	v5 =	vld [tilespmem:s12+$0xD000];
	_ =	sdelay $0x3  }
0x37b: {  	[tilespmem:v3+s26+$0x0] =	vst.idx.add.s32.msk $0xffff, v1  }
0x37c: {  	v3 =	vld [tilespmem:s14+$0x4100];
	v4 =	vsub.f32 v4, v5  }
0x37d: {  	v5 =	vld [tilespmem:s14+$0xC100]  }
0x37e: {  	v4 =	vand.u32 $0x7FFFFFFF, v4  }
0x37f: {  	v4 =	vshrl.u32 v4, $0x11;
	_ =	sdelay $0x2  }
0x380: {  	v3 =	vsub.f32 v3, v5;
	_ =	sdelay $0x1  }
0x381: {  	v3 =	vand.u32 $0x7FFFFFFF, v3;
	[tilespmem:v4+s26+$0x0] =	vst.idx.add.s32.msk $0xffff, v1  }
0x382: {  	v3 =	vshrl.u32 v3, $0x11;
	v4 =	vld [tilespmem:s12+$0x5080]  }
0x383: {  	v5 =	vld [tilespmem:s12+$0xD080];
	_ =	sdelay $0x1  }
0x384: {  	s20 =	sand.u32 $0xFFFFFC00, s15  }
0x385: {  	s17 =	sadd.s32 $0x10, s20  }
0x386: {  	s3 =	sor.u32 $0x180, s17;
	[tilespmem:v3+s26+$0x0] =	vst.idx.add.s32.msk $0xffff, v1  }
0x387: {  	v3 =	vld [tilespmem:s3+$0x4000];
	v4 =	vsub.f32 v4, v5  }
0x388: {  	v5 =	vld [tilespmem:s3+$0xC000]  }
0x389: {  	v4 =	vand.u32 $0x7FFFFFFF, v4  }
0x38a: {  	v4 =	vshrl.u32 v4, $0x11;
	_ =	sdelay $0x2  }
0x38b: {  	v3 =	vsub.f32 v3, v5;
	_ =	sdelay $0x1  }
0x38c: {  	v3 =	vand.u32 $0x7FFFFFFF, v3;
	[tilespmem:v4+s26+$0x0] =	vst.idx.add.s32.msk $0xffff, v1  }
0x38d: {  	v3 =	vshrl.u32 v3, $0x11;
	v4 =	vld [tilespmem:s12+$0x5100]  }
0x38e: {  	v5 =	vld [tilespmem:s12+$0xD100];
	_ =	sdelay $0x3  }
0x38f: {  	[tilespmem:v3+s26+$0x0] =	vst.idx.add.s32.msk $0xffff, v1  }
0x390: {  	v3 =	vld [tilespmem:s14+$0x4200];
	v4 =	vsub.f32 v4, v5  }
0x391: {  	v5 =	vld [tilespmem:s14+$0xC200]  }
0x392: {  	v4 =	vand.u32 $0x7FFFFFFF, v4  }
0x393: {  	v4 =	vshrl.u32 v4, $0x11;
	_ =	sdelay $0x2  }
0x394: {  	v3 =	vsub.f32 v3, v5;
	_ =	sdelay $0x1  }
0x395: {  	s21 =	sor.u32 $0x1180, s9;
	v3 =	vand.u32 $0x7FFFFFFF, v3;
	[tilespmem:v4+s26+$0x0] =	vst.idx.add.s32.msk $0xffff, v1  }
0x396: {  	v3 =	vshrl.u32 v3, $0x11;
	v4 =	vld [tilespmem:s21+$0x4000]  }
0x397: {  	v5 =	vld [tilespmem:s21+$0xC000];
	_ =	sdelay $0x3  }
0x398: {  	[tilespmem:v3+s26+$0x0] =	vst.idx.add.s32.msk $0xffff, v1  }
0x399: {  	v3 =	vld [tilespmem:s14+$0x4280];
	v4 =	vsub.f32 v4, v5  }
0x39a: {  	v5 =	vld [tilespmem:s14+$0xC280]  }
0x39b: {  	v4 =	vand.u32 $0x7FFFFFFF, v4  }
0x39c: {  	v4 =	vshrl.u32 v4, $0x11;
	_ =	sdelay $0x2  }
0x39d: {  	v3 =	vsub.f32 v3, v5;
	_ =	sdelay $0x1  }
0x39e: {  	v3 =	vand.u32 $0x7FFFFFFF, v3;
	[tilespmem:v4+s26+$0x0] =	vst.idx.add.s32.msk $0xffff, v1  }
0x39f: {  	v3 =	vshrl.u32 v3, $0x11;
	v4 =	vld [tilespmem:s12+$0x5200]  }
0x3a0: {  	v5 =	vld [tilespmem:s12+$0xD200];
	_ =	sdelay $0x3  }
0x3a1: {  	[tilespmem:v3+s26+$0x0] =	vst.idx.add.s32.msk $0xffff, v1  }
0x3a2: {  	v3 =	vld [tilespmem:s14+$0x4300];
	v4 =	vsub.f32 v4, v5  }
0x3a3: {  	v5 =	vld [tilespmem:s14+$0xC300]  }
0x3a4: {  	v4 =	vand.u32 $0x7FFFFFFF, v4  }
0x3a5: {  	s4 =	simm.s32 $0x100;
	s3 =	simm.s32 $0x20;
	v4 =	vshrl.u32 v4, $0x11  }
0x3a6: {  	s31 =	sand.u32 $0xC00, s4;
	s30 =	sand.u32 $0x70, s3  }
0x3a7: {  	s16 =	sor.u32 s30, s31  }
0x3a8: {  	v6 =	vld [tilespmem:s16+$0x4000];
	v3 =	vsub.f32 v3, v5  }
0x3a9: {  	v5 =	vld [tilespmem:s16+$0xC000]  }
0x3aa: {  	v3 =	vand.u32 $0x7FFFFFFF, v3;
	[tilespmem:v4+s26+$0x0] =	vst.idx.add.s32.msk $0xffff, v1  }
0x3ab: {  	v3 =	vshrl.u32 v3, $0x11;
	v4 =	vld [tilespmem:s12+$0x5280]  }
0x3ac: {  	v7 =	vld [tilespmem:s12+$0xD280];
	_ =	sdelay $0x1  }
0x3ad: {  	v5 =	vsub.f32 v6, v5  }
0x3ae: {  	s15 =	sor.u32 s6, s15  }
0x3af: {  	s5 =	sor.u32 $0x380, s15;
	v5 =	vand.u32 $0x7FFFFFFF, v5;
	[tilespmem:v3+s26+$0x0] =	vst.idx.add.s32.msk $0xffff, v1  }
0x3b0: {  	v3 =	vshrl.u32 v5, $0x11;
	v5 =	vld [tilespmem:s5+$0x4000];
	v4 =	vsub.f32 v4, v7  }
0x3b1: {  	v6 =	vld [tilespmem:s5+$0xC000]  }
0x3b2: {  	v4 =	vand.u32 $0x7FFFFFFF, v4  }
0x3b3: {  	v4 =	vshrl.u32 v4, $0x11;
	_ =	sdelay $0x1  }
0x3b4: {  	[tilespmem:v3+s26+$0x0] =	vst.idx.add.s32.msk $0xffff, v1  }
0x3b5: {  	v3 =	vld [tilespmem:s16+$0x4080];
	v5 =	vsub.f32 v5, v6  }
0x3b6: {  	v6 =	vld [tilespmem:s16+$0xC080]  }
0x3b7: {  	v5 =	vand.u32 $0x7FFFFFFF, v5;
	[tilespmem:v4+s26+$0x0] =	vst.idx.add.s32.msk $0xffff, v1  }
0x3b8: {  	v4 =	vshrl.u32 v5, $0x11;
	v5 =	vld [tilespmem:s12+$0x5300]  }
0x3b9: {  	v7 =	vld [tilespmem:s12+$0xD300];
	_ =	sdelay $0x1  }
0x3ba: {  	v3 =	vsub.f32 v3, v6;
	_ =	sdelay $0x1  }
0x3bb: {  	v3 =	vand.u32 $0x7FFFFFFF, v3;
	[tilespmem:v4+s26+$0x0] =	vst.idx.add.s32.msk $0xffff, v1  }
0x3bc: {  	v3 =	vshrl.u32 v3, $0x11;
	v4 =	vld [tilespmem:s14+$0x5000];
	v5 =	vsub.f32 v5, v7  }
0x3bd: {  	v6 =	vld [tilespmem:s14+$0xD000]  }
0x3be: {  	v5 =	vand.u32 $0x7FFFFFFF, v5  }
0x3bf: {  	v5 =	vshrl.u32 v5, $0x11;
	_ =	sdelay $0x1  }
0x3c0: {  	[tilespmem:v3+s26+$0x0] =	vst.idx.add.s32.msk $0xffff, v1  }
0x3c1: {  	v3 =	vld [tilespmem:s16+$0x4100];
	v4 =	vsub.f32 v4, v6  }
0x3c2: {  	v6 =	vld [tilespmem:s16+$0xC100]  }
0x3c3: {  	s6 =	sor.u32 $0x1380, s13;
	v4 =	vand.u32 $0x7FFFFFFF, v4;
	[tilespmem:v5+s26+$0x0] =	vst.idx.add.s32.msk $0xffff, v1  }
0x3c4: {  	v4 =	vshrl.u32 v4, $0x11;
	v5 =	vld [tilespmem:s6+$0x4000]  }
0x3c5: {  	v7 =	vld [tilespmem:s6+$0xC000];
	_ =	sdelay $0x1  }
0x3c6: {  	v3 =	vsub.f32 v3, v6;
	_ =	sdelay $0x1  }
0x3c7: {  	v3 =	vand.u32 $0x7FFFFFFF, v3;
	[tilespmem:v4+s26+$0x0] =	vst.idx.add.s32.msk $0xffff, v1  }
0x3c8: {  	v3 =	vshrl.u32 v3, $0x11;
	v4 =	vld [tilespmem:s14+$0x5080];
	v5 =	vsub.f32 v5, v7  }
0x3c9: {  	v6 =	vld [tilespmem:s14+$0xD080]  }
0x3ca: {  	v5 =	vand.u32 $0x7FFFFFFF, v5  }
0x3cb: {  	s7 =	sand.u32 $0xFFFFFC00, s4;
	v5 =	vshrl.u32 v5, $0x11  }
0x3cc: {  	s6 =	sadd.s32 $0x20, s7  }
0x3cd: {  	s5 =	sor.u32 $0x180, s6;
	[tilespmem:v3+s26+$0x0] =	vst.idx.add.s32.msk $0xffff, v1  }
0x3ce: {  	v3 =	vld [tilespmem:s5+$0x4000];
	v4 =	vsub.f32 v4, v6  }
0x3cf: {  	v6 =	vld [tilespmem:s5+$0xC000]  }
0x3d0: {  	v4 =	vand.u32 $0x7FFFFFFF, v4;
	[tilespmem:v5+s26+$0x0] =	vst.idx.add.s32.msk $0xffff, v1  }
0x3d1: {  	v4 =	vshrl.u32 v4, $0x11;
	v5 =	vld [tilespmem:s12+$0x6000]  }
0x3d2: {  	v7 =	vld [tilespmem:s12+$0xE000];
	_ =	sdelay $0x1  }
0x3d3: {  	v3 =	vsub.f32 v3, v6;
	_ =	sdelay $0x1  }
0x3d4: {  	v3 =	vand.u32 $0x7FFFFFFF, v3;
	[tilespmem:v4+s26+$0x0] =	vst.idx.add.s32.msk $0xffff, v1  }
0x3d5: {  	v3 =	vshrl.u32 v3, $0x11;
	v4 =	vld [tilespmem:s14+$0x5100];
	v5 =	vsub.f32 v5, v7  }
0x3d6: {  	v6 =	vld [tilespmem:s14+$0xD100]  }
0x3d7: {  	v5 =	vand.u32 $0x7FFFFFFF, v5  }
0x3d8: {  	v5 =	vshrl.u32 v5, $0x11;
	_ =	sdelay $0x1  }
0x3d9: {  	[tilespmem:v3+s26+$0x0] =	vst.idx.add.s32.msk $0xffff, v1  }
0x3da: {  	v3 =	vld [tilespmem:s16+$0x4200];
	v4 =	vsub.f32 v4, v6  }
0x3db: {  	v6 =	vld [tilespmem:s16+$0xC200]  }
0x3dc: {  	v4 =	vand.u32 $0x7FFFFFFF, v4;
	[tilespmem:v5+s26+$0x0] =	vst.idx.add.s32.msk $0xffff, v1  }
0x3dd: {  	v4 =	vshrl.u32 v4, $0x11;
	v5 =	vld [tilespmem:s12+$0x6080]  }
0x3de: {  	v7 =	vld [tilespmem:s12+$0xE080];
	_ =	sdelay $0x1  }
0x3df: {  	v3 =	vsub.f32 v3, v6;
	_ =	sdelay $0x1  }
0x3e0: {  	s8 =	sor.u32 $0x1180, s17;
	v3 =	vand.u32 $0x7FFFFFFF, v3;
	[tilespmem:v4+s26+$0x0] =	vst.idx.add.s32.msk $0xffff, v1  }
0x3e1: {  	v3 =	vshrl.u32 v3, $0x11;
	v4 =	vld [tilespmem:s8+$0x4000];
	v5 =	vsub.f32 v5, v7  }
0x3e2: {  	v6 =	vld [tilespmem:s8+$0xC000]  }
0x3e3: {  	v5 =	vand.u32 $0x7FFFFFFF, v5  }
0x3e4: {  	v5 =	vshrl.u32 v5, $0x11;
	_ =	sdelay $0x1  }
0x3e5: {  	[tilespmem:v3+s26+$0x0] =	vst.idx.add.s32.msk $0xffff, v1  }
0x3e6: {  	v3 =	vld [tilespmem:s16+$0x4280];
	v4 =	vsub.f32 v4, v6  }
0x3e7: {  	v6 =	vld [tilespmem:s16+$0xC280]  }
0x3e8: {  	v4 =	vand.u32 $0x7FFFFFFF, v4;
	[tilespmem:v5+s26+$0x0] =	vst.idx.add.s32.msk $0xffff, v1  }
0x3e9: {  	v4 =	vshrl.u32 v4, $0x11;
	v5 =	vld [tilespmem:s12+$0x6100]  }
0x3ea: {  	v7 =	vld [tilespmem:s12+$0xE100];
	_ =	sdelay $0x1  }
0x3eb: {  	v3 =	vsub.f32 v3, v6;
	_ =	sdelay $0x1  }
0x3ec: {  	v3 =	vand.u32 $0x7FFFFFFF, v3;
	[tilespmem:v4+s26+$0x0] =	vst.idx.add.s32.msk $0xffff, v1  }
0x3ed: {  	v3 =	vshrl.u32 v3, $0x11;
	v4 =	vld [tilespmem:s14+$0x5200];
	v5 =	vsub.f32 v5, v7  }
0x3ee: {  	v6 =	vld [tilespmem:s14+$0xD200]  }
0x3ef: {  	v5 =	vand.u32 $0x7FFFFFFF, v5  }
0x3f0: {  	v5 =	vshrl.u32 v5, $0x11;
	_ =	sdelay $0x1  }
0x3f1: {  	[tilespmem:v3+s26+$0x0] =	vst.idx.add.s32.msk $0xffff, v1  }
0x3f2: {  	v3 =	vld [tilespmem:s16+$0x4300];
	v4 =	vsub.f32 v4, v6  }
0x3f3: {  	v6 =	vld [tilespmem:s16+$0xC300]  }
0x3f4: {  	s18 =	sor.u32 $0x2180, s9;
	v4 =	vand.u32 $0x7FFFFFFF, v4;
	[tilespmem:v5+s26+$0x0] =	vst.idx.add.s32.msk $0xffff, v1  }
0x3f5: {  	s20 =	simm.s32 $0x180;
	s8 =	simm.s32 $0x30;
	v4 =	vshrl.u32 v4, $0x11;
	v5 =	vld [tilespmem:s18+$0x4000]  }
0x3f6: {  	s21 =	sand.u32 $0xC00, s20;
	s19 =	sand.u32 $0x70, s8;
	v7 =	vld [tilespmem:s18+$0xC000]  }
0x3f7: {  	s5 =	sor.u32 s19, s21  }
0x3f8: {  	v8 =	vld [tilespmem:s5+$0x4000];
	v3 =	vsub.f32 v3, v6  }
0x3f9: {  	v6 =	vld [tilespmem:s5+$0xC000]  }
0x3fa: {  	v3 =	vand.u32 $0x7FFFFFFF, v3;
	[tilespmem:v4+s26+$0x0] =	vst.idx.add.s32.msk $0xffff, v1  }
0x3fb: {  	v3 =	vshrl.u32 v3, $0x11;
	v4 =	vld [tilespmem:s14+$0x5280];
	v5 =	vsub.f32 v5, v7  }
0x3fc: {  	v7 =	vld [tilespmem:s14+$0xD280]  }
0x3fd: {  	v5 =	vand.u32 $0x7FFFFFFF, v5  }
0x3fe: {  	v6 =	vsub.f32 v8, v6;
	v5 =	vshrl.u32 v5, $0x11  }
0x3ff: {  	s18 =	sor.u32 s3, s4  }
0x400: {  	s3 =	sor.u32 $0x380, s18;
	v6 =	vand.u32 $0x7FFFFFFF, v6;
	[tilespmem:v3+s26+$0x0] =	vst.idx.add.s32.msk $0xffff, v1  }
0x401: {  	v3 =	vshrl.u32 v6, $0x11;
	v6 =	vld [tilespmem:s3+$0x4000];
	v4 =	vsub.f32 v4, v7  }
0x402: {  	v7 =	vld [tilespmem:s3+$0xC000]  }
0x403: {  	v4 =	vand.u32 $0x7FFFFFFF, v4;
	[tilespmem:v5+s26+$0x0] =	vst.idx.add.s32.msk $0xffff, v1  }
0x404: {  	v4 =	vshrl.u32 v4, $0x11;
	v5 =	vld [tilespmem:s12+$0x6200]  }
0x405: {  	v8 =	vld [tilespmem:s12+$0xE200]  }
0x406: {  	[tilespmem:v3+s26+$0x0] =	vst.idx.add.s32.msk $0xffff, v1  }
0x407: {  	v3 =	vld [tilespmem:s5+$0x4080];
	v6 =	vsub.f32 v6, v7  }
0x408: {  	v7 =	vld [tilespmem:s5+$0xC080]  }
0x409: {  	v6 =	vand.u32 $0x7FFFFFFF, v6;
	[tilespmem:v4+s26+$0x0] =	vst.idx.add.s32.msk $0xffff, v1  }
0x40a: {  	v4 =	vshrl.u32 v6, $0x11;
	v6 =	vld [tilespmem:s14+$0x5300];
	v5 =	vsub.f32 v5, v8  }
0x40b: {  	v8 =	vld [tilespmem:s14+$0xD300]  }
0x40c: {  	v5 =	vand.u32 $0x7FFFFFFF, v5  }
0x40d: {  	v3 =	vsub.f32 v3, v7;
	v5 =	vshrl.u32 v5, $0x11;
	_ =	sdelay $0x1  }
0x40e: {  	v3 =	vand.u32 $0x7FFFFFFF, v3;
	[tilespmem:v4+s26+$0x0] =	vst.idx.add.s32.msk $0xffff, v1  }
0x40f: {  	v3 =	vshrl.u32 v3, $0x11;
	v4 =	vld [tilespmem:s16+$0x5000];
	v6 =	vsub.f32 v6, v8  }
0x410: {  	v7 =	vld [tilespmem:s16+$0xD000]  }
0x411: {  	v6 =	vand.u32 $0x7FFFFFFF, v6;
	[tilespmem:v5+s26+$0x0] =	vst.idx.add.s32.msk $0xffff, v1  }
0x412: {  	v5 =	vshrl.u32 v6, $0x11;
	v6 =	vld [tilespmem:s12+$0x6280]  }
0x413: {  	v8 =	vld [tilespmem:s12+$0xE280]  }
0x414: {  	[tilespmem:v3+s26+$0x0] =	vst.idx.add.s32.msk $0xffff, v1  }
0x415: {  	v3 =	vld [tilespmem:s5+$0x4100];
	v4 =	vsub.f32 v4, v7  }
0x416: {  	v7 =	vld [tilespmem:s5+$0xC100]  }
0x417: {  	s30 =	sor.u32 $0x1380, s15;
	v4 =	vand.u32 $0x7FFFFFFF, v4;
	[tilespmem:v5+s26+$0x0] =	vst.idx.add.s32.msk $0xffff, v1  }
0x418: {  	v4 =	vshrl.u32 v4, $0x11;
	v5 =	vld [tilespmem:s30+$0x4000];
	v6 =	vsub.f32 v6, v8  }
0x419: {  	v8 =	vld [tilespmem:s30+$0xC000]  }
0x41a: {  	v6 =	vand.u32 $0x7FFFFFFF, v6  }
0x41b: {  	v3 =	vsub.f32 v3, v7;
	v6 =	vshrl.u32 v6, $0x11;
	_ =	sdelay $0x1  }
0x41c: {  	v3 =	vand.u32 $0x7FFFFFFF, v3;
	[tilespmem:v4+s26+$0x0] =	vst.idx.add.s32.msk $0xffff, v1  }
0x41d: {  	v3 =	vshrl.u32 v3, $0x11;
	v4 =	vld [tilespmem:s16+$0x5080];
	v5 =	vsub.f32 v5, v8  }
0x41e: {  	v7 =	vld [tilespmem:s16+$0xD080]  }
0x41f: {  	v5 =	vand.u32 $0x7FFFFFFF, v5;
	[tilespmem:v6+s26+$0x0] =	vst.idx.add.s32.msk $0xffff, v1  }
0x420: {  	s31 =	sand.u32 $0xFFFFFC00, s20;
	v5 =	vshrl.u32 v5, $0x11;
	v6 =	vld [tilespmem:s12+$0x6300]  }
0x421: {  	s7 =	sadd.s32 $0x30, s31;
	v8 =	vld [tilespmem:s12+$0xE300]  }
0x422: {  	s3 =	sor.u32 $0x180, s7;
	[tilespmem:v3+s26+$0x0] =	vst.idx.add.s32.msk $0xffff, v1  }
0x423: {  	v3 =	vld [tilespmem:s3+$0x4000];
	v4 =	vsub.f32 v4, v7  }
0x424: {  	v7 =	vld [tilespmem:s3+$0xC000]  }
0x425: {  	v4 =	vand.u32 $0x7FFFFFFF, v4;
	[tilespmem:v5+s26+$0x0] =	vst.idx.add.s32.msk $0xffff, v1  }
0x426: {  	v4 =	vshrl.u32 v4, $0x11;
	v5 =	vld [tilespmem:s14+$0x6000];
	v6 =	vsub.f32 v6, v8  }
0x427: {  	v8 =	vld [tilespmem:s14+$0xE000]  }
0x428: {  	v6 =	vand.u32 $0x7FFFFFFF, v6  }
0x429: {  	v3 =	vsub.f32 v3, v7;
	v6 =	vshrl.u32 v6, $0x11;
	_ =	sdelay $0x1  }
0x42a: {  	v3 =	vand.u32 $0x7FFFFFFF, v3;
	[tilespmem:v4+s26+$0x0] =	vst.idx.add.s32.msk $0xffff, v1  }
0x42b: {  	v3 =	vshrl.u32 v3, $0x11;
	v4 =	vld [tilespmem:s16+$0x5100];
	v5 =	vsub.f32 v5, v8  }
0x42c: {  	v7 =	vld [tilespmem:s16+$0xD100]  }
0x42d: {  	s4 =	sor.u32 $0x2380, s13;
	v5 =	vand.u32 $0x7FFFFFFF, v5;
	[tilespmem:v6+s26+$0x0] =	vst.idx.add.s32.msk $0xffff, v1  }
0x42e: {  	v5 =	vshrl.u32 v5, $0x11;
	v6 =	vld [tilespmem:s4+$0x4000]  }
0x42f: {  	v8 =	vld [tilespmem:s4+$0xC000]  }
0x430: {  	[tilespmem:v3+s26+$0x0] =	vst.idx.add.s32.msk $0xffff, v1  }
0x431: {  	v3 =	vld [tilespmem:s5+$0x4200];
	v4 =	vsub.f32 v4, v7  }
0x432: {  	v7 =	vld [tilespmem:s5+$0xC200]  }
0x433: {  	v4 =	vand.u32 $0x7FFFFFFF, v4;
	[tilespmem:v5+s26+$0x0] =	vst.idx.add.s32.msk $0xffff, v1  }
0x434: {  	v4 =	vshrl.u32 v4, $0x11;
	v5 =	vld [tilespmem:s14+$0x6080];
	v6 =	vsub.f32 v6, v8  }
0x435: {  	v8 =	vld [tilespmem:s14+$0xE080]  }
0x436: {  	v6 =	vand.u32 $0x7FFFFFFF, v6  }
0x437: {  	v3 =	vsub.f32 v3, v7;
	v6 =	vshrl.u32 v6, $0x11;
	_ =	sdelay $0x1  }
0x438: {  	s19 =	sor.u32 $0x1180, s6;
	v3 =	vand.u32 $0x7FFFFFFF, v3;
	[tilespmem:v4+s26+$0x0] =	vst.idx.add.s32.msk $0xffff, v1  }
0x439: {  	v3 =	vshrl.u32 v3, $0x11;
	v4 =	vld [tilespmem:s19+$0x4000];
	v5 =	vsub.f32 v5, v8  }
0x43a: {  	v7 =	vld [tilespmem:s19+$0xC000]  }
0x43b: {  	v5 =	vand.u32 $0x7FFFFFFF, v5;
	[tilespmem:v6+s26+$0x0] =	vst.idx.add.s32.msk $0xffff, v1  }
0x43c: {  	v5 =	vshrl.u32 v5, $0x11;
	v6 =	vld [tilespmem:s12+$0x7000]  }
0x43d: {  	v8 =	vld [tilespmem:s12+$0xF000]  }
0x43e: {  	[tilespmem:v3+s26+$0x0] =	vst.idx.add.s32.msk $0xffff, v1  }
0x43f: {  	v3 =	vld [tilespmem:s5+$0x4280];
	v4 =	vsub.f32 v4, v7  }
0x440: {  	v7 =	vld [tilespmem:s5+$0xC280]  }
0x441: {  	v4 =	vand.u32 $0x7FFFFFFF, v4;
	[tilespmem:v5+s26+$0x0] =	vst.idx.add.s32.msk $0xffff, v1  }
0x442: {  	v4 =	vshrl.u32 v4, $0x11;
	v5 =	vld [tilespmem:s14+$0x6100];
	v6 =	vsub.f32 v6, v8  }
0x443: {  	v8 =	vld [tilespmem:s14+$0xE100]  }
0x444: {  	v6 =	vand.u32 $0x7FFFFFFF, v6  }
0x445: {  	v3 =	vsub.f32 v3, v7;
	v6 =	vshrl.u32 v6, $0x11;
	_ =	sdelay $0x1  }
0x446: {  	v3 =	vand.u32 $0x7FFFFFFF, v3;
	[tilespmem:v4+s26+$0x0] =	vst.idx.add.s32.msk $0xffff, v1  }
0x447: {  	v3 =	vshrl.u32 v3, $0x11;
	v4 =	vld [tilespmem:s16+$0x5200];
	v5 =	vsub.f32 v5, v8  }
0x448: {  	v7 =	vld [tilespmem:s16+$0xD200]  }
0x449: {  	v5 =	vand.u32 $0x7FFFFFFF, v5;
	[tilespmem:v6+s26+$0x0] =	vst.idx.add.s32.msk $0xffff, v1  }
0x44a: {  	v5 =	vshrl.u32 v5, $0x11;
	v6 =	vld [tilespmem:s12+$0x7080]  }
0x44b: {  	v8 =	vld [tilespmem:s12+$0xF080]  }
0x44c: {  	[tilespmem:v3+s26+$0x0] =	vst.idx.add.s32.msk $0xffff, v1  }
0x44d: {  	v3 =	vld [tilespmem:s5+$0x4300];
	v4 =	vsub.f32 v4, v7  }
0x44e: {  	v7 =	vld [tilespmem:s5+$0xC300]  }
0x44f: {  	s21 =	sor.u32 $0x2180, s17;
	v4 =	vand.u32 $0x7FFFFFFF, v4;
	[tilespmem:v5+s26+$0x0] =	vst.idx.add.s32.msk $0xffff, v1  }
0x450: {  	s3 =	simm.s32 $0x40;
	s4 =	simm.s32 $0x200;
	v4 =	vshrl.u32 v4, $0x11;
	v5 =	vld [tilespmem:s21+$0x4000];
	v6 =	vsub.f32 v6, v8  }
0x451: {  	s31 =	sand.u32 $0x70, s3;
	s30 =	sand.u32 $0xC00, s4;
	v8 =	vld [tilespmem:s21+$0xC000]  }
0x452: {  	s19 =	sor.u32 s31, s30;
	v6 =	vand.u32 $0x7FFFFFFF, v6  }
0x453: {  	v9 =	vld [tilespmem:s19+$0x4000];
	v3 =	vsub.f32 v3, v7;
	v6 =	vshrl.u32 v6, $0x11  }
0x454: {  	v7 =	vld [tilespmem:s19+$0xC000]  }
0x455: {  	v3 =	vand.u32 $0x7FFFFFFF, v3;
	[tilespmem:v4+s26+$0x0] =	vst.idx.add.s32.msk $0xffff, v1  }
0x456: {  	v3 =	vshrl.u32 v3, $0x11;
	v4 =	vld [tilespmem:s16+$0x5280];
	v5 =	vsub.f32 v5, v8  }
0x457: {  	v8 =	vld [tilespmem:s16+$0xD280]  }
0x458: {  	v5 =	vand.u32 $0x7FFFFFFF, v5;
	[tilespmem:v6+s26+$0x0] =	vst.idx.add.s32.msk $0xffff, v1  }
0x459: {  	v6 =	vsub.f32 v9, v7;
	v5 =	vshrl.u32 v5, $0x11;
	v7 =	vld [tilespmem:s12+$0x7100]  }
0x45a: {  	s8 =	sor.u32 s8, s20;
	v9 =	vld [tilespmem:s12+$0xF100]  }
0x45b: {  	s20 =	sor.u32 $0x380, s8;
	[tilespmem:v3+s26+$0x0] =	vst.idx.add.s32.msk $0xffff, v1;
	v6 =	vand.u32 $0x7FFFFFFF, v6  }
0x45c: {  	v4 =	vsub.f32 v4, v8;
	v8 =	vld [tilespmem:s20+$0xC000];
	v3 =	vshrl.u32 v6, $0x11  }
0x45d: {  	v6 =	vld [tilespmem:s20+$0x4000]  }
0x45e: {  	v4 =	vand.u32 $0x7FFFFFFF, v4;
	[tilespmem:v5+s26+$0x0] =	vst.idx.add.s32.msk $0xffff, v1  }
0x45f: {  	v4 =	vshrl.u32 v4, $0x11;
	v5 =	vld [tilespmem:s14+$0x6200];
	v7 =	vsub.f32 v7, v9  }
0x460: {  	v9 =	vld [tilespmem:s14+$0xE200]  }
0x461: {  	[tilespmem:v3+s26+$0x0] =	vst.idx.add.s32.msk $0xffff, v1;
	v3 =	vand.u32 $0x7FFFFFFF, v7  }
0x462: {  	v6 =	vsub.f32 v6, v8;
	v7 =	vld [tilespmem:s19+$0x4080];
	v3 =	vshrl.u32 v3, $0x11  }
0x463: {  	v8 =	vld [tilespmem:s19+$0xC080]  }
0x464: {  	v6 =	vand.u32 $0x7FFFFFFF, v6;
	[tilespmem:v4+s26+$0x0] =	vst.idx.add.s32.msk $0xffff, v1  }
0x465: {  	v4 =	vshrl.u32 v6, $0x11;
	v6 =	vld [tilespmem:s16+$0x5300];
	v5 =	vsub.f32 v5, v9  }
0x466: {  	v9 =	vld [tilespmem:s16+$0xD300]  }
0x467: {  	s9 =	sor.u32 $0x3180, s9;
	v5 =	vand.u32 $0x7FFFFFFF, v5;
	[tilespmem:v3+s26+$0x0] =	vst.idx.add.s32.msk $0xffff, v1  }
0x468: {  	v3 =	vsub.f32 v7, v8;
	v5 =	vshrl.u32 v5, $0x11;
	v7 =	vld [tilespmem:s9+$0x4000]  }
0x469: {  	v8 =	vld [tilespmem:s9+$0xC000]  }
0x46a: {  	v3 =	vand.u32 $0x7FFFFFFF, v3;
	[tilespmem:v4+s26+$0x0] =	vst.idx.add.s32.msk $0xffff, v1  }
0x46b: {  	v6 =	vsub.f32 v6, v9;
	v3 =	vshrl.u32 v3, $0x11;
	v10 =	vld [tilespmem:s5+$0x5000]  }
0x46c: {  	v11 =	vld [tilespmem:s5+$0xD000]  }
0x46d: {  	v6 =	vand.u32 $0x7FFFFFFF, v6;
	[tilespmem:v5+s26+$0x0] =	vst.idx.add.s32.msk $0xffff, v1  }
0x46e: {  	v6 =	vshrl.u32 v6, $0x11;
	v4 =	vld [tilespmem:s14+$0x6280];
	v7 =	vsub.f32 v7, v8  }
0x46f: {  	v5 =	vld [tilespmem:s14+$0xE280]  }
0x470: {  	[tilespmem:v3+s26+$0x0] =	vst.idx.add.s32.msk $0xffff, v1;
	v3 =	vand.u32 $0x7FFFFFFF, v7  }
0x471: {  	s20 =	simm.s32 $0x50;
	s9 =	simm.s32 $0x200;
	v7 =	vsub.f32 v10, v11;
	v8 =	vld [tilespmem:s19+$0x4100];
	v3 =	vshrl.u32 v3, $0x11  }
.LBB2_7:
0x472: {  	p1 =	sne.s32 s20, $0x1F0;
	v9 =	vld [tilespmem:s19+$0xC100]  }
0x473: {  	s21 =	sor.u32 $0x1380, s18;
	v7 =	vand.u32 $0x7FFFFFFF, v7;
	[tilespmem:v6+s26+$0x0] =	vst.idx.add.s32.msk $0xffff, v1  }
0x474: {  	v6 =	vshrl.u32 v7, $0x11;
	v7 =	vld [tilespmem:s21+$0x4000];
	v4 =	vsub.f32 v4, v5  }
0x475: {  	v5 =	vld [tilespmem:s21+$0xC000]  }
0x476: {  	v4 =	vand.u32 $0x7FFFFFFF, v4;
	[tilespmem:v3+s26+$0x0] =	vst.idx.add.s32.msk $0xffff, v1  }
0x477: {  	v3 =	vsub.f32 v8, v9;
	v4 =	vshrl.u32 v4, $0x11;
	v8 =	vld [tilespmem:s12+$0x7200]  }
0x478: {  	v9 =	vld [tilespmem:s12+$0xF200]  }
0x479: {  	v3 =	vand.u32 $0x7FFFFFFF, v3;
	[tilespmem:v6+s26+$0x0] =	vst.idx.add.s32.msk $0xffff, v1  }
0x47a: {  	v3 =	vshrl.u32 v3, $0x11;
	v6 =	vld [tilespmem:s5+$0x5080];
	v5 =	vsub.f32 v7, v5  }
0x47b: {  	v7 =	vld [tilespmem:s5+$0xD080]  }
0x47c: {  	v5 =	vand.u32 $0x7FFFFFFF, v5;
	[tilespmem:v4+s26+$0x0] =	vst.idx.add.s32.msk $0xffff, v1  }
0x47d: {  	s21 =	sand.u32 $0xFFFFFC00, s4;
	v4 =	vshrl.u32 v5, $0x11;
	v5 =	vld [tilespmem:s14+$0x6300];
	v8 =	vsub.f32 v8, v9  }
0x47e: {  	s30 =	sadd.s32 s21, s3;
	v9 =	vld [tilespmem:s14+$0xE300]  }
0x47f: {  	s21 =	sor.u32 $0x180, s30;
	[tilespmem:v3+s26+$0x0] =	vst.idx.add.s32.msk $0xffff, v1;
	v3 =	vand.u32 $0x7FFFFFFF, v8  }
0x480: {  	v8 =	vld [tilespmem:s21+$0x4000];
	v6 =	vsub.f32 v6, v7;
	v3 =	vshrl.u32 v3, $0x11  }
0x481: {  	v7 =	vld [tilespmem:s21+$0xC000]  }
0x482: {  	v6 =	vand.u32 $0x7FFFFFFF, v6;
	[tilespmem:v4+s26+$0x0] =	vst.idx.add.s32.msk $0xffff, v1  }
0x483: {  	v4 =	vshrl.u32 v6, $0x11;
	v6 =	vld [tilespmem:s16+$0x6000];
	v5 =	vsub.f32 v5, v9  }
0x484: {  	v9 =	vld [tilespmem:s16+$0xE000]  }
0x485: {  	v5 =	vand.u32 $0x7FFFFFFF, v5;
	[tilespmem:v3+s26+$0x0] =	vst.idx.add.s32.msk $0xffff, v1  }
0x486: {  	v3 =	vsub.f32 v8, v7;
	v5 =	vshrl.u32 v5, $0x11;
	v7 =	vld [tilespmem:s12+$0x7280]  }
0x487: {  	v8 =	vld [tilespmem:s12+$0xF280]  }
0x488: {  	v3 =	vand.u32 $0x7FFFFFFF, v3;
	[tilespmem:v4+s26+$0x0] =	vst.idx.add.s32.msk $0xffff, v1  }
0x489: {  	v3 =	vshrl.u32 v3, $0x11;
	v4 =	vld [tilespmem:s5+$0x5100];
	v6 =	vsub.f32 v6, v9  }
0x48a: {  	v9 =	vld [tilespmem:s5+$0xD100]  }
0x48b: {  	s21 =	sor.u32 $0x2380, s15;
	v6 =	vand.u32 $0x7FFFFFFF, v6;
	[tilespmem:v5+s26+$0x0] =	vst.idx.add.s32.msk $0xffff, v1  }
0x48c: {  	v5 =	vshrl.u32 v6, $0x11;
	v6 =	vld [tilespmem:s21+$0x4000];
	v7 =	vsub.f32 v7, v8  }
0x48d: {  	v8 =	vld [tilespmem:s21+$0xC000]  }
0x48e: {  	[tilespmem:v3+s26+$0x0] =	vst.idx.add.s32.msk $0xffff, v1;
	v3 =	vand.u32 $0x7FFFFFFF, v7  }
0x48f: {  	v7 =	vld [tilespmem:s19+$0x4200];
	v4 =	vsub.f32 v4, v9;
	v3 =	vshrl.u32 v3, $0x11  }
0x490: {  	v9 =	vld [tilespmem:s19+$0xC200]  }
0x491: {  	v4 =	vand.u32 $0x7FFFFFFF, v4;
	[tilespmem:v5+s26+$0x0] =	vst.idx.add.s32.msk $0xffff, v1  }
0x492: {  	v4 =	vshrl.u32 v4, $0x11;
	v5 =	vld [tilespmem:s16+$0x6080];
	v6 =	vsub.f32 v6, v8  }
0x493: {  	v8 =	vld [tilespmem:s16+$0xE080]  }
0x494: {  	v6 =	vand.u32 $0x7FFFFFFF, v6;
	[tilespmem:v3+s26+$0x0] =	vst.idx.add.s32.msk $0xffff, v1  }
0x495: {  	v3 =	vsub.f32 v7, v9;
	v6 =	vshrl.u32 v6, $0x11;
	v7 =	vld [tilespmem:s12+$0x7300]  }
0x496: {  	v9 =	vld [tilespmem:s12+$0xF300];
	s12 =	smov.u32 s14;
	s14 =	smov.u32 s16;
	s16 =	smov.u32 s5  }
0x497: {  	s21 =	sor.u32 $0x1180, s7;
	s5 =	smov.u32 s19;
	v3 =	vand.u32 $0x7FFFFFFF, v3;
	[tilespmem:v4+s26+$0x0] =	vst.idx.add.s32.msk $0xffff, v1  }
0x498: {  	v3 =	vshrl.u32 v3, $0x11;
	v4 =	vld [tilespmem:s21+$0x4000];
	v5 =	vsub.f32 v5, v8  }
0x499: {  	v8 =	vld [tilespmem:s21+$0xC000]  }
0x49a: {  	v5 =	vand.u32 $0x7FFFFFFF, v5;
	[tilespmem:v6+s26+$0x0] =	vst.idx.add.s32.msk $0xffff, v1  }
0x49b: {  	v5 =	vshrl.u32 v5, $0x11;
	v6 =	vld [tilespmem:s12+$0x7000];
	v7 =	vsub.f32 v7, v9  }
0x49c: {  	v9 =	vld [tilespmem:s12+$0xF000]  }
0x49d: {  	[tilespmem:v3+s26+$0x0] =	vst.idx.add.s32.msk $0xffff, v1;
	v3 =	vand.u32 $0x7FFFFFFF, v7  }
0x49e: {  	v7 =	vld [tilespmem:s5+$0x4280];
	v4 =	vsub.f32 v4, v8;
	v3 =	vshrl.u32 v3, $0x11  }
0x49f: {  	v8 =	vld [tilespmem:s5+$0xC280]  }
0x4a0: {  	v4 =	vand.u32 $0x7FFFFFFF, v4;
	[tilespmem:v5+s26+$0x0] =	vst.idx.add.s32.msk $0xffff, v1  }
0x4a1: {  	v4 =	vshrl.u32 v4, $0x11;
	v5 =	vld [tilespmem:s14+$0x6100];
	v6 =	vsub.f32 v6, v9  }
0x4a2: {  	v9 =	vld [tilespmem:s14+$0xE100]  }
0x4a3: {  	s19 =	sor.u32 $0x3380, s13;
	s13 =	smov.u32 s15;
	s15 =	smov.u32 s18;
	v6 =	vand.u32 $0x7FFFFFFF, v6;
	[tilespmem:v3+s26+$0x0] =	vst.idx.add.s32.msk $0xffff, v1  }
0x4a4: {  	s18 =	smov.u32 s8;
	v3 =	vsub.f32 v7, v8;
	v6 =	vshrl.u32 v6, $0x11;
	v7 =	vld [tilespmem:s19+$0x4000]  }
0x4a5: {  	v8 =	vld [tilespmem:s19+$0xC000]  }
0x4a6: {  	v3 =	vand.u32 $0x7FFFFFFF, v3;
	[tilespmem:v4+s26+$0x0] =	vst.idx.add.s32.msk $0xffff, v1  }
0x4a7: {  	v3 =	vshrl.u32 v3, $0x11;
	v4 =	vld [tilespmem:s16+$0x5200];
	v5 =	vsub.f32 v5, v9  }
0x4a8: {  	v9 =	vld [tilespmem:s16+$0xD200]  }
0x4a9: {  	v5 =	vand.u32 $0x7FFFFFFF, v5;
	[tilespmem:v6+s26+$0x0] =	vst.idx.add.s32.msk $0xffff, v1  }
0x4aa: {  	v5 =	vshrl.u32 v5, $0x11;
	v6 =	vld [tilespmem:s12+$0x7080];
	v7 =	vsub.f32 v7, v8  }
0x4ab: {  	v8 =	vld [tilespmem:s12+$0xF080]  }
0x4ac: {  	[tilespmem:v3+s26+$0x0] =	vst.idx.add.s32.msk $0xffff, v1;
	v3 =	vand.u32 $0x7FFFFFFF, v7  }
0x4ad: {  	v7 =	vld [tilespmem:s5+$0x4300];
	v4 =	vsub.f32 v4, v9;
	v3 =	vshrl.u32 v3, $0x11  }
0x4ae: {  	v9 =	vld [tilespmem:s5+$0xC300]  }
0x4af: {  	s8 =	sor.u32 $0x2180, s6;
	v4 =	vand.u32 $0x7FFFFFFF, v4;
	[tilespmem:v5+s26+$0x0] =	vst.idx.add.s32.msk $0xffff, v1  }
0x4b0: {  	s4 =	sadd.s32 $0x80, s4;
	v4 =	vshrl.u32 v4, $0x11;
	v5 =	vld [tilespmem:s8+$0x4000];
	v6 =	vsub.f32 v6, v8  }
0x4b1: {  	s21 =	sand.u32 $0xC00, s4;
	s19 =	sand.u32 $0x70, s20;
	v8 =	vld [tilespmem:s8+$0xC000]  }
0x4b2: {  	s19 =	sor.u32 s19, s21;
	v6 =	vand.u32 $0x7FFFFFFF, v6;
	[tilespmem:v3+s26+$0x0] =	vst.idx.add.s32.msk $0xffff, v1  }
0x4b3: {  	v3 =	vld [tilespmem:s19+$0x4000];
	v7 =	vsub.f32 v7, v9;
	v6 =	vshrl.u32 v6, $0x11  }
0x4b4: {  	v9 =	vld [tilespmem:s19+$0xC000]  }
0x4b5: {  	v7 =	vand.u32 $0x7FFFFFFF, v7;
	[tilespmem:v4+s26+$0x0] =	vst.idx.add.s32.msk $0xffff, v1  }
0x4b6: {  	v4 =	vshrl.u32 v7, $0x11;
	v7 =	vld [tilespmem:s16+$0x5280];
	v5 =	vsub.f32 v5, v8  }
0x4b7: {  	v8 =	vld [tilespmem:s16+$0xD280]  }
0x4b8: {  	v5 =	vand.u32 $0x7FFFFFFF, v5;
	[tilespmem:v6+s26+$0x0] =	vst.idx.add.s32.msk $0xffff, v1  }
0x4b9: {  	v3 =	vsub.f32 v3, v9;
	v5 =	vshrl.u32 v5, $0x11;
	v6 =	vld [tilespmem:s12+$0x7100]  }
0x4ba: {  	s8 =	sor.u32 s3, s9;
	s9 =	smov.u32 s4;
	s3 =	smov.u32 s20;
	v9 =	vld [tilespmem:s12+$0xF100]  }
0x4bb: {  	s21 =	sor.u32 $0x380, s8;
	v3 =	vand.u32 $0x7FFFFFFF, v3;
	[tilespmem:v4+s26+$0x0] =	vst.idx.add.s32.msk $0xffff, v1  }
0x4bc: {  	v3 =	vshrl.u32 v3, $0x11;
	v4 =	vld [tilespmem:s21+$0x4000];
	v7 =	vsub.f32 v7, v8  }
0x4bd: {  	v8 =	vld [tilespmem:s21+$0xC000]  }
0x4be: {  	v7 =	vand.u32 $0x7FFFFFFF, v7;
	[tilespmem:v5+s26+$0x0] =	vst.idx.add.s32.msk $0xffff, v1  }
0x4bf: {  	v5 =	vshrl.u32 v7, $0x11;
	v7 =	vld [tilespmem:s14+$0x6200];
	v6 =	vsub.f32 v6, v9  }
0x4c0: {  	v9 =	vld [tilespmem:s14+$0xE200]  }
0x4c1: {  	[tilespmem:v3+s26+$0x0] =	vst.idx.add.s32.msk $0xffff, v1;
	v3 =	vand.u32 $0x7FFFFFFF, v6  }
0x4c2: {  	v6 =	vld [tilespmem:s19+$0x4080];
	v4 =	vsub.f32 v4, v8;
	v3 =	vshrl.u32 v3, $0x11  }
0x4c3: {  	v8 =	vld [tilespmem:s19+$0xC080]  }
0x4c4: {  	v4 =	vand.u32 $0x7FFFFFFF, v4;
	[tilespmem:v5+s26+$0x0] =	vst.idx.add.s32.msk $0xffff, v1  }
0x4c5: {  	v4 =	vshrl.u32 v4, $0x11;
	v5 =	vld [tilespmem:s16+$0x5300];
	v7 =	vsub.f32 v7, v9  }
0x4c6: {  	v9 =	vld [tilespmem:s16+$0xD300]  }
0x4c7: {  	s21 =	sor.u32 $0x3180, s17;
	s17 =	smov.u32 s6;
	s6 =	smov.u32 s7;
	v7 =	vand.u32 $0x7FFFFFFF, v7;
	[tilespmem:v3+s26+$0x0] =	vst.idx.add.s32.msk $0xffff, v1  }
0x4c8: {  	s7 =	smov.u32 s30;
	v3 =	vsub.f32 v6, v8;
	v6 =	vshrl.u32 v7, $0x11;
	v7 =	vld [tilespmem:s21+$0x4000]  }
0x4c9: {  	v8 =	vld [tilespmem:s21+$0xC000]  }
0x4ca: {  	v3 =	vand.u32 $0x7FFFFFFF, v3;
	[tilespmem:v4+s26+$0x0] =	vst.idx.add.s32.msk $0xffff, v1  }
0x4cb: {  	v3 =	vshrl.u32 v3, $0x11;
	v10 =	vld [tilespmem:s5+$0x5000];
	v4 =	vsub.f32 v5, v9  }
0x4cc: {  	v9 =	vld [tilespmem:s5+$0xD000]  }
.Ltmp4:
0x4cd: {  	v4 =	vand.u32 $0x7FFFFFFF, v4;
	[tilespmem:v6+s26+$0x0] =	vst.idx.add.s32.msk $0xffff, v1;
	(pc) =	sbr.rel @p1 .LBB2_7-.Ltmp4, $4  }
0x4ce: {  	v6 =	vshrl.u32 v4, $0x11;
	v4 =	vld [tilespmem:s14+$0x6280];
	v7 =	vsub.f32 v7, v8  }
0x4cf: {  	v5 =	vld [tilespmem:s14+$0xE280]  }
0x4d0: {  	[tilespmem:v3+s26+$0x0] =	vst.idx.add.s32.msk $0xffff, v1;
	v3 =	vand.u32 $0x7FFFFFFF, v7  }
0x4d1: {  	s20 =	sadd.s32 $0x10, s20;
	v8 =	vld [tilespmem:s19+$0x4100];
	v7 =	vsub.f32 v10, v9;
	v3 =	vshrl.u32 v3, $0x11  }
0x4d2: {  	v9 =	vld [tilespmem:s19+$0xC100];
	_ =	sdelay $0x4  }
0x4d3: {  	v8 =	vsub.f32 v8, v9;
	_ =	sdelay $0x1  }
0x4d4: {  	v8 =	vand.u32 $0x7FFFFFFF, v8  }
0x4d5: {  	v8 =	vshrl.u32 v8, $0x11;
	_ =	sdelay $0x2  }
0x4d6: {  	s4 =	sand.u32 $0xFFFFFC00, s4  }
0x4d7: {  	s4 =	sadd.s32 s4, s3  }
0x4d8: {  	s20 =	sor.u32 $0x180, s4;
	[tilespmem:v8+s26+$0x0] =	vst.idx.add.s32.msk $0xffff, v1  }
0x4d9: {  	v8 =	vld [tilespmem:s20+$0x4000]  }
0x4da: {  	v31 =	vld [tilespmem:s20+$0xC000];
	_ =	sdelay $0x4  }
0x4db: {  	v8 =	vsub.f32 v8, v31;
	_ =	sdelay $0x1  }
0x4dc: {  	v8 =	vand.u32 $0x7FFFFFFF, v8  }
0x4dd: {  	v8 =	vshrl.u32 v8, $0x11;
	_ =	sdelay $0x4  }
0x4de: {  	[tilespmem:v8+s26+$0x0] =	vst.idx.add.s32.msk $0xffff, v1  }
0x4df: {  	v8 =	vld [tilespmem:s19+$0x4200]  }
0x4e0: {  	v32 =	vld [tilespmem:s19+$0xC200];
	_ =	sdelay $0x4  }
0x4e1: {  	v8 =	vsub.f32 v8, v32;
	_ =	sdelay $0x1  }
0x4e2: {  	v8 =	vand.u32 $0x7FFFFFFF, v8  }
0x4e3: {  	v8 =	vshrl.u32 v8, $0x11;
	_ =	sdelay $0x4  }
0x4e4: {  	[tilespmem:v8+s26+$0x0] =	vst.idx.add.s32.msk $0xffff, v1  }
0x4e5: {  	v8 =	vld [tilespmem:s19+$0x4280]  }
0x4e6: {  	v33 =	vld [tilespmem:s19+$0xC280];
	_ =	sdelay $0x4  }
0x4e7: {  	v8 =	vsub.f32 v8, v33;
	_ =	sdelay $0x1  }
0x4e8: {  	v8 =	vand.u32 $0x7FFFFFFF, v8  }
0x4e9: {  	v8 =	vshrl.u32 v8, $0x11;
	_ =	sdelay $0x4  }
0x4ea: {  	[tilespmem:v8+s26+$0x0] =	vst.idx.add.s32.msk $0xffff, v1  }
0x4eb: {  	v8 =	vld [tilespmem:s19+$0x4300]  }
0x4ec: {  	v34 =	vld [tilespmem:s19+$0xC300];
	_ =	sdelay $0x4  }
0x4ed: {  	v8 =	vsub.f32 v8, v34;
	_ =	sdelay $0x1  }
0x4ee: {  	v8 =	vand.u32 $0x7FFFFFFF, v8  }
0x4ef: {  	v8 =	vshrl.u32 v8, $0x11;
	_ =	sdelay $0x3  }
0x4f0: {  	s9 =	sor.u32 s3, s9  }
0x4f1: {  	s3 =	sor.u32 $0x380, s9;
	[tilespmem:v8+s26+$0x0] =	vst.idx.add.s32.msk $0xffff, v1  }
0x4f2: {  	v8 =	vld [tilespmem:s3+$0x4000]  }
0x4f3: {  	v35 =	vld [tilespmem:s3+$0xC000];
	_ =	sdelay $0x4  }
0x4f4: {  	v8 =	vsub.f32 v8, v35;
	_ =	sdelay $0x1  }
0x4f5: {  	v8 =	vand.u32 $0x7FFFFFFF, v8  }
0x4f6: {  	v8 =	vshrl.u32 v8, $0x11;
	_ =	sdelay $0x4  }
0x4f7: {  	[tilespmem:v8+s26+$0x0] =	vst.idx.add.s32.msk $0xffff, v1  }
0x4f8: {  	v8 =	vld [tilespmem:s19+$0x5000]  }
0x4f9: {  	v36 =	vld [tilespmem:s19+$0xD000];
	_ =	sdelay $0x3  }
0x4fa: {  	v7 =	vand.u32 $0x7FFFFFFF, v7  }
0x4fb: {  	v7 =	vshrl.u32 v7, $0x11;
	v8 =	vsub.f32 v8, v36;
	_ =	sdelay $0x1  }
0x4fc: {  	v8 =	vand.u32 $0x7FFFFFFF, v8  }
0x4fd: {  	v8 =	vshrl.u32 v8, $0x11;
	_ =	sdelay $0x1  }
0x4fe: {  	[tilespmem:v7+s26+$0x0] =	vst.idx.add.s32.msk $0xffff, v1  }
0x4ff: {  	v7 =	vld [tilespmem:s5+$0x5080]  }
0x500: {  	v37 =	vld [tilespmem:s5+$0xD080]  }
0x501: {  	[tilespmem:v8+s26+$0x0] =	vst.idx.add.s32.msk $0xffff, v1  }
0x502: {  	v8 =	vld [tilespmem:s19+$0x5080]  }
0x503: {  	v10 =	vld [tilespmem:s19+$0xD080];
	_ =	sdelay $0x1  }
0x504: {  	v7 =	vsub.f32 v7, v37;
	_ =	sdelay $0x1  }
0x505: {  	v7 =	vand.u32 $0x7FFFFFFF, v7  }
0x506: {  	v7 =	vshrl.u32 v7, $0x11;
	v8 =	vsub.f32 v8, v10;
	_ =	sdelay $0x1  }
0x507: {  	v8 =	vand.u32 $0x7FFFFFFF, v8  }
0x508: {  	v8 =	vshrl.u32 v8, $0x11;
	_ =	sdelay $0x1  }
0x509: {  	[tilespmem:v7+s26+$0x0] =	vst.idx.add.s32.msk $0xffff, v1  }
0x50a: {  	v7 =	vld [tilespmem:s5+$0x5100]  }
0x50b: {  	v38 =	vld [tilespmem:s5+$0xD100]  }
0x50c: {  	[tilespmem:v8+s26+$0x0] =	vst.idx.add.s32.msk $0xffff, v1  }
0x50d: {  	v8 =	vld [tilespmem:s19+$0x5100]  }
0x50e: {  	v39 =	vld [tilespmem:s19+$0xD100];
	_ =	sdelay $0x1  }
0x50f: {  	v7 =	vsub.f32 v7, v38;
	_ =	sdelay $0x1  }
0x510: {  	v7 =	vand.u32 $0x7FFFFFFF, v7  }
0x511: {  	v7 =	vshrl.u32 v7, $0x11;
	v8 =	vsub.f32 v8, v39;
	_ =	sdelay $0x1  }
0x512: {  	v8 =	vand.u32 $0x7FFFFFFF, v8  }
0x513: {  	v8 =	vshrl.u32 v8, $0x11;
	_ =	sdelay $0x1  }
0x514: {  	s31 =	sor.u32 $0x1180, s7;
	[tilespmem:v7+s26+$0x0] =	vst.idx.add.s32.msk $0xffff, v1  }
0x515: {  	v7 =	vld [tilespmem:s31+$0x4000]  }
0x516: {  	v40 =	vld [tilespmem:s31+$0xC000]  }
0x517: {  	s20 =	sor.u32 $0x1180, s4;
	[tilespmem:v8+s26+$0x0] =	vst.idx.add.s32.msk $0xffff, v1  }
0x518: {  	v8 =	vld [tilespmem:s20+$0x4000]  }
0x519: {  	v41 =	vld [tilespmem:s20+$0xC000];
	_ =	sdelay $0x1  }
0x51a: {  	v7 =	vsub.f32 v7, v40;
	_ =	sdelay $0x1  }
0x51b: {  	v7 =	vand.u32 $0x7FFFFFFF, v7  }
0x51c: {  	v7 =	vshrl.u32 v7, $0x11;
	v8 =	vsub.f32 v8, v41;
	_ =	sdelay $0x1  }
0x51d: {  	v8 =	vand.u32 $0x7FFFFFFF, v8  }
0x51e: {  	v8 =	vshrl.u32 v8, $0x11;
	_ =	sdelay $0x1  }
0x51f: {  	[tilespmem:v7+s26+$0x0] =	vst.idx.add.s32.msk $0xffff, v1  }
0x520: {  	v7 =	vld [tilespmem:s5+$0x5200]  }
0x521: {  	v42 =	vld [tilespmem:s5+$0xD200]  }
0x522: {  	[tilespmem:v8+s26+$0x0] =	vst.idx.add.s32.msk $0xffff, v1  }
0x523: {  	v8 =	vld [tilespmem:s19+$0x5200]  }
0x524: {  	v43 =	vld [tilespmem:s19+$0xD200];
	_ =	sdelay $0x1  }
0x525: {  	v7 =	vsub.f32 v7, v42;
	_ =	sdelay $0x1  }
0x526: {  	v7 =	vand.u32 $0x7FFFFFFF, v7  }
0x527: {  	v7 =	vshrl.u32 v7, $0x11;
	v8 =	vsub.f32 v8, v43;
	_ =	sdelay $0x1  }
0x528: {  	v8 =	vand.u32 $0x7FFFFFFF, v8  }
0x529: {  	v8 =	vshrl.u32 v8, $0x11;
	_ =	sdelay $0x1  }
0x52a: {  	[tilespmem:v7+s26+$0x0] =	vst.idx.add.s32.msk $0xffff, v1  }
0x52b: {  	v7 =	vld [tilespmem:s5+$0x5280]  }
0x52c: {  	v44 =	vld [tilespmem:s5+$0xD280]  }
0x52d: {  	[tilespmem:v8+s26+$0x0] =	vst.idx.add.s32.msk $0xffff, v1  }
0x52e: {  	v8 =	vld [tilespmem:s19+$0x5280]  }
0x52f: {  	v45 =	vld [tilespmem:s19+$0xD280];
	_ =	sdelay $0x1  }
0x530: {  	v7 =	vsub.f32 v7, v44;
	_ =	sdelay $0x1  }
0x531: {  	v7 =	vand.u32 $0x7FFFFFFF, v7  }
0x532: {  	v7 =	vshrl.u32 v7, $0x11;
	v8 =	vsub.f32 v8, v45;
	_ =	sdelay $0x1  }
0x533: {  	v8 =	vand.u32 $0x7FFFFFFF, v8  }
0x534: {  	v8 =	vshrl.u32 v8, $0x11;
	_ =	sdelay $0x1  }
0x535: {  	[tilespmem:v7+s26+$0x0] =	vst.idx.add.s32.msk $0xffff, v1  }
0x536: {  	v7 =	vld [tilespmem:s5+$0x5300]  }
0x537: {  	v46 =	vld [tilespmem:s5+$0xD300]  }
0x538: {  	[tilespmem:v8+s26+$0x0] =	vst.idx.add.s32.msk $0xffff, v1  }
0x539: {  	v8 =	vld [tilespmem:s19+$0x5300]  }
0x53a: {  	v47 =	vld [tilespmem:s19+$0xD300];
	_ =	sdelay $0x1  }
0x53b: {  	v7 =	vsub.f32 v7, v46;
	_ =	sdelay $0x1  }
0x53c: {  	v7 =	vand.u32 $0x7FFFFFFF, v7  }
0x53d: {  	v7 =	vshrl.u32 v7, $0x11;
	v8 =	vsub.f32 v8, v47;
	_ =	sdelay $0x1  }
0x53e: {  	[tilespmem:v6+s26+$0x0] =	vst.idx.add.s32.msk $0xffff, v1;
	s21 =	sor.u32 $0x1380, s18;
	v48 =	vand.u32 $0x7FFFFFFF, v8  }
0x53f: {  	v49 =	vld [tilespmem:s21+$0x4000];
	v6 =	vshrl.u32 v48, $0x11  }
0x540: {  	v50 =	vld [tilespmem:s21+$0xC000]  }
0x541: {  	s30 =	sor.u32 $0x1380, s8;
	[tilespmem:v7+s26+$0x0] =	vst.idx.add.s32.msk $0xffff, v1  }
0x542: {  	v7 =	vld [tilespmem:s30+$0x4000]  }
0x543: {  	v51 =	vld [tilespmem:s30+$0xC000]  }
0x544: {  	s31 =	sor.u32 $0x1380, s9;
	[tilespmem:v6+s26+$0x0] =	vst.idx.add.s32.msk $0xffff, v1  }
0x545: {  	v52 =	vsub.f32 v49, v50;
	v53 =	vld [tilespmem:s31+$0x4000]  }
0x546: {  	v54 =	vld [tilespmem:s31+$0xC000]  }
0x547: {  	v6 =	vand.u32 $0x7FFFFFFF, v52  }
0x548: {  	v7 =	vsub.f32 v7, v51;
	v6 =	vshrl.u32 v6, $0x11;
	_ =	sdelay $0x1  }
0x549: {  	v7 =	vand.u32 $0x7FFFFFFF, v7  }
0x54a: {  	v7 =	vshrl.u32 v7, $0x11;
	v8 =	vsub.f32 v53, v54;
	_ =	sdelay $0x1  }
0x54b: {  	[tilespmem:v6+s26+$0x0] =	vst.idx.add.s32.msk $0xffff, v1;
	v55 =	vand.u32 $0x7FFFFFFF, v8  }
0x54c: {  	v56 =	vld [tilespmem:s16+$0x6000];
	v6 =	vshrl.u32 v55, $0x11  }
0x54d: {  	v57 =	vld [tilespmem:s16+$0xE000]  }
0x54e: {  	[tilespmem:v7+s26+$0x0] =	vst.idx.add.s32.msk $0xffff, v1  }
0x54f: {  	v7 =	vld [tilespmem:s5+$0x6000]  }
0x550: {  	v58 =	vld [tilespmem:s5+$0xE000]  }
0x551: {  	[tilespmem:v6+s26+$0x0] =	vst.idx.add.s32.msk $0xffff, v1  }
0x552: {  	v59 =	vsub.f32 v56, v57;
	v60 =	vld [tilespmem:s19+$0x6000]  }
0x553: {  	v61 =	vld [tilespmem:s19+$0xE000]  }
0x554: {  	v6 =	vand.u32 $0x7FFFFFFF, v59  }
0x555: {  	v7 =	vsub.f32 v7, v58;
	v6 =	vshrl.u32 v6, $0x11;
	_ =	sdelay $0x1  }
0x556: {  	v7 =	vand.u32 $0x7FFFFFFF, v7  }
0x557: {  	v7 =	vshrl.u32 v7, $0x11;
	v8 =	vsub.f32 v60, v61;
	_ =	sdelay $0x1  }
0x558: {  	[tilespmem:v6+s26+$0x0] =	vst.idx.add.s32.msk $0xffff, v1;
	v62 =	vand.u32 $0x7FFFFFFF, v8  }
0x559: {  	v63 =	vld [tilespmem:s16+$0x6080];
	v6 =	vshrl.u32 v62, $0x11  }
0x55a: {  	v12 =	vld [tilespmem:s16+$0xE080]  }
0x55b: {  	[tilespmem:v7+s26+$0x0] =	vst.idx.add.s32.msk $0xffff, v1  }
0x55c: {  	v7 =	vld [tilespmem:s5+$0x6080]  }
0x55d: {  	v13 =	vld [tilespmem:s5+$0xE080]  }
0x55e: {  	[tilespmem:v6+s26+$0x0] =	vst.idx.add.s32.msk $0xffff, v1  }
0x55f: {  	v14 =	vsub.f32 v63, v12;
	v15 =	vld [tilespmem:s19+$0x6080]  }
0x560: {  	v16 =	vld [tilespmem:s19+$0xE080]  }
0x561: {  	v6 =	vand.u32 $0x7FFFFFFF, v14  }
0x562: {  	v7 =	vsub.f32 v7, v13;
	v6 =	vshrl.u32 v6, $0x11;
	_ =	sdelay $0x1  }
0x563: {  	v7 =	vand.u32 $0x7FFFFFFF, v7  }
0x564: {  	v7 =	vshrl.u32 v7, $0x11;
	v8 =	vsub.f32 v15, v16;
	_ =	sdelay $0x1  }
0x565: {  	[tilespmem:v6+s26+$0x0] =	vst.idx.add.s32.msk $0xffff, v1;
	v17 =	vand.u32 $0x7FFFFFFF, v8  }
0x566: {  	v18 =	vld [tilespmem:s16+$0x6100];
	v6 =	vshrl.u32 v17, $0x11  }
0x567: {  	v19 =	vld [tilespmem:s16+$0xE100]  }
0x568: {  	[tilespmem:v7+s26+$0x0] =	vst.idx.add.s32.msk $0xffff, v1  }
0x569: {  	v7 =	vld [tilespmem:s5+$0x6100]  }
0x56a: {  	v20 =	vld [tilespmem:s5+$0xE100]  }
0x56b: {  	[tilespmem:v6+s26+$0x0] =	vst.idx.add.s32.msk $0xffff, v1  }
0x56c: {  	v21 =	vsub.f32 v18, v19;
	v22 =	vld [tilespmem:s19+$0x6100]  }
0x56d: {  	v23 =	vld [tilespmem:s19+$0xE100]  }
0x56e: {  	v6 =	vand.u32 $0x7FFFFFFF, v21  }
0x56f: {  	v7 =	vsub.f32 v7, v20;
	v6 =	vshrl.u32 v6, $0x11;
	_ =	sdelay $0x1  }
0x570: {  	v7 =	vand.u32 $0x7FFFFFFF, v7  }
0x571: {  	v7 =	vshrl.u32 v7, $0x11;
	v8 =	vsub.f32 v22, v23;
	_ =	sdelay $0x1  }
0x572: {  	s20 =	sor.u32 $0x2180, s6;
	[tilespmem:v6+s26+$0x0] =	vst.idx.add.s32.msk $0xffff, v1;
	v24 =	vand.u32 $0x7FFFFFFF, v8  }
0x573: {  	v25 =	vld [tilespmem:s20+$0x4000];
	v6 =	vshrl.u32 v24, $0x11  }
0x574: {  	v26 =	vld [tilespmem:s20+$0xC000]  }
0x575: {  	s21 =	sor.u32 $0x2180, s7;
	[tilespmem:v7+s26+$0x0] =	vst.idx.add.s32.msk $0xffff, v1  }
0x576: {  	v7 =	vld [tilespmem:s21+$0x4000]  }
0x577: {  	v27 =	vld [tilespmem:s21+$0xC000]  }
0x578: {  	s30 =	sor.u32 $0x2180, s4;
	[tilespmem:v6+s26+$0x0] =	vst.idx.add.s32.msk $0xffff, v1  }
0x579: {  	v28 =	vsub.f32 v25, v26;
	v29 =	vld [tilespmem:s30+$0x4000]  }
0x57a: {  	v30 =	vld [tilespmem:s30+$0xC000]  }
0x57b: {  	v6 =	vand.u32 $0x7FFFFFFF, v28  }
0x57c: {  	v7 =	vsub.f32 v7, v27;
	v6 =	vshrl.u32 v6, $0x11;
	_ =	sdelay $0x1  }
0x57d: {  	v7 =	vand.u32 $0x7FFFFFFF, v7  }
0x57e: {  	v7 =	vshrl.u32 v7, $0x11;
	v8 =	vsub.f32 v29, v30;
	_ =	sdelay $0x1  }
0x57f: {  	[tilespmem:v6+s26+$0x0] =	vst.idx.add.s32.msk $0xffff, v1;
	v31 =	vand.u32 $0x7FFFFFFF, v8  }
0x580: {  	v32 =	vld [tilespmem:s16+$0x6200];
	v6 =	vshrl.u32 v31, $0x11  }
0x581: {  	v33 =	vld [tilespmem:s16+$0xE200]  }
0x582: {  	[tilespmem:v7+s26+$0x0] =	vst.idx.add.s32.msk $0xffff, v1  }
0x583: {  	v7 =	vld [tilespmem:s5+$0x6200]  }
0x584: {  	v34 =	vld [tilespmem:s5+$0xE200]  }
0x585: {  	[tilespmem:v6+s26+$0x0] =	vst.idx.add.s32.msk $0xffff, v1  }
0x586: {  	v35 =	vsub.f32 v32, v33;
	v36 =	vld [tilespmem:s19+$0x6200]  }
0x587: {  	v37 =	vld [tilespmem:s19+$0xE200]  }
0x588: {  	v6 =	vand.u32 $0x7FFFFFFF, v35  }
0x589: {  	v7 =	vsub.f32 v7, v34;
	v6 =	vshrl.u32 v6, $0x11;
	_ =	sdelay $0x1  }
0x58a: {  	v7 =	vand.u32 $0x7FFFFFFF, v7  }
0x58b: {  	v7 =	vshrl.u32 v7, $0x11;
	v8 =	vsub.f32 v36, v37;
	_ =	sdelay $0x1  }
0x58c: {  	[tilespmem:v6+s26+$0x0] =	vst.idx.add.s32.msk $0xffff, v1;
	v38 =	vand.u32 $0x7FFFFFFF, v8  }
0x58d: {  	v39 =	vld [tilespmem:s16+$0x6280];
	v6 =	vshrl.u32 v38, $0x11  }
0x58e: {  	v40 =	vld [tilespmem:s16+$0xE280]  }
0x58f: {  	[tilespmem:v7+s26+$0x0] =	vst.idx.add.s32.msk $0xffff, v1  }
0x590: {  	v4 =	vsub.f32 v4, v5;
	v41 =	vld [tilespmem:s5+$0x6280]  }
0x591: {  	v7 =	vld [tilespmem:s5+$0xE280]  }
0x592: {  	v4 =	vand.u32 $0x7FFFFFFF, v4;
	[tilespmem:v6+s26+$0x0] =	vst.idx.add.s32.msk $0xffff, v1  }
0x593: {  	v4 =	vshrl.u32 v4, $0x11;
	v42 =	vsub.f32 v39, v40;
	v43 =	vld [tilespmem:s19+$0x6280]  }
0x594: {  	v44 =	vld [tilespmem:s19+$0xE280]  }
0x595: {  	v6 =	vand.u32 $0x7FFFFFFF, v42  }
0x596: {  	v5 =	vsub.f32 v41, v7;
	v6 =	vshrl.u32 v6, $0x11;
	_ =	sdelay $0x1  }
0x597: {  	[tilespmem:v4+s26+$0x0] =	vst.idx.add.s32.msk $0xffff, v1;
	v45 =	vand.u32 $0x7FFFFFFF, v5  }
0x598: {  	v46 =	vld [tilespmem:s14+$0x6300];
	v4 =	vshrl.u32 v45, $0x11;
	v47 =	vsub.f32 v43, v44  }
0x599: {  	v48 =	vld [tilespmem:s14+$0xE300]  }
0x59a: {  	[tilespmem:v6+s26+$0x0] =	vst.idx.add.s32.msk $0xffff, v1;
	v49 =	vand.u32 $0x7FFFFFFF, v47  }
0x59b: {  	v50 =	vld [tilespmem:s16+$0x6300];
	v6 =	vshrl.u32 v49, $0x11  }
0x59c: {  	v51 =	vld [tilespmem:s16+$0xE300]  }
0x59d: {  	[tilespmem:v4+s26+$0x0] =	vst.idx.add.s32.msk $0xffff, v1  }
0x59e: {  	v52 =	vsub.f32 v46, v48;
	v53 =	vld [tilespmem:s5+$0x6300]  }
0x59f: {  	v54 =	vld [tilespmem:s5+$0xE300]  }
0x5a0: {  	v4 =	vand.u32 $0x7FFFFFFF, v52;
	[tilespmem:v6+s26+$0x0] =	vst.idx.add.s32.msk $0xffff, v1  }
0x5a1: {  	v4 =	vshrl.u32 v4, $0x11;
	v55 =	vsub.f32 v50, v51;
	v56 =	vld [tilespmem:s19+$0x6300]  }
0x5a2: {  	v57 =	vld [tilespmem:s19+$0xE300]  }
0x5a3: {  	v6 =	vand.u32 $0x7FFFFFFF, v55  }
0x5a4: {  	v5 =	vsub.f32 v53, v54;
	v6 =	vshrl.u32 v6, $0x11;
	_ =	sdelay $0x1  }
0x5a5: {  	s31 =	sor.u32 $0x2380, s15;
	[tilespmem:v4+s26+$0x0] =	vst.idx.add.s32.msk $0xffff, v1;
	v58 =	vand.u32 $0x7FFFFFFF, v5  }
0x5a6: {  	v59 =	vld [tilespmem:s31+$0x4000];
	v4 =	vshrl.u32 v58, $0x11;
	v7 =	vsub.f32 v56, v57  }
0x5a7: {  	v60 =	vld [tilespmem:s31+$0xC000]  }
0x5a8: {  	s20 =	sor.u32 $0x2380, s18;
	[tilespmem:v6+s26+$0x0] =	vst.idx.add.s32.msk $0xffff, v1;
	v61 =	vand.u32 $0x7FFFFFFF, v7  }
0x5a9: {  	v62 =	vld [tilespmem:s20+$0x4000];
	v6 =	vshrl.u32 v61, $0x11  }
0x5aa: {  	v63 =	vld [tilespmem:s20+$0xC000]  }
0x5ab: {  	s21 =	sor.u32 $0x2380, s8;
	[tilespmem:v4+s26+$0x0] =	vst.idx.add.s32.msk $0xffff, v1  }
0x5ac: {  	v13 =	vld [tilespmem:s21+$0x4000];
	v12 =	vsub.f32 v59, v60  }
0x5ad: {  	v14 =	vld [tilespmem:s21+$0xC000]  }
0x5ae: {  	v4 =	vand.u32 $0x7FFFFFFF, v12;
	s30 =	sor.u32 $0x2380, s9;
	[tilespmem:v6+s26+$0x0] =	vst.idx.add.s32.msk $0xffff, v1  }
0x5af: {  	v4 =	vshrl.u32 v4, $0x11;
	v15 =	vsub.f32 v62, v63;
	v16 =	vld [tilespmem:s30+$0x4000]  }
0x5b0: {  	v17 =	vld [tilespmem:s30+$0xC000]  }
0x5b1: {  	v6 =	vand.u32 $0x7FFFFFFF, v15  }
0x5b2: {  	v5 =	vsub.f32 v13, v14;
	v6 =	vshrl.u32 v6, $0x11;
	_ =	sdelay $0x1  }
0x5b3: {  	[tilespmem:v4+s26+$0x0] =	vst.idx.add.s32.msk $0xffff, v1;
	v18 =	vand.u32 $0x7FFFFFFF, v5  }
0x5b4: {  	v20 =	vld [tilespmem:s14+$0xF000];
	v4 =	vshrl.u32 v18, $0x11;
	v7 =	vsub.f32 v16, v17  }
0x5b5: {  	v19 =	vld [tilespmem:s14+$0x7000]  }
0x5b6: {  	[tilespmem:v6+s26+$0x0] =	vst.idx.add.s32.msk $0xffff, v1;
	v21 =	vand.u32 $0x7FFFFFFF, v7  }
0x5b7: {  	v22 =	vld [tilespmem:s16+$0x7000];
	v6 =	vshrl.u32 v21, $0x11  }
0x5b8: {  	v23 =	vld [tilespmem:s16+$0xF000]  }
0x5b9: {  	[tilespmem:v4+s26+$0x0] =	vst.idx.add.s32.msk $0xffff, v1  }
0x5ba: {  	v24 =	vsub.f32 v19, v20;
	v25 =	vld [tilespmem:s5+$0x7000]  }
0x5bb: {  	v26 =	vld [tilespmem:s5+$0xF000]  }
0x5bc: {  	v4 =	vand.u32 $0x7FFFFFFF, v24;
	[tilespmem:v6+s26+$0x0] =	vst.idx.add.s32.msk $0xffff, v1  }
0x5bd: {  	v4 =	vshrl.u32 v4, $0x11;
	v27 =	vsub.f32 v22, v23;
	v28 =	vld [tilespmem:s19+$0x7000]  }
0x5be: {  	v29 =	vld [tilespmem:s19+$0xF000]  }
0x5bf: {  	v6 =	vand.u32 $0x7FFFFFFF, v27  }
0x5c0: {  	v5 =	vsub.f32 v25, v26;
	v6 =	vshrl.u32 v6, $0x11;
	_ =	sdelay $0x1  }
0x5c1: {  	[tilespmem:v4+s26+$0x0] =	vst.idx.add.s32.msk $0xffff, v1;
	v30 =	vand.u32 $0x7FFFFFFF, v5  }
0x5c2: {  	v4 =	vshrl.u32 v30, $0x11;
	v31 =	vld [tilespmem:s14+$0x7080];
	v7 =	vsub.f32 v28, v29  }
0x5c3: {  	v32 =	vld [tilespmem:s14+$0xF080]  }
0x5c4: {  	[tilespmem:v6+s26+$0x0] =	vst.idx.add.s32.msk $0xffff, v1;
	v33 =	vand.u32 $0x7FFFFFFF, v7  }
0x5c5: {  	v34 =	vld [tilespmem:s16+$0x7080];
	v6 =	vshrl.u32 v33, $0x11  }
0x5c6: {  	v35 =	vld [tilespmem:s16+$0xF080]  }
0x5c7: {  	[tilespmem:v4+s26+$0x0] =	vst.idx.add.s32.msk $0xffff, v1  }
0x5c8: {  	v36 =	vsub.f32 v31, v32;
	v37 =	vld [tilespmem:s5+$0x7080]  }
0x5c9: {  	v38 =	vld [tilespmem:s5+$0xF080]  }
0x5ca: {  	v4 =	vand.u32 $0x7FFFFFFF, v36;
	[tilespmem:v6+s26+$0x0] =	vst.idx.add.s32.msk $0xffff, v1  }
0x5cb: {  	v4 =	vshrl.u32 v4, $0x11;
	v39 =	vsub.f32 v34, v35;
	v40 =	vld [tilespmem:s19+$0x7080]  }
0x5cc: {  	v41 =	vld [tilespmem:s19+$0xF080]  }
0x5cd: {  	v6 =	vand.u32 $0x7FFFFFFF, v39  }
0x5ce: {  	v5 =	vsub.f32 v37, v38;
	v6 =	vshrl.u32 v6, $0x11;
	_ =	sdelay $0x1  }
0x5cf: {  	[tilespmem:v4+s26+$0x0] =	vst.idx.add.s32.msk $0xffff, v1;
	v42 =	vand.u32 $0x7FFFFFFF, v5  }
0x5d0: {  	v4 =	vshrl.u32 v42, $0x11;
	v43 =	vld [tilespmem:s14+$0x7100];
	v7 =	vsub.f32 v40, v41  }
0x5d1: {  	v44 =	vld [tilespmem:s14+$0xF100]  }
0x5d2: {  	[tilespmem:v6+s26+$0x0] =	vst.idx.add.s32.msk $0xffff, v1;
	v45 =	vand.u32 $0x7FFFFFFF, v7  }
0x5d3: {  	v46 =	vld [tilespmem:s16+$0x7100];
	v6 =	vshrl.u32 v45, $0x11  }
0x5d4: {  	v47 =	vld [tilespmem:s16+$0xF100]  }
0x5d5: {  	[tilespmem:v4+s26+$0x0] =	vst.idx.add.s32.msk $0xffff, v1  }
0x5d6: {  	v49 =	vld [tilespmem:s5+$0x7100];
	v48 =	vsub.f32 v43, v44  }
0x5d7: {  	v50 =	vld [tilespmem:s5+$0xF100]  }
0x5d8: {  	v4 =	vand.u32 $0x7FFFFFFF, v48;
	[tilespmem:v6+s26+$0x0] =	vst.idx.add.s32.msk $0xffff, v1  }
0x5d9: {  	v4 =	vshrl.u32 v4, $0x11;
	v51 =	vsub.f32 v46, v47;
	v52 =	vld [tilespmem:s19+$0x7100]  }
0x5da: {  	v53 =	vld [tilespmem:s19+$0xF100]  }
0x5db: {  	v6 =	vand.u32 $0x7FFFFFFF, v51  }
0x5dc: {  	v5 =	vsub.f32 v49, v50;
	v6 =	vshrl.u32 v6, $0x11;
	_ =	sdelay $0x1  }
0x5dd: {  	s31 =	sor.u32 $0x3180, s17;
	[tilespmem:v4+s26+$0x0] =	vst.idx.add.s32.msk $0xffff, v1;
	v54 =	vand.u32 $0x7FFFFFFF, v5  }
0x5de: {  	v55 =	vld [tilespmem:s31+$0x4000];
	v4 =	vshrl.u32 v54, $0x11;
	v7 =	vsub.f32 v52, v53  }
0x5df: {  	v56 =	vld [tilespmem:s31+$0xC000]  }
0x5e0: {  	s6 =	sor.u32 $0x3180, s6;
	[tilespmem:v6+s26+$0x0] =	vst.idx.add.s32.msk $0xffff, v1;
	v57 =	vand.u32 $0x7FFFFFFF, v7  }
0x5e1: {  	v58 =	vld [tilespmem:s6+$0x4000];
	v6 =	vshrl.u32 v57, $0x11  }
0x5e2: {  	v59 =	vld [tilespmem:s6+$0xC000]  }
0x5e3: {  	s7 =	sor.u32 $0x3180, s7;
	[tilespmem:v4+s26+$0x0] =	vst.idx.add.s32.msk $0xffff, v1  }
0x5e4: {  	v60 =	vsub.f32 v55, v56;
	v61 =	vld [tilespmem:s7+$0x4000]  }
0x5e5: {  	v62 =	vld [tilespmem:s7+$0xC000]  }
0x5e6: {  	s17 =	sor.u32 $0x3180, s4;
	v4 =	vand.u32 $0x7FFFFFFF, v60;
	[tilespmem:v6+s26+$0x0] =	vst.idx.add.s32.msk $0xffff, v1  }
0x5e7: {  	v4 =	vshrl.u32 v4, $0x11;
	v63 =	vsub.f32 v58, v59;
	v12 =	vld [tilespmem:s17+$0x4000]  }
0x5e8: {  	v13 =	vld [tilespmem:s17+$0xC000]  }
0x5e9: {  	[tilespmem:v3+s26+$0x0] =	vst.idx.add.s32.msk $0xffff, v1;
	v3 =	vand.u32 $0x7FFFFFFF, v63  }
0x5ea: {  	v14 =	vld [tilespmem:s12+$0x7200];
	v5 =	vsub.f32 v61, v62;
	v3 =	vshrl.u32 v3, $0x11  }
0x5eb: {  	v15 =	vld [tilespmem:s12+$0xF200]  }
0x5ec: {  	[tilespmem:v4+s26+$0x0] =	vst.idx.add.s32.msk $0xffff, v1;
	v16 =	vand.u32 $0x7FFFFFFF, v5  }
0x5ed: {  	v17 =	vld [tilespmem:s14+$0x7200];
	v4 =	vshrl.u32 v16, $0x11;
	v7 =	vsub.f32 v12, v13  }
0x5ee: {  	v18 =	vld [tilespmem:s14+$0xF200]  }
0x5ef: {  	[tilespmem:v3+s26+$0x0] =	vst.idx.add.s32.msk $0xffff, v1;
	v3 =	vand.u32 $0x7FFFFFFF, v7  }
0x5f0: {  	v6 =	vsub.f32 v14, v15;
	v19 =	vld [tilespmem:s16+$0x7200];
	v3 =	vshrl.u32 v3, $0x11  }
0x5f1: {  	v20 =	vld [tilespmem:s16+$0xF200]  }
0x5f2: {  	[tilespmem:v4+s26+$0x0] =	vst.idx.add.s32.msk $0xffff, v1;
	v6 =	vand.u32 $0x7FFFFFFF, v6  }
0x5f3: {  	v5 =	vsub.f32 v17, v18;
	v22 =	vld [tilespmem:s5+$0x7200];
	v21 =	vshrl.u32 v6, $0x11  }
0x5f4: {  	v23 =	vld [tilespmem:s5+$0xF200]  }
0x5f5: {  	v5 =	vand.u32 $0x7FFFFFFF, v5;
	[tilespmem:v3+s26+$0x0] =	vst.idx.add.s32.msk $0xffff, v1  }
0x5f6: {  	v24 =	vsub.f32 v19, v20;
	v3 =	vshrl.u32 v5, $0x11;
	v25 =	vld [tilespmem:s19+$0x7200]  }
0x5f7: {  	v26 =	vld [tilespmem:s19+$0xF200]  }
0x5f8: {  	[tilespmem:v21+s26+$0x0] =	vst.idx.add.s32.msk $0xffff, v1;
	v27 =	vand.u32 $0x7FFFFFFF, v24  }
0x5f9: {  	v6 =	vsub.f32 v22, v23;
	v28 =	vld [tilespmem:s12+$0x7280];
	v4 =	vshrl.u32 v27, $0x11  }
0x5fa: {  	v29 =	vld [tilespmem:s12+$0xF280]  }
0x5fb: {  	[tilespmem:v3+s26+$0x0] =	vst.idx.add.s32.msk $0xffff, v1;
	v3 =	vand.u32 $0x7FFFFFFF, v6  }
0x5fc: {  	v30 =	vld [tilespmem:s14+$0x7280];
	v3 =	vshrl.u32 v3, $0x11;
	v7 =	vsub.f32 v25, v26  }
0x5fd: {  	v31 =	vld [tilespmem:s14+$0xF280]  }
0x5fe: {  	[tilespmem:v4+s26+$0x0] =	vst.idx.add.s32.msk $0xffff, v1;
	v32 =	vand.u32 $0x7FFFFFFF, v7  }
0x5ff: {  	v5 =	vsub.f32 v28, v29;
	v33 =	vld [tilespmem:s16+$0x7280];
	v4 =	vshrl.u32 v32, $0x11  }
0x600: {  	v34 =	vld [tilespmem:s16+$0xF280]  }
0x601: {  	v5 =	vand.u32 $0x7FFFFFFF, v5;
	[tilespmem:v3+s26+$0x0] =	vst.idx.add.s32.msk $0xffff, v1  }
0x602: {  	v3 =	vshrl.u32 v5, $0x11;
	v35 =	vsub.f32 v30, v31;
	v36 =	vld [tilespmem:s5+$0x7280]  }
0x603: {  	v37 =	vld [tilespmem:s5+$0xF280]  }
0x604: {  	v5 =	vand.u32 $0x7FFFFFFF, v35;
	[tilespmem:v4+s26+$0x0] =	vst.idx.add.s32.msk $0xffff, v1  }
0x605: {  	v39 =	vsub.f32 v33, v34;
	v38 =	vshrl.u32 v5, $0x11;
	v40 =	vld [tilespmem:s19+$0x7280]  }
0x606: {  	v41 =	vld [tilespmem:s19+$0xF280]  }
0x607: {  	[tilespmem:v3+s26+$0x0] =	vst.idx.add.s32.msk $0xffff, v1;
	v3 =	vand.u32 $0x7FFFFFFF, v39  }
0x608: {  	v42 =	vld [tilespmem:s12+$0x7300];
	v3 =	vshrl.u32 v3, $0x11;
	v6 =	vsub.f32 v36, v37  }
0x609: {  	v43 =	vld [tilespmem:s12+$0xF300]  }
0x60a: {  	[tilespmem:v38+s26+$0x0] =	vst.idx.add.s32.msk $0xffff, v1;
	v44 =	vand.u32 $0x7FFFFFFF, v6  }
0x60b: {  	v45 =	vld [tilespmem:s14+$0x7300];
	v4 =	vshrl.u32 v44, $0x11;
	v7 =	vsub.f32 v40, v41  }
0x60c: {  	v46 =	vld [tilespmem:s14+$0xF300]  }
0x60d: {  	[tilespmem:v3+s26+$0x0] =	vst.idx.add.s32.msk $0xffff, v1;
	v3 =	vand.u32 $0x7FFFFFFF, v7  }
0x60e: {  	v5 =	vsub.f32 v42, v43;
	v47 =	vld [tilespmem:s16+$0x7300];
	v3 =	vshrl.u32 v3, $0x11  }
0x60f: {  	v48 =	vld [tilespmem:s16+$0xF300]  }
0x610: {  	v5 =	vand.u32 $0x7FFFFFFF, v5;
	[tilespmem:v4+s26+$0x0] =	vst.idx.add.s32.msk $0xffff, v1  }
0x611: {  	v49 =	vshrl.u32 v5, $0x11;
	v50 =	vsub.f32 v45, v46;
	v51 =	vld [tilespmem:s5+$0x7300]  }
0x612: {  	v52 =	vld [tilespmem:s5+$0xF300]  }
0x613: {  	v5 =	vand.u32 $0x7FFFFFFF, v50;
	[tilespmem:v3+s26+$0x0] =	vst.idx.add.s32.msk $0xffff, v1  }
0x614: {  	v3 =	vshrl.u32 v5, $0x11;
	v53 =	vsub.f32 v47, v48;
	v54 =	vld [tilespmem:s19+$0x7300]  }
0x615: {  	v55 =	vld [tilespmem:s19+$0xF300]  }
0x616: {  	s19 =	sor.u32 $0x3380, s13;
	[tilespmem:v49+s26+$0x0] =	vst.idx.add.s32.msk $0xffff, v1;
	v56 =	vand.u32 $0x7FFFFFFF, v53  }
0x617: {  	v57 =	vld [tilespmem:s19+$0x4000];
	v4 =	vshrl.u32 v56, $0x11;
	v6 =	vsub.f32 v51, v52  }
0x618: {  	v58 =	vld [tilespmem:s19+$0xC000]  }
0x619: {  	s20 =	sor.u32 $0x3380, s15;
	[tilespmem:v3+s26+$0x0] =	vst.idx.add.s32.msk $0xffff, v1;
	v3 =	vand.u32 $0x7FFFFFFF, v6  }
0x61a: {  	v59 =	vld [tilespmem:s20+$0x4000];
	v3 =	vshrl.u32 v3, $0x11;
	v7 =	vsub.f32 v54, v55  }
0x61b: {  	v60 =	vld [tilespmem:s20+$0xC000]  }
0x61c: {  	s21 =	sor.u32 $0x3380, s18;
	[tilespmem:v4+s26+$0x0] =	vst.idx.add.s32.msk $0xffff, v1;
	v61 =	vand.u32 $0x7FFFFFFF, v7  }
0x61d: {  	v62 =	vld [tilespmem:s21+$0x4000];
	v4 =	vshrl.u32 v61, $0x11  }
0x61e: {  	v63 =	vld [tilespmem:s21+$0xC000]  }
0x61f: {  	s30 =	sor.u32 $0x3380, s8;
	[tilespmem:v3+s26+$0x0] =	vst.idx.add.s32.msk $0xffff, v1  }
0x620: {  	v3 =	vld [tilespmem:s30+$0x4000]  }
0x621: {  	v11 =	vld [tilespmem:s30+$0xC000]  }
0x622: {  	s31 =	sor.u32 $0x3380, s9;
	[tilespmem:v4+s26+$0x0] =	vst.idx.add.s32.msk $0xffff, v1  }
0x623: {  	v4 =	vld [tilespmem:s31+$0x4000]  }
0x624: {  	v12 =	vld [tilespmem:s31+$0xC000]  }
0x625: {  	v5 =	vsub.f32 v57, v58  }
0x626: {  	v6 =	vsub.f32 v59, v60  }
0x627: {  	v5 =	vand.u32 $0x7FFFFFFF, v5;
	v7 =	vsub.f32 v62, v63  }
0x628: {  	v5 =	vshrl.u32 v5, $0x11;
	v6 =	vand.u32 $0x7FFFFFFF, v6;
	v3 =	vsub.f32 v3, v11  }
0x629: {  	v6 =	vshrl.u32 v6, $0x11;
	v7 =	vand.u32 $0x7FFFFFFF, v7;
	v4 =	vsub.f32 v4, v12  }
0x62a: {  	v7 =	vshrl.u32 v7, $0x11;
	v3 =	vand.u32 $0x7FFFFFFF, v3  }
0x62b: {  	s23 =	sadd.s32 $0x1, s23;
	v3 =	vshrl.u32 v3, $0x11;
	v4 =	vand.u32 $0x7FFFFFFF, v4  }
0x62c: {  	p0 =	sne.s32 s23, $0x4;
	v4 =	vshrl.u32 v4, $0x11  }
.Ltmp5:
0x62d: {  	[tilespmem:v5+s26+$0x0] =	vst.idx.add.s32.msk $0xffff, v1;
	(pc) =	sbr.rel @p0 .LBB2_4-.Ltmp5, $4  }
0x62e: {  	[tilespmem:v6+s26+$0x0] =	vst.idx.add.s32.msk $0xffff, v1  }
0x62f: {  	[tilespmem:v7+s26+$0x0] =	vst.idx.add.s32.msk $0xffff, v1  }
0x630: {  	[tilespmem:v3+s26+$0x0] =	vst.idx.add.s32.msk $0xffff, v1  }
0x631: {  	[tilespmem:v4+s26+$0x0] =	vst.idx.add.s32.msk $0xffff, v1  }
.Ltmp6:
0x632: {  	(pc) =	sbr.rel @!p3 .LBB2_10-.Ltmp6, $1  }
0x633: {  	_ =	sdelay $0x3  }
0x634: {  	[bflag:$0x0] =	sbarrier.arrive $0xFFFF;
	s9 =	simm.s32 $0x80  }
0x635: {  	s12 =	simm.s32 $0x400;
	s13 =	simm.s32 $0x10000;
	s3 =	rddreg [dreg:$0x9]  }
0x636: {  	[tilespmem:s13], [sflag:$0x5] =	stream.strided.gather [spmem:s3], $0x800, s12, s9, $0x38;
	[tilespmem:$0x16880] =	vst v63  }
0x637: {  	_ =	swait.ge [sflag:s0], $0x800  }
0x638: {  	[sflag:s0] =	ssyncset.done $0x0  }
0x639: {  	s3 =	simm.s32 $0x10820;
	[sflag:s0] =	ssyncadd.s32 $0xFFFFF800  }
0x63a: {  	s4 =	simm.s32 $0x10020;
	v8 =	vld [tilespmem:s3+$0x10]  }
0x63b: {  	v9 =	vld [tilespmem:s4+$0x10]  }
0x63c: {  	v5 =	vld [tilespmem:s4+$0xFFFFFFE0]  }
0x63d: {  	v3 =	vld [tilespmem:s3+$0xFFFFFFF0]  }
0x63e: {  	v6 =	vld [tilespmem:s4+$0xFFFFFFF0]  }
0x63f: {  	v4 =	vld [tilespmem:s3+$0x0]  }
0x640: {  	v7 =	vld [tilespmem:s4+$0x0];
	v9 =	vadd.s32 v8, v9  }
0x641: {  	s5 =	simm.s32 $0x0;
	s6 =	simm.s32 $0x10860;
	v8 =	vld [tilespmem:s3+$0xFFFFFFE0];
	[tilespmem:s3+$0x10] =	vst v9  }
.LBB2_12:
0x642: {  	v9 =	vld [tilespmem:s6+$0x10];
	s4 =	sadd.s32 $0x40, s4  }
0x643: {  	s5 =	sadd.s32 $0x4, s5;
	v10 =	vld [tilespmem:s4+$0x10];
	v3 =	vadd.s32 v3, v6  }
0x644: {  	p0 =	slt.u32 s5, $0x7C;
	v11 =	vld [tilespmem:s4+$0xFFFFFFE0];
	[tilespmem:s3+$0xFFFFFFF0] =	vst v3  }
.Ltmp7:
0x645: {  	v3 =	vld [tilespmem:s6+$0xFFFFFFF0];
	v4 =	vadd.s32 v4, v7;
	(pc) =	sbr.rel @p0 .LBB2_12-.Ltmp7, $4  }
0x646: {  	v6 =	vld [tilespmem:s4+$0xFFFFFFF0];
	v5 =	vadd.s32 v8, v5;
	[tilespmem:s3+$0x0] =	vst v4  }
0x647: {  	v4 =	vld [tilespmem:s6+$0x0];
	[tilespmem:s3+$0xFFFFFFE0] =	vst v5;
	s3 =	smov.u32 s6  }
0x648: {  	v7 =	vld [tilespmem:s4+$0x0];
	v9 =	vadd.s32 v9, v10  }
0x649: {  	s6 =	sadd.s32 $0x40, s6;
	v8 =	vld [tilespmem:s3+$0xFFFFFFE0];
	[tilespmem:s3+$0x10] =	vst v9;
	v5 =	vmov v11  }
0x64a: {  	_ =	sdelay $0x1  }
0x64b: {  	v3 =	vadd.s32 v3, v6  }
0x64c: {  	[tilespmem:s3+$0xFFFFFFF0] =	vst v3;
	v3 =	vadd.s32 v4, v7  }
0x64d: {  	v4 =	vadd.s32 v8, v5;
	[tilespmem:s3+$0x0] =	vst v3  }
0x64e: {  	[tilespmem:s3+$0xFFFFFFE0] =	vst v4  }
0x64f: {  	s3 =	rddreg [dreg:$0xa]  }
0x650: {  	[tilespmem:s13], [sflag:$0x5] =	stream.strided.gather [spmem:s3], $0x800, s12, s9, $0x38;
	[tilespmem:$0x16880] =	vst v63  }
0x651: {  	_ =	swait.ge [sflag:s0], $0x800  }
0x652: {  	[sflag:s0] =	ssyncset.done $0x0  }
0x653: {  	s3 =	simm.s32 $0x11030;
	[sflag:s0] =	ssyncadd.s32 $0xFFFFF800  }
0x654: {  	v5 =	vld [tilespmem:s3+$0xFFFFFFE0]  }
0x655: {  	v3 =	vld [tilespmem:s3+$0xFFFFFFF0]  }
0x656: {  	s4 =	simm.s32 $0x0;
	s5 =	simm.s32 $0x10020;
	v4 =	vld [tilespmem:s3+$0x0]  }
0x657: {  	s6 =	sand.u32 $0x7C0, s4;
	v6 =	vld [tilespmem:s5+$0xFFFFFFE0]  }
0x658: {  	v9 =	vld [tilespmem:s6+$0x11000]  }
0x659: {  	v10 =	vld [tilespmem:s5+$0xFFFFFFF0]  }
0x65a: {  	v8 =	vld [tilespmem:s5+$0x0]  }
0x65b: {  	s7 =	simm.s32 $0x0;
	s8 =	simm.s32 $0x11070;
	v7 =	vld [tilespmem:s5+$0x10]  }
.LBB2_14:
0x65c: {  	v11 =	vld [tilespmem:s8+$0xFFFFFFE0]  }
0x65d: {  	s7 =	sadd.s32 $0x4, s7;
	v12 =	vld [tilespmem:s8+$0xFFFFFFF0];
	v6 =	vadd.s32 v9, v6  }
0x65e: {  	s4 =	sadd.s32 $0x40, s4;
	s5 =	sadd.s32 $0x40, s5;
	p0 =	slt.u32 s7, $0x7C;
	v13 =	vld [tilespmem:s8+$0x0];
	[tilespmem:s6+$0x11000] =	vst v6;
	v5 =	vadd.s32 v5, v10  }
.Ltmp8:
0x65f: {  	s6 =	sand.u32 $0x7C0, s4;
	v6 =	vld [tilespmem:s5+$0xFFFFFFE0];
	[tilespmem:s3+$0xFFFFFFE0] =	vst v5;
	v3 =	vadd.s32 v3, v8;
	(pc) =	sbr.rel @p0 .LBB2_14-.Ltmp8, $4  }
0x660: {  	v9 =	vld [tilespmem:s6+$0x11000];
	[tilespmem:s3+$0xFFFFFFF0] =	vst v3;
	v4 =	vadd.s32 v4, v7  }
0x661: {  	v10 =	vld [tilespmem:s5+$0xFFFFFFF0];
	[tilespmem:s3+$0x0] =	vst v4;
	v5 =	vmov v11;
	s3 =	smov.u32 s8  }
0x662: {  	v8 =	vld [tilespmem:s5+$0x0];
	v3 =	vmov v12  }
0x663: {  	s8 =	sadd.s32 $0x40, s8;
	v7 =	vld [tilespmem:s5+$0x10];
	v4 =	vmov v13  }
0x664: {  	_ = 	snop  }
0x665: {  	v6 =	vadd.s32 v9, v6  }
0x666: {  	[tilespmem:s6+$0x11000] =	vst v6;
	v5 =	vadd.s32 v5, v10  }
0x667: {  	[tilespmem:s3+$0xFFFFFFE0] =	vst v5;
	v3 =	vadd.s32 v3, v8  }
0x668: {  	[tilespmem:s3+$0xFFFFFFF0] =	vst v3;
	v3 =	vadd.s32 v4, v7  }
0x669: {  	[tilespmem:s3+$0x0] =	vst v3  }
0x66a: {  	s3 =	rddreg [dreg:$0xb]  }
0x66b: {  	[tilespmem:s13], [sflag:$0x5] =	stream.strided.gather [spmem:s3], $0x800, s12, s9, $0x38;
	[tilespmem:$0x16880] =	vst v63  }
0x66c: {  	_ =	swait.ge [sflag:s0], $0x800  }
0x66d: {  	[sflag:s0] =	ssyncset.done $0x0  }
0x66e: {  	s3 =	simm.s32 $0x11830;
	[sflag:s0] =	ssyncadd.s32 $0xFFFFF800  }
0x66f: {  	v5 =	vld [tilespmem:s3+$0xFFFFFFE0]  }
0x670: {  	v3 =	vld [tilespmem:s3+$0xFFFFFFF0]  }
0x671: {  	s4 =	simm.s32 $0x0;
	s5 =	simm.s32 $0x10020;
	v4 =	vld [tilespmem:s3+$0x0]  }
0x672: {  	s6 =	sand.u32 $0x7C0, s4;
	v6 =	vld [tilespmem:s5+$0xFFFFFFE0]  }
0x673: {  	v9 =	vld [tilespmem:s6+$0x11800]  }
0x674: {  	v10 =	vld [tilespmem:s5+$0xFFFFFFF0]  }
0x675: {  	v8 =	vld [tilespmem:s5+$0x0]  }
0x676: {  	s7 =	simm.s32 $0x0;
	s8 =	simm.s32 $0x11870;
	v7 =	vld [tilespmem:s5+$0x10]  }
.LBB2_16:
0x677: {  	v11 =	vld [tilespmem:s8+$0xFFFFFFE0]  }
0x678: {  	s7 =	sadd.s32 $0x4, s7;
	v12 =	vld [tilespmem:s8+$0xFFFFFFF0];
	v6 =	vadd.s32 v9, v6  }
0x679: {  	s4 =	sadd.s32 $0x40, s4;
	s5 =	sadd.s32 $0x40, s5;
	p0 =	slt.u32 s7, $0x7C;
	v13 =	vld [tilespmem:s8+$0x0];
	[tilespmem:s6+$0x11800] =	vst v6;
	v5 =	vadd.s32 v5, v10  }
.Ltmp9:
0x67a: {  	s6 =	sand.u32 $0x7C0, s4;
	v6 =	vld [tilespmem:s5+$0xFFFFFFE0];
	[tilespmem:s3+$0xFFFFFFE0] =	vst v5;
	v3 =	vadd.s32 v3, v8;
	(pc) =	sbr.rel @p0 .LBB2_16-.Ltmp9, $4  }
0x67b: {  	v9 =	vld [tilespmem:s6+$0x11800];
	[tilespmem:s3+$0xFFFFFFF0] =	vst v3;
	v4 =	vadd.s32 v4, v7  }
0x67c: {  	v10 =	vld [tilespmem:s5+$0xFFFFFFF0];
	[tilespmem:s3+$0x0] =	vst v4;
	v5 =	vmov v11;
	s3 =	smov.u32 s8  }
0x67d: {  	v8 =	vld [tilespmem:s5+$0x0];
	v3 =	vmov v12  }
0x67e: {  	s8 =	sadd.s32 $0x40, s8;
	v7 =	vld [tilespmem:s5+$0x10];
	v4 =	vmov v13  }
0x67f: {  	_ = 	snop  }
0x680: {  	v6 =	vadd.s32 v9, v6  }
0x681: {  	[tilespmem:s6+$0x11800] =	vst v6;
	v5 =	vadd.s32 v5, v10  }
0x682: {  	[tilespmem:s3+$0xFFFFFFE0] =	vst v5;
	v3 =	vadd.s32 v3, v8  }
0x683: {  	[tilespmem:s3+$0xFFFFFFF0] =	vst v3;
	v3 =	vadd.s32 v4, v7  }
0x684: {  	[tilespmem:s3+$0x0] =	vst v3  }
0x685: {  	s3 =	rddreg [dreg:$0xc]  }
0x686: {  	[tilespmem:s13], [sflag:$0x5] =	stream.strided.gather [spmem:s3], $0x800, s12, s9, $0x38;
	[tilespmem:$0x16880] =	vst v63  }
0x687: {  	_ =	swait.ge [sflag:s0], $0x800  }
0x688: {  	[sflag:s0] =	ssyncset.done $0x0  }
0x689: {  	s3 =	simm.s32 $0x12030;
	[sflag:s0] =	ssyncadd.s32 $0xFFFFF800  }
0x68a: {  	v5 =	vld [tilespmem:s3+$0xFFFFFFE0]  }
0x68b: {  	v3 =	vld [tilespmem:s3+$0xFFFFFFF0]  }
0x68c: {  	s4 =	simm.s32 $0x0;
	s5 =	simm.s32 $0x10020;
	v4 =	vld [tilespmem:s3+$0x0]  }
0x68d: {  	s6 =	sand.u32 $0x7C0, s4;
	v6 =	vld [tilespmem:s5+$0xFFFFFFE0]  }
0x68e: {  	v9 =	vld [tilespmem:s6+$0x12000]  }
0x68f: {  	v10 =	vld [tilespmem:s5+$0xFFFFFFF0]  }
0x690: {  	v8 =	vld [tilespmem:s5+$0x0]  }
0x691: {  	s7 =	simm.s32 $0x0;
	s8 =	simm.s32 $0x12070;
	v7 =	vld [tilespmem:s5+$0x10]  }
.LBB2_18:
0x692: {  	v11 =	vld [tilespmem:s8+$0xFFFFFFE0]  }
0x693: {  	s7 =	sadd.s32 $0x4, s7;
	v12 =	vld [tilespmem:s8+$0xFFFFFFF0];
	v6 =	vadd.s32 v9, v6  }
0x694: {  	s4 =	sadd.s32 $0x40, s4;
	s5 =	sadd.s32 $0x40, s5;
	p0 =	slt.u32 s7, $0x7C;
	v13 =	vld [tilespmem:s8+$0x0];
	[tilespmem:s6+$0x12000] =	vst v6;
	v5 =	vadd.s32 v5, v10  }
.Ltmp10:
0x695: {  	s6 =	sand.u32 $0x7C0, s4;
	v6 =	vld [tilespmem:s5+$0xFFFFFFE0];
	[tilespmem:s3+$0xFFFFFFE0] =	vst v5;
	v3 =	vadd.s32 v3, v8;
	(pc) =	sbr.rel @p0 .LBB2_18-.Ltmp10, $4  }
0x696: {  	v9 =	vld [tilespmem:s6+$0x12000];
	[tilespmem:s3+$0xFFFFFFF0] =	vst v3;
	v4 =	vadd.s32 v4, v7  }
0x697: {  	v10 =	vld [tilespmem:s5+$0xFFFFFFF0];
	[tilespmem:s3+$0x0] =	vst v4;
	v5 =	vmov v11;
	s3 =	smov.u32 s8  }
0x698: {  	v8 =	vld [tilespmem:s5+$0x0];
	v3 =	vmov v12  }
0x699: {  	s8 =	sadd.s32 $0x40, s8;
	v7 =	vld [tilespmem:s5+$0x10];
	v4 =	vmov v13  }
0x69a: {  	_ = 	snop  }
0x69b: {  	v6 =	vadd.s32 v9, v6  }
0x69c: {  	[tilespmem:s6+$0x12000] =	vst v6;
	v5 =	vadd.s32 v5, v10  }
0x69d: {  	[tilespmem:s3+$0xFFFFFFE0] =	vst v5;
	v3 =	vadd.s32 v3, v8  }
0x69e: {  	[tilespmem:s3+$0xFFFFFFF0] =	vst v3;
	v3 =	vadd.s32 v4, v7  }
0x69f: {  	[tilespmem:s3+$0x0] =	vst v3  }
0x6a0: {  	s3 =	rddreg [dreg:$0xd]  }
0x6a1: {  	[tilespmem:s13], [sflag:$0x5] =	stream.strided.gather [spmem:s3], $0x800, s12, s9, $0x38;
	[tilespmem:$0x16880] =	vst v63  }
0x6a2: {  	_ =	swait.ge [sflag:s0], $0x800  }
0x6a3: {  	[sflag:s0] =	ssyncset.done $0x0  }
0x6a4: {  	s3 =	simm.s32 $0x12830;
	[sflag:s0] =	ssyncadd.s32 $0xFFFFF800  }
0x6a5: {  	v5 =	vld [tilespmem:s3+$0xFFFFFFE0]  }
0x6a6: {  	v3 =	vld [tilespmem:s3+$0xFFFFFFF0]  }
0x6a7: {  	s4 =	simm.s32 $0x0;
	s5 =	simm.s32 $0x10020;
	v4 =	vld [tilespmem:s3+$0x0]  }
0x6a8: {  	s6 =	sand.u32 $0x7C0, s4;
	v6 =	vld [tilespmem:s5+$0xFFFFFFE0]  }
0x6a9: {  	v9 =	vld [tilespmem:s6+$0x12800]  }
0x6aa: {  	v10 =	vld [tilespmem:s5+$0xFFFFFFF0]  }
0x6ab: {  	v8 =	vld [tilespmem:s5+$0x0]  }
0x6ac: {  	s7 =	simm.s32 $0x0;
	s8 =	simm.s32 $0x12870;
	v7 =	vld [tilespmem:s5+$0x10]  }
.LBB2_20:
0x6ad: {  	v11 =	vld [tilespmem:s8+$0xFFFFFFE0]  }
0x6ae: {  	s7 =	sadd.s32 $0x4, s7;
	v12 =	vld [tilespmem:s8+$0xFFFFFFF0];
	v6 =	vadd.s32 v9, v6  }
0x6af: {  	s4 =	sadd.s32 $0x40, s4;
	s5 =	sadd.s32 $0x40, s5;
	p0 =	slt.u32 s7, $0x7C;
	v13 =	vld [tilespmem:s8+$0x0];
	[tilespmem:s6+$0x12800] =	vst v6;
	v5 =	vadd.s32 v5, v10  }
.Ltmp11:
0x6b0: {  	s6 =	sand.u32 $0x7C0, s4;
	v6 =	vld [tilespmem:s5+$0xFFFFFFE0];
	[tilespmem:s3+$0xFFFFFFE0] =	vst v5;
	v3 =	vadd.s32 v3, v8;
	(pc) =	sbr.rel @p0 .LBB2_20-.Ltmp11, $4  }
0x6b1: {  	v9 =	vld [tilespmem:s6+$0x12800];
	[tilespmem:s3+$0xFFFFFFF0] =	vst v3;
	v4 =	vadd.s32 v4, v7  }
0x6b2: {  	v10 =	vld [tilespmem:s5+$0xFFFFFFF0];
	[tilespmem:s3+$0x0] =	vst v4;
	v5 =	vmov v11;
	s3 =	smov.u32 s8  }
0x6b3: {  	v8 =	vld [tilespmem:s5+$0x0];
	v3 =	vmov v12  }
0x6b4: {  	s8 =	sadd.s32 $0x40, s8;
	v7 =	vld [tilespmem:s5+$0x10];
	v4 =	vmov v13  }
0x6b5: {  	_ = 	snop  }
0x6b6: {  	v6 =	vadd.s32 v9, v6  }
0x6b7: {  	[tilespmem:s6+$0x12800] =	vst v6;
	v5 =	vadd.s32 v5, v10  }
0x6b8: {  	[tilespmem:s3+$0xFFFFFFE0] =	vst v5;
	v3 =	vadd.s32 v3, v8  }
0x6b9: {  	[tilespmem:s3+$0xFFFFFFF0] =	vst v3;
	v3 =	vadd.s32 v4, v7  }
0x6ba: {  	[tilespmem:s3+$0x0] =	vst v3  }
0x6bb: {  	s3 =	rddreg [dreg:$0xe]  }
0x6bc: {  	[tilespmem:s13], [sflag:$0x5] =	stream.strided.gather [spmem:s3], $0x800, s12, s9, $0x38;
	[tilespmem:$0x16880] =	vst v63  }
0x6bd: {  	_ =	swait.ge [sflag:s0], $0x800  }
0x6be: {  	[sflag:s0] =	ssyncset.done $0x0  }
0x6bf: {  	s3 =	simm.s32 $0x13030;
	[sflag:s0] =	ssyncadd.s32 $0xFFFFF800  }
0x6c0: {  	v5 =	vld [tilespmem:s3+$0xFFFFFFE0]  }
0x6c1: {  	v3 =	vld [tilespmem:s3+$0xFFFFFFF0]  }
0x6c2: {  	s4 =	simm.s32 $0x0;
	s5 =	simm.s32 $0x10020;
	v4 =	vld [tilespmem:s3+$0x0]  }
0x6c3: {  	s6 =	sand.u32 $0x7C0, s4;
	v6 =	vld [tilespmem:s5+$0xFFFFFFE0]  }
0x6c4: {  	v9 =	vld [tilespmem:s6+$0x13000]  }
0x6c5: {  	v10 =	vld [tilespmem:s5+$0xFFFFFFF0]  }
0x6c6: {  	v8 =	vld [tilespmem:s5+$0x0]  }
0x6c7: {  	s7 =	simm.s32 $0x0;
	s8 =	simm.s32 $0x13070;
	v7 =	vld [tilespmem:s5+$0x10]  }
.LBB2_22:
0x6c8: {  	v11 =	vld [tilespmem:s8+$0xFFFFFFE0]  }
0x6c9: {  	s7 =	sadd.s32 $0x4, s7;
	v12 =	vld [tilespmem:s8+$0xFFFFFFF0];
	v6 =	vadd.s32 v9, v6  }
0x6ca: {  	s4 =	sadd.s32 $0x40, s4;
	s5 =	sadd.s32 $0x40, s5;
	p0 =	slt.u32 s7, $0x7C;
	v13 =	vld [tilespmem:s8+$0x0];
	[tilespmem:s6+$0x13000] =	vst v6;
	v5 =	vadd.s32 v5, v10  }
.Ltmp12:
0x6cb: {  	s6 =	sand.u32 $0x7C0, s4;
	v6 =	vld [tilespmem:s5+$0xFFFFFFE0];
	[tilespmem:s3+$0xFFFFFFE0] =	vst v5;
	v3 =	vadd.s32 v3, v8;
	(pc) =	sbr.rel @p0 .LBB2_22-.Ltmp12, $4  }
0x6cc: {  	v9 =	vld [tilespmem:s6+$0x13000];
	[tilespmem:s3+$0xFFFFFFF0] =	vst v3;
	v4 =	vadd.s32 v4, v7  }
0x6cd: {  	v10 =	vld [tilespmem:s5+$0xFFFFFFF0];
	[tilespmem:s3+$0x0] =	vst v4;
	v5 =	vmov v11;
	s3 =	smov.u32 s8  }
0x6ce: {  	v8 =	vld [tilespmem:s5+$0x0];
	v3 =	vmov v12  }
0x6cf: {  	s8 =	sadd.s32 $0x40, s8;
	v7 =	vld [tilespmem:s5+$0x10];
	v4 =	vmov v13  }
0x6d0: {  	_ = 	snop  }
0x6d1: {  	v6 =	vadd.s32 v9, v6  }
0x6d2: {  	[tilespmem:s6+$0x13000] =	vst v6;
	v5 =	vadd.s32 v5, v10  }
0x6d3: {  	[tilespmem:s3+$0xFFFFFFE0] =	vst v5;
	v3 =	vadd.s32 v3, v8  }
0x6d4: {  	[tilespmem:s3+$0xFFFFFFF0] =	vst v3;
	v3 =	vadd.s32 v4, v7  }
0x6d5: {  	[tilespmem:s3+$0x0] =	vst v3  }
0x6d6: {  	s3 =	rddreg [dreg:$0xf]  }
0x6d7: {  	[tilespmem:s13], [sflag:$0x5] =	stream.strided.gather [spmem:s3], $0x800, s12, s9, $0x38;
	[tilespmem:$0x16880] =	vst v63  }
0x6d8: {  	_ =	swait.ge [sflag:s0], $0x800  }
0x6d9: {  	[sflag:s0] =	ssyncset.done $0x0  }
0x6da: {  	s3 =	simm.s32 $0x13830;
	[sflag:s0] =	ssyncadd.s32 $0xFFFFF800  }
0x6db: {  	v5 =	vld [tilespmem:s3+$0xFFFFFFE0]  }
0x6dc: {  	v3 =	vld [tilespmem:s3+$0xFFFFFFF0]  }
0x6dd: {  	s4 =	simm.s32 $0x0;
	s5 =	simm.s32 $0x10020;
	v4 =	vld [tilespmem:s3+$0x0]  }
0x6de: {  	s6 =	sand.u32 $0x7C0, s4;
	v6 =	vld [tilespmem:s5+$0xFFFFFFE0]  }
0x6df: {  	v9 =	vld [tilespmem:s6+$0x13800]  }
0x6e0: {  	v10 =	vld [tilespmem:s5+$0xFFFFFFF0]  }
0x6e1: {  	v8 =	vld [tilespmem:s5+$0x0]  }
0x6e2: {  	s7 =	simm.s32 $0x0;
	s8 =	simm.s32 $0x13870;
	v7 =	vld [tilespmem:s5+$0x10]  }
.LBB2_24:
0x6e3: {  	v11 =	vld [tilespmem:s8+$0xFFFFFFE0]  }
0x6e4: {  	s7 =	sadd.s32 $0x4, s7;
	v12 =	vld [tilespmem:s8+$0xFFFFFFF0];
	v6 =	vadd.s32 v9, v6  }
0x6e5: {  	s4 =	sadd.s32 $0x40, s4;
	s5 =	sadd.s32 $0x40, s5;
	p0 =	slt.u32 s7, $0x7C;
	v13 =	vld [tilespmem:s8+$0x0];
	[tilespmem:s6+$0x13800] =	vst v6;
	v5 =	vadd.s32 v5, v10  }
.Ltmp13:
0x6e6: {  	s6 =	sand.u32 $0x7C0, s4;
	v6 =	vld [tilespmem:s5+$0xFFFFFFE0];
	[tilespmem:s3+$0xFFFFFFE0] =	vst v5;
	v3 =	vadd.s32 v3, v8;
	(pc) =	sbr.rel @p0 .LBB2_24-.Ltmp13, $4  }
0x6e7: {  	v9 =	vld [tilespmem:s6+$0x13800];
	[tilespmem:s3+$0xFFFFFFF0] =	vst v3;
	v4 =	vadd.s32 v4, v7  }
0x6e8: {  	v10 =	vld [tilespmem:s5+$0xFFFFFFF0];
	[tilespmem:s3+$0x0] =	vst v4;
	v5 =	vmov v11;
	s3 =	smov.u32 s8  }
0x6e9: {  	v8 =	vld [tilespmem:s5+$0x0];
	v3 =	vmov v12  }
0x6ea: {  	s8 =	sadd.s32 $0x40, s8;
	v7 =	vld [tilespmem:s5+$0x10];
	v4 =	vmov v13  }
0x6eb: {  	_ = 	snop  }
0x6ec: {  	v6 =	vadd.s32 v9, v6  }
0x6ed: {  	[tilespmem:s6+$0x13800] =	vst v6;
	v5 =	vadd.s32 v5, v10  }
0x6ee: {  	[tilespmem:s3+$0xFFFFFFE0] =	vst v5;
	v3 =	vadd.s32 v3, v8  }
0x6ef: {  	[tilespmem:s3+$0xFFFFFFF0] =	vst v3;
	v3 =	vadd.s32 v4, v7  }
0x6f0: {  	[tilespmem:s3+$0x0] =	vst v3  }
0x6f1: {  	s3 =	rddreg [dreg:$0x10]  }
0x6f2: {  	[tilespmem:s13], [sflag:$0x5] =	stream.strided.gather [spmem:s3], $0x800, s12, s9, $0x38;
	[tilespmem:$0x16880] =	vst v63  }
0x6f3: {  	_ =	swait.ge [sflag:s0], $0x800  }
0x6f4: {  	[sflag:s0] =	ssyncset.done $0x0  }
0x6f5: {  	s4 =	simm.s32 $0x14030;
	[sflag:s0] =	ssyncadd.s32 $0xFFFFF800  }
0x6f6: {  	v5 =	vld [tilespmem:s4+$0xFFFFFFE0]  }
0x6f7: {  	v3 =	vld [tilespmem:s4+$0xFFFFFFF0]  }
0x6f8: {  	s5 =	simm.s32 $0x10020;
	s3 =	simm.s32 $0x0;
	v4 =	vld [tilespmem:s4+$0x0]  }
0x6f9: {  	s6 =	sand.u32 $0x7C0, s3;
	v6 =	vld [tilespmem:s5+$0xFFFFFFE0]  }
0x6fa: {  	v9 =	vld [tilespmem:s6+$0x14000]  }
0x6fb: {  	v10 =	vld [tilespmem:s5+$0xFFFFFFF0]  }
0x6fc: {  	v8 =	vld [tilespmem:s5+$0x0]  }
0x6fd: {  	s7 =	simm.s32 $0x0;
	s8 =	simm.s32 $0x14070;
	s9 =	simm.s32 $0x0;
	v7 =	vld [tilespmem:s5+$0x10]  }
.LBB2_26:
0x6fe: {  	v11 =	vld [tilespmem:s8+$0xFFFFFFE0]  }
0x6ff: {  	s7 =	sadd.s32 $0x4, s7;
	v12 =	vld [tilespmem:s8+$0xFFFFFFF0];
	v6 =	vadd.s32 v9, v6  }
0x700: {  	s9 =	sadd.s32 $0x40, s9;
	s5 =	sadd.s32 $0x40, s5;
	p0 =	slt.u32 s7, $0x7C;
	v13 =	vld [tilespmem:s8+$0x0];
	[tilespmem:s6+$0x14000] =	vst v6;
	v5 =	vadd.s32 v5, v10  }
.Ltmp14:
0x701: {  	s6 =	sand.u32 $0x7C0, s9;
	v6 =	vld [tilespmem:s5+$0xFFFFFFE0];
	[tilespmem:s4+$0xFFFFFFE0] =	vst v5;
	v3 =	vadd.s32 v3, v8;
	(pc) =	sbr.rel @p0 .LBB2_26-.Ltmp14, $4  }
0x702: {  	v9 =	vld [tilespmem:s6+$0x14000];
	[tilespmem:s4+$0xFFFFFFF0] =	vst v3;
	v4 =	vadd.s32 v4, v7  }
0x703: {  	v10 =	vld [tilespmem:s5+$0xFFFFFFF0];
	[tilespmem:s4+$0x0] =	vst v4;
	v5 =	vmov v11;
	s4 =	smov.u32 s8  }
0x704: {  	v8 =	vld [tilespmem:s5+$0x0];
	v3 =	vmov v12  }
0x705: {  	s8 =	sadd.s32 $0x40, s8;
	v7 =	vld [tilespmem:s5+$0x10];
	v4 =	vmov v13  }
0x706: {  	_ = 	snop  }
0x707: {  	v6 =	vadd.s32 v9, v6  }
0x708: {  	[tilespmem:s6+$0x14000] =	vst v6;
	v5 =	vadd.s32 v5, v10  }
0x709: {  	[tilespmem:s4+$0xFFFFFFE0] =	vst v5;
	v3 =	vadd.s32 v3, v8  }
0x70a: {  	[tilespmem:s4+$0xFFFFFFF0] =	vst v3;
	v3 =	vadd.s32 v4, v7  }
0x70b: {  	[tilespmem:s4+$0x0] =	vst v3;
	s4 =	simm.s32 $0x0  }
.LBB2_28:
0x70c: {  	s5 =	simm.s32 $0x0;
	s6 =	sadd.s32 $0x0, s3  }
0x70d: {  	s7 =	sand.u32 $0x3F80, s6;
	s5 =	sand.u32 $0x40, s5  }
0x70e: {  	s21 =	simm.s32 $0x10;
	s8 =	sadd.s32 $0x10, s6;
	s5 =	sor.u32 s5, s7  }
0x70f: {  	s22 =	sand.u32 $0x3F80, s8;
	s7 =	sand.u32 $0x50, s21;
	v6 =	vld [tilespmem:s5+$0x10800]  }
0x710: {  	s23 =	simm.s32 $0x20;
	s30 =	sadd.s32 $0x20, s6;
	s5 =	sor.u32 s7, s22  }
0x711: {  	v4 =	vmov s6;
	s9 =	sand.u32 $0x3F80, s30;
	v3 =	vld [tilespmem:s5+$0x10800];
	s5 =	sand.u32 $0x60, s23  }
0x712: {  	v5 =	vimm.s32 $0x0;
	s31 =	simm.s32 $0x30;
	s6 =	sadd.s32 $0x30, s6;
	v4 =	vshll.u32 v4, $0x11;
	s5 =	sor.u32 s5, s9  }
0x713: {  	v8 =	vimm.f32 $0.0e+00;
	v9 =	vmov s6;
	s6 =	sand.u32 $0x3F80, s6;
	s7 =	sand.u32 $0x70, s31;
	v11 =	vor.u32 v2, v4;
	v4 =	vld [tilespmem:s5+$0x10800]  }
0x714: {  	v7 =	vmov s30;
	v12 =	vmov s8;
	s6 =	sor.u32 s7, s6;
	v10 =	vcvt.s32.f32 v6  }
0x715: {  	v13 =	vshll.u32 v12, $0x11;
	v12 =	vshll.u32 v7, $0x11;
	v11 =	vor.u32 $0x10000, v11;
	v7 =	vld [tilespmem:s6+$0x10800]  }
0x716: {  	v13 =	vor.u32 v2, v13;
	s6 =	simm.s32 $0x40;
	s5 =	simm.s32 $0x0;
	v10 =	vmul.f32 v10, v11;
	v11 =	vcvt.s32.f32 v3  }
.LBB2_29:
0x717: {  	s7 =	sadd.s32 s6, s3;
	s5 =	sadd.s32 $0x4, s5;
	v13 =	vor.u32 $0x10000, v13;
	v12 =	vor.u32 v2, v12;
	v9 =	vshll.u32 v9, $0x11  }
0x718: {  	s9 =	sand.u32 $0x40, s6;
	s8 =	sand.u32 $0x3F80, s7;
	p1 =	slt.u32 s5, $0xC;
	v8 =	vadd.f32 v10, v8;
	v10 =	vmul.f32 v11, v13;
	v11 =	vcvt.s32.f32 v4  }
0x719: {  	s12 =	sadd.s32 $0x10, s7;
	v12 =	vor.u32 $0x10000, v12;
	v9 =	vor.u32 v2, v9;
	s8 =	sor.u32 s9, s8;
	s9 =	sadd.s32 $0x10, s6  }
0x71a: {  	v13 =	vld [tilespmem:s8+$0x10800];
	s8 =	sand.u32 $0x3F80, s12;
	s9 =	sand.u32 $0x50, s9;
	v8 =	vadd.f32 v10, v8;
	v10 =	vmul.f32 v11, v12;
	v11 =	vcvt.s32.f32 v7  }
0x71b: {  	v5 =	vadd.s32 v5, v6;
	s13 =	sadd.s32 $0x20, s7;
	v6 =	vor.u32 $0x10000, v9;
	v12 =	vmov s7;
	s8 =	sor.u32 s9, s8;
	s9 =	sadd.s32 $0x20, s6  }
0x71c: {  	v5 =	vadd.s32 v3, v5;
	s14 =	sand.u32 $0x3F80, s13;
	s7 =	sadd.s32 $0x30, s7;
	s9 =	sand.u32 $0x60, s9;
	v3 =	vld [tilespmem:s8+$0x10800];
	v8 =	vadd.f32 v10, v8;
	v15 =	vmul.f32 v11, v6  }
.Ltmp15:
0x71d: {  	v5 =	vadd.s32 v4, v5;
	v9 =	vmov s7;
	v10 =	vmov s13;
	s8 =	sor.u32 s9, s14;
	s9 =	sadd.s32 $0x30, s6;
	(pc) =	sbr.rel @p1 .LBB2_29-.Ltmp15, $4  }
0x71e: {  	v5 =	vadd.s32 v7, v5;
	s7 =	sand.u32 $0x3F80, s7;
	v11 =	vshll.u32 v12, $0x11;
	v4 =	vld [tilespmem:s8+$0x10800];
	s8 =	sand.u32 $0x70, s9;
	v8 =	vadd.f32 v15, v8  }
0x71f: {  	v7 =	vor.u32 v2, v11;
	v11 =	vmov s12;
	v14 =	vcvt.s32.f32 v13;
	s7 =	sor.u32 s8, s7;
	v6 =	vmovc v13  }
0x720: {  	v12 =	vshll.u32 v10, $0x11;
	v15 =	vshll.u32 v11, $0x11;
	v13 =	vor.u32 $0x10000, v7;
	v7 =	vld [tilespmem:s7+$0x10800]  }
0x721: {  	s6 =	sadd.s32 $0x40, s6;
	v10 =	vmul.f32 v14, v13;
	v11 =	vcvt.s32.f32 v3;
	v13 =	vor.u32 v2, v15  }
0x722: {  	v13 =	vor.u32 $0x10000, v13;
	v12 =	vor.u32 v2, v12;
	v9 =	vshll.u32 v9, $0x11  }
0x723: {  	v8 =	vadd.f32 v10, v8;
	v59 =	vmul.f32 v11, v13;
	v60 =	vcvt.s32.f32 v4  }
0x724: {  	v5 =	vadd.s32 v5, v6;
	v12 =	vor.u32 $0x10000, v12;
	v9 =	vor.u32 v2, v9  }
0x725: {  	v8 =	vadd.f32 v59, v8;
	v61 =	vmul.f32 v60, v12;
	v62 =	vcvt.s32.f32 v7  }
0x726: {  	v3 =	vadd.s32 v3, v5;
	v9 =	vor.u32 $0x10000, v9  }
0x727: {  	v3 =	vadd.s32 v4, v3;
	v8 =	vadd.f32 v61, v8;
	v9 =	vmul.f32 v62, v9  }
0x728: {  	v3 =	vadd.s32 v7, v3  }
0x729: {  	(xrf0) =	vadd.scan.msk.s32 $0xffff, v3;
	v63 =	vadd.f32 v9, v8;
	_ =	sdelay $0x1  }
0x72a: {  	(xrf2) =	vadd.scan.msk.f32 $0xffff, v63;
	_ =	sdelay $0x3  }
0x72b: {  	v3, _, _ =	vpop (xrf0)  }
0x72c: {  	(v2sf) =	vpush v3, $0xF;
	_ =	sdelay $0x4  }
0x72d: {  	v3, _, _ =	vpop (xrf2)  }
0x72e: {  	(v2sf) =	vpush v3, $0xF;
	_ =	sdelay $0x8  }
0x72f: {  	s5 =	spop (v2sf)  }
0x730: {  	s31 =	sadd.s32 $0x80, s4;
	[smem:s4] =	sst s5;
	s4 =	sadd.s32 $0x1, s4  }
0x731: {  	p0 =	seq.s32 s4, $0x40  }
.Ltmp16:
0x732: {  	_ = 	snop;
	(pc) =	sbr.rel @!p0 .LBB2_28-.Ltmp16, $3  }
0x733: {  	_ =	sdelay $0x1  }
0x734: {  	s6 =	spop (v2sf)  }
0x735: {  	s3 =	sadd.s32 $0x100, s3;
	[smem:s31] =	sst s6  }
0x736: {  	s4 =	sld [smem:$0x0];
	_ =	sdelay $0x1  }
0x737: {  	s3 =	simm.f32 $0.0e+00;
	s5 =	simm.s32 $0x0;
	s6 =	simm.s32 $0x80  }
0x738: {  	p0 =	por $0x1, $0x1;
	s8 =	simm.s32 $0x1;
	s9 =	sadd.s32 $0x0, s4  }
0x739: {  	s7 =	simm.s32 $0x0;
	s31 =	sld [smem:$0x80];
	p1 =	sgt.s32 s9, $0x33332  }
0x73a: {  	s13 =	simm.s32 $0x2;
	s12 =	simm.s32 $0x0;
	p0 =	por !p0, !p1  }
0x73b: {  	s15 =	simm.s32 $0x1;
	s14 =	sld [smem:$0x1];
	p0 =	por !p0, !p0  }
0x73c: {  	s4 =	simm.s32 $0x0;
	s16 =	sadd.f32 s31, s3;
	s7 =	simm.s32 @p0 $0x1  }
.LBB2_32:
0x73d: {  	p1 =	seq.s32 s13, $0x3F;
	s5 =	smov.u32 @p0 s12;
	p0 =	seq.s32 s7, $0x0  }
0x73e: {  	s12 =	smov.u32 s8;
	s4 =	smov.u32 @p0 s9;
	s3 =	smov.u32 @p0 s16  }
.Ltmp17:
0x73f: {  	s6 =	sadd.s32 $0x1, s6;
	s9 =	sadd.s32 s4, s14;
	(pc) =	sbr.rel @!p1 .LBB2_32-.Ltmp17, $4  }
0x740: {  	p2 =	sgt.s32 s9, $0x33332;
	s16 =	sld [smem:s6+$0x0]  }
0x741: {  	s15 =	sadd.s32 $0x1, s15;
	s8 =	smov.u32 s13;
	p0 =	por !p0, !p2  }
0x742: {  	s14 =	sld [smem:s15+$0x0];
	p0 =	por !p0, !p0  }
0x743: {  	s13 =	sadd.s32 $0x1, s13;
	s7 =	simm.s32 @p0 $0x1;
	s16 =	sadd.f32 s16, s3  }
0x744: {  	p1 =	seq.s32 s7, $0x0  }
0x745: {  	s4 =	smov.u32 @p1 s9  }
0x746: {  	s6 =	sadd.s32 $0x1, s6;
	s9 =	sadd.s32 s4, s14  }
0x747: {  	s6 =	sld [smem:s6+$0x0];
	p2 =	sgt.s32 s9, $0x33332  }
0x748: {  	p2 =	por !p1, !p2  }
0x749: {  	s5 =	smov.u32 @p0 s12;
	s3 =	smov.u32 @p1 s16;
	p0 =	por !p2, !p2  }
0x74a: {  	s6 =	sadd.f32 s6, s3;
	s7 =	simm.s32 @p0 $0x1  }
0x74b: {  	s5 =	smov.u32 @p0 s8;
	p0 =	seq.s32 s7, $0x0  }
0x74c: {  	s3 =	smov.u32 @p0 s6;
	s6 =	sshll.u32 s5, $0x8  }
0x74d: {  	s5 =	simm.s32 $0x0;
	s31 =	sadd.s32 $0x0, s6  }
0x74e: {  	s4 =	smov.u32 @p0 s9;
	s9 =	sand.u32 $0x70, s5;
	s12 =	sand.u32 $0x3F80, s31  }
0x74f: {  	s8 =	sor.u32 s9, s12  }
0x750: {  	v3 =	vld [tilespmem:s8+$0x10800];
	_ =	sdelay $0x2  }
0x751: {  	v4 =	vmov s31  }
0x752: {  	v4 =	vshll.u32 v4, $0x11  }
0x753: {  	v4 =	vor.u32 v2, v4;
	v5 =	vcvt.s32.f32 v3  }
0x754: {  	s13 =	simm.s32 $0x10;
	s14 =	sadd.s32 $0x10, s6;
	v4 =	vor.u32 $0x10000, v4  }
0x755: {  	s7 =	sand.u32 $0x70, s13;
	s15 =	sand.u32 $0x3F80, s14;
	(xrf0) =	vadd.scan.msk.s32 $0xffff, v3;
	v3 =	vmul.f32 v5, v4  }
0x756: {  	s7 =	sor.u32 s7, s15  }
0x757: {  	v4 =	vld [tilespmem:s7+$0x10800];
	(xrf2) =	vadd.scan.msk.f32 $0xffff, v3;
	_ =	sdelay $0x2  }
0x758: {  	s16 =	simm.s32 $0x20;
	s17 =	sadd.s32 $0x20, s6  }
0x759: {  	s18 =	sand.u32 $0x3F80, s17;
	s7 =	sand.u32 $0x70, s16  }
0x75a: {  	s7 =	sor.u32 s7, s18;
	v3, _, _ =	vpop (xrf0);
	(xrf0) =	vadd.scan.msk.s32 $0xffff, v4  }
0x75b: {  	v5 =	vld [tilespmem:s7+$0x10800];
	(v2sf) =	vpush v3, $0xF;
	v3 =	vmov s14  }
0x75c: {  	v3 =	vshll.u32 v3, $0x11  }
0x75d: {  	v6 =	vmov s17;
	v4 =	vcvt.s32.f32 v4;
	v3 =	vor.u32 v2, v3  }
0x75e: {  	v3 =	vor.u32 $0x10000, v3  }
0x75f: {  	v3 =	vmul.f32 v4, v3;
	v4 =	vshll.u32 v6, $0x11;
	v7, _, _ =	vpop (xrf2)  }
0x760: {  	v4 =	vor.u32 v2, v4;
	v6, _, _ =	vpop (xrf0);
	(v2sf) =	vpush v7, $0xF;
	v7 =	vcvt.s32.f32 v5  }
0x761: {  	s19 =	simm.s32 $0x30;
	s20 =	sadd.s32 $0x30, s6;
	v4 =	vor.u32 $0x10000, v4;
	(v2sf) =	vpush v6, $0xF  }
0x762: {  	s21 =	sand.u32 $0x3F80, s20;
	s7 =	sand.u32 $0x70, s19;
	(xrf2) =	vadd.scan.msk.f32 $0xffff, v3;
	v3 =	vmul.f32 v7, v4  }
0x763: {  	s7 =	sor.u32 s7, s21  }
0x764: {  	v4 =	vld [tilespmem:s7+$0x10800];
	(xrf2) =	vadd.scan.msk.f32 $0xffff, v3;
	_ =	sdelay $0x2  }
0x765: {  	(xrf0) =	vadd.scan.msk.s32 $0xffff, v5;
	_ =	sdelay $0x1  }
0x766: {  	(xrf0) =	vadd.scan.msk.s32 $0xffff, v4;
	_ =	sdelay $0x2  }
0x767: {  	v6, _, _ =	vpop (xrf2)  }
0x768: {  	s22 =	simm.s32 $0x40;
	v3 =	vmov s20;
	v7, _, _ =	vpop (xrf0);
	s13 =	spop (v2sf);
	(v2sf) =	vpush v6, $0xF  }
0x769: {  	p5 =	por $0x1, $0x1;
	s30 =	simm.s32 $0x50;
	s15 =	sadd.s32 $0x40, s6;
	v5 =	vshll.u32 v3, $0x11;
	(v2sf) =	vpush v7, $0xF;
	v6, _, _ =	vpop (xrf2)  }
0x76a: {  	s12 =	sand.u32 $0x70, s22;
	s23 =	sand.u32 $0x3F80, s15;
	v5 =	vor.u32 v2, v5;
	v4 =	vcvt.s32.f32 v4;
	s31 =	spop (v2sf);
	(v2sf) =	vpush v6, $0xF;
	v6, _, _ =	vpop (xrf0)  }
0x76b: {  	s12 =	sor.u32 s12, s23;
	v5 =	vor.u32 $0x10000, v5;
	s21 =	sadd.s32 s4, s13;
	s20 =	spop (v2sf);
	(v2sf) =	vpush v6, $0xF  }
0x76c: {  	s17 =	sand.u32 $0x70, s30;
	s9 =	simm.s32 $0x4;
	v3 =	vld [tilespmem:s12+$0x10800];
	p6 =	sgt.s32 s21, $0x33332;
	v4 =	vmul.f32 v4, v5  }
0x76d: {  	s8 =	simm.s32 $0x2;
	s16 =	sadd.s32 $0x50, s6;
	p0 =	por !p5, !p6  }
0x76e: {  	s18 =	simm.s32 $0x6;
	s19 =	simm.s32 $0x60;
	p0 =	por !p0, !p0;
	(xrf2) =	vadd.scan.msk.f32 $0xffff, v4  }
0x76f: {  	s14 =	simm.s32 $0x5;
	s7 =	simm.s32 $0x1;
	v5 =	vmov s15;
	s5 =	simm.s32 @p0 $0x1  }
0x770: {  	s12 =	simm.s32 $0x0;
	v5 =	vshll.u32 v5, $0x11;
	p1 =	seq.s32 s5, $0x0;
	s15 =	sadd.f32 s31, s3  }
0x771: {  	s13 =	simm.s32 $0x3;
	v4 =	vcvt.s32.f32 v3;
	v5 =	vor.u32 v2, v5;
	s12 =	smov.u32 @p0 s12;
	s4 =	smov.u32 @p1 s21  }
.LBB2_34:
0x772: {  	s21 =	sand.u32 $0x3F80, s16;
	s22 =	sadd.s32 s4, s20;
	s3 =	smov.u32 @p1 s15  }
0x773: {  	v5 =	vor.u32 $0x10000, v5;
	(xrf0) =	vadd.scan.msk.s32 $0xffff, v3;
	s23 =	smov.u32 s9;
	s9 =	smov.u32 s14;
	s14 =	smov.u32 s18  }
0x774: {  	p0 =	seq.s32 s5, $0x0;
	s15 =	sor.u32 s17, s21;
	v4 =	vmul.f32 v4, v5;
	p1 =	sgt.s32 s22, $0x33332  }
0x775: {  	p2 =	sne.s32 s18, $0xF;
	s17 =	sand.u32 $0x70, s19;
	v3 =	vld [tilespmem:s15+$0x10800];
	p0 =	por !p0, !p1  }
.Ltmp18:
0x776: {  	s18 =	sadd.s32 $0x1, s18;
	(xrf2) =	vadd.scan.msk.f32 $0xffff, v4;
	p0 =	por !p0, !p0;
	(pc) =	sbr.rel @p2 .LBB2_34-.Ltmp18, $4  }
0x777: {  	s12 =	smov.u32 @p0 s7;
	s5 =	simm.s32 @p0 $0x1;
	s7 =	smov.u32 s8  }
0x778: {  	v4 =	vmov s16;
	s8 =	smov.u32 s13;
	v5, _, _ =	vpop (xrf2);
	p1 =	seq.s32 s5, $0x0;
	s15 =	spop (v2sf)  }
0x779: {  	v6 =	vshll.u32 v4, $0x11;
	s13 =	smov.u32 s23;
	v7, _, _ =	vpop (xrf0);
	(v2sf) =	vpush v5, $0xF;
	s20 =	spop (v2sf);
	s15 =	sadd.f32 s15, s3  }
0x77a: {  	s16 =	sadd.s32 s19, s6;
	s19 =	sadd.s32 $0x10, s19;
	v5 =	vor.u32 v2, v6;
	s4 =	smov.u32 @p1 s22;
	v4 =	vcvt.s32.f32 v3;
	(v2sf) =	vpush v7, $0xF  }
0x77b: {  	s18 =	sand.u32 $0x3F80, s16  }
0x77c: {  	s17 =	sor.u32 s17, s18;
	s18 =	sadd.s32 s4, s20  }
0x77d: {  	p0 =	sgt.s32 s18, $0x33332  }
0x77e: {  	p0 =	por !p1, !p0  }
0x77f: {  	v5 =	vor.u32 $0x10000, v5;
	p6 =	por !p0, !p0  }
0x780: {  	(xrf0) =	vadd.scan.msk.s32 $0xffff, v3;
	v3 =	vmul.f32 v4, v5;
	s5 =	simm.s32 @p6 $0x1  }
0x781: {  	p2 =	seq.s32 s5, $0x0  }
0x782: {  	v54 =	vld [tilespmem:s17+$0x10800];
	(xrf2) =	vadd.scan.msk.f32 $0xffff, v3;
	s17 =	simm.s32 @!p2 $0x0  }
0x783: {  	s17 =	simm.s32 @p2 $0x1  }
0x784: {  	[smem:$0x7FB] =	sst s17;
	s17 =	spop (v2sf)  }
0x785: {  	v3, _, _ =	vpop (xrf2);
	s4 =	smov.u32 @p2 s18;
	s19 =	spop (v2sf)  }
0x786: {  	v55, _, _ =	vpop (xrf0);
	(v2sf) =	vpush v3, $0xF;
	s19 =	sadd.s32 s4, s19  }
0x787: {  	(xrf0) =	vadd.scan.msk.s32 $0xffff, v54;
	(v2sf) =	vpush v55, $0xF;
	p4 =	sgt.s32 s19, $0x33332  }
0x788: {  	p0 =	por !p2, !p4  }
0x789: {  	p3 =	por !p0, !p0  }
0x78a: {  	s5 =	simm.s32 @p3 $0x1  }
0x78b: {  	p2 =	seq.s32 s5, $0x0  }
0x78c: {  	v3, _, _ =	vpop (xrf2);
	s18 =	simm.s32 @!p2 $0x0  }
0x78d: {  	v56, _, _ =	vpop (xrf0);
	(v2sf) =	vpush v3, $0xF;
	s18 =	simm.s32 @p2 $0x1  }
0x78e: {  	[smem:$0x7FC] =	sst s18;
	s18 =	spop (v2sf);
	(v2sf) =	vpush v56, $0xF  }
0x78f: {  	s4 =	smov.u32 @p2 s19;
	s22 =	spop (v2sf)  }
0x790: {  	s20 =	sadd.s32 s4, s22  }
0x791: {  	p5 =	sgt.s32 s20, $0x33332  }
0x792: {  	p0 =	por !p2, !p5  }
0x793: {  	p2 =	por !p0, !p0  }
0x794: {  	s5 =	simm.s32 @p2 $0x1  }
0x795: {  	s23 =	spop (v2sf);
	p4 =	seq.s32 s5, $0x0  }
0x796: {  	s21 =	spop (v2sf);
	s4 =	smov.u32 @p4 s20  }
0x797: {  	s20 =	sadd.s32 s4, s21  }
0x798: {  	p5 =	sgt.s32 s20, $0x33332  }
0x799: {  	p5 =	por !p4, !p5  }
0x79a: {  	p0 =	por !p5, !p5  }
0x79b: {  	s5 =	simm.s32 @p0 $0x1  }
0x79c: {  	s30 =	spop (v2sf);
	p5 =	seq.s32 s5, $0x0  }
0x79d: {  	s4 =	smov.u32 @p5 s20;
	s31 =	spop (v2sf)  }
0x79e: {  	s12 =	smov.u32 @p6 s7;
	s7 =	sadd.s32 s4, s31  }
0x79f: {  	s12 =	smov.u32 @p3 s8;
	p6 =	sgt.s32 s7, $0x33332  }
0x7a0: {  	s12 =	smov.u32 @p2 s13;
	p6 =	por !p5, !p6  }
0x7a1: {  	s12 =	smov.u32 @p0 s9;
	p0 =	por !p6, !p6  }
0x7a2: {  	s12 =	smov.u32 @p0 s14  }
0x7a3: {  	s13 =	sshll.u32 s12, $0x4  }
0x7a4: {  	s6 =	sadd.s32 s6, s13  }
0x7a5: {  	s8 =	sand.u32 $0x70, s13;
	s14 =	sand.u32 $0x3F80, s6  }
0x7a6: {  	s8 =	sor.u32 s8, s14  }
0x7a7: {  	v3 =	vld [tilespmem:s8+$0x10800];
	_ =	sdelay $0x4  }
0x7a8: {  	v57 =	vmov s16;
	(xrf0) =	vadd.scan.msk.s32 $0xffff, v3  }
0x7a9: {  	v5 =	vshll.u32 v57, $0x11  }
0x7aa: {  	v5 =	vor.u32 v2, v5;
	v4 =	vcvt.s32.f32 v54  }
0x7ab: {  	v5 =	vor.u32 $0x10000, v5  }
0x7ac: {  	v4 =	vmul.f32 v4, v5;
	s5 =	simm.s32 @p0 $0x1;
	v58 =	vmov s6  }
0x7ad: {  	p6 =	seq.s32 s5, $0x0;
	v5 =	vshll.u32 v58, $0x11  }
0x7ae: {  	(xrf2) =	vadd.scan.msk.f32 $0xffff, v4;
	s4 =	smov.u32 @p6 s7;
	v59 =	vor.u32 v2, v5;
	v6 =	vcvt.s32.f32 v3;
	v60, _, _ =	vpop (xrf0)  }
0x7af: {  	v4 =	vor.u32 $0x10000, v59;
	v5 =	vadd.s32 s4, v60  }
0x7b0: {  	v6 =	vmul.f32 v6, v4;
	vm0 =	vgt.s32 v5, $0x33332  }
0x7b1: {  	v7 =	vsel vm0, $0x0, v3  }
0x7b2: {  	v6 =	vsel vm0, $0x0, v6;
	(xrf0) =	vadd.scan.msk.s32 $0xffff, v7  }
0x7b3: {  	(xrf2) =	vadd.scan.msk.f32 $0xffff, v6;
	_ =	sdelay $0x4  }
0x7b4: {  	s3 =	smov.u32 @p1 s15;
	v61, _, _ =	vpop (xrf2)  }
0x7b5: {  	(v2sf) =	vpush v61, $0xF;
	s5 =	sadd.f32 s17, s3;
	v62, _, _ =	vpop (xrf0)  }
0x7b6: {  	s17 =	sld [smem:$0x7FB];
	(v2sf) =	vpush v62, $0xF;
	_ =	sdelay $0x2  }
0x7b7: {  	p0 =	seq.s32 s17, $0x1;
	v3 =	vsub.s32 v5, v3;
	v63, _, _ =	vpop (xrf2)  }
0x7b8: {  	s3 =	smov.u32 @p0 s5;
	vm1 =	vlt.s32 v3, $0x33333;
	(v2sf) =	vpush v63, $0xF  }
0x7b9: {  	s5 =	sadd.f32 s18, s3;
	vm0 =	vmand vm0, vm1  }
0x7ba: {  	s18 =	sld [smem:$0x7FC];
	v3 =	vnsel vm0, $0x0, v4  }
0x7bb: {  	(xrf2) =	vadd.scan.msk.f32 $0xffff, v3;
	_ =	sdelay $0x1  }
0x7bc: {  	p0 =	seq.s32 s18, $0x1  }
0x7bd: {  	s3 =	smov.u32 @p0 s5  }
0x7be: {  	s5 =	sadd.f32 s23, s3;
	_ =	sdelay $0x1  }
0x7bf: {  	s3 =	smov.u32 @p4 s5  }
0x7c0: {  	s19 =	spop (v2sf);
	s5 =	sadd.f32 s30, s3  }
0x7c1: {  	s20 =	spop (v2sf)  }
0x7c2: {  	s3 =	smov.u32 @p5 s5;
	s4 =	sadd.s32 s20, s4  }
0x7c3: {  	s5 =	sadd.f32 s19, s3;
	v3, _, _ =	vpop (xrf2);
	s4 =	ssub.s32 $0x33333, s4  }
0x7c4: {  	v3 =	vbroadcast v3, $0xF;
	s4 =	scvt.s32.f32 s4  }
0x7c5: {  	s3 =	smov.u32 @p6 s5;
	s21 =	spop (v2sf)  }
0x7c6: {  	s3 =	sadd.f32 s21, s3;
	v3 =	vmul.f32 s4, v3;
	_ =	sdelay $0x1  }
0x7c7: {  	v3 =	vadd.f32 s3, v3;
	_ =	sdelay $0x1  }
0x7c8: {  	s22 =	simm.s32 $0x0;
	s23 =	rddreg [dreg:$0x11];
	s30 =	simm.s32 $0x14800;
	[tilespmem:$0x14800] =	vst v3  }
0x7c9: {  	[hbm4b:s23+s22] =	stream.linear.scatter [tilespmem:s30], [sflag:$0x5], $0x10, $0x38;
	[tilespmem:$0x16880] =	vst v63  }
.Ltmp19:
0x7ca: {  	_ =	swait.ge [sflag:s0], $0x10;
	(pc) =	sbr.rel .LBB2_36-.Ltmp19, $3  }
0x7cb: {  	s31 =	sld [smem:$0x7FD];
	_ =	sdelay $0x1  }
0x7cc: {  	[sflag:s0] =	ssyncset.done $0x0  }
0x7cd: {  	s4 =	rddreg [dreg:$0x13];
	[sflag:s0] =	ssyncadd.s32 $0xFFFFFFF0;
	p3 =	seq.s32 s31, $0x1  }
.LBB2_37:
0x7ce: {  	_ =	sfence.sel $0x180000  }
0x7cf: {  	[bflag:$0x0] =	sbarrier.arrive $0xFFFF  }
0x7d0: {  	_ =	strace $0x90000047  }
0x7d1: {  	s0 =	stileid.u32;
	[bflag:$0x2] =	sbarrier.arrive $0xFFFF  }
0x7d2: {  	p0 =	sne.s32 s0, $0x0;
	s0 =	rddreg [dreg:$0x4]  }
0x7d3: {  	s0 =	sadd.s32 @!p0 $0x100000, s0  }
0x7d4: {  	[sflag:s0] =	ssyncadd.tile.s32 @!p0 $0x1;
	_ =	shalt  }
.Lfunc_end2:
_tile_overlayer_lowered:
.L_overlay_start_2:
0x7d5: {  	(tag) =	ssettag $0x2  }
0x7d6: {  	s0 =	rddreg [dreg:$0x0];
	s2 =	stileid.u32  }
0x7d7: {  	s1 =	rddreg [dreg:$0x1];
	p0 =	sne.s32 s2, $0x0  }
0x7d8: {  	s3 =	rddreg [dreg:$0x2];
	[bflag:$0x3] =	sbarrier.arrive $0xFFFF;
	s2 =	simm.s32 @!p0 $0x1C05  }
0x7d9: {  	[timem:s3], [sflag:s2] =	dma.local @!p0 [hbm:s0], s1  }
0x7da: {  	s0 =	simm.s32 @!p0 $0x5  }
0x7db: {  	_ =	swait.ge @!p0 [sflag:s0], s1  }
0x7dc: {  	s1 =	ssub.s32 @!p0 $0x0, s1;
	[sflag:s0] =	ssyncset.done @!p0 $0x0  }
0x7dd: {  	[sflag:s0] =	ssyncadd.s32 @!p0 s1  }
0x7de: {  	[bflag:$0x3] =	sbarrier.arrive $0xFFFF  }
0x7df: {  	_ =	shalt  }

</sc_bundles>
